<compile_context>
chip_gen: v7x
topology: tpu7x:2x2x1
jax: 0.10.2.dev20260603
libtpu: 0.0.44.dev20260713+nightly
codegen_flags: <defaults>
</compile_context>

<pallas_src>
import functools

import jax
import jax.numpy as jnp
from jax import lax
from jax.experimental import pallas as pl
from jax.experimental.pallas import tpu as pltpu
from jax.experimental.pallas import tpu_sc as plsc

NN = 10000
FE = 128
HF = 64
EE = 320000
NP = 10240
EP = 323584
B = 128
NB = 158
KR = 3
RPT = NP // 16
CH = RPT // 2

_MESH = dict(core_axis_name="c", subcore_axis_name="s")



def _agg_body(src_hbm, dst_hbm, zpf_hbm, zeros_hbm, out_hbm, src_v, dst_v,
              row_v, buf_v, acc_sh, sem):
    c = lax.axis_index("c")
    t = lax.axis_index("s")
    pltpu.sync_copy(src_hbm.at[c, t], src_v)
    pltpu.sync_copy(dst_hbm.at[t], dst_v)
    pltpu.sync_copy(zeros_hbm, buf_v)
    for k in range(2):
        pltpu.sync_copy(buf_v, acc_sh.at[pl.ds(t * RPT + k * CH, CH)])
    plsc.subcore_barrier()

    NBR = (NB // KR) * KR
    for b in range(KR):
        pltpu.async_copy(zpf_hbm.at[src_v.at[b]], row_v.at[b], sem.at[b])

    def group(g, carry):
        for b in range(KR):
            j = g * KR + b
            pltpu.make_async_copy(
                zpf_hbm.at[src_v.at[j]], row_v.at[b], sem.at[b]).wait()
            pltpu.sync_copy(row_v.at[b], acc_sh.at[dst_v.at[j]], add=True)

            @pl.when(j + KR < NBR)
            def _():
                pltpu.async_copy(
                    zpf_hbm.at[src_v.at[j + KR]], row_v.at[b], sem.at[b])
        return carry

    lax.fori_loop(0, NB // KR, group, 0)
    for j in range(NBR, NB):
        pltpu.sync_copy(zpf_hbm.at[src_v.at[j]], row_v.at[0])
        pltpu.sync_copy(row_v.at[0], acc_sh.at[dst_v.at[j]], add=True)
    plsc.subcore_barrier()
    for k in range(2):
        sl = pl.ds(t * RPT + k * CH, CH)
        pltpu.sync_copy(acc_sh.at[sl], buf_v)
        pltpu.sync_copy(buf_v, out_hbm.at[sl, c])


@functools.partial(
    pl.kernel,
    mesh=plsc.VectorSubcoreMesh(**_MESH),
    out_type=jax.ShapeDtypeStruct((NP, 2, HF), jnp.float32),
    scratch_types=[
        pltpu.VMEM((NB, B), jnp.int32),
        pltpu.VMEM((NB, B), jnp.int32),
        pltpu.VMEM((KR, B, HF), jnp.float32),
        pltpu.VMEM((CH, HF), jnp.float32),
        pltpu.VMEM_SHARED((NP, HF), jnp.float32),
        pltpu.SemaphoreType.DMA((KR,)),
    ],
    compiler_params=pltpu.CompilerParams(use_tc_tiling_on_sc=False),
)
def _agg_call(*args):
    _agg_body(*args)


NBD = EP // (32 * B)
HD = 16


def _deg_body(dst_hbm, ones_hbm, zeros_hbm, out_hbm, dst_v, ones_v, buf_v,
              acc_sh):
    c = lax.axis_index("c")
    t = lax.axis_index("s")
    wid = t * 2 + c
    pltpu.sync_copy(dst_hbm.at[wid], dst_v)
    pltpu.sync_copy(ones_hbm, ones_v)
    pltpu.sync_copy(zeros_hbm, buf_v)
    pltpu.sync_copy(buf_v, acc_sh.at[pl.ds(t * RPT, RPT)])
    plsc.subcore_barrier()

    def body(j, carry):
        pltpu.sync_copy(ones_v, acc_sh.at[dst_v.at[j]], add=True)
        return carry

    lax.fori_loop(0, NBD, body, 0)
    plsc.subcore_barrier()
    sl = pl.ds(t * RPT, RPT)
    pltpu.sync_copy(acc_sh.at[sl], buf_v)
    pltpu.sync_copy(buf_v, out_hbm.at[sl, c])


@functools.partial(
    pl.kernel,
    mesh=plsc.VectorSubcoreMesh(**_MESH),
    out_type=jax.ShapeDtypeStruct((NP, 2, HD), jnp.float32),
    scratch_types=[
        pltpu.VMEM((NBD, B), jnp.int32),
        pltpu.VMEM((B, HD), jnp.float32),
        pltpu.VMEM((RPT, HD), jnp.float32),
        pltpu.VMEM_SHARED((NP, HD), jnp.float32),
    ],
    compiler_params=pltpu.CompilerParams(use_tc_tiling_on_sc=False),
)
def _deg_call(*args):
    _deg_body(*args)



_BM = 1280


def _prep_body(xp_ref, w_ref, dinv_ref, zp_ref):
    z = jnp.dot(xp_ref[...], w_ref[...],
                preferred_element_type=jnp.float32,
                precision=lax.Precision.HIGHEST)
    zp_ref[...] = z * dinv_ref[...]


def _prep_call(xp, w, dinv):
    return pl.pallas_call(
        _prep_body,
        grid=(NP // _BM,),
        in_specs=[
            pl.BlockSpec((_BM, FE), lambda i: (i, 0)),
            pl.BlockSpec((FE, FE), lambda i: (0, 0)),
            pl.BlockSpec((_BM, 1), lambda i: (i, 0)),
        ],
        out_specs=pl.BlockSpec((_BM, FE), lambda i: (i, 0)),
        out_shape=jax.ShapeDtypeStruct((NP, FE), jnp.float32),
    )(xp, w, dinv)


def _next_body(agg_ref, zp_ref, dinv_ref, b_ref, w_ref, out_ref):
    dinv = dinv_ref[...]
    h = jnp.maximum((agg_ref[...] + zp_ref[...]) * dinv + b_ref[...], 0.0)
    z = jnp.dot(h, w_ref[...], preferred_element_type=jnp.float32,
                precision=lax.Precision.HIGHEST)
    out_ref[...] = z * dinv


def _next_call(agg, zp, dinv, b, w):
    return pl.pallas_call(
        _next_body,
        grid=(NP // _BM,),
        in_specs=[
            pl.BlockSpec((_BM, FE), lambda i: (i, 0)),
            pl.BlockSpec((_BM, FE), lambda i: (i, 0)),
            pl.BlockSpec((_BM, 1), lambda i: (i, 0)),
            pl.BlockSpec((1, FE), lambda i: (0, 0)),
            pl.BlockSpec((FE, FE), lambda i: (0, 0)),
        ],
        out_specs=pl.BlockSpec((_BM, FE), lambda i: (i, 0)),
        out_shape=jax.ShapeDtypeStruct((NP, FE), jnp.float32),
    )(agg, zp, dinv, b, w)


_BMF = 1000


def _fin_body(agg_ref, zp_ref, dinv_ref, b_ref, out_ref):
    h = (agg_ref[...] + zp_ref[...]) * dinv_ref[...] + b_ref[...]
    out_ref[...] = jnp.maximum(h, 0.0)


def _fin_call(agg, zp, dinv, b):
    return pl.pallas_call(
        _fin_body,
        grid=(NN // _BMF,),
        in_specs=[
            pl.BlockSpec((_BMF, FE), lambda i: (i, 0)),
            pl.BlockSpec((_BMF, FE), lambda i: (i, 0)),
            pl.BlockSpec((_BMF, 1), lambda i: (i, 0)),
            pl.BlockSpec((1, FE), lambda i: (0, 0)),
        ],
        out_specs=pl.BlockSpec((_BMF, FE), lambda i: (i, 0)),
        out_shape=jax.ShapeDtypeStruct((NN, FE), jnp.float32),
    )(agg, zp, dinv, b)


_BA = 400


def _rec_body(si_ref, sj_ref, out_ref):
    out_ref[...] = lax.dot_general(
        si_ref[...], sj_ref[...], (((1,), (1,)), ((), ())),
        precision=lax.Precision.DEFAULT,
        preferred_element_type=jnp.float32)


def _rec_call(s):
    return pl.pallas_call(
        _rec_body,
        grid=(NN // _BA,),
        in_specs=[
            pl.BlockSpec((_BA, FE), lambda i: (i, 0)),
            pl.BlockSpec((NN, FE), lambda i: (0, 0)),
        ],
        out_specs=pl.BlockSpec((_BA, NN), lambda i: (i, 0)),
        out_shape=jax.ShapeDtypeStruct((NN, NN), jnp.float32),
    )(s, s)



def kernel(x, edge_index, W1e, b1e, W2e, b2e, Wa1, ba1, Wa2, ba2, Ws1, bs1):
    src = edge_index[0].astype(jnp.int32)
    dst = edge_index[1].astype(jnp.int32)
    pad = EP - EE
    src_p = jnp.concatenate([src, jnp.zeros((pad,), jnp.int32)])
    dst_p = jnp.concatenate([dst, jnp.full((pad,), NN, jnp.int32)])
    srcs = jnp.stack([src_p * 2, src_p * 2 + 1]).reshape(2, 16, NB, B)
    dst3 = dst_p.reshape(16, NB, B)
    dstd = dst_p.reshape(32, NBD, B)
    xp = jnp.pad(x, ((0, NP - NN), (0, 0)))
    zeros = jnp.zeros((CH, HF), jnp.float32)
    ones16 = jnp.ones((B, HD), jnp.float32)
    zeros16 = jnp.zeros((RPT, HD), jnp.float32)

    def agg(zp):
        a = _agg_call(srcs, dst3, zp.reshape(2 * NP, HF), zeros)
        return a.reshape(NP, FE)

    degp = _deg_call(dstd, ones16, zeros16)
    deg = degp[:, 0, 0] + degp[:, 1, 0] + 1.0
    dinv = lax.rsqrt(jnp.maximum(deg, 1.0)).reshape(NP, 1)

    zp1 = _prep_call(xp, W1e, dinv)
    zp2 = _next_call(agg(zp1), zp1, dinv, b1e.reshape(1, FE), W2e)
    agg2 = agg(zp2)
    zp5 = _next_call(agg2, zp2, dinv, b2e.reshape(1, FE), Ws1)
    zp3 = _next_call(agg2, zp2, dinv, b2e.reshape(1, FE), Wa1)
    s = _fin_call(agg(zp5), zp5, dinv, bs1.reshape(1, FE))
    A_hat = _rec_call(s)
    zp4 = _next_call(agg(zp3), zp3, dinv, ba1.reshape(1, FE), Wa2)
    X_hat = _fin_call(agg(zp4), zp4, dinv, ba2.reshape(1, FE))
    return (A_hat, X_hat)

# --- scband reference (transcript-rebuilt; emitter-appended) ---
"""Pipeline reference for scband-pre-model-6141803233546 (READ-ONLY COPY).

The authoritative reference and input builder live on the scoring server;
editing this copy changes nothing except your own understanding.
"""

import jax, jax.numpy as jnp
import numpy as np

N = 10000
FEAT = 128
HID = 128
E = 320000


def _gcn_conv(x, src, dst, W, b, n_nodes):
    # GCNConv: add self-loops, symmetric normalization, scatter-add aggregation
    h = x @ W
    loop = jnp.arange(n_nodes, dtype=src.dtype)
    s = jnp.concatenate([src, loop])
    d = jnp.concatenate([dst, loop])
    deg = jnp.zeros((n_nodes,), dtype=h.dtype).at[d].add(1.0)
    dinv = 1.0 / jnp.sqrt(jnp.clip(deg, 1.0))
    norm = dinv[s] * dinv[d]
    msg = h[s] * norm[:, None]
    out = jnp.zeros((n_nodes, h.shape[1]), dtype=h.dtype).at[d].add(msg)
    return out + b


def setup_inputs(seed: int = 0) -> dict:
    key = jax.random.key(seed)
    ks = jax.random.split(key, 12)
    x = jax.random.normal(ks[0], (N, FEAT), dtype=jnp.float32)
    edge_index = jax.random.randint(ks[1], (2, E), 0, N, dtype=jnp.int64)

    def glorot(k, fan_in, fan_out):
        lim = float(np.sqrt(6.0 / (fan_in + fan_out)))
        return jax.random.uniform(k, (fan_in, fan_out), dtype=jnp.float32, minval=-lim, maxval=lim)

    return {
        "x": x,
        "edge_index": edge_index,
        "W1e": glorot(ks[2], FEAT, HID), "b1e": jnp.zeros((HID,), jnp.float32),
        "W2e": glorot(ks[3], HID, HID), "b2e": jnp.zeros((HID,), jnp.float32),
        "Wa1": glorot(ks[4], HID, HID), "ba1": jnp.zeros((HID,), jnp.float32),
        "Wa2": glorot(ks[5], HID, FEAT), "ba2": jnp.zeros((FEAT,), jnp.float32),
        "Ws1": glorot(ks[6], HID, HID), "bs1": jnp.zeros((HID,), jnp.float32),
    }


def reference(x, edge_index, W1e, b1e, W2e, b2e, Wa1, ba1, Wa2, ba2, Ws1, bs1):
    src = edge_index[0]
    dst = edge_index[1]
    # shared encoder (drop_prob=0.0 -> dropout is identity)
    h = jax.nn.relu(_gcn_conv(x, src, dst, W1e, b1e, N))
    h = jax.nn.relu(_gcn_conv(h, src, dst, W2e, b2e, N))
    # attribute decoder
    xa = jax.nn.relu(_gcn_conv(h, src, dst, Wa1, ba1, N))
    X_hat = jax.nn.relu(_gcn_conv(xa, src, dst, Wa2, ba2, N))
    # structure decoder
    s = jax.nn.relu(_gcn_conv(h, src, dst, Ws1, bs1, N))
    A_hat = s @ s.T
    return (A_hat, X_hat)

if __name__ == "__main__":
    import jax
    _d = setup_inputs()
    print(jax.jit(kernel)(*tuple(_d.values())))

</pallas_src>

<mosaic_0001>
#map = affine_map<(d0, d1) -> (0, 0, 0, 0)>
#map1 = affine_map<(d0, d1) -> (0, 0, 0)>
#map2 = affine_map<(d0, d1) -> (0, 0)>
module attributes {stable_mosaic.version = 14 : i64} {
  func.func @_agg_call(%arg0: i32, %arg1: i32, %arg2: memref<2x16x158x128xi32, #tpu.memory_space<hbm>>, %arg3: memref<16x158x128xi32, #tpu.memory_space<hbm>>, %arg4: memref<20480x64xf32, #tpu.memory_space<hbm>>, %arg5: memref<320x64xf32, #tpu.memory_space<hbm>>, %arg6: memref<10240x2x64xf32, #tpu.memory_space<hbm>>, %arg7: memref<158x128xi32, #tpu.memory_space<vmem>>, %arg8: memref<158x128xi32, #tpu.memory_space<vmem>>, %arg9: memref<3x128x64xf32, #tpu.memory_space<vmem>>, %arg10: memref<320x64xf32, #tpu.memory_space<vmem>>, %arg11: memref<10240x64xf32, #tpu.memory_space<vmem_shared>>, %arg12: memref<3x!tpu.dma_semaphore, #tpu.memory_space<semaphore_mem>>) attributes {dimension_semantics = [#tpu.dimension_semantics<core_parallel>, #tpu.dimension_semantics<subcore_parallel>], iteration_bounds = array<i64: 2, 16>, scalar_prefetch = 0 : i64, scratch_operands = 6 : i64, tpu.core_type = #tpu.core_type<sc_vector_subcore>, window_params = [{transform_indices = #map}, {transform_indices = #map1}, {transform_indices = #map2}, {transform_indices = #map2}, {transform_indices = #map1}]} {
    "tpu.region"() ({
      %run_scoped3A_71 = tpu.sem_alloc : memref<!tpu.dma_semaphore, #tpu.memory_space<semaphore_mem>>
      %dma_start3A_72 = arith.constant 0 : i32
      %dma_start3A_73 = arith.constant 0 : i32
      %dma_start3A_74 = tpu.memref_slice %arg2[%arg0, %arg1, %dma_start3A_72, %dma_start3A_73] : memref<2x16x158x128xi32, #tpu.memory_space<hbm>> -> memref<1x1x158x128xi32, #tpu.memory_space<hbm>>
      %dma_start3A_75 = tpu.memref_squeeze %dma_start3A_74 : memref<1x1x158x128xi32, #tpu.memory_space<hbm>> -> memref<158x128xi32, #tpu.memory_space<hbm>>
      %dma_start3A_76 = arith.constant 0 : i32
      %dma_start3A_77 = arith.constant 0 : i32
      %dma_start3A_78 = tpu.memref_slice %arg2[%arg0, %arg1, %dma_start3A_76, %dma_start3A_77] : memref<2x16x158x128xi32, #tpu.memory_space<hbm>> -> memref<1x1x158x128xi32, #tpu.memory_space<hbm>>
      %dma_start3A_79 = tpu.memref_squeeze %dma_start3A_78 : memref<1x1x158x128xi32, #tpu.memory_space<hbm>> -> memref<158x128xi32, #tpu.memory_space<hbm>>
      tpu.enqueue_dma source(%dma_start3A_79 : memref<158x128xi32, #tpu.memory_space<hbm>>) target(%arg7 : memref<158x128xi32, #tpu.memory_space<vmem>>) target_semaphore(%run_scoped3A_71 : memref<!tpu.dma_semaphore, #tpu.memory_space<semaphore_mem>>)
      %dma_wait3A = arith.constant 0 : i32
      %dma_wait3A_80 = arith.constant 0 : i32
      %dma_wait3A_81 = tpu.memref_slice %arg2[%arg0, %arg1, %dma_wait3A, %dma_wait3A_80] : memref<2x16x158x128xi32, #tpu.memory_space<hbm>> -> memref<1x1x158x128xi32, #tpu.memory_space<hbm>>
      %dma_wait3A_82 = tpu.memref_squeeze %dma_wait3A_81 : memref<1x1x158x128xi32, #tpu.memory_space<hbm>> -> memref<158x128xi32, #tpu.memory_space<hbm>>
      %dma_wait3A_83 = arith.constant 0 : i32
      %dma_wait3A_84 = arith.constant 0 : i32
      %dma_wait3A_85 = tpu.memref_slice %arg2[%arg0, %arg1, %dma_wait3A_83, %dma_wait3A_84] : memref<2x16x158x128xi32, #tpu.memory_space<hbm>> -> memref<1x1x158x128xi32, #tpu.memory_space<hbm>>
      %dma_wait3A_86 = tpu.memref_squeeze %dma_wait3A_85 : memref<1x1x158x128xi32, #tpu.memory_space<hbm>> -> memref<158x128xi32, #tpu.memory_space<hbm>>
      tpu.wait_dma2 semaphore(%run_scoped3A_71 : memref<!tpu.dma_semaphore, #tpu.memory_space<semaphore_mem>>) src(%dma_wait3A_86 : memref<158x128xi32, #tpu.memory_space<hbm>>) dst(%arg7 : memref<158x128xi32, #tpu.memory_space<vmem>>)
      tpu.yield
    }) : () -> ()
    "tpu.region"() ({
      %run_scoped3A_71 = tpu.sem_alloc : memref<!tpu.dma_semaphore, #tpu.memory_space<semaphore_mem>>
      %dma_start3A_72 = arith.constant 0 : i32
      %dma_start3A_73 = arith.constant 0 : i32
      %dma_start3A_74 = tpu.memref_slice %arg3[%arg1, %dma_start3A_72, %dma_start3A_73] : memref<16x158x128xi32, #tpu.memory_space<hbm>> -> memref<1x158x128xi32, #tpu.memory_space<hbm>>
      %dma_start3A_75 = tpu.memref_squeeze %dma_start3A_74 : memref<1x158x128xi32, #tpu.memory_space<hbm>> -> memref<158x128xi32, #tpu.memory_space<hbm>>
      %dma_start3A_76 = arith.constant 0 : i32
      %dma_start3A_77 = arith.constant 0 : i32
      %dma_start3A_78 = tpu.memref_slice %arg3[%arg1, %dma_start3A_76, %dma_start3A_77] : memref<16x158x128xi32, #tpu.memory_space<hbm>> -> memref<1x158x128xi32, #tpu.memory_space<hbm>>
      %dma_start3A_79 = tpu.memref_squeeze %dma_start3A_78 : memref<1x158x128xi32, #tpu.memory_space<hbm>> -> memref<158x128xi32, #tpu.memory_space<hbm>>
      tpu.enqueue_dma source(%dma_start3A_79 : memref<158x128xi32, #tpu.memory_space<hbm>>) target(%arg8 : memref<158x128xi32, #tpu.memory_space<vmem>>) target_semaphore(%run_scoped3A_71 : memref<!tpu.dma_semaphore, #tpu.memory_space<semaphore_mem>>)
      %dma_wait3A = arith.constant 0 : i32
      %dma_wait3A_80 = arith.constant 0 : i32
      %dma_wait3A_81 = tpu.memref_slice %arg3[%arg1, %dma_wait3A, %dma_wait3A_80] : memref<16x158x128xi32, #tpu.memory_space<hbm>> -> memref<1x158x128xi32, #tpu.memory_space<hbm>>
      %dma_wait3A_82 = tpu.memref_squeeze %dma_wait3A_81 : memref<1x158x128xi32, #tpu.memory_space<hbm>> -> memref<158x128xi32, #tpu.memory_space<hbm>>
      %dma_wait3A_83 = arith.constant 0 : i32
      %dma_wait3A_84 = arith.constant 0 : i32
      %dma_wait3A_85 = tpu.memref_slice %arg3[%arg1, %dma_wait3A_83, %dma_wait3A_84] : memref<16x158x128xi32, #tpu.memory_space<hbm>> -> memref<1x158x128xi32, #tpu.memory_space<hbm>>
      %dma_wait3A_86 = tpu.memref_squeeze %dma_wait3A_85 : memref<1x158x128xi32, #tpu.memory_space<hbm>> -> memref<158x128xi32, #tpu.memory_space<hbm>>
      tpu.wait_dma2 semaphore(%run_scoped3A_71 : memref<!tpu.dma_semaphore, #tpu.memory_space<semaphore_mem>>) src(%dma_wait3A_86 : memref<158x128xi32, #tpu.memory_space<hbm>>) dst(%arg8 : memref<158x128xi32, #tpu.memory_space<vmem>>)
      tpu.yield
    }) : () -> ()
    "tpu.region"() ({
      %run_scoped3A_71 = tpu.sem_alloc : memref<!tpu.dma_semaphore, #tpu.memory_space<semaphore_mem>>
      tpu.enqueue_dma source(%arg5 : memref<320x64xf32, #tpu.memory_space<hbm>>) target(%arg10 : memref<320x64xf32, #tpu.memory_space<vmem>>) target_semaphore(%run_scoped3A_71 : memref<!tpu.dma_semaphore, #tpu.memory_space<semaphore_mem>>)
      tpu.wait_dma2 semaphore(%run_scoped3A_71 : memref<!tpu.dma_semaphore, #tpu.memory_space<semaphore_mem>>) src(%arg5 : memref<320x64xf32, #tpu.memory_space<hbm>>) dst(%arg10 : memref<320x64xf32, #tpu.memory_space<vmem>>)
      tpu.yield
    }) : () -> ()
    %mul3A = arith.constant 640 : i32
    %mul3A_0 = arith.muli %arg1, %mul3A : i32
    %add3A = arith.constant 0 : i32
    %add3A_1 = arith.addi %mul3A_0, %add3A : i32
    "tpu.region"() ({
      %run_scoped3A_71 = tpu.sem_alloc : memref<!tpu.dma_semaphore, #tpu.memory_space<semaphore_mem>>
      %dma_start3A_72 = arith.constant 0 : i32
      %dma_start3A_73 = tpu.memref_slice %arg11[%add3A_1, %dma_start3A_72] : memref<10240x64xf32, #tpu.memory_space<vmem_shared>> -> memref<320x64xf32, #tpu.memory_space<vmem_shared>>
      %dma_start3A_74 = arith.constant 0 : i32
      %dma_start3A_75 = tpu.memref_slice %arg11[%add3A_1, %dma_start3A_74] : memref<10240x64xf32, #tpu.memory_space<vmem_shared>> -> memref<320x64xf32, #tpu.memory_space<vmem_shared>>
      tpu.enqueue_dma source(%arg10 : memref<320x64xf32, #tpu.memory_space<vmem>>) target(%dma_start3A_75 : memref<320x64xf32, #tpu.memory_space<vmem_shared>>) target_semaphore(%run_scoped3A_71 : memref<!tpu.dma_semaphore, #tpu.memory_space<semaphore_mem>>)
      %dma_wait3A = arith.constant 0 : i32
      %dma_wait3A_76 = tpu.memref_slice %arg11[%add3A_1, %dma_wait3A] : memref<10240x64xf32, #tpu.memory_space<vmem_shared>> -> memref<320x64xf32, #tpu.memory_space<vmem_shared>>
      %dma_wait3A_77 = arith.constant 0 : i32
      %dma_wait3A_78 = tpu.memref_slice %arg11[%add3A_1, %dma_wait3A_77] : memref<10240x64xf32, #tpu.memory_space<vmem_shared>> -> memref<320x64xf32, #tpu.memory_space<vmem_shared>>
      tpu.wait_dma2 semaphore(%run_scoped3A_71 : memref<!tpu.dma_semaphore, #tpu.memory_space<semaphore_mem>>) src(%arg10 : memref<320x64xf32, #tpu.memory_space<vmem>>) dst(%dma_wait3A_78 : memref<320x64xf32, #tpu.memory_space<vmem_shared>>)
      tpu.yield
    }) : () -> ()
    %mul3A_2 = arith.constant 640 : i32
    %mul3A_3 = arith.muli %arg1, %mul3A_2 : i32
    %add3A_4 = arith.constant 320 : i32
    %add3A_5 = arith.addi %mul3A_3, %add3A_4 : i32
    "tpu.region"() ({
      %run_scoped3A_71 = tpu.sem_alloc : memref<!tpu.dma_semaphore, #tpu.memory_space<semaphore_mem>>
      %dma_start3A_72 = arith.constant 0 : i32
      %dma_start3A_73 = tpu.memref_slice %arg11[%add3A_5, %dma_start3A_72] : memref<10240x64xf32, #tpu.memory_space<vmem_shared>> -> memref<320x64xf32, #tpu.memory_space<vmem_shared>>
      %dma_start3A_74 = arith.constant 0 : i32
      %dma_start3A_75 = tpu.memref_slice %arg11[%add3A_5, %dma_start3A_74] : memref<10240x64xf32, #tpu.memory_space<vmem_shared>> -> memref<320x64xf32, #tpu.memory_space<vmem_shared>>
      tpu.enqueue_dma source(%arg10 : memref<320x64xf32, #tpu.memory_space<vmem>>) target(%dma_start3A_75 : memref<320x64xf32, #tpu.memory_space<vmem_shared>>) target_semaphore(%run_scoped3A_71 : memref<!tpu.dma_semaphore, #tpu.memory_space<semaphore_mem>>)
      %dma_wait3A = arith.constant 0 : i32
      %dma_wait3A_76 = tpu.memref_slice %arg11[%add3A_5, %dma_wait3A] : memref<10240x64xf32, #tpu.memory_space<vmem_shared>> -> memref<320x64xf32, #tpu.memory_space<vmem_shared>>
      %dma_wait3A_77 = arith.constant 0 : i32
      %dma_wait3A_78 = tpu.memref_slice %arg11[%add3A_5, %dma_wait3A_77] : memref<10240x64xf32, #tpu.memory_space<vmem_shared>> -> memref<320x64xf32, #tpu.memory_space<vmem_shared>>
      tpu.wait_dma2 semaphore(%run_scoped3A_71 : memref<!tpu.dma_semaphore, #tpu.memory_space<semaphore_mem>>) src(%arg10 : memref<320x64xf32, #tpu.memory_space<vmem>>) dst(%dma_wait3A_78 : memref<320x64xf32, #tpu.memory_space<vmem_shared>>)
      tpu.yield
    }) : () -> ()
    %barrier3A = arith.constant 0 : index
    tpu.barrier barrier_id(%barrier3A)
    %dma_start3A = arith.constant 0 : i32
    %dma_start3A_6 = arith.constant 0 : i32
    %dma_start3A_7 = arith.constant 0 : i32
    %dma_start3A_8 = arith.constant 0 : i32
    %dma_start3A_9 = arith.constant 0 : i32
    %dma_start3A_10 = tpu.memref_slice %arg9[%dma_start3A_6, %dma_start3A_8, %dma_start3A_9] : memref<3x128x64xf32, #tpu.memory_space<vmem>> -> memref<1x128x64xf32, #tpu.memory_space<vmem>>
    %dma_start3A_11 = tpu.memref_squeeze %dma_start3A_10 : memref<1x128x64xf32, #tpu.memory_space<vmem>> -> memref<128x64xf32, #tpu.memory_space<vmem>>
    %dma_start3A_12 = arith.constant 0 : i32
    %dma_start3A_13 = tpu.memref_slice %arg7[%dma_start3A, %dma_start3A_12] : memref<158x128xi32, #tpu.memory_space<vmem>> -> memref<1x128xi32, #tpu.memory_space<vmem>>
    %dma_start3A_14 = tpu.memref_squeeze %dma_start3A_13 : memref<1x128xi32, #tpu.memory_space<vmem>> -> memref<128xi32, #tpu.memory_space<vmem>>
    %dma_start3A_15 = arith.constant 0 : i32
    %dma_start3A_16 = arith.constant 0 : i32
    %dma_start3A_17 = tpu.memref_slice %arg4[%dma_start3A_15, %dma_start3A_16] : memref<20480x64xf32, #tpu.memory_space<hbm>> -> memref<20480x64xf32, #tpu.memory_space<hbm>>
    %dma_start3A_18 = tpu.memref_slice %arg12[%dma_start3A_7] : memref<3x!tpu.dma_semaphore, #tpu.memory_space<semaphore_mem>> -> memref<1x!tpu.dma_semaphore, #tpu.memory_space<semaphore_mem>>
    %dma_start3A_19 = tpu.memref_squeeze %dma_start3A_18 : memref<1x!tpu.dma_semaphore, #tpu.memory_space<semaphore_mem>> -> memref<!tpu.dma_semaphore, #tpu.memory_space<semaphore_mem>>
    tpu.enqueue_indirect_dma source(%dma_start3A_17 : memref<20480x64xf32, #tpu.memory_space<hbm>>) target(%dma_start3A_11 : memref<128x64xf32, #tpu.memory_space<vmem>>) offsets(%dma_start3A_14 : memref<128xi32, #tpu.memory_space<vmem>>) semaphore(%dma_start3A_19 : memref<!tpu.dma_semaphore, #tpu.memory_space<semaphore_mem>>)
    %dma_start3A_20 = arith.constant 1 : i32
    %dma_start3A_21 = arith.constant 1 : i32
    %dma_start3A_22 = arith.constant 1 : i32
    %dma_start3A_23 = arith.constant 0 : i32
    %dma_start3A_24 = arith.constant 0 : i32
    %dma_start3A_25 = tpu.memref_slice %arg9[%dma_start3A_21, %dma_start3A_23, %dma_start3A_24] : memref<3x128x64xf32, #tpu.memory_space<vmem>> -> memref<1x128x64xf32, #tpu.memory_space<vmem>>
    %dma_start3A_26 = tpu.memref_squeeze %dma_start3A_25 : memref<1x128x64xf32, #tpu.memory_space<vmem>> -> memref<128x64xf32, #tpu.memory_space<vmem>>
    %dma_start3A_27 = arith.constant 0 : i32
    %dma_start3A_28 = tpu.memref_slice %arg7[%dma_start3A_20, %dma_start3A_27] : memref<158x128xi32, #tpu.memory_space<vmem>> -> memref<1x128xi32, #tpu.memory_space<vmem>>
    %dma_start3A_29 = tpu.memref_squeeze %dma_start3A_28 : memref<1x128xi32, #tpu.memory_space<vmem>> -> memref<128xi32, #tpu.memory_space<vmem>>
    %dma_start3A_30 = arith.constant 0 : i32
    %dma_start3A_31 = arith.constant 0 : i32
    %dma_start3A_32 = tpu.memref_slice %arg4[%dma_start3A_30, %dma_start3A_31] : memref<20480x64xf32, #tpu.memory_space<hbm>> -> memref<20480x64xf32, #tpu.memory_space<hbm>>
    %dma_start3A_33 = tpu.memref_slice %arg12[%dma_start3A_22] : memref<3x!tpu.dma_semaphore, #tpu.memory_space<semaphore_mem>> -> memref<1x!tpu.dma_semaphore, #tpu.memory_space<semaphore_mem>>
    %dma_start3A_34 = tpu.memref_squeeze %dma_start3A_33 : memref<1x!tpu.dma_semaphore, #tpu.memory_space<semaphore_mem>> -> memref<!tpu.dma_semaphore, #tpu.memory_space<semaphore_mem>>
    tpu.enqueue_indirect_dma source(%dma_start3A_32 : memref<20480x64xf32, #tpu.memory_space<hbm>>) target(%dma_start3A_26 : memref<128x64xf32, #tpu.memory_space<vmem>>) offsets(%dma_start3A_29 : memref<128xi32, #tpu.memory_space<vmem>>) semaphore(%dma_start3A_34 : memref<!tpu.dma_semaphore, #tpu.memory_space<semaphore_mem>>)
    %dma_start3A_35 = arith.constant 2 : i32
    %dma_start3A_36 = arith.constant 2 : i32
    %dma_start3A_37 = arith.constant 2 : i32
    %dma_start3A_38 = arith.constant 0 : i32
    %dma_start3A_39 = arith.constant 0 : i32
    %dma_start3A_40 = tpu.memref_slice %arg9[%dma_start3A_36, %dma_start3A_38, %dma_start3A_39] : memref<3x128x64xf32, #tpu.memory_space<vmem>> -> memref<1x128x64xf32, #tpu.memory_space<vmem>>
    %dma_start3A_41 = tpu.memref_squeeze %dma_start3A_40 : memref<1x128x64xf32, #tpu.memory_space<vmem>> -> memref<128x64xf32, #tpu.memory_space<vmem>>
    %dma_start3A_42 = arith.constant 0 : i32
    %dma_start3A_43 = tpu.memref_slice %arg7[%dma_start3A_35, %dma_start3A_42] : memref<158x128xi32, #tpu.memory_space<vmem>> -> memref<1x128xi32, #tpu.memory_space<vmem>>
    %dma_start3A_44 = tpu.memref_squeeze %dma_start3A_43 : memref<1x128xi32, #tpu.memory_space<vmem>> -> memref<128xi32, #tpu.memory_space<vmem>>
    %dma_start3A_45 = arith.constant 0 : i32
    %dma_start3A_46 = arith.constant 0 : i32
    %dma_start3A_47 = tpu.memref_slice %arg4[%dma_start3A_45, %dma_start3A_46] : memref<20480x64xf32, #tpu.memory_space<hbm>> -> memref<20480x64xf32, #tpu.memory_space<hbm>>
    %dma_start3A_48 = tpu.memref_slice %arg12[%dma_start3A_37] : memref<3x!tpu.dma_semaphore, #tpu.memory_space<semaphore_mem>> -> memref<1x!tpu.dma_semaphore, #tpu.memory_space<semaphore_mem>>
    %dma_start3A_49 = tpu.memref_squeeze %dma_start3A_48 : memref<1x!tpu.dma_semaphore, #tpu.memory_space<semaphore_mem>> -> memref<!tpu.dma_semaphore, #tpu.memory_space<semaphore_mem>>
    tpu.enqueue_indirect_dma source(%dma_start3A_47 : memref<20480x64xf32, #tpu.memory_space<hbm>>) target(%dma_start3A_41 : memref<128x64xf32, #tpu.memory_space<vmem>>) offsets(%dma_start3A_44 : memref<128xi32, #tpu.memory_space<vmem>>) semaphore(%dma_start3A_49 : memref<!tpu.dma_semaphore, #tpu.memory_space<semaphore_mem>>)
    %scan3A = arith.constant 0 : i32
    %scan3A_50 = arith.constant 0 : i32
    %scan3A_51 = arith.constant 52 : i32
    %scan3A_52 = arith.addi %scan3A_50, %scan3A_51 : i32
    %scan3A_53 = arith.constant 1 : i32
    scf.for %scan3A_71 = %scan3A_50 to %scan3A_52 step %scan3A_53  : i32 {
      %mul3A_72 = arith.constant 3 : i32
      %mul3A_73 = arith.muli %scan3A_71, %mul3A_72 : i32
      %add3A_74 = arith.constant 0 : i32
      %add3A_75 = arith.addi %mul3A_73, %add3A_74 : i32
      %dma_wait3A = arith.constant 0 : i32
      %dma_wait3A_76 = arith.constant 0 : i32
      %dma_wait3A_77 = arith.constant 0 : i32
      %dma_wait3A_78 = arith.constant 0 : i32
      %dma_wait3A_79 = tpu.memref_slice %arg9[%dma_wait3A, %dma_wait3A_77, %dma_wait3A_78] : memref<3x128x64xf32, #tpu.memory_space<vmem>> -> memref<1x128x64xf32, #tpu.memory_space<vmem>>
      %dma_wait3A_80 = tpu.memref_squeeze %dma_wait3A_79 : memref<1x128x64xf32, #tpu.memory_space<vmem>> -> memref<128x64xf32, #tpu.memory_space<vmem>>
      %dma_wait3A_81 = arith.constant 0 : i32
      %dma_wait3A_82 = tpu.memref_slice %arg7[%add3A_75, %dma_wait3A_81] : memref<158x128xi32, #tpu.memory_space<vmem>> -> memref<1x128xi32, #tpu.memory_space<vmem>>
      %dma_wait3A_83 = tpu.memref_squeeze %dma_wait3A_82 : memref<1x128xi32, #tpu.memory_space<vmem>> -> memref<128xi32, #tpu.memory_space<vmem>>
      %dma_wait3A_84 = arith.constant 0 : i32
      %dma_wait3A_85 = arith.constant 0 : i32
      %dma_wait3A_86 = tpu.memref_slice %arg4[%dma_wait3A_84, %dma_wait3A_85] : memref<20480x64xf32, #tpu.memory_space<hbm>> -> memref<20480x64xf32, #tpu.memory_space<hbm>>
      %dma_wait3A_87 = tpu.memref_slice %arg12[%dma_wait3A_76] : memref<3x!tpu.dma_semaphore, #tpu.memory_space<semaphore_mem>> -> memref<1x!tpu.dma_semaphore, #tpu.memory_space<semaphore_mem>>
      %dma_wait3A_88 = tpu.memref_squeeze %dma_wait3A_87 : memref<1x!tpu.dma_semaphore, #tpu.memory_space<semaphore_mem>> -> memref<!tpu.dma_semaphore, #tpu.memory_space<semaphore_mem>>
      tpu.wait_indirect_dma semaphore(%dma_wait3A_88 : memref<!tpu.dma_semaphore, #tpu.memory_space<semaphore_mem>>) src(%dma_wait3A_86 : memref<20480x64xf32, #tpu.memory_space<hbm>>) dst(%dma_wait3A_80 : memref<128x64xf32, #tpu.memory_space<vmem>>)
      %run_scoped3A_89 = arith.constant 0 : i32
      "tpu.region"() ({
        %run_scoped3A_146 = tpu.sem_alloc : memref<!tpu.dma_semaphore, #tpu.memory_space<semaphore_mem>>
        %dma_start3A_147 = arith.constant 0 : i32
        %dma_start3A_148 = arith.constant 0 : i32
        %dma_start3A_149 = tpu.memref_slice %arg9[%run_scoped3A_89, %dma_start3A_147, %dma_start3A_148] : memref<3x128x64xf32, #tpu.memory_space<vmem>> -> memref<1x128x64xf32, #tpu.memory_space<vmem>>
        %dma_start3A_150 = tpu.memref_squeeze %dma_start3A_149 : memref<1x128x64xf32, #tpu.memory_space<vmem>> -> memref<128x64xf32, #tpu.memory_space<vmem>>
        %dma_start3A_151 = arith.constant 0 : i32
        %dma_start3A_152 = tpu.memref_slice %arg8[%add3A_75, %dma_start3A_151] : memref<158x128xi32, #tpu.memory_space<vmem>> -> memref<1x128xi32, #tpu.memory_space<vmem>>
        %dma_start3A_153 = tpu.memref_squeeze %dma_start3A_152 : memref<1x128xi32, #tpu.memory_space<vmem>> -> memref<128xi32, #tpu.memory_space<vmem>>
        %dma_start3A_154 = arith.constant 0 : i32
        %dma_start3A_155 = arith.constant 0 : i32
        %dma_start3A_156 = tpu.memref_slice %arg11[%dma_start3A_154, %dma_start3A_155] : memref<10240x64xf32, #tpu.memory_space<vmem_shared>> -> memref<10240x64xf32, #tpu.memory_space<vmem_shared>>
        tpu.enqueue_indirect_dma source(%dma_start3A_150 : memref<128x64xf32, #tpu.memory_space<vmem>>) target(%dma_start3A_156 : memref<10240x64xf32, #tpu.memory_space<vmem_shared>>) offsets(%dma_start3A_153 : memref<128xi32, #tpu.memory_space<vmem>>) semaphore(%run_scoped3A_146 : memref<!tpu.dma_semaphore, #tpu.memory_space<semaphore_mem>>) {add = true}
        %dma_wait3A_157 = arith.constant 0 : i32
        %dma_wait3A_158 = arith.constant 0 : i32
        %dma_wait3A_159 = tpu.memref_slice %arg9[%run_scoped3A_89, %dma_wait3A_157, %dma_wait3A_158] : memref<3x128x64xf32, #tpu.memory_space<vmem>> -> memref<1x128x64xf32, #tpu.memory_space<vmem>>
        %dma_wait3A_160 = tpu.memref_squeeze %dma_wait3A_159 : memref<1x128x64xf32, #tpu.memory_space<vmem>> -> memref<128x64xf32, #tpu.memory_space<vmem>>
        %dma_wait3A_161 = arith.constant 0 : i32
        %dma_wait3A_162 = tpu.memref_slice %arg8[%add3A_75, %dma_wait3A_161] : memref<158x128xi32, #tpu.memory_space<vmem>> -> memref<1x128xi32, #tpu.memory_space<vmem>>
        %dma_wait3A_163 = tpu.memref_squeeze %dma_wait3A_162 : memref<1x128xi32, #tpu.memory_space<vmem>> -> memref<128xi32, #tpu.memory_space<vmem>>
        %dma_wait3A_164 = arith.constant 0 : i32
        %dma_wait3A_165 = arith.constant 0 : i32
        %dma_wait3A_166 = tpu.memref_slice %arg11[%dma_wait3A_164, %dma_wait3A_165] : memref<10240x64xf32, #tpu.memory_space<vmem_shared>> -> memref<10240x64xf32, #tpu.memory_space<vmem_shared>>
        tpu.wait_indirect_dma semaphore(%run_scoped3A_146 : memref<!tpu.dma_semaphore, #tpu.memory_space<semaphore_mem>>) src(%dma_wait3A_160 : memref<128x64xf32, #tpu.memory_space<vmem>>) dst(%dma_wait3A_166 : memref<10240x64xf32, #tpu.memory_space<vmem_shared>>)
        tpu.yield
      }) : () -> ()
      %add3A_90 = arith.constant 3 : i32
      %add3A_91 = arith.addi %add3A_75, %add3A_90 : i32
      %lt3A = arith.constant 156 : i32
      %lt3A_92 = arith.cmpi slt, %add3A_91, %lt3A : i32
      %convert_element_type3A = arith.extui %lt3A_92 : i1 to i32
      %cond3A = arith.constant 0 : i32
      %cond3A_93 = arith.cmpi ne, %convert_element_type3A, %cond3A : i32
      scf.if %cond3A_93 {
        %add3A_146 = arith.constant 3 : i32
        %add3A_147 = arith.addi %add3A_75, %add3A_146 : i32
        %dma_start3A_148 = arith.constant 0 : i32
        %dma_start3A_149 = arith.constant 0 : i32
        %dma_start3A_150 = arith.constant 0 : i32
        %dma_start3A_151 = arith.constant 0 : i32
        %dma_start3A_152 = tpu.memref_slice %arg9[%dma_start3A_148, %dma_start3A_150, %dma_start3A_151] : memref<3x128x64xf32, #tpu.memory_space<vmem>> -> memref<1x128x64xf32, #tpu.memory_space<vmem>>
        %dma_start3A_153 = tpu.memref_squeeze %dma_start3A_152 : memref<1x128x64xf32, #tpu.memory_space<vmem>> -> memref<128x64xf32, #tpu.memory_space<vmem>>
        %dma_start3A_154 = arith.constant 0 : i32
        %dma_start3A_155 = tpu.memref_slice %arg7[%add3A_147, %dma_start3A_154] : memref<158x128xi32, #tpu.memory_space<vmem>> -> memref<1x128xi32, #tpu.memory_space<vmem>>
        %dma_start3A_156 = tpu.memref_squeeze %dma_start3A_155 : memref<1x128xi32, #tpu.memory_space<vmem>> -> memref<128xi32, #tpu.memory_space<vmem>>
        %dma_start3A_157 = arith.constant 0 : i32
        %dma_start3A_158 = arith.constant 0 : i32
        %dma_start3A_159 = tpu.memref_slice %arg4[%dma_start3A_157, %dma_start3A_158] : memref<20480x64xf32, #tpu.memory_space<hbm>> -> memref<20480x64xf32, #tpu.memory_space<hbm>>
        %dma_start3A_160 = tpu.memref_slice %arg12[%dma_start3A_149] : memref<3x!tpu.dma_semaphore, #tpu.memory_space<semaphore_mem>> -> memref<1x!tpu.dma_semaphore, #tpu.memory_space<semaphore_mem>>
        %dma_start3A_161 = tpu.memref_squeeze %dma_start3A_160 : memref<1x!tpu.dma_semaphore, #tpu.memory_space<semaphore_mem>> -> memref<!tpu.dma_semaphore, #tpu.memory_space<semaphore_mem>>
        tpu.enqueue_indirect_dma source(%dma_start3A_159 : memref<20480x64xf32, #tpu.memory_space<hbm>>) target(%dma_start3A_153 : memref<128x64xf32, #tpu.memory_space<vmem>>) offsets(%dma_start3A_156 : memref<128xi32, #tpu.memory_space<vmem>>) semaphore(%dma_start3A_161 : memref<!tpu.dma_semaphore, #tpu.memory_space<semaphore_mem>>)
      } else {
      }
      %mul3A_94 = arith.constant 3 : i32
      %mul3A_95 = arith.muli %scan3A_71, %mul3A_94 : i32
      %add3A_96 = arith.constant 1 : i32
      %add3A_97 = arith.addi %mul3A_95, %add3A_96 : i32
      %dma_wait3A_98 = arith.constant 1 : i32
      %dma_wait3A_99 = arith.constant 1 : i32
      %dma_wait3A_100 = arith.constant 0 : i32
      %dma_wait3A_101 = arith.constant 0 : i32
      %dma_wait3A_102 = tpu.memref_slice %arg9[%dma_wait3A_98, %dma_wait3A_100, %dma_wait3A_101] : memref<3x128x64xf32, #tpu.memory_space<vmem>> -> memref<1x128x64xf32, #tpu.memory_space<vmem>>
      %dma_wait3A_103 = tpu.memref_squeeze %dma_wait3A_102 : memref<1x128x64xf32, #tpu.memory_space<vmem>> -> memref<128x64xf32, #tpu.memory_space<vmem>>
      %dma_wait3A_104 = arith.constant 0 : i32
      %dma_wait3A_105 = tpu.memref_slice %arg7[%add3A_97, %dma_wait3A_104] : memref<158x128xi32, #tpu.memory_space<vmem>> -> memref<1x128xi32, #tpu.memory_space<vmem>>
      %dma_wait3A_106 = tpu.memref_squeeze %dma_wait3A_105 : memref<1x128xi32, #tpu.memory_space<vmem>> -> memref<128xi32, #tpu.memory_space<vmem>>
      %dma_wait3A_107 = arith.constant 0 : i32
      %dma_wait3A_108 = arith.constant 0 : i32
      %dma_wait3A_109 = tpu.memref_slice %arg4[%dma_wait3A_107, %dma_wait3A_108] : memref<20480x64xf32, #tpu.memory_space<hbm>> -> memref<20480x64xf32, #tpu.memory_space<hbm>>
      %dma_wait3A_110 = tpu.memref_slice %arg12[%dma_wait3A_99] : memref<3x!tpu.dma_semaphore, #tpu.memory_space<semaphore_mem>> -> memref<1x!tpu.dma_semaphore, #tpu.memory_space<semaphore_mem>>
      %dma_wait3A_111 = tpu.memref_squeeze %dma_wait3A_110 : memref<1x!tpu.dma_semaphore, #tpu.memory_space<semaphore_mem>> -> memref<!tpu.dma_semaphore, #tpu.memory_space<semaphore_mem>>
      tpu.wait_indirect_dma semaphore(%dma_wait3A_111 : memref<!tpu.dma_semaphore, #tpu.memory_space<semaphore_mem>>) src(%dma_wait3A_109 : memref<20480x64xf32, #tpu.memory_space<hbm>>) dst(%dma_wait3A_103 : memref<128x64xf32, #tpu.memory_space<vmem>>)
      %run_scoped3A_112 = arith.constant 1 : i32
      "tpu.region"() ({
        %run_scoped3A_146 = tpu.sem_alloc : memref<!tpu.dma_semaphore, #tpu.memory_space<semaphore_mem>>
        %dma_start3A_147 = arith.constant 0 : i32
        %dma_start3A_148 = arith.constant 0 : i32
        %dma_start3A_149 = tpu.memref_slice %arg9[%run_scoped3A_112, %dma_start3A_147, %dma_start3A_148] : memref<3x128x64xf32, #tpu.memory_space<vmem>> -> memref<1x128x64xf32, #tpu.memory_space<vmem>>
        %dma_start3A_150 = tpu.memref_squeeze %dma_start3A_149 : memref<1x128x64xf32, #tpu.memory_space<vmem>> -> memref<128x64xf32, #tpu.memory_space<vmem>>
        %dma_start3A_151 = arith.constant 0 : i32
        %dma_start3A_152 = tpu.memref_slice %arg8[%add3A_97, %dma_start3A_151] : memref<158x128xi32, #tpu.memory_space<vmem>> -> memref<1x128xi32, #tpu.memory_space<vmem>>
        %dma_start3A_153 = tpu.memref_squeeze %dma_start3A_152 : memref<1x128xi32, #tpu.memory_space<vmem>> -> memref<128xi32, #tpu.memory_space<vmem>>
        %dma_start3A_154 = arith.constant 0 : i32
        %dma_start3A_155 = arith.constant 0 : i32
        %dma_start3A_156 = tpu.memref_slice %arg11[%dma_start3A_154, %dma_start3A_155] : memref<10240x64xf32, #tpu.memory_space<vmem_shared>> -> memref<10240x64xf32, #tpu.memory_space<vmem_shared>>
        tpu.enqueue_indirect_dma source(%dma_start3A_150 : memref<128x64xf32, #tpu.memory_space<vmem>>) target(%dma_start3A_156 : memref<10240x64xf32, #tpu.memory_space<vmem_shared>>) offsets(%dma_start3A_153 : memref<128xi32, #tpu.memory_space<vmem>>) semaphore(%run_scoped3A_146 : memref<!tpu.dma_semaphore, #tpu.memory_space<semaphore_mem>>) {add = true}
        %dma_wait3A_157 = arith.constant 0 : i32
        %dma_wait3A_158 = arith.constant 0 : i32
        %dma_wait3A_159 = tpu.memref_slice %arg9[%run_scoped3A_112, %dma_wait3A_157, %dma_wait3A_158] : memref<3x128x64xf32, #tpu.memory_space<vmem>> -> memref<1x128x64xf32, #tpu.memory_space<vmem>>
        %dma_wait3A_160 = tpu.memref_squeeze %dma_wait3A_159 : memref<1x128x64xf32, #tpu.memory_space<vmem>> -> memref<128x64xf32, #tpu.memory_space<vmem>>
        %dma_wait3A_161 = arith.constant 0 : i32
        %dma_wait3A_162 = tpu.memref_slice %arg8[%add3A_97, %dma_wait3A_161] : memref<158x128xi32, #tpu.memory_space<vmem>> -> memref<1x128xi32, #tpu.memory_space<vmem>>
        %dma_wait3A_163 = tpu.memref_squeeze %dma_wait3A_162 : memref<1x128xi32, #tpu.memory_space<vmem>> -> memref<128xi32, #tpu.memory_space<vmem>>
        %dma_wait3A_164 = arith.constant 0 : i32
        %dma_wait3A_165 = arith.constant 0 : i32
        %dma_wait3A_166 = tpu.memref_slice %arg11[%dma_wait3A_164, %dma_wait3A_165] : memref<10240x64xf32, #tpu.memory_space<vmem_shared>> -> memref<10240x64xf32, #tpu.memory_space<vmem_shared>>
        tpu.wait_indirect_dma semaphore(%run_scoped3A_146 : memref<!tpu.dma_semaphore, #tpu.memory_space<semaphore_mem>>) src(%dma_wait3A_160 : memref<128x64xf32, #tpu.memory_space<vmem>>) dst(%dma_wait3A_166 : memref<10240x64xf32, #tpu.memory_space<vmem_shared>>)
        tpu.yield
      }) : () -> ()
      %add3A_113 = arith.constant 3 : i32
      %add3A_114 = arith.addi %add3A_97, %add3A_113 : i32
      %lt3A_115 = arith.constant 156 : i32
      %lt3A_116 = arith.cmpi slt, %add3A_114, %lt3A_115 : i32
      %convert_element_type3A_117 = arith.extui %lt3A_116 : i1 to i32
      %cond3A_118 = arith.constant 0 : i32
      %cond3A_119 = arith.cmpi ne, %convert_element_type3A_117, %cond3A_118 : i32
      scf.if %cond3A_119 {
        %add3A_146 = arith.constant 3 : i32
        %add3A_147 = arith.addi %add3A_97, %add3A_146 : i32
        %dma_start3A_148 = arith.constant 1 : i32
        %dma_start3A_149 = arith.constant 1 : i32
        %dma_start3A_150 = arith.constant 0 : i32
        %dma_start3A_151 = arith.constant 0 : i32
        %dma_start3A_152 = tpu.memref_slice %arg9[%dma_start3A_148, %dma_start3A_150, %dma_start3A_151] : memref<3x128x64xf32, #tpu.memory_space<vmem>> -> memref<1x128x64xf32, #tpu.memory_space<vmem>>
        %dma_start3A_153 = tpu.memref_squeeze %dma_start3A_152 : memref<1x128x64xf32, #tpu.memory_space<vmem>> -> memref<128x64xf32, #tpu.memory_space<vmem>>
        %dma_start3A_154 = arith.constant 0 : i32
        %dma_start3A_155 = tpu.memref_slice %arg7[%add3A_147, %dma_start3A_154] : memref<158x128xi32, #tpu.memory_space<vmem>> -> memref<1x128xi32, #tpu.memory_space<vmem>>
        %dma_start3A_156 = tpu.memref_squeeze %dma_start3A_155 : memref<1x128xi32, #tpu.memory_space<vmem>> -> memref<128xi32, #tpu.memory_space<vmem>>
        %dma_start3A_157 = arith.constant 0 : i32
        %dma_start3A_158 = arith.constant 0 : i32
        %dma_start3A_159 = tpu.memref_slice %arg4[%dma_start3A_157, %dma_start3A_158] : memref<20480x64xf32, #tpu.memory_space<hbm>> -> memref<20480x64xf32, #tpu.memory_space<hbm>>
        %dma_start3A_160 = tpu.memref_slice %arg12[%dma_start3A_149] : memref<3x!tpu.dma_semaphore, #tpu.memory_space<semaphore_mem>> -> memref<1x!tpu.dma_semaphore, #tpu.memory_space<semaphore_mem>>
        %dma_start3A_161 = tpu.memref_squeeze %dma_start3A_160 : memref<1x!tpu.dma_semaphore, #tpu.memory_space<semaphore_mem>> -> memref<!tpu.dma_semaphore, #tpu.memory_space<semaphore_mem>>
        tpu.enqueue_indirect_dma source(%dma_start3A_159 : memref<20480x64xf32, #tpu.memory_space<hbm>>) target(%dma_start3A_153 : memref<128x64xf32, #tpu.memory_space<vmem>>) offsets(%dma_start3A_156 : memref<128xi32, #tpu.memory_space<vmem>>) semaphore(%dma_start3A_161 : memref<!tpu.dma_semaphore, #tpu.memory_space<semaphore_mem>>)
      } else {
      }
      %mul3A_120 = arith.constant 3 : i32
      %mul3A_121 = arith.muli %scan3A_71, %mul3A_120 : i32
      %add3A_122 = arith.constant 2 : i32
      %add3A_123 = arith.addi %mul3A_121, %add3A_122 : i32
      %dma_wait3A_124 = arith.constant 2 : i32
      %dma_wait3A_125 = arith.constant 2 : i32
      %dma_wait3A_126 = arith.constant 0 : i32
      %dma_wait3A_127 = arith.constant 0 : i32
      %dma_wait3A_128 = tpu.memref_slice %arg9[%dma_wait3A_124, %dma_wait3A_126, %dma_wait3A_127] : memref<3x128x64xf32, #tpu.memory_space<vmem>> -> memref<1x128x64xf32, #tpu.memory_space<vmem>>
      %dma_wait3A_129 = tpu.memref_squeeze %dma_wait3A_128 : memref<1x128x64xf32, #tpu.memory_space<vmem>> -> memref<128x64xf32, #tpu.memory_space<vmem>>
      %dma_wait3A_130 = arith.constant 0 : i32
      %dma_wait3A_131 = tpu.memref_slice %arg7[%add3A_123, %dma_wait3A_130] : memref<158x128xi32, #tpu.memory_space<vmem>> -> memref<1x128xi32, #tpu.memory_space<vmem>>
      %dma_wait3A_132 = tpu.memref_squeeze %dma_wait3A_131 : memref<1x128xi32, #tpu.memory_space<vmem>> -> memref<128xi32, #tpu.memory_space<vmem>>
      %dma_wait3A_133 = arith.constant 0 : i32
      %dma_wait3A_134 = arith.constant 0 : i32
      %dma_wait3A_135 = tpu.memref_slice %arg4[%dma_wait3A_133, %dma_wait3A_134] : memref<20480x64xf32, #tpu.memory_space<hbm>> -> memref<20480x64xf32, #tpu.memory_space<hbm>>
      %dma_wait3A_136 = tpu.memref_slice %arg12[%dma_wait3A_125] : memref<3x!tpu.dma_semaphore, #tpu.memory_space<semaphore_mem>> -> memref<1x!tpu.dma_semaphore, #tpu.memory_space<semaphore_mem>>
      %dma_wait3A_137 = tpu.memref_squeeze %dma_wait3A_136 : memref<1x!tpu.dma_semaphore, #tpu.memory_space<semaphore_mem>> -> memref<!tpu.dma_semaphore, #tpu.memory_space<semaphore_mem>>
      tpu.wait_indirect_dma semaphore(%dma_wait3A_137 : memref<!tpu.dma_semaphore, #tpu.memory_space<semaphore_mem>>) src(%dma_wait3A_135 : memref<20480x64xf32, #tpu.memory_space<hbm>>) dst(%dma_wait3A_129 : memref<128x64xf32, #tpu.memory_space<vmem>>)
      %run_scoped3A_138 = arith.constant 2 : i32
      "tpu.region"() ({
        %run_scoped3A_146 = tpu.sem_alloc : memref<!tpu.dma_semaphore, #tpu.memory_space<semaphore_mem>>
        %dma_start3A_147 = arith.constant 0 : i32
        %dma_start3A_148 = arith.constant 0 : i32
        %dma_start3A_149 = tpu.memref_slice %arg9[%run_scoped3A_138, %dma_start3A_147, %dma_start3A_148] : memref<3x128x64xf32, #tpu.memory_space<vmem>> -> memref<1x128x64xf32, #tpu.memory_space<vmem>>
        %dma_start3A_150 = tpu.memref_squeeze %dma_start3A_149 : memref<1x128x64xf32, #tpu.memory_space<vmem>> -> memref<128x64xf32, #tpu.memory_space<vmem>>
        %dma_start3A_151 = arith.constant 0 : i32
        %dma_start3A_152 = tpu.memref_slice %arg8[%add3A_123, %dma_start3A_151] : memref<158x128xi32, #tpu.memory_space<vmem>> -> memref<1x128xi32, #tpu.memory_space<vmem>>
        %dma_start3A_153 = tpu.memref_squeeze %dma_start3A_152 : memref<1x128xi32, #tpu.memory_space<vmem>> -> memref<128xi32, #tpu.memory_space<vmem>>
        %dma_start3A_154 = arith.constant 0 : i32
        %dma_start3A_155 = arith.constant 0 : i32
        %dma_start3A_156 = tpu.memref_slice %arg11[%dma_start3A_154, %dma_start3A_155] : memref<10240x64xf32, #tpu.memory_space<vmem_shared>> -> memref<10240x64xf32, #tpu.memory_space<vmem_shared>>
        tpu.enqueue_indirect_dma source(%dma_start3A_150 : memref<128x64xf32, #tpu.memory_space<vmem>>) target(%dma_start3A_156 : memref<10240x64xf32, #tpu.memory_space<vmem_shared>>) offsets(%dma_start3A_153 : memref<128xi32, #tpu.memory_space<vmem>>) semaphore(%run_scoped3A_146 : memref<!tpu.dma_semaphore, #tpu.memory_space<semaphore_mem>>) {add = true}
        %dma_wait3A_157 = arith.constant 0 : i32
        %dma_wait3A_158 = arith.constant 0 : i32
        %dma_wait3A_159 = tpu.memref_slice %arg9[%run_scoped3A_138, %dma_wait3A_157, %dma_wait3A_158] : memref<3x128x64xf32, #tpu.memory_space<vmem>> -> memref<1x128x64xf32, #tpu.memory_space<vmem>>
        %dma_wait3A_160 = tpu.memref_squeeze %dma_wait3A_159 : memref<1x128x64xf32, #tpu.memory_space<vmem>> -> memref<128x64xf32, #tpu.memory_space<vmem>>
        %dma_wait3A_161 = arith.constant 0 : i32
        %dma_wait3A_162 = tpu.memref_slice %arg8[%add3A_123, %dma_wait3A_161] : memref<158x128xi32, #tpu.memory_space<vmem>> -> memref<1x128xi32, #tpu.memory_space<vmem>>
        %dma_wait3A_163 = tpu.memref_squeeze %dma_wait3A_162 : memref<1x128xi32, #tpu.memory_space<vmem>> -> memref<128xi32, #tpu.memory_space<vmem>>
        %dma_wait3A_164 = arith.constant 0 : i32
        %dma_wait3A_165 = arith.constant 0 : i32
        %dma_wait3A_166 = tpu.memref_slice %arg11[%dma_wait3A_164, %dma_wait3A_165] : memref<10240x64xf32, #tpu.memory_space<vmem_shared>> -> memref<10240x64xf32, #tpu.memory_space<vmem_shared>>
        tpu.wait_indirect_dma semaphore(%run_scoped3A_146 : memref<!tpu.dma_semaphore, #tpu.memory_space<semaphore_mem>>) src(%dma_wait3A_160 : memref<128x64xf32, #tpu.memory_space<vmem>>) dst(%dma_wait3A_166 : memref<10240x64xf32, #tpu.memory_space<vmem_shared>>)
        tpu.yield
      }) : () -> ()
      %add3A_139 = arith.constant 3 : i32
      %add3A_140 = arith.addi %add3A_123, %add3A_139 : i32
      %lt3A_141 = arith.constant 156 : i32
      %lt3A_142 = arith.cmpi slt, %add3A_140, %lt3A_141 : i32
      %convert_element_type3A_143 = arith.extui %lt3A_142 : i1 to i32
      %cond3A_144 = arith.constant 0 : i32
      %cond3A_145 = arith.cmpi ne, %convert_element_type3A_143, %cond3A_144 : i32
      scf.if %cond3A_145 {
        %add3A_146 = arith.constant 3 : i32
        %add3A_147 = arith.addi %add3A_123, %add3A_146 : i32
        %dma_start3A_148 = arith.constant 2 : i32
        %dma_start3A_149 = arith.constant 2 : i32
        %dma_start3A_150 = arith.constant 0 : i32
        %dma_start3A_151 = arith.constant 0 : i32
        %dma_start3A_152 = tpu.memref_slice %arg9[%dma_start3A_148, %dma_start3A_150, %dma_start3A_151] : memref<3x128x64xf32, #tpu.memory_space<vmem>> -> memref<1x128x64xf32, #tpu.memory_space<vmem>>
        %dma_start3A_153 = tpu.memref_squeeze %dma_start3A_152 : memref<1x128x64xf32, #tpu.memory_space<vmem>> -> memref<128x64xf32, #tpu.memory_space<vmem>>
        %dma_start3A_154 = arith.constant 0 : i32
        %dma_start3A_155 = tpu.memref_slice %arg7[%add3A_147, %dma_start3A_154] : memref<158x128xi32, #tpu.memory_space<vmem>> -> memref<1x128xi32, #tpu.memory_space<vmem>>
        %dma_start3A_156 = tpu.memref_squeeze %dma_start3A_155 : memref<1x128xi32, #tpu.memory_space<vmem>> -> memref<128xi32, #tpu.memory_space<vmem>>
        %dma_start3A_157 = arith.constant 0 : i32
        %dma_start3A_158 = arith.constant 0 : i32
        %dma_start3A_159 = tpu.memref_slice %arg4[%dma_start3A_157, %dma_start3A_158] : memref<20480x64xf32, #tpu.memory_space<hbm>> -> memref<20480x64xf32, #tpu.memory_space<hbm>>
        %dma_start3A_160 = tpu.memref_slice %arg12[%dma_start3A_149] : memref<3x!tpu.dma_semaphore, #tpu.memory_space<semaphore_mem>> -> memref<1x!tpu.dma_semaphore, #tpu.memory_space<semaphore_mem>>
        %dma_start3A_161 = tpu.memref_squeeze %dma_start3A_160 : memref<1x!tpu.dma_semaphore, #tpu.memory_space<semaphore_mem>> -> memref<!tpu.dma_semaphore, #tpu.memory_space<semaphore_mem>>
        tpu.enqueue_indirect_dma source(%dma_start3A_159 : memref<20480x64xf32, #tpu.memory_space<hbm>>) target(%dma_start3A_153 : memref<128x64xf32, #tpu.memory_space<vmem>>) offsets(%dma_start3A_156 : memref<128xi32, #tpu.memory_space<vmem>>) semaphore(%dma_start3A_161 : memref<!tpu.dma_semaphore, #tpu.memory_space<semaphore_mem>>)
      } else {
      }
    }
    %scan3A_54 = arith.constant 52 : i32
    %run_scoped3A = arith.constant 156 : i32
    %run_scoped3A_55 = arith.constant 0 : i32
    "tpu.region"() ({
      %run_scoped3A_71 = tpu.sem_alloc : memref<!tpu.dma_semaphore, #tpu.memory_space<semaphore_mem>>
      %dma_start3A_72 = arith.constant 0 : i32
      %dma_start3A_73 = arith.constant 0 : i32
      %dma_start3A_74 = tpu.memref_slice %arg9[%run_scoped3A_55, %dma_start3A_72, %dma_start3A_73] : memref<3x128x64xf32, #tpu.memory_space<vmem>> -> memref<1x128x64xf32, #tpu.memory_space<vmem>>
      %dma_start3A_75 = tpu.memref_squeeze %dma_start3A_74 : memref<1x128x64xf32, #tpu.memory_space<vmem>> -> memref<128x64xf32, #tpu.memory_space<vmem>>
      %dma_start3A_76 = arith.constant 0 : i32
      %dma_start3A_77 = tpu.memref_slice %arg7[%run_scoped3A, %dma_start3A_76] : memref<158x128xi32, #tpu.memory_space<vmem>> -> memref<1x128xi32, #tpu.memory_space<vmem>>
      %dma_start3A_78 = tpu.memref_squeeze %dma_start3A_77 : memref<1x128xi32, #tpu.memory_space<vmem>> -> memref<128xi32, #tpu.memory_space<vmem>>
      %dma_start3A_79 = arith.constant 0 : i32
      %dma_start3A_80 = arith.constant 0 : i32
      %dma_start3A_81 = tpu.memref_slice %arg4[%dma_start3A_79, %dma_start3A_80] : memref<20480x64xf32, #tpu.memory_space<hbm>> -> memref<20480x64xf32, #tpu.memory_space<hbm>>
      tpu.enqueue_indirect_dma source(%dma_start3A_81 : memref<20480x64xf32, #tpu.memory_space<hbm>>) target(%dma_start3A_75 : memref<128x64xf32, #tpu.memory_space<vmem>>) offsets(%dma_start3A_78 : memref<128xi32, #tpu.memory_space<vmem>>) semaphore(%run_scoped3A_71 : memref<!tpu.dma_semaphore, #tpu.memory_space<semaphore_mem>>)
      %dma_wait3A = arith.constant 0 : i32
      %dma_wait3A_82 = arith.constant 0 : i32
      %dma_wait3A_83 = tpu.memref_slice %arg9[%run_scoped3A_55, %dma_wait3A, %dma_wait3A_82] : memref<3x128x64xf32, #tpu.memory_space<vmem>> -> memref<1x128x64xf32, #tpu.memory_space<vmem>>
      %dma_wait3A_84 = tpu.memref_squeeze %dma_wait3A_83 : memref<1x128x64xf32, #tpu.memory_space<vmem>> -> memref<128x64xf32, #tpu.memory_space<vmem>>
      %dma_wait3A_85 = arith.constant 0 : i32
      %dma_wait3A_86 = tpu.memref_slice %arg7[%run_scoped3A, %dma_wait3A_85] : memref<158x128xi32, #tpu.memory_space<vmem>> -> memref<1x128xi32, #tpu.memory_space<vmem>>
      %dma_wait3A_87 = tpu.memref_squeeze %dma_wait3A_86 : memref<1x128xi32, #tpu.memory_space<vmem>> -> memref<128xi32, #tpu.memory_space<vmem>>
      %dma_wait3A_88 = arith.constant 0 : i32
      %dma_wait3A_89 = arith.constant 0 : i32
      %dma_wait3A_90 = tpu.memref_slice %arg4[%dma_wait3A_88, %dma_wait3A_89] : memref<20480x64xf32, #tpu.memory_space<hbm>> -> memref<20480x64xf32, #tpu.memory_space<hbm>>
      tpu.wait_indirect_dma semaphore(%run_scoped3A_71 : memref<!tpu.dma_semaphore, #tpu.memory_space<semaphore_mem>>) src(%dma_wait3A_90 : memref<20480x64xf32, #tpu.memory_space<hbm>>) dst(%dma_wait3A_84 : memref<128x64xf32, #tpu.memory_space<vmem>>)
      tpu.yield
    }) : () -> ()
    %run_scoped3A_56 = arith.constant 0 : i32
    %run_scoped3A_57 = arith.constant 156 : i32
    "tpu.region"() ({
      %run_scoped3A_71 = tpu.sem_alloc : memref<!tpu.dma_semaphore, #tpu.memory_space<semaphore_mem>>
      %dma_start3A_72 = arith.constant 0 : i32
      %dma_start3A_73 = arith.constant 0 : i32
      %dma_start3A_74 = tpu.memref_slice %arg9[%run_scoped3A_56, %dma_start3A_72, %dma_start3A_73] : memref<3x128x64xf32, #tpu.memory_space<vmem>> -> memref<1x128x64xf32, #tpu.memory_space<vmem>>
      %dma_start3A_75 = tpu.memref_squeeze %dma_start3A_74 : memref<1x128x64xf32, #tpu.memory_space<vmem>> -> memref<128x64xf32, #tpu.memory_space<vmem>>
      %dma_start3A_76 = arith.constant 0 : i32
      %dma_start3A_77 = tpu.memref_slice %arg8[%run_scoped3A_57, %dma_start3A_76] : memref<158x128xi32, #tpu.memory_space<vmem>> -> memref<1x128xi32, #tpu.memory_space<vmem>>
      %dma_start3A_78 = tpu.memref_squeeze %dma_start3A_77 : memref<1x128xi32, #tpu.memory_space<vmem>> -> memref<128xi32, #tpu.memory_space<vmem>>
      %dma_start3A_79 = arith.constant 0 : i32
      %dma_start3A_80 = arith.constant 0 : i32
      %dma_start3A_81 = tpu.memref_slice %arg11[%dma_start3A_79, %dma_start3A_80] : memref<10240x64xf32, #tpu.memory_space<vmem_shared>> -> memref<10240x64xf32, #tpu.memory_space<vmem_shared>>
      tpu.enqueue_indirect_dma source(%dma_start3A_75 : memref<128x64xf32, #tpu.memory_space<vmem>>) target(%dma_start3A_81 : memref<10240x64xf32, #tpu.memory_space<vmem_shared>>) offsets(%dma_start3A_78 : memref<128xi32, #tpu.memory_space<vmem>>) semaphore(%run_scoped3A_71 : memref<!tpu.dma_semaphore, #tpu.memory_space<semaphore_mem>>) {add = true}
      %dma_wait3A = arith.constant 0 : i32
      %dma_wait3A_82 = arith.constant 0 : i32
      %dma_wait3A_83 = tpu.memref_slice %arg9[%run_scoped3A_56, %dma_wait3A, %dma_wait3A_82] : memref<3x128x64xf32, #tpu.memory_space<vmem>> -> memref<1x128x64xf32, #tpu.memory_space<vmem>>
      %dma_wait3A_84 = tpu.memref_squeeze %dma_wait3A_83 : memref<1x128x64xf32, #tpu.memory_space<vmem>> -> memref<128x64xf32, #tpu.memory_space<vmem>>
      %dma_wait3A_85 = arith.constant 0 : i32
      %dma_wait3A_86 = tpu.memref_slice %arg8[%run_scoped3A_57, %dma_wait3A_85] : memref<158x128xi32, #tpu.memory_space<vmem>> -> memref<1x128xi32, #tpu.memory_space<vmem>>
      %dma_wait3A_87 = tpu.memref_squeeze %dma_wait3A_86 : memref<1x128xi32, #tpu.memory_space<vmem>> -> memref<128xi32, #tpu.memory_space<vmem>>
      %dma_wait3A_88 = arith.constant 0 : i32
      %dma_wait3A_89 = arith.constant 0 : i32
      %dma_wait3A_90 = tpu.memref_slice %arg11[%dma_wait3A_88, %dma_wait3A_89] : memref<10240x64xf32, #tpu.memory_space<vmem_shared>> -> memref<10240x64xf32, #tpu.memory_space<vmem_shared>>
      tpu.wait_indirect_dma semaphore(%run_scoped3A_71 : memref<!tpu.dma_semaphore, #tpu.memory_space<semaphore_mem>>) src(%dma_wait3A_84 : memref<128x64xf32, #tpu.memory_space<vmem>>) dst(%dma_wait3A_90 : memref<10240x64xf32, #tpu.memory_space<vmem_shared>>)
      tpu.yield
    }) : () -> ()
    %run_scoped3A_58 = arith.constant 157 : i32
    %run_scoped3A_59 = arith.constant 0 : i32
    "tpu.region"() ({
      %run_scoped3A_71 = tpu.sem_alloc : memref<!tpu.dma_semaphore, #tpu.memory_space<semaphore_mem>>
      %dma_start3A_72 = arith.constant 0 : i32
      %dma_start3A_73 = arith.constant 0 : i32
      %dma_start3A_74 = tpu.memref_slice %arg9[%run_scoped3A_59, %dma_start3A_72, %dma_start3A_73] : memref<3x128x64xf32, #tpu.memory_space<vmem>> -> memref<1x128x64xf32, #tpu.memory_space<vmem>>
      %dma_start3A_75 = tpu.memref_squeeze %dma_start3A_74 : memref<1x128x64xf32, #tpu.memory_space<vmem>> -> memref<128x64xf32, #tpu.memory_space<vmem>>
      %dma_start3A_76 = arith.constant 0 : i32
      %dma_start3A_77 = tpu.memref_slice %arg7[%run_scoped3A_58, %dma_start3A_76] : memref<158x128xi32, #tpu.memory_space<vmem>> -> memref<1x128xi32, #tpu.memory_space<vmem>>
      %dma_start3A_78 = tpu.memref_squeeze %dma_start3A_77 : memref<1x128xi32, #tpu.memory_space<vmem>> -> memref<128xi32, #tpu.memory_space<vmem>>
      %dma_start3A_79 = arith.constant 0 : i32
      %dma_start3A_80 = arith.constant 0 : i32
      %dma_start3A_81 = tpu.memref_slice %arg4[%dma_start3A_79, %dma_start3A_80] : memref<20480x64xf32, #tpu.memory_space<hbm>> -> memref<20480x64xf32, #tpu.memory_space<hbm>>
      tpu.enqueue_indirect_dma source(%dma_start3A_81 : memref<20480x64xf32, #tpu.memory_space<hbm>>) target(%dma_start3A_75 : memref<128x64xf32, #tpu.memory_space<vmem>>) offsets(%dma_start3A_78 : memref<128xi32, #tpu.memory_space<vmem>>) semaphore(%run_scoped3A_71 : memref<!tpu.dma_semaphore, #tpu.memory_space<semaphore_mem>>)
      %dma_wait3A = arith.constant 0 : i32
      %dma_wait3A_82 = arith.constant 0 : i32
      %dma_wait3A_83 = tpu.memref_slice %arg9[%run_scoped3A_59, %dma_wait3A, %dma_wait3A_82] : memref<3x128x64xf32, #tpu.memory_space<vmem>> -> memref<1x128x64xf32, #tpu.memory_space<vmem>>
      %dma_wait3A_84 = tpu.memref_squeeze %dma_wait3A_83 : memref<1x128x64xf32, #tpu.memory_space<vmem>> -> memref<128x64xf32, #tpu.memory_space<vmem>>
      %dma_wait3A_85 = arith.constant 0 : i32
      %dma_wait3A_86 = tpu.memref_slice %arg7[%run_scoped3A_58, %dma_wait3A_85] : memref<158x128xi32, #tpu.memory_space<vmem>> -> memref<1x128xi32, #tpu.memory_space<vmem>>
      %dma_wait3A_87 = tpu.memref_squeeze %dma_wait3A_86 : memref<1x128xi32, #tpu.memory_space<vmem>> -> memref<128xi32, #tpu.memory_space<vmem>>
      %dma_wait3A_88 = arith.constant 0 : i32
      %dma_wait3A_89 = arith.constant 0 : i32
      %dma_wait3A_90 = tpu.memref_slice %arg4[%dma_wait3A_88, %dma_wait3A_89] : memref<20480x64xf32, #tpu.memory_space<hbm>> -> memref<20480x64xf32, #tpu.memory_space<hbm>>
      tpu.wait_indirect_dma semaphore(%run_scoped3A_71 : memref<!tpu.dma_semaphore, #tpu.memory_space<semaphore_mem>>) src(%dma_wait3A_90 : memref<20480x64xf32, #tpu.memory_space<hbm>>) dst(%dma_wait3A_84 : memref<128x64xf32, #tpu.memory_space<vmem>>)
      tpu.yield
    }) : () -> ()
    %run_scoped3A_60 = arith.constant 0 : i32
    %run_scoped3A_61 = arith.constant 157 : i32
    "tpu.region"() ({
      %run_scoped3A_71 = tpu.sem_alloc : memref<!tpu.dma_semaphore, #tpu.memory_space<semaphore_mem>>
      %dma_start3A_72 = arith.constant 0 : i32
      %dma_start3A_73 = arith.constant 0 : i32
      %dma_start3A_74 = tpu.memref_slice %arg9[%run_scoped3A_60, %dma_start3A_72, %dma_start3A_73] : memref<3x128x64xf32, #tpu.memory_space<vmem>> -> memref<1x128x64xf32, #tpu.memory_space<vmem>>
      %dma_start3A_75 = tpu.memref_squeeze %dma_start3A_74 : memref<1x128x64xf32, #tpu.memory_space<vmem>> -> memref<128x64xf32, #tpu.memory_space<vmem>>
      %dma_start3A_76 = arith.constant 0 : i32
      %dma_start3A_77 = tpu.memref_slice %arg8[%run_scoped3A_61, %dma_start3A_76] : memref<158x128xi32, #tpu.memory_space<vmem>> -> memref<1x128xi32, #tpu.memory_space<vmem>>
      %dma_start3A_78 = tpu.memref_squeeze %dma_start3A_77 : memref<1x128xi32, #tpu.memory_space<vmem>> -> memref<128xi32, #tpu.memory_space<vmem>>
      %dma_start3A_79 = arith.constant 0 : i32
      %dma_start3A_80 = arith.constant 0 : i32
      %dma_start3A_81 = tpu.memref_slice %arg11[%dma_start3A_79, %dma_start3A_80] : memref<10240x64xf32, #tpu.memory_space<vmem_shared>> -> memref<10240x64xf32, #tpu.memory_space<vmem_shared>>
      tpu.enqueue_indirect_dma source(%dma_start3A_75 : memref<128x64xf32, #tpu.memory_space<vmem>>) target(%dma_start3A_81 : memref<10240x64xf32, #tpu.memory_space<vmem_shared>>) offsets(%dma_start3A_78 : memref<128xi32, #tpu.memory_space<vmem>>) semaphore(%run_scoped3A_71 : memref<!tpu.dma_semaphore, #tpu.memory_space<semaphore_mem>>) {add = true}
      %dma_wait3A = arith.constant 0 : i32
      %dma_wait3A_82 = arith.constant 0 : i32
      %dma_wait3A_83 = tpu.memref_slice %arg9[%run_scoped3A_60, %dma_wait3A, %dma_wait3A_82] : memref<3x128x64xf32, #tpu.memory_space<vmem>> -> memref<1x128x64xf32, #tpu.memory_space<vmem>>
      %dma_wait3A_84 = tpu.memref_squeeze %dma_wait3A_83 : memref<1x128x64xf32, #tpu.memory_space<vmem>> -> memref<128x64xf32, #tpu.memory_space<vmem>>
      %dma_wait3A_85 = arith.constant 0 : i32
      %dma_wait3A_86 = tpu.memref_slice %arg8[%run_scoped3A_61, %dma_wait3A_85] : memref<158x128xi32, #tpu.memory_space<vmem>> -> memref<1x128xi32, #tpu.memory_space<vmem>>
      %dma_wait3A_87 = tpu.memref_squeeze %dma_wait3A_86 : memref<1x128xi32, #tpu.memory_space<vmem>> -> memref<128xi32, #tpu.memory_space<vmem>>
      %dma_wait3A_88 = arith.constant 0 : i32
      %dma_wait3A_89 = arith.constant 0 : i32
      %dma_wait3A_90 = tpu.memref_slice %arg11[%dma_wait3A_88, %dma_wait3A_89] : memref<10240x64xf32, #tpu.memory_space<vmem_shared>> -> memref<10240x64xf32, #tpu.memory_space<vmem_shared>>
      tpu.wait_indirect_dma semaphore(%run_scoped3A_71 : memref<!tpu.dma_semaphore, #tpu.memory_space<semaphore_mem>>) src(%dma_wait3A_84 : memref<128x64xf32, #tpu.memory_space<vmem>>) dst(%dma_wait3A_90 : memref<10240x64xf32, #tpu.memory_space<vmem_shared>>)
      tpu.yield
    }) : () -> ()
    %barrier3A_62 = arith.constant 0 : index
    tpu.barrier barrier_id(%barrier3A_62)
    %mul3A_63 = arith.constant 640 : i32
    %mul3A_64 = arith.muli %arg1, %mul3A_63 : i32
    %add3A_65 = arith.constant 0 : i32
    %add3A_66 = arith.addi %mul3A_64, %add3A_65 : i32
    "tpu.region"() ({
      %run_scoped3A_71 = tpu.sem_alloc : memref<!tpu.dma_semaphore, #tpu.memory_space<semaphore_mem>>
      %dma_start3A_72 = arith.constant 0 : i32
      %dma_start3A_73 = tpu.memref_slice %arg11[%add3A_66, %dma_start3A_72] : memref<10240x64xf32, #tpu.memory_space<vmem_shared>> -> memref<320x64xf32, #tpu.memory_space<vmem_shared>>
      %dma_start3A_74 = arith.constant 0 : i32
      %dma_start3A_75 = tpu.memref_slice %arg11[%add3A_66, %dma_start3A_74] : memref<10240x64xf32, #tpu.memory_space<vmem_shared>> -> memref<320x64xf32, #tpu.memory_space<vmem_shared>>
      tpu.enqueue_dma source(%dma_start3A_75 : memref<320x64xf32, #tpu.memory_space<vmem_shared>>) target(%arg10 : memref<320x64xf32, #tpu.memory_space<vmem>>) target_semaphore(%run_scoped3A_71 : memref<!tpu.dma_semaphore, #tpu.memory_space<semaphore_mem>>)
      %dma_wait3A = arith.constant 0 : i32
      %dma_wait3A_76 = tpu.memref_slice %arg11[%add3A_66, %dma_wait3A] : memref<10240x64xf32, #tpu.memory_space<vmem_shared>> -> memref<320x64xf32, #tpu.memory_space<vmem_shared>>
      %dma_wait3A_77 = arith.constant 0 : i32
      %dma_wait3A_78 = tpu.memref_slice %arg11[%add3A_66, %dma_wait3A_77] : memref<10240x64xf32, #tpu.memory_space<vmem_shared>> -> memref<320x64xf32, #tpu.memory_space<vmem_shared>>
      tpu.wait_dma2 semaphore(%run_scoped3A_71 : memref<!tpu.dma_semaphore, #tpu.memory_space<semaphore_mem>>) src(%dma_wait3A_78 : memref<320x64xf32, #tpu.memory_space<vmem_shared>>) dst(%arg10 : memref<320x64xf32, #tpu.memory_space<vmem>>)
      tpu.yield
    }) : () -> ()
    "tpu.region"() ({
      %run_scoped3A_71 = tpu.sem_alloc : memref<!tpu.dma_semaphore, #tpu.memory_space<semaphore_mem>>
      %dma_start3A_72 = arith.constant 0 : i32
      %dma_start3A_73 = tpu.memref_slice %arg6[%add3A_66, %arg0, %dma_start3A_72] : memref<10240x2x64xf32, #tpu.memory_space<hbm>> -> memref<320x1x64xf32, #tpu.memory_space<hbm>>
      %dma_start3A_74 = tpu.memref_squeeze %dma_start3A_73 : memref<320x1x64xf32, #tpu.memory_space<hbm>> -> memref<320x64xf32, #tpu.memory_space<hbm>>
      %dma_start3A_75 = arith.constant 0 : i32
      %dma_start3A_76 = tpu.memref_slice %arg6[%add3A_66, %arg0, %dma_start3A_75] : memref<10240x2x64xf32, #tpu.memory_space<hbm>> -> memref<320x1x64xf32, #tpu.memory_space<hbm>>
      %dma_start3A_77 = tpu.memref_squeeze %dma_start3A_76 : memref<320x1x64xf32, #tpu.memory_space<hbm>> -> memref<320x64xf32, #tpu.memory_space<hbm>>
      tpu.enqueue_dma source(%arg10 : memref<320x64xf32, #tpu.memory_space<vmem>>) target(%dma_start3A_77 : memref<320x64xf32, #tpu.memory_space<hbm>>) target_semaphore(%run_scoped3A_71 : memref<!tpu.dma_semaphore, #tpu.memory_space<semaphore_mem>>)
      %dma_wait3A = arith.constant 0 : i32
      %dma_wait3A_78 = tpu.memref_slice %arg6[%add3A_66, %arg0, %dma_wait3A] : memref<10240x2x64xf32, #tpu.memory_space<hbm>> -> memref<320x1x64xf32, #tpu.memory_space<hbm>>
      %dma_wait3A_79 = tpu.memref_squeeze %dma_wait3A_78 : memref<320x1x64xf32, #tpu.memory_space<hbm>> -> memref<320x64xf32, #tpu.memory_space<hbm>>
      %dma_wait3A_80 = arith.constant 0 : i32
      %dma_wait3A_81 = tpu.memref_slice %arg6[%add3A_66, %arg0, %dma_wait3A_80] : memref<10240x2x64xf32, #tpu.memory_space<hbm>> -> memref<320x1x64xf32, #tpu.memory_space<hbm>>
      %dma_wait3A_82 = tpu.memref_squeeze %dma_wait3A_81 : memref<320x1x64xf32, #tpu.memory_space<hbm>> -> memref<320x64xf32, #tpu.memory_space<hbm>>
      tpu.wait_dma2 semaphore(%run_scoped3A_71 : memref<!tpu.dma_semaphore, #tpu.memory_space<semaphore_mem>>) src(%arg10 : memref<320x64xf32, #tpu.memory_space<vmem>>) dst(%dma_wait3A_82 : memref<320x64xf32, #tpu.memory_space<hbm>>)
      tpu.yield
    }) : () -> ()
    %mul3A_67 = arith.constant 640 : i32
    %mul3A_68 = arith.muli %arg1, %mul3A_67 : i32
    %add3A_69 = arith.constant 320 : i32
    %add3A_70 = arith.addi %mul3A_68, %add3A_69 : i32
    "tpu.region"() ({
      %run_scoped3A_71 = tpu.sem_alloc : memref<!tpu.dma_semaphore, #tpu.memory_space<semaphore_mem>>
      %dma_start3A_72 = arith.constant 0 : i32
      %dma_start3A_73 = tpu.memref_slice %arg11[%add3A_70, %dma_start3A_72] : memref<10240x64xf32, #tpu.memory_space<vmem_shared>> -> memref<320x64xf32, #tpu.memory_space<vmem_shared>>
      %dma_start3A_74 = arith.constant 0 : i32
      %dma_start3A_75 = tpu.memref_slice %arg11[%add3A_70, %dma_start3A_74] : memref<10240x64xf32, #tpu.memory_space<vmem_shared>> -> memref<320x64xf32, #tpu.memory_space<vmem_shared>>
      tpu.enqueue_dma source(%dma_start3A_75 : memref<320x64xf32, #tpu.memory_space<vmem_shared>>) target(%arg10 : memref<320x64xf32, #tpu.memory_space<vmem>>) target_semaphore(%run_scoped3A_71 : memref<!tpu.dma_semaphore, #tpu.memory_space<semaphore_mem>>)
      %dma_wait3A = arith.constant 0 : i32
      %dma_wait3A_76 = tpu.memref_slice %arg11[%add3A_70, %dma_wait3A] : memref<10240x64xf32, #tpu.memory_space<vmem_shared>> -> memref<320x64xf32, #tpu.memory_space<vmem_shared>>
      %dma_wait3A_77 = arith.constant 0 : i32
      %dma_wait3A_78 = tpu.memref_slice %arg11[%add3A_70, %dma_wait3A_77] : memref<10240x64xf32, #tpu.memory_space<vmem_shared>> -> memref<320x64xf32, #tpu.memory_space<vmem_shared>>
      tpu.wait_dma2 semaphore(%run_scoped3A_71 : memref<!tpu.dma_semaphore, #tpu.memory_space<semaphore_mem>>) src(%dma_wait3A_78 : memref<320x64xf32, #tpu.memory_space<vmem_shared>>) dst(%arg10 : memref<320x64xf32, #tpu.memory_space<vmem>>)
      tpu.yield
    }) : () -> ()
    "tpu.region"() ({
      %run_scoped3A_71 = tpu.sem_alloc : memref<!tpu.dma_semaphore, #tpu.memory_space<semaphore_mem>>
      %dma_start3A_72 = arith.constant 0 : i32
      %dma_start3A_73 = tpu.memref_slice %arg6[%add3A_70, %arg0, %dma_start3A_72] : memref<10240x2x64xf32, #tpu.memory_space<hbm>> -> memref<320x1x64xf32, #tpu.memory_space<hbm>>
      %dma_start3A_74 = tpu.memref_squeeze %dma_start3A_73 : memref<320x1x64xf32, #tpu.memory_space<hbm>> -> memref<320x64xf32, #tpu.memory_space<hbm>>
      %dma_start3A_75 = arith.constant 0 : i32
      %dma_start3A_76 = tpu.memref_slice %arg6[%add3A_70, %arg0, %dma_start3A_75] : memref<10240x2x64xf32, #tpu.memory_space<hbm>> -> memref<320x1x64xf32, #tpu.memory_space<hbm>>
      %dma_start3A_77 = tpu.memref_squeeze %dma_start3A_76 : memref<320x1x64xf32, #tpu.memory_space<hbm>> -> memref<320x64xf32, #tpu.memory_space<hbm>>
      tpu.enqueue_dma source(%arg10 : memref<320x64xf32, #tpu.memory_space<vmem>>) target(%dma_start3A_77 : memref<320x64xf32, #tpu.memory_space<hbm>>) target_semaphore(%run_scoped3A_71 : memref<!tpu.dma_semaphore, #tpu.memory_space<semaphore_mem>>)
      %dma_wait3A = arith.constant 0 : i32
      %dma_wait3A_78 = tpu.memref_slice %arg6[%add3A_70, %arg0, %dma_wait3A] : memref<10240x2x64xf32, #tpu.memory_space<hbm>> -> memref<320x1x64xf32, #tpu.memory_space<hbm>>
      %dma_wait3A_79 = tpu.memref_squeeze %dma_wait3A_78 : memref<320x1x64xf32, #tpu.memory_space<hbm>> -> memref<320x64xf32, #tpu.memory_space<hbm>>
      %dma_wait3A_80 = arith.constant 0 : i32
      %dma_wait3A_81 = tpu.memref_slice %arg6[%add3A_70, %arg0, %dma_wait3A_80] : memref<10240x2x64xf32, #tpu.memory_space<hbm>> -> memref<320x1x64xf32, #tpu.memory_space<hbm>>
      %dma_wait3A_82 = tpu.memref_squeeze %dma_wait3A_81 : memref<320x1x64xf32, #tpu.memory_space<hbm>> -> memref<320x64xf32, #tpu.memory_space<hbm>>
      tpu.wait_dma2 semaphore(%run_scoped3A_71 : memref<!tpu.dma_semaphore, #tpu.memory_space<semaphore_mem>>) src(%arg10 : memref<320x64xf32, #tpu.memory_space<vmem>>) dst(%dma_wait3A_82 : memref<320x64xf32, #tpu.memory_space<hbm>>)
      tpu.yield
    }) : () -> ()
    return
  }
}

#map = affine_map<(d0, d1) -> (0, 0, 0)>
#map1 = affine_map<(d0, d1) -> (0, 0)>
module attributes {stable_mosaic.version = 14 : i64} {
  func.func @_deg_call(%arg0: i32, %arg1: i32, %arg2: memref<32x79x128xi32, #tpu.memory_space<hbm>>, %arg3: memref<128x16xf32, #tpu.memory_space<hbm>>, %arg4: memref<640x16xf32, #tpu.memory_space<hbm>>, %arg5: memref<10240x2x16xf32, #tpu.memory_space<hbm>>, %arg6: memref<79x128xi32, #tpu.memory_space<vmem>>, %arg7: memref<128x16xf32, #tpu.memory_space<vmem>>, %arg8: memref<640x16xf32, #tpu.memory_space<vmem>>, %arg9: memref<10240x16xf32, #tpu.memory_space<vmem_shared>>) attributes {dimension_semantics = [#tpu.dimension_semantics<core_parallel>, #tpu.dimension_semantics<subcore_parallel>], iteration_bounds = array<i64: 2, 16>, scalar_prefetch = 0 : i64, scratch_operands = 4 : i64, tpu.core_type = #tpu.core_type<sc_vector_subcore>, window_params = [{transform_indices = #map}, {transform_indices = #map1}, {transform_indices = #map1}, {transform_indices = #map}]} {
    %mul3A = arith.constant 2 : i32
    %mul3A_0 = arith.muli %arg1, %mul3A : i32
    %add3A = arith.addi %mul3A_0, %arg0 : i32
    "tpu.region"() ({
      %run_scoped3A = tpu.sem_alloc : memref<!tpu.dma_semaphore, #tpu.memory_space<semaphore_mem>>
      %dma_start3A = arith.constant 0 : i32
      %dma_start3A_11 = arith.constant 0 : i32
      %dma_start3A_12 = tpu.memref_slice %arg2[%add3A, %dma_start3A, %dma_start3A_11] : memref<32x79x128xi32, #tpu.memory_space<hbm>> -> memref<1x79x128xi32, #tpu.memory_space<hbm>>
      %dma_start3A_13 = tpu.memref_squeeze %dma_start3A_12 : memref<1x79x128xi32, #tpu.memory_space<hbm>> -> memref<79x128xi32, #tpu.memory_space<hbm>>
      %dma_start3A_14 = arith.constant 0 : i32
      %dma_start3A_15 = arith.constant 0 : i32
      %dma_start3A_16 = tpu.memref_slice %arg2[%add3A, %dma_start3A_14, %dma_start3A_15] : memref<32x79x128xi32, #tpu.memory_space<hbm>> -> memref<1x79x128xi32, #tpu.memory_space<hbm>>
      %dma_start3A_17 = tpu.memref_squeeze %dma_start3A_16 : memref<1x79x128xi32, #tpu.memory_space<hbm>> -> memref<79x128xi32, #tpu.memory_space<hbm>>
      tpu.enqueue_dma source(%dma_start3A_17 : memref<79x128xi32, #tpu.memory_space<hbm>>) target(%arg6 : memref<79x128xi32, #tpu.memory_space<vmem>>) target_semaphore(%run_scoped3A : memref<!tpu.dma_semaphore, #tpu.memory_space<semaphore_mem>>)
      %dma_wait3A = arith.constant 0 : i32
      %dma_wait3A_18 = arith.constant 0 : i32
      %dma_wait3A_19 = tpu.memref_slice %arg2[%add3A, %dma_wait3A, %dma_wait3A_18] : memref<32x79x128xi32, #tpu.memory_space<hbm>> -> memref<1x79x128xi32, #tpu.memory_space<hbm>>
      %dma_wait3A_20 = tpu.memref_squeeze %dma_wait3A_19 : memref<1x79x128xi32, #tpu.memory_space<hbm>> -> memref<79x128xi32, #tpu.memory_space<hbm>>
      %dma_wait3A_21 = arith.constant 0 : i32
      %dma_wait3A_22 = arith.constant 0 : i32
      %dma_wait3A_23 = tpu.memref_slice %arg2[%add3A, %dma_wait3A_21, %dma_wait3A_22] : memref<32x79x128xi32, #tpu.memory_space<hbm>> -> memref<1x79x128xi32, #tpu.memory_space<hbm>>
      %dma_wait3A_24 = tpu.memref_squeeze %dma_wait3A_23 : memref<1x79x128xi32, #tpu.memory_space<hbm>> -> memref<79x128xi32, #tpu.memory_space<hbm>>
      tpu.wait_dma2 semaphore(%run_scoped3A : memref<!tpu.dma_semaphore, #tpu.memory_space<semaphore_mem>>) src(%dma_wait3A_24 : memref<79x128xi32, #tpu.memory_space<hbm>>) dst(%arg6 : memref<79x128xi32, #tpu.memory_space<vmem>>)
      tpu.yield
    }) : () -> ()
    "tpu.region"() ({
      %run_scoped3A = tpu.sem_alloc : memref<!tpu.dma_semaphore, #tpu.memory_space<semaphore_mem>>
      tpu.enqueue_dma source(%arg3 : memref<128x16xf32, #tpu.memory_space<hbm>>) target(%arg7 : memref<128x16xf32, #tpu.memory_space<vmem>>) target_semaphore(%run_scoped3A : memref<!tpu.dma_semaphore, #tpu.memory_space<semaphore_mem>>)
      tpu.wait_dma2 semaphore(%run_scoped3A : memref<!tpu.dma_semaphore, #tpu.memory_space<semaphore_mem>>) src(%arg3 : memref<128x16xf32, #tpu.memory_space<hbm>>) dst(%arg7 : memref<128x16xf32, #tpu.memory_space<vmem>>)
      tpu.yield
    }) : () -> ()
    "tpu.region"() ({
      %run_scoped3A = tpu.sem_alloc : memref<!tpu.dma_semaphore, #tpu.memory_space<semaphore_mem>>
      tpu.enqueue_dma source(%arg4 : memref<640x16xf32, #tpu.memory_space<hbm>>) target(%arg8 : memref<640x16xf32, #tpu.memory_space<vmem>>) target_semaphore(%run_scoped3A : memref<!tpu.dma_semaphore, #tpu.memory_space<semaphore_mem>>)
      tpu.wait_dma2 semaphore(%run_scoped3A : memref<!tpu.dma_semaphore, #tpu.memory_space<semaphore_mem>>) src(%arg4 : memref<640x16xf32, #tpu.memory_space<hbm>>) dst(%arg8 : memref<640x16xf32, #tpu.memory_space<vmem>>)
      tpu.yield
    }) : () -> ()
    %mul3A_1 = arith.constant 640 : i32
    %mul3A_2 = arith.muli %arg1, %mul3A_1 : i32
    "tpu.region"() ({
      %run_scoped3A = tpu.sem_alloc : memref<!tpu.dma_semaphore, #tpu.memory_space<semaphore_mem>>
      %dma_start3A = arith.constant 0 : i32
      %dma_start3A_11 = tpu.memref_slice %arg9[%mul3A_2, %dma_start3A] : memref<10240x16xf32, #tpu.memory_space<vmem_shared>> -> memref<640x16xf32, #tpu.memory_space<vmem_shared>>
      %dma_start3A_12 = arith.constant 0 : i32
      %dma_start3A_13 = tpu.memref_slice %arg9[%mul3A_2, %dma_start3A_12] : memref<10240x16xf32, #tpu.memory_space<vmem_shared>> -> memref<640x16xf32, #tpu.memory_space<vmem_shared>>
      tpu.enqueue_dma source(%arg8 : memref<640x16xf32, #tpu.memory_space<vmem>>) target(%dma_start3A_13 : memref<640x16xf32, #tpu.memory_space<vmem_shared>>) target_semaphore(%run_scoped3A : memref<!tpu.dma_semaphore, #tpu.memory_space<semaphore_mem>>)
      %dma_wait3A = arith.constant 0 : i32
      %dma_wait3A_14 = tpu.memref_slice %arg9[%mul3A_2, %dma_wait3A] : memref<10240x16xf32, #tpu.memory_space<vmem_shared>> -> memref<640x16xf32, #tpu.memory_space<vmem_shared>>
      %dma_wait3A_15 = arith.constant 0 : i32
      %dma_wait3A_16 = tpu.memref_slice %arg9[%mul3A_2, %dma_wait3A_15] : memref<10240x16xf32, #tpu.memory_space<vmem_shared>> -> memref<640x16xf32, #tpu.memory_space<vmem_shared>>
      tpu.wait_dma2 semaphore(%run_scoped3A : memref<!tpu.dma_semaphore, #tpu.memory_space<semaphore_mem>>) src(%arg8 : memref<640x16xf32, #tpu.memory_space<vmem>>) dst(%dma_wait3A_16 : memref<640x16xf32, #tpu.memory_space<vmem_shared>>)
      tpu.yield
    }) : () -> ()
    %barrier3A = arith.constant 0 : index
    tpu.barrier barrier_id(%barrier3A)
    %scan3A = arith.constant 0 : i32
    %scan3A_3 = arith.constant 0 : i32
    %scan3A_4 = arith.constant 79 : i32
    %scan3A_5 = arith.addi %scan3A_3, %scan3A_4 : i32
    %scan3A_6 = arith.constant 1 : i32
    scf.for %scan3A_11 = %scan3A_3 to %scan3A_5 step %scan3A_6  : i32 {
      "tpu.region"() ({
        %run_scoped3A = tpu.sem_alloc : memref<!tpu.dma_semaphore, #tpu.memory_space<semaphore_mem>>
        %dma_start3A = arith.constant 0 : i32
        %dma_start3A_12 = tpu.memref_slice %arg6[%scan3A_11, %dma_start3A] : memref<79x128xi32, #tpu.memory_space<vmem>> -> memref<1x128xi32, #tpu.memory_space<vmem>>
        %dma_start3A_13 = tpu.memref_squeeze %dma_start3A_12 : memref<1x128xi32, #tpu.memory_space<vmem>> -> memref<128xi32, #tpu.memory_space<vmem>>
        %dma_start3A_14 = arith.constant 0 : i32
        %dma_start3A_15 = arith.constant 0 : i32
        %dma_start3A_16 = tpu.memref_slice %arg9[%dma_start3A_14, %dma_start3A_15] : memref<10240x16xf32, #tpu.memory_space<vmem_shared>> -> memref<10240x16xf32, #tpu.memory_space<vmem_shared>>
        tpu.enqueue_indirect_dma source(%arg7 : memref<128x16xf32, #tpu.memory_space<vmem>>) target(%dma_start3A_16 : memref<10240x16xf32, #tpu.memory_space<vmem_shared>>) offsets(%dma_start3A_13 : memref<128xi32, #tpu.memory_space<vmem>>) semaphore(%run_scoped3A : memref<!tpu.dma_semaphore, #tpu.memory_space<semaphore_mem>>) {add = true}
        %dma_wait3A = arith.constant 0 : i32
        %dma_wait3A_17 = tpu.memref_slice %arg6[%scan3A_11, %dma_wait3A] : memref<79x128xi32, #tpu.memory_space<vmem>> -> memref<1x128xi32, #tpu.memory_space<vmem>>
        %dma_wait3A_18 = tpu.memref_squeeze %dma_wait3A_17 : memref<1x128xi32, #tpu.memory_space<vmem>> -> memref<128xi32, #tpu.memory_space<vmem>>
        %dma_wait3A_19 = arith.constant 0 : i32
        %dma_wait3A_20 = arith.constant 0 : i32
        %dma_wait3A_21 = tpu.memref_slice %arg9[%dma_wait3A_19, %dma_wait3A_20] : memref<10240x16xf32, #tpu.memory_space<vmem_shared>> -> memref<10240x16xf32, #tpu.memory_space<vmem_shared>>
        tpu.wait_indirect_dma semaphore(%run_scoped3A : memref<!tpu.dma_semaphore, #tpu.memory_space<semaphore_mem>>) src(%arg7 : memref<128x16xf32, #tpu.memory_space<vmem>>) dst(%dma_wait3A_21 : memref<10240x16xf32, #tpu.memory_space<vmem_shared>>)
        tpu.yield
      }) : () -> ()
    }
    %scan3A_7 = arith.constant 79 : i32
    %barrier3A_8 = arith.constant 0 : index
    tpu.barrier barrier_id(%barrier3A_8)
    %mul3A_9 = arith.constant 640 : i32
    %mul3A_10 = arith.muli %arg1, %mul3A_9 : i32
    "tpu.region"() ({
      %run_scoped3A = tpu.sem_alloc : memref<!tpu.dma_semaphore, #tpu.memory_space<semaphore_mem>>
      %dma_start3A = arith.constant 0 : i32
      %dma_start3A_11 = tpu.memref_slice %arg9[%mul3A_10, %dma_start3A] : memref<10240x16xf32, #tpu.memory_space<vmem_shared>> -> memref<640x16xf32, #tpu.memory_space<vmem_shared>>
      %dma_start3A_12 = arith.constant 0 : i32
      %dma_start3A_13 = tpu.memref_slice %arg9[%mul3A_10, %dma_start3A_12] : memref<10240x16xf32, #tpu.memory_space<vmem_shared>> -> memref<640x16xf32, #tpu.memory_space<vmem_shared>>
      tpu.enqueue_dma source(%dma_start3A_13 : memref<640x16xf32, #tpu.memory_space<vmem_shared>>) target(%arg8 : memref<640x16xf32, #tpu.memory_space<vmem>>) target_semaphore(%run_scoped3A : memref<!tpu.dma_semaphore, #tpu.memory_space<semaphore_mem>>)
      %dma_wait3A = arith.constant 0 : i32
      %dma_wait3A_14 = tpu.memref_slice %arg9[%mul3A_10, %dma_wait3A] : memref<10240x16xf32, #tpu.memory_space<vmem_shared>> -> memref<640x16xf32, #tpu.memory_space<vmem_shared>>
      %dma_wait3A_15 = arith.constant 0 : i32
      %dma_wait3A_16 = tpu.memref_slice %arg9[%mul3A_10, %dma_wait3A_15] : memref<10240x16xf32, #tpu.memory_space<vmem_shared>> -> memref<640x16xf32, #tpu.memory_space<vmem_shared>>
      tpu.wait_dma2 semaphore(%run_scoped3A : memref<!tpu.dma_semaphore, #tpu.memory_space<semaphore_mem>>) src(%dma_wait3A_16 : memref<640x16xf32, #tpu.memory_space<vmem_shared>>) dst(%arg8 : memref<640x16xf32, #tpu.memory_space<vmem>>)
      tpu.yield
    }) : () -> ()
    "tpu.region"() ({
      %run_scoped3A = tpu.sem_alloc : memref<!tpu.dma_semaphore, #tpu.memory_space<semaphore_mem>>
      %dma_start3A = arith.constant 0 : i32
      %dma_start3A_11 = tpu.memref_slice %arg5[%mul3A_10, %arg0, %dma_start3A] : memref<10240x2x16xf32, #tpu.memory_space<hbm>> -> memref<640x1x16xf32, #tpu.memory_space<hbm>>
      %dma_start3A_12 = tpu.memref_squeeze %dma_start3A_11 : memref<640x1x16xf32, #tpu.memory_space<hbm>> -> memref<640x16xf32, #tpu.memory_space<hbm>>
      %dma_start3A_13 = arith.constant 0 : i32
      %dma_start3A_14 = tpu.memref_slice %arg5[%mul3A_10, %arg0, %dma_start3A_13] : memref<10240x2x16xf32, #tpu.memory_space<hbm>> -> memref<640x1x16xf32, #tpu.memory_space<hbm>>
      %dma_start3A_15 = tpu.memref_squeeze %dma_start3A_14 : memref<640x1x16xf32, #tpu.memory_space<hbm>> -> memref<640x16xf32, #tpu.memory_space<hbm>>
      tpu.enqueue_dma source(%arg8 : memref<640x16xf32, #tpu.memory_space<vmem>>) target(%dma_start3A_15 : memref<640x16xf32, #tpu.memory_space<hbm>>) target_semaphore(%run_scoped3A : memref<!tpu.dma_semaphore, #tpu.memory_space<semaphore_mem>>)
      %dma_wait3A = arith.constant 0 : i32
      %dma_wait3A_16 = tpu.memref_slice %arg5[%mul3A_10, %arg0, %dma_wait3A] : memref<10240x2x16xf32, #tpu.memory_space<hbm>> -> memref<640x1x16xf32, #tpu.memory_space<hbm>>
      %dma_wait3A_17 = tpu.memref_squeeze %dma_wait3A_16 : memref<640x1x16xf32, #tpu.memory_space<hbm>> -> memref<640x16xf32, #tpu.memory_space<hbm>>
      %dma_wait3A_18 = arith.constant 0 : i32
      %dma_wait3A_19 = tpu.memref_slice %arg5[%mul3A_10, %arg0, %dma_wait3A_18] : memref<10240x2x16xf32, #tpu.memory_space<hbm>> -> memref<640x1x16xf32, #tpu.memory_space<hbm>>
      %dma_wait3A_20 = tpu.memref_squeeze %dma_wait3A_19 : memref<640x1x16xf32, #tpu.memory_space<hbm>> -> memref<640x16xf32, #tpu.memory_space<hbm>>
      tpu.wait_dma2 semaphore(%run_scoped3A : memref<!tpu.dma_semaphore, #tpu.memory_space<semaphore_mem>>) src(%arg8 : memref<640x16xf32, #tpu.memory_space<vmem>>) dst(%dma_wait3A_20 : memref<640x16xf32, #tpu.memory_space<hbm>>)
      tpu.yield
    }) : () -> ()
    return
  }
}

#map = affine_map<(d0, d1) -> (0, 0, 0, 0)>
#map1 = affine_map<(d0, d1) -> (0, 0, 0)>
#map2 = affine_map<(d0, d1) -> (0, 0)>
module attributes {stable_mosaic.version = 14 : i64} {
  func.func @_agg_call(%arg0: i32, %arg1: i32, %arg2: memref<2x16x158x128xi32, #tpu.memory_space<hbm>>, %arg3: memref<16x158x128xi32, #tpu.memory_space<hbm>>, %arg4: memref<20480x64xf32, #tpu.memory_space<hbm>>, %arg5: memref<320x64xf32, #tpu.memory_space<hbm>>, %arg6: memref<10240x2x64xf32, #tpu.memory_space<hbm>>, %arg7: memref<158x128xi32, #tpu.memory_space<vmem>>, %arg8: memref<158x128xi32, #tpu.memory_space<vmem>>, %arg9: memref<3x128x64xf32, #tpu.memory_space<vmem>>, %arg10: memref<320x64xf32, #tpu.memory_space<vmem>>, %arg11: memref<10240x64xf32, #tpu.memory_space<vmem_shared>>, %arg12: memref<3x!tpu.dma_semaphore, #tpu.memory_space<semaphore_mem>>) attributes {dimension_semantics = [#tpu.dimension_semantics<core_parallel>, #tpu.dimension_semantics<subcore_parallel>], iteration_bounds = array<i64: 2, 16>, scalar_prefetch = 0 : i64, scratch_operands = 6 : i64, tpu.core_type = #tpu.core_type<sc_vector_subcore>, window_params = [{transform_indices = #map}, {transform_indices = #map1}, {transform_indices = #map2}, {transform_indices = #map2}, {transform_indices = #map1}]} {
    "tpu.region"() ({
      %run_scoped3A_71 = tpu.sem_alloc : memref<!tpu.dma_semaphore, #tpu.memory_space<semaphore_mem>>
      %dma_start3A_72 = arith.constant 0 : i32
      %dma_start3A_73 = arith.constant 0 : i32
      %dma_start3A_74 = tpu.memref_slice %arg2[%arg0, %arg1, %dma_start3A_72, %dma_start3A_73] : memref<2x16x158x128xi32, #tpu.memory_space<hbm>> -> memref<1x1x158x128xi32, #tpu.memory_space<hbm>>
      %dma_start3A_75 = tpu.memref_squeeze %dma_start3A_74 : memref<1x1x158x128xi32, #tpu.memory_space<hbm>> -> memref<158x128xi32, #tpu.memory_space<hbm>>
      %dma_start3A_76 = arith.constant 0 : i32
      %dma_start3A_77 = arith.constant 0 : i32
      %dma_start3A_78 = tpu.memref_slice %arg2[%arg0, %arg1, %dma_start3A_76, %dma_start3A_77] : memref<2x16x158x128xi32, #tpu.memory_space<hbm>> -> memref<1x1x158x128xi32, #tpu.memory_space<hbm>>
      %dma_start3A_79 = tpu.memref_squeeze %dma_start3A_78 : memref<1x1x158x128xi32, #tpu.memory_space<hbm>> -> memref<158x128xi32, #tpu.memory_space<hbm>>
      tpu.enqueue_dma source(%dma_start3A_79 : memref<158x128xi32, #tpu.memory_space<hbm>>) target(%arg7 : memref<158x128xi32, #tpu.memory_space<vmem>>) target_semaphore(%run_scoped3A_71 : memref<!tpu.dma_semaphore, #tpu.memory_space<semaphore_mem>>)
      %dma_wait3A = arith.constant 0 : i32
      %dma_wait3A_80 = arith.constant 0 : i32
      %dma_wait3A_81 = tpu.memref_slice %arg2[%arg0, %arg1, %dma_wait3A, %dma_wait3A_80] : memref<2x16x158x128xi32, #tpu.memory_space<hbm>> -> memref<1x1x158x128xi32, #tpu.memory_space<hbm>>
      %dma_wait3A_82 = tpu.memref_squeeze %dma_wait3A_81 : memref<1x1x158x128xi32, #tpu.memory_space<hbm>> -> memref<158x128xi32, #tpu.memory_space<hbm>>
      %dma_wait3A_83 = arith.constant 0 : i32
      %dma_wait3A_84 = arith.constant 0 : i32
      %dma_wait3A_85 = tpu.memref_slice %arg2[%arg0, %arg1, %dma_wait3A_83, %dma_wait3A_84] : memref<2x16x158x128xi32, #tpu.memory_space<hbm>> -> memref<1x1x158x128xi32, #tpu.memory_space<hbm>>
      %dma_wait3A_86 = tpu.memref_squeeze %dma_wait3A_85 : memref<1x1x158x128xi32, #tpu.memory_space<hbm>> -> memref<158x128xi32, #tpu.memory_space<hbm>>
      tpu.wait_dma2 semaphore(%run_scoped3A_71 : memref<!tpu.dma_semaphore, #tpu.memory_space<semaphore_mem>>) src(%dma_wait3A_86 : memref<158x128xi32, #tpu.memory_space<hbm>>) dst(%arg7 : memref<158x128xi32, #tpu.memory_space<vmem>>)
      tpu.yield
    }) : () -> ()
    "tpu.region"() ({
      %run_scoped3A_71 = tpu.sem_alloc : memref<!tpu.dma_semaphore, #tpu.memory_space<semaphore_mem>>
      %dma_start3A_72 = arith.constant 0 : i32
      %dma_start3A_73 = arith.constant 0 : i32
      %dma_start3A_74 = tpu.memref_slice %arg3[%arg1, %dma_start3A_72, %dma_start3A_73] : memref<16x158x128xi32, #tpu.memory_space<hbm>> -> memref<1x158x128xi32, #tpu.memory_space<hbm>>
      %dma_start3A_75 = tpu.memref_squeeze %dma_start3A_74 : memref<1x158x128xi32, #tpu.memory_space<hbm>> -> memref<158x128xi32, #tpu.memory_space<hbm>>
      %dma_start3A_76 = arith.constant 0 : i32
      %dma_start3A_77 = arith.constant 0 : i32
      %dma_start3A_78 = tpu.memref_slice %arg3[%arg1, %dma_start3A_76, %dma_start3A_77] : memref<16x158x128xi32, #tpu.memory_space<hbm>> -> memref<1x158x128xi32, #tpu.memory_space<hbm>>
      %dma_start3A_79 = tpu.memref_squeeze %dma_start3A_78 : memref<1x158x128xi32, #tpu.memory_space<hbm>> -> memref<158x128xi32, #tpu.memory_space<hbm>>
      tpu.enqueue_dma source(%dma_start3A_79 : memref<158x128xi32, #tpu.memory_space<hbm>>) target(%arg8 : memref<158x128xi32, #tpu.memory_space<vmem>>) target_semaphore(%run_scoped3A_71 : memref<!tpu.dma_semaphore, #tpu.memory_space<semaphore_mem>>)
      %dma_wait3A = arith.constant 0 : i32
      %dma_wait3A_80 = arith.constant 0 : i32
      %dma_wait3A_81 = tpu.memref_slice %arg3[%arg1, %dma_wait3A, %dma_wait3A_80] : memref<16x158x128xi32, #tpu.memory_space<hbm>> -> memref<1x158x128xi32, #tpu.memory_space<hbm>>
      %dma_wait3A_82 = tpu.memref_squeeze %dma_wait3A_81 : memref<1x158x128xi32, #tpu.memory_space<hbm>> -> memref<158x128xi32, #tpu.memory_space<hbm>>
      %dma_wait3A_83 = arith.constant 0 : i32
      %dma_wait3A_84 = arith.constant 0 : i32
      %dma_wait3A_85 = tpu.memref_slice %arg3[%arg1, %dma_wait3A_83, %dma_wait3A_84] : memref<16x158x128xi32, #tpu.memory_space<hbm>> -> memref<1x158x128xi32, #tpu.memory_space<hbm>>
      %dma_wait3A_86 = tpu.memref_squeeze %dma_wait3A_85 : memref<1x158x128xi32, #tpu.memory_space<hbm>> -> memref<158x128xi32, #tpu.memory_space<hbm>>
      tpu.wait_dma2 semaphore(%run_scoped3A_71 : memref<!tpu.dma_semaphore, #tpu.memory_space<semaphore_mem>>) src(%dma_wait3A_86 : memref<158x128xi32, #tpu.memory_space<hbm>>) dst(%arg8 : memref<158x128xi32, #tpu.memory_space<vmem>>)
      tpu.yield
    }) : () -> ()
    "tpu.region"() ({
      %run_scoped3A_71 = tpu.sem_alloc : memref<!tpu.dma_semaphore, #tpu.memory_space<semaphore_mem>>
      tpu.enqueue_dma source(%arg5 : memref<320x64xf32, #tpu.memory_space<hbm>>) target(%arg10 : memref<320x64xf32, #tpu.memory_space<vmem>>) target_semaphore(%run_scoped3A_71 : memref<!tpu.dma_semaphore, #tpu.memory_space<semaphore_mem>>)
      tpu.wait_dma2 semaphore(%run_scoped3A_71 : memref<!tpu.dma_semaphore, #tpu.memory_space<semaphore_mem>>) src(%arg5 : memref<320x64xf32, #tpu.memory_space<hbm>>) dst(%arg10 : memref<320x64xf32, #tpu.memory_space<vmem>>)
      tpu.yield
    }) : () -> ()
    %mul3A = arith.constant 640 : i32
    %mul3A_0 = arith.muli %arg1, %mul3A : i32
    %add3A = arith.constant 0 : i32
    %add3A_1 = arith.addi %mul3A_0, %add3A : i32
    "tpu.region"() ({
      %run_scoped3A_71 = tpu.sem_alloc : memref<!tpu.dma_semaphore, #tpu.memory_space<semaphore_mem>>
      %dma_start3A_72 = arith.constant 0 : i32
      %dma_start3A_73 = tpu.memref_slice %arg11[%add3A_1, %dma_start3A_72] : memref<10240x64xf32, #tpu.memory_space<vmem_shared>> -> memref<320x64xf32, #tpu.memory_space<vmem_shared>>
      %dma_start3A_74 = arith.constant 0 : i32
      %dma_start3A_75 = tpu.memref_slice %arg11[%add3A_1, %dma_start3A_74] : memref<10240x64xf32, #tpu.memory_space<vmem_shared>> -> memref<320x64xf32, #tpu.memory_space<vmem_shared>>
      tpu.enqueue_dma source(%arg10 : memref<320x64xf32, #tpu.memory_space<vmem>>) target(%dma_start3A_75 : memref<320x64xf32, #tpu.memory_space<vmem_shared>>) target_semaphore(%run_scoped3A_71 : memref<!tpu.dma_semaphore, #tpu.memory_space<semaphore_mem>>)
      %dma_wait3A = arith.constant 0 : i32
      %dma_wait3A_76 = tpu.memref_slice %arg11[%add3A_1, %dma_wait3A] : memref<10240x64xf32, #tpu.memory_space<vmem_shared>> -> memref<320x64xf32, #tpu.memory_space<vmem_shared>>
      %dma_wait3A_77 = arith.constant 0 : i32
      %dma_wait3A_78 = tpu.memref_slice %arg11[%add3A_1, %dma_wait3A_77] : memref<10240x64xf32, #tpu.memory_space<vmem_shared>> -> memref<320x64xf32, #tpu.memory_space<vmem_shared>>
      tpu.wait_dma2 semaphore(%run_scoped3A_71 : memref<!tpu.dma_semaphore, #tpu.memory_space<semaphore_mem>>) src(%arg10 : memref<320x64xf32, #tpu.memory_space<vmem>>) dst(%dma_wait3A_78 : memref<320x64xf32, #tpu.memory_space<vmem_shared>>)
      tpu.yield
    }) : () -> ()
    %mul3A_2 = arith.constant 640 : i32
    %mul3A_3 = arith.muli %arg1, %mul3A_2 : i32
    %add3A_4 = arith.constant 320 : i32
    %add3A_5 = arith.addi %mul3A_3, %add3A_4 : i32
    "tpu.region"() ({
      %run_scoped3A_71 = tpu.sem_alloc : memref<!tpu.dma_semaphore, #tpu.memory_space<semaphore_mem>>
      %dma_start3A_72 = arith.constant 0 : i32
      %dma_start3A_73 = tpu.memref_slice %arg11[%add3A_5, %dma_start3A_72] : memref<10240x64xf32, #tpu.memory_space<vmem_shared>> -> memref<320x64xf32, #tpu.memory_space<vmem_shared>>
      %dma_start3A_74 = arith.constant 0 : i32
      %dma_start3A_75 = tpu.memref_slice %arg11[%add3A_5, %dma_start3A_74] : memref<10240x64xf32, #tpu.memory_space<vmem_shared>> -> memref<320x64xf32, #tpu.memory_space<vmem_shared>>
      tpu.enqueue_dma source(%arg10 : memref<320x64xf32, #tpu.memory_space<vmem>>) target(%dma_start3A_75 : memref<320x64xf32, #tpu.memory_space<vmem_shared>>) target_semaphore(%run_scoped3A_71 : memref<!tpu.dma_semaphore, #tpu.memory_space<semaphore_mem>>)
      %dma_wait3A = arith.constant 0 : i32
      %dma_wait3A_76 = tpu.memref_slice %arg11[%add3A_5, %dma_wait3A] : memref<10240x64xf32, #tpu.memory_space<vmem_shared>> -> memref<320x64xf32, #tpu.memory_space<vmem_shared>>
      %dma_wait3A_77 = arith.constant 0 : i32
      %dma_wait3A_78 = tpu.memref_slice %arg11[%add3A_5, %dma_wait3A_77] : memref<10240x64xf32, #tpu.memory_space<vmem_shared>> -> memref<320x64xf32, #tpu.memory_space<vmem_shared>>
      tpu.wait_dma2 semaphore(%run_scoped3A_71 : memref<!tpu.dma_semaphore, #tpu.memory_space<semaphore_mem>>) src(%arg10 : memref<320x64xf32, #tpu.memory_space<vmem>>) dst(%dma_wait3A_78 : memref<320x64xf32, #tpu.memory_space<vmem_shared>>)
      tpu.yield
    }) : () -> ()
    %barrier3A = arith.constant 0 : index
    tpu.barrier barrier_id(%barrier3A)
    %dma_start3A = arith.constant 0 : i32
    %dma_start3A_6 = arith.constant 0 : i32
    %dma_start3A_7 = arith.constant 0 : i32
    %dma_start3A_8 = arith.constant 0 : i32
    %dma_start3A_9 = arith.constant 0 : i32
    %dma_start3A_10 = tpu.memref_slice %arg9[%dma_start3A_6, %dma_start3A_8, %dma_start3A_9] : memref<3x128x64xf32, #tpu.memory_space<vmem>> -> memref<1x128x64xf32, #tpu.memory_space<vmem>>
    %dma_start3A_11 = tpu.memref_squeeze %dma_start3A_10 : memref<1x128x64xf32, #tpu.memory_space<vmem>> -> memref<128x64xf32, #tpu.memory_space<vmem>>
    %dma_start3A_12 = arith.constant 0 : i32
    %dma_start3A_13 = tpu.memref_slice %arg7[%dma_start3A, %dma_start3A_12] : memref<158x128xi32, #tpu.memory_space<vmem>> -> memref<1x128xi32, #tpu.memory_space<vmem>>
    %dma_start3A_14 = tpu.memref_squeeze %dma_start3A_13 : memref<1x128xi32, #tpu.memory_space<vmem>> -> memref<128xi32, #tpu.memory_space<vmem>>
    %dma_start3A_15 = arith.constant 0 : i32
    %dma_start3A_16 = arith.constant 0 : i32
    %dma_start3A_17 = tpu.memref_slice %arg4[%dma_start3A_15, %dma_start3A_16] : memref<20480x64xf32, #tpu.memory_space<hbm>> -> memref<20480x64xf32, #tpu.memory_space<hbm>>
    %dma_start3A_18 = tpu.memref_slice %arg12[%dma_start3A_7] : memref<3x!tpu.dma_semaphore, #tpu.memory_space<semaphore_mem>> -> memref<1x!tpu.dma_semaphore, #tpu.memory_space<semaphore_mem>>
    %dma_start3A_19 = tpu.memref_squeeze %dma_start3A_18 : memref<1x!tpu.dma_semaphore, #tpu.memory_space<semaphore_mem>> -> memref<!tpu.dma_semaphore, #tpu.memory_space<semaphore_mem>>
    tpu.enqueue_indirect_dma source(%dma_start3A_17 : memref<20480x64xf32, #tpu.memory_space<hbm>>) target(%dma_start3A_11 : memref<128x64xf32, #tpu.memory_space<vmem>>) offsets(%dma_start3A_14 : memref<128xi32, #tpu.memory_space<vmem>>) semaphore(%dma_start3A_19 : memref<!tpu.dma_semaphore, #tpu.memory_space<semaphore_mem>>)
    %dma_start3A_20 = arith.constant 1 : i32
    %dma_start3A_21 = arith.constant 1 : i32
    %dma_start3A_22 = arith.constant 1 : i32
    %dma_start3A_23 = arith.constant 0 : i32
    %dma_start3A_24 = arith.constant 0 : i32
    %dma_start3A_25 = tpu.memref_slice %arg9[%dma_start3A_21, %dma_start3A_23, %dma_start3A_24] : memref<3x128x64xf32, #tpu.memory_space<vmem>> -> memref<1x128x64xf32, #tpu.memory_space<vmem>>
    %dma_start3A_26 = tpu.memref_squeeze %dma_start3A_25 : memref<1x128x64xf32, #tpu.memory_space<vmem>> -> memref<128x64xf32, #tpu.memory_space<vmem>>
    %dma_start3A_27 = arith.constant 0 : i32
    %dma_start3A_28 = tpu.memref_slice %arg7[%dma_start3A_20, %dma_start3A_27] : memref<158x128xi32, #tpu.memory_space<vmem>> -> memref<1x128xi32, #tpu.memory_space<vmem>>
    %dma_start3A_29 = tpu.memref_squeeze %dma_start3A_28 : memref<1x128xi32, #tpu.memory_space<vmem>> -> memref<128xi32, #tpu.memory_space<vmem>>
    %dma_start3A_30 = arith.constant 0 : i32
    %dma_start3A_31 = arith.constant 0 : i32
    %dma_start3A_32 = tpu.memref_slice %arg4[%dma_start3A_30, %dma_start3A_31] : memref<20480x64xf32, #tpu.memory_space<hbm>> -> memref<20480x64xf32, #tpu.memory_space<hbm>>
    %dma_start3A_33 = tpu.memref_slice %arg12[%dma_start3A_22] : memref<3x!tpu.dma_semaphore, #tpu.memory_space<semaphore_mem>> -> memref<1x!tpu.dma_semaphore, #tpu.memory_space<semaphore_mem>>
    %dma_start3A_34 = tpu.memref_squeeze %dma_start3A_33 : memref<1x!tpu.dma_semaphore, #tpu.memory_space<semaphore_mem>> -> memref<!tpu.dma_semaphore, #tpu.memory_space<semaphore_mem>>
    tpu.enqueue_indirect_dma source(%dma_start3A_32 : memref<20480x64xf32, #tpu.memory_space<hbm>>) target(%dma_start3A_26 : memref<128x64xf32, #tpu.memory_space<vmem>>) offsets(%dma_start3A_29 : memref<128xi32, #tpu.memory_space<vmem>>) semaphore(%dma_start3A_34 : memref<!tpu.dma_semaphore, #tpu.memory_space<semaphore_mem>>)
    %dma_start3A_35 = arith.constant 2 : i32
    %dma_start3A_36 = arith.constant 2 : i32
    %dma_start3A_37 = arith.constant 2 : i32
    %dma_start3A_38 = arith.constant 0 : i32
    %dma_start3A_39 = arith.constant 0 : i32
    %dma_start3A_40 = tpu.memref_slice %arg9[%dma_start3A_36, %dma_start3A_38, %dma_start3A_39] : memref<3x128x64xf32, #tpu.memory_space<vmem>> -> memref<1x128x64xf32, #tpu.memory_space<vmem>>
    %dma_start3A_41 = tpu.memref_squeeze %dma_start3A_40 : memref<1x128x64xf32, #tpu.memory_space<vmem>> -> memref<128x64xf32, #tpu.memory_space<vmem>>
    %dma_start3A_42 = arith.constant 0 : i32
    %dma_start3A_43 = tpu.memref_slice %arg7[%dma_start3A_35, %dma_start3A_42] : memref<158x128xi32, #tpu.memory_space<vmem>> -> memref<1x128xi32, #tpu.memory_space<vmem>>
    %dma_start3A_44 = tpu.memref_squeeze %dma_start3A_43 : memref<1x128xi32, #tpu.memory_space<vmem>> -> memref<128xi32, #tpu.memory_space<vmem>>
    %dma_start3A_45 = arith.constant 0 : i32
    %dma_start3A_46 = arith.constant 0 : i32
    %dma_start3A_47 = tpu.memref_slice %arg4[%dma_start3A_45, %dma_start3A_46] : memref<20480x64xf32, #tpu.memory_space<hbm>> -> memref<20480x64xf32, #tpu.memory_space<hbm>>
    %dma_start3A_48 = tpu.memref_slice %arg12[%dma_start3A_37] : memref<3x!tpu.dma_semaphore, #tpu.memory_space<semaphore_mem>> -> memref<1x!tpu.dma_semaphore, #tpu.memory_space<semaphore_mem>>
    %dma_start3A_49 = tpu.memref_squeeze %dma_start3A_48 : memref<1x!tpu.dma_semaphore, #tpu.memory_space<semaphore_mem>> -> memref<!tpu.dma_semaphore, #tpu.memory_space<semaphore_mem>>
    tpu.enqueue_indirect_dma source(%dma_start3A_47 : memref<20480x64xf32, #tpu.memory_space<hbm>>) target(%dma_start3A_41 : memref<128x64xf32, #tpu.memory_space<vmem>>) offsets(%dma_start3A_44 : memref<128xi32, #tpu.memory_space<vmem>>) semaphore(%dma_start3A_49 : memref<!tpu.dma_semaphore, #tpu.memory_space<semaphore_mem>>)
    %scan3A = arith.constant 0 : i32
    %scan3A_50 = arith.constant 0 : i32
    %scan3A_51 = arith.constant 52 : i32
    %scan3A_52 = arith.addi %scan3A_50, %scan3A_51 : i32
    %scan3A_53 = arith.constant 1 : i32
    scf.for %scan3A_71 = %scan3A_50 to %scan3A_52 step %scan3A_53  : i32 {
      %mul3A_72 = arith.constant 3 : i32
      %mul3A_73 = arith.muli %scan3A_71, %mul3A_72 : i32
      %add3A_74 = arith.constant 0 : i32
      %add3A_75 = arith.addi %mul3A_73, %add3A_74 : i32
      %dma_wait3A = arith.constant 0 : i32
      %dma_wait3A_76 = arith.constant 0 : i32
      %dma_wait3A_77 = arith.constant 0 : i32
      %dma_wait3A_78 = arith.constant 0 : i32
      %dma_wait3A_79 = tpu.memref_slice %arg9[%dma_wait3A, %dma_wait3A_77, %dma_wait3A_78] : memref<3x128x64xf32, #tpu.memory_space<vmem>> -> memref<1x128x64xf32, #tpu.memory_space<vmem>>
      %dma_wait3A_80 = tpu.memref_squeeze %dma_wait3A_79 : memref<1x128x64xf32, #tpu.memory_space<vmem>> -> memref<128x64xf32, #tpu.memory_space<vmem>>
      %dma_wait3A_81 = arith.constant 0 : i32
      %dma_wait3A_82 = tpu.memref_slice %arg7[%add3A_75, %dma_wait3A_81] : memref<158x128xi32, #tpu.memory_space<vmem>> -> memref<1x128xi32, #tpu.memory_space<vmem>>
      %dma_wait3A_83 = tpu.memref_squeeze %dma_wait3A_82 : memref<1x128xi32, #tpu.memory_space<vmem>> -> memref<128xi32, #tpu.memory_space<vmem>>
      %dma_wait3A_84 = arith.constant 0 : i32
      %dma_wait3A_85 = arith.constant 0 : i32
      %dma_wait3A_86 = tpu.memref_slice %arg4[%dma_wait3A_84, %dma_wait3A_85] : memref<20480x64xf32, #tpu.memory_space<hbm>> -> memref<20480x64xf32, #tpu.memory_space<hbm>>
      %dma_wait3A_87 = tpu.memref_slice %arg12[%dma_wait3A_76] : memref<3x!tpu.dma_semaphore, #tpu.memory_space<semaphore_mem>> -> memref<1x!tpu.dma_semaphore, #tpu.memory_space<semaphore_mem>>
      %dma_wait3A_88 = tpu.memref_squeeze %dma_wait3A_87 : memref<1x!tpu.dma_semaphore, #tpu.memory_space<semaphore_mem>> -> memref<!tpu.dma_semaphore, #tpu.memory_space<semaphore_mem>>
      tpu.wait_indirect_dma semaphore(%dma_wait3A_88 : memref<!tpu.dma_semaphore, #tpu.memory_space<semaphore_mem>>) src(%dma_wait3A_86 : memref<20480x64xf32, #tpu.memory_space<hbm>>) dst(%dma_wait3A_80 : memref<128x64xf32, #tpu.memory_space<vmem>>)
      %run_scoped3A_89 = arith.constant 0 : i32
      "tpu.region"() ({
        %run_scoped3A_146 = tpu.sem_alloc : memref<!tpu.dma_semaphore, #tpu.memory_space<semaphore_mem>>
        %dma_start3A_147 = arith.constant 0 : i32
        %dma_start3A_148 = arith.constant 0 : i32
        %dma_start3A_149 = tpu.memref_slice %arg9[%run_scoped3A_89, %dma_start3A_147, %dma_start3A_148] : memref<3x128x64xf32, #tpu.memory_space<vmem>> -> memref<1x128x64xf32, #tpu.memory_space<vmem>>
        %dma_start3A_150 = tpu.memref_squeeze %dma_start3A_149 : memref<1x128x64xf32, #tpu.memory_space<vmem>> -> memref<128x64xf32, #tpu.memory_space<vmem>>
        %dma_start3A_151 = arith.constant 0 : i32
        %dma_start3A_152 = tpu.memref_slice %arg8[%add3A_75, %dma_start3A_151] : memref<158x128xi32, #tpu.memory_space<vmem>> -> memref<1x128xi32, #tpu.memory_space<vmem>>
        %dma_start3A_153 = tpu.memref_squeeze %dma_start3A_152 : memref<1x128xi32, #tpu.memory_space<vmem>> -> memref<128xi32, #tpu.memory_space<vmem>>
        %dma_start3A_154 = arith.constant 0 : i32
        %dma_start3A_155 = arith.constant 0 : i32
        %dma_start3A_156 = tpu.memref_slice %arg11[%dma_start3A_154, %dma_start3A_155] : memref<10240x64xf32, #tpu.memory_space<vmem_shared>> -> memref<10240x64xf32, #tpu.memory_space<vmem_shared>>
        tpu.enqueue_indirect_dma source(%dma_start3A_150 : memref<128x64xf32, #tpu.memory_space<vmem>>) target(%dma_start3A_156 : memref<10240x64xf32, #tpu.memory_space<vmem_shared>>) offsets(%dma_start3A_153 : memref<128xi32, #tpu.memory_space<vmem>>) semaphore(%run_scoped3A_146 : memref<!tpu.dma_semaphore, #tpu.memory_space<semaphore_mem>>) {add = true}
        %dma_wait3A_157 = arith.constant 0 : i32
        %dma_wait3A_158 = arith.constant 0 : i32
        %dma_wait3A_159 = tpu.memref_slice %arg9[%run_scoped3A_89, %dma_wait3A_157, %dma_wait3A_158] : memref<3x128x64xf32, #tpu.memory_space<vmem>> -> memref<1x128x64xf32, #tpu.memory_space<vmem>>
        %dma_wait3A_160 = tpu.memref_squeeze %dma_wait3A_159 : memref<1x128x64xf32, #tpu.memory_space<vmem>> -> memref<128x64xf32, #tpu.memory_space<vmem>>
        %dma_wait3A_161 = arith.constant 0 : i32
        %dma_wait3A_162 = tpu.memref_slice %arg8[%add3A_75, %dma_wait3A_161] : memref<158x128xi32, #tpu.memory_space<vmem>> -> memref<1x128xi32, #tpu.memory_space<vmem>>
        %dma_wait3A_163 = tpu.memref_squeeze %dma_wait3A_162 : memref<1x128xi32, #tpu.memory_space<vmem>> -> memref<128xi32, #tpu.memory_space<vmem>>
        %dma_wait3A_164 = arith.constant 0 : i32
        %dma_wait3A_165 = arith.constant 0 : i32
        %dma_wait3A_166 = tpu.memref_slice %arg11[%dma_wait3A_164, %dma_wait3A_165] : memref<10240x64xf32, #tpu.memory_space<vmem_shared>> -> memref<10240x64xf32, #tpu.memory_space<vmem_shared>>
        tpu.wait_indirect_dma semaphore(%run_scoped3A_146 : memref<!tpu.dma_semaphore, #tpu.memory_space<semaphore_mem>>) src(%dma_wait3A_160 : memref<128x64xf32, #tpu.memory_space<vmem>>) dst(%dma_wait3A_166 : memref<10240x64xf32, #tpu.memory_space<vmem_shared>>)
        tpu.yield
      }) : () -> ()
      %add3A_90 = arith.constant 3 : i32
      %add3A_91 = arith.addi %add3A_75, %add3A_90 : i32
      %lt3A = arith.constant 156 : i32
      %lt3A_92 = arith.cmpi slt, %add3A_91, %lt3A : i32
      %convert_element_type3A = arith.extui %lt3A_92 : i1 to i32
      %cond3A = arith.constant 0 : i32
      %cond3A_93 = arith.cmpi ne, %convert_element_type3A, %cond3A : i32
      scf.if %cond3A_93 {
        %add3A_146 = arith.constant 3 : i32
        %add3A_147 = arith.addi %add3A_75, %add3A_146 : i32
        %dma_start3A_148 = arith.constant 0 : i32
        %dma_start3A_149 = arith.constant 0 : i32
        %dma_start3A_150 = arith.constant 0 : i32
        %dma_start3A_151 = arith.constant 0 : i32
        %dma_start3A_152 = tpu.memref_slice %arg9[%dma_start3A_148, %dma_start3A_150, %dma_start3A_151] : memref<3x128x64xf32, #tpu.memory_space<vmem>> -> memref<1x128x64xf32, #tpu.memory_space<vmem>>
        %dma_start3A_153 = tpu.memref_squeeze %dma_start3A_152 : memref<1x128x64xf32, #tpu.memory_space<vmem>> -> memref<128x64xf32, #tpu.memory_space<vmem>>
        %dma_start3A_154 = arith.constant 0 : i32
        %dma_start3A_155 = tpu.memref_slice %arg7[%add3A_147, %dma_start3A_154] : memref<158x128xi32, #tpu.memory_space<vmem>> -> memref<1x128xi32, #tpu.memory_space<vmem>>
        %dma_start3A_156 = tpu.memref_squeeze %dma_start3A_155 : memref<1x128xi32, #tpu.memory_space<vmem>> -> memref<128xi32, #tpu.memory_space<vmem>>
        %dma_start3A_157 = arith.constant 0 : i32
        %dma_start3A_158 = arith.constant 0 : i32
        %dma_start3A_159 = tpu.memref_slice %arg4[%dma_start3A_157, %dma_start3A_158] : memref<20480x64xf32, #tpu.memory_space<hbm>> -> memref<20480x64xf32, #tpu.memory_space<hbm>>
        %dma_start3A_160 = tpu.memref_slice %arg12[%dma_start3A_149] : memref<3x!tpu.dma_semaphore, #tpu.memory_space<semaphore_mem>> -> memref<1x!tpu.dma_semaphore, #tpu.memory_space<semaphore_mem>>
        %dma_start3A_161 = tpu.memref_squeeze %dma_start3A_160 : memref<1x!tpu.dma_semaphore, #tpu.memory_space<semaphore_mem>> -> memref<!tpu.dma_semaphore, #tpu.memory_space<semaphore_mem>>
        tpu.enqueue_indirect_dma source(%dma_start3A_159 : memref<20480x64xf32, #tpu.memory_space<hbm>>) target(%dma_start3A_153 : memref<128x64xf32, #tpu.memory_space<vmem>>) offsets(%dma_start3A_156 : memref<128xi32, #tpu.memory_space<vmem>>) semaphore(%dma_start3A_161 : memref<!tpu.dma_semaphore, #tpu.memory_space<semaphore_mem>>)
      } else {
      }
      %mul3A_94 = arith.constant 3 : i32
      %mul3A_95 = arith.muli %scan3A_71, %mul3A_94 : i32
      %add3A_96 = arith.constant 1 : i32
      %add3A_97 = arith.addi %mul3A_95, %add3A_96 : i32
      %dma_wait3A_98 = arith.constant 1 : i32
      %dma_wait3A_99 = arith.constant 1 : i32
      %dma_wait3A_100 = arith.constant 0 : i32
      %dma_wait3A_101 = arith.constant 0 : i32
      %dma_wait3A_102 = tpu.memref_slice %arg9[%dma_wait3A_98, %dma_wait3A_100, %dma_wait3A_101] : memref<3x128x64xf32, #tpu.memory_space<vmem>> -> memref<1x128x64xf32, #tpu.memory_space<vmem>>
      %dma_wait3A_103 = tpu.memref_squeeze %dma_wait3A_102 : memref<1x128x64xf32, #tpu.memory_space<vmem>> -> memref<128x64xf32, #tpu.memory_space<vmem>>
      %dma_wait3A_104 = arith.constant 0 : i32
      %dma_wait3A_105 = tpu.memref_slice %arg7[%add3A_97, %dma_wait3A_104] : memref<158x128xi32, #tpu.memory_space<vmem>> -> memref<1x128xi32, #tpu.memory_space<vmem>>
      %dma_wait3A_106 = tpu.memref_squeeze %dma_wait3A_105 : memref<1x128xi32, #tpu.memory_space<vmem>> -> memref<128xi32, #tpu.memory_space<vmem>>
      %dma_wait3A_107 = arith.constant 0 : i32
      %dma_wait3A_108 = arith.constant 0 : i32
      %dma_wait3A_109 = tpu.memref_slice %arg4[%dma_wait3A_107, %dma_wait3A_108] : memref<20480x64xf32, #tpu.memory_space<hbm>> -> memref<20480x64xf32, #tpu.memory_space<hbm>>
      %dma_wait3A_110 = tpu.memref_slice %arg12[%dma_wait3A_99] : memref<3x!tpu.dma_semaphore, #tpu.memory_space<semaphore_mem>> -> memref<1x!tpu.dma_semaphore, #tpu.memory_space<semaphore_mem>>
      %dma_wait3A_111 = tpu.memref_squeeze %dma_wait3A_110 : memref<1x!tpu.dma_semaphore, #tpu.memory_space<semaphore_mem>> -> memref<!tpu.dma_semaphore, #tpu.memory_space<semaphore_mem>>
      tpu.wait_indirect_dma semaphore(%dma_wait3A_111 : memref<!tpu.dma_semaphore, #tpu.memory_space<semaphore_mem>>) src(%dma_wait3A_109 : memref<20480x64xf32, #tpu.memory_space<hbm>>) dst(%dma_wait3A_103 : memref<128x64xf32, #tpu.memory_space<vmem>>)
      %run_scoped3A_112 = arith.constant 1 : i32
      "tpu.region"() ({
        %run_scoped3A_146 = tpu.sem_alloc : memref<!tpu.dma_semaphore, #tpu.memory_space<semaphore_mem>>
        %dma_start3A_147 = arith.constant 0 : i32
        %dma_start3A_148 = arith.constant 0 : i32
        %dma_start3A_149 = tpu.memref_slice %arg9[%run_scoped3A_112, %dma_start3A_147, %dma_start3A_148] : memref<3x128x64xf32, #tpu.memory_space<vmem>> -> memref<1x128x64xf32, #tpu.memory_space<vmem>>
        %dma_start3A_150 = tpu.memref_squeeze %dma_start3A_149 : memref<1x128x64xf32, #tpu.memory_space<vmem>> -> memref<128x64xf32, #tpu.memory_space<vmem>>
        %dma_start3A_151 = arith.constant 0 : i32
        %dma_start3A_152 = tpu.memref_slice %arg8[%add3A_97, %dma_start3A_151] : memref<158x128xi32, #tpu.memory_space<vmem>> -> memref<1x128xi32, #tpu.memory_space<vmem>>
        %dma_start3A_153 = tpu.memref_squeeze %dma_start3A_152 : memref<1x128xi32, #tpu.memory_space<vmem>> -> memref<128xi32, #tpu.memory_space<vmem>>
        %dma_start3A_154 = arith.constant 0 : i32
        %dma_start3A_155 = arith.constant 0 : i32
        %dma_start3A_156 = tpu.memref_slice %arg11[%dma_start3A_154, %dma_start3A_155] : memref<10240x64xf32, #tpu.memory_space<vmem_shared>> -> memref<10240x64xf32, #tpu.memory_space<vmem_shared>>
        tpu.enqueue_indirect_dma source(%dma_start3A_150 : memref<128x64xf32, #tpu.memory_space<vmem>>) target(%dma_start3A_156 : memref<10240x64xf32, #tpu.memory_space<vmem_shared>>) offsets(%dma_start3A_153 : memref<128xi32, #tpu.memory_space<vmem>>) semaphore(%run_scoped3A_146 : memref<!tpu.dma_semaphore, #tpu.memory_space<semaphore_mem>>) {add = true}
        %dma_wait3A_157 = arith.constant 0 : i32
        %dma_wait3A_158 = arith.constant 0 : i32
        %dma_wait3A_159 = tpu.memref_slice %arg9[%run_scoped3A_112, %dma_wait3A_157, %dma_wait3A_158] : memref<3x128x64xf32, #tpu.memory_space<vmem>> -> memref<1x128x64xf32, #tpu.memory_space<vmem>>
        %dma_wait3A_160 = tpu.memref_squeeze %dma_wait3A_159 : memref<1x128x64xf32, #tpu.memory_space<vmem>> -> memref<128x64xf32, #tpu.memory_space<vmem>>
        %dma_wait3A_161 = arith.constant 0 : i32
        %dma_wait3A_162 = tpu.memref_slice %arg8[%add3A_97, %dma_wait3A_161] : memref<158x128xi32, #tpu.memory_space<vmem>> -> memref<1x128xi32, #tpu.memory_space<vmem>>
        %dma_wait3A_163 = tpu.memref_squeeze %dma_wait3A_162 : memref<1x128xi32, #tpu.memory_space<vmem>> -> memref<128xi32, #tpu.memory_space<vmem>>
        %dma_wait3A_164 = arith.constant 0 : i32
        %dma_wait3A_165 = arith.constant 0 : i32
        %dma_wait3A_166 = tpu.memref_slice %arg11[%dma_wait3A_164, %dma_wait3A_165] : memref<10240x64xf32, #tpu.memory_space<vmem_shared>> -> memref<10240x64xf32, #tpu.memory_space<vmem_shared>>
        tpu.wait_indirect_dma semaphore(%run_scoped3A_146 : memref<!tpu.dma_semaphore, #tpu.memory_space<semaphore_mem>>) src(%dma_wait3A_160 : memref<128x64xf32, #tpu.memory_space<vmem>>) dst(%dma_wait3A_166 : memref<10240x64xf32, #tpu.memory_space<vmem_shared>>)
        tpu.yield
      }) : () -> ()
      %add3A_113 = arith.constant 3 : i32
      %add3A_114 = arith.addi %add3A_97, %add3A_113 : i32
      %lt3A_115 = arith.constant 156 : i32
      %lt3A_116 = arith.cmpi slt, %add3A_114, %lt3A_115 : i32
      %convert_element_type3A_117 = arith.extui %lt3A_116 : i1 to i32
      %cond3A_118 = arith.constant 0 : i32
      %cond3A_119 = arith.cmpi ne, %convert_element_type3A_117, %cond3A_118 : i32
      scf.if %cond3A_119 {
        %add3A_146 = arith.constant 3 : i32
        %add3A_147 = arith.addi %add3A_97, %add3A_146 : i32
        %dma_start3A_148 = arith.constant 1 : i32
        %dma_start3A_149 = arith.constant 1 : i32
        %dma_start3A_150 = arith.constant 0 : i32
        %dma_start3A_151 = arith.constant 0 : i32
        %dma_start3A_152 = tpu.memref_slice %arg9[%dma_start3A_148, %dma_start3A_150, %dma_start3A_151] : memref<3x128x64xf32, #tpu.memory_space<vmem>> -> memref<1x128x64xf32, #tpu.memory_space<vmem>>
        %dma_start3A_153 = tpu.memref_squeeze %dma_start3A_152 : memref<1x128x64xf32, #tpu.memory_space<vmem>> -> memref<128x64xf32, #tpu.memory_space<vmem>>
        %dma_start3A_154 = arith.constant 0 : i32
        %dma_start3A_155 = tpu.memref_slice %arg7[%add3A_147, %dma_start3A_154] : memref<158x128xi32, #tpu.memory_space<vmem>> -> memref<1x128xi32, #tpu.memory_space<vmem>>
        %dma_start3A_156 = tpu.memref_squeeze %dma_start3A_155 : memref<1x128xi32, #tpu.memory_space<vmem>> -> memref<128xi32, #tpu.memory_space<vmem>>
        %dma_start3A_157 = arith.constant 0 : i32
        %dma_start3A_158 = arith.constant 0 : i32
        %dma_start3A_159 = tpu.memref_slice %arg4[%dma_start3A_157, %dma_start3A_158] : memref<20480x64xf32, #tpu.memory_space<hbm>> -> memref<20480x64xf32, #tpu.memory_space<hbm>>
        %dma_start3A_160 = tpu.memref_slice %arg12[%dma_start3A_149] : memref<3x!tpu.dma_semaphore, #tpu.memory_space<semaphore_mem>> -> memref<1x!tpu.dma_semaphore, #tpu.memory_space<semaphore_mem>>
        %dma_start3A_161 = tpu.memref_squeeze %dma_start3A_160 : memref<1x!tpu.dma_semaphore, #tpu.memory_space<semaphore_mem>> -> memref<!tpu.dma_semaphore, #tpu.memory_space<semaphore_mem>>
        tpu.enqueue_indirect_dma source(%dma_start3A_159 : memref<20480x64xf32, #tpu.memory_space<hbm>>) target(%dma_start3A_153 : memref<128x64xf32, #tpu.memory_space<vmem>>) offsets(%dma_start3A_156 : memref<128xi32, #tpu.memory_space<vmem>>) semaphore(%dma_start3A_161 : memref<!tpu.dma_semaphore, #tpu.memory_space<semaphore_mem>>)
      } else {
      }
      %mul3A_120 = arith.constant 3 : i32
      %mul3A_121 = arith.muli %scan3A_71, %mul3A_120 : i32
      %add3A_122 = arith.constant 2 : i32
      %add3A_123 = arith.addi %mul3A_121, %add3A_122 : i32
      %dma_wait3A_124 = arith.constant 2 : i32
      %dma_wait3A_125 = arith.constant 2 : i32
      %dma_wait3A_126 = arith.constant 0 : i32
      %dma_wait3A_127 = arith.constant 0 : i32
      %dma_wait3A_128 = tpu.memref_slice %arg9[%dma_wait3A_124, %dma_wait3A_126, %dma_wait3A_127] : memref<3x128x64xf32, #tpu.memory_space<vmem>> -> memref<1x128x64xf32, #tpu.memory_space<vmem>>
      %dma_wait3A_129 = tpu.memref_squeeze %dma_wait3A_128 : memref<1x128x64xf32, #tpu.memory_space<vmem>> -> memref<128x64xf32, #tpu.memory_space<vmem>>
      %dma_wait3A_130 = arith.constant 0 : i32
      %dma_wait3A_131 = tpu.memref_slice %arg7[%add3A_123, %dma_wait3A_130] : memref<158x128xi32, #tpu.memory_space<vmem>> -> memref<1x128xi32, #tpu.memory_space<vmem>>
      %dma_wait3A_132 = tpu.memref_squeeze %dma_wait3A_131 : memref<1x128xi32, #tpu.memory_space<vmem>> -> memref<128xi32, #tpu.memory_space<vmem>>
      %dma_wait3A_133 = arith.constant 0 : i32
      %dma_wait3A_134 = arith.constant 0 : i32
      %dma_wait3A_135 = tpu.memref_slice %arg4[%dma_wait3A_133, %dma_wait3A_134] : memref<20480x64xf32, #tpu.memory_space<hbm>> -> memref<20480x64xf32, #tpu.memory_space<hbm>>
      %dma_wait3A_136 = tpu.memref_slice %arg12[%dma_wait3A_125] : memref<3x!tpu.dma_semaphore, #tpu.memory_space<semaphore_mem>> -> memref<1x!tpu.dma_semaphore, #tpu.memory_space<semaphore_mem>>
      %dma_wait3A_137 = tpu.memref_squeeze %dma_wait3A_136 : memref<1x!tpu.dma_semaphore, #tpu.memory_space<semaphore_mem>> -> memref<!tpu.dma_semaphore, #tpu.memory_space<semaphore_mem>>
      tpu.wait_indirect_dma semaphore(%dma_wait3A_137 : memref<!tpu.dma_semaphore, #tpu.memory_space<semaphore_mem>>) src(%dma_wait3A_135 : memref<20480x64xf32, #tpu.memory_space<hbm>>) dst(%dma_wait3A_129 : memref<128x64xf32, #tpu.memory_space<vmem>>)
      %run_scoped3A_138 = arith.constant 2 : i32
      "tpu.region"() ({
        %run_scoped3A_146 = tpu.sem_alloc : memref<!tpu.dma_semaphore, #tpu.memory_space<semaphore_mem>>
        %dma_start3A_147 = arith.constant 0 : i32
        %dma_start3A_148 = arith.constant 0 : i32
        %dma_start3A_149 = tpu.memref_slice %arg9[%run_scoped3A_138, %dma_start3A_147, %dma_start3A_148] : memref<3x128x64xf32, #tpu.memory_space<vmem>> -> memref<1x128x64xf32, #tpu.memory_space<vmem>>
        %dma_start3A_150 = tpu.memref_squeeze %dma_start3A_149 : memref<1x128x64xf32, #tpu.memory_space<vmem>> -> memref<128x64xf32, #tpu.memory_space<vmem>>
        %dma_start3A_151 = arith.constant 0 : i32
        %dma_start3A_152 = tpu.memref_slice %arg8[%add3A_123, %dma_start3A_151] : memref<158x128xi32, #tpu.memory_space<vmem>> -> memref<1x128xi32, #tpu.memory_space<vmem>>
        %dma_start3A_153 = tpu.memref_squeeze %dma_start3A_152 : memref<1x128xi32, #tpu.memory_space<vmem>> -> memref<128xi32, #tpu.memory_space<vmem>>
        %dma_start3A_154 = arith.constant 0 : i32
        %dma_start3A_155 = arith.constant 0 : i32
        %dma_start3A_156 = tpu.memref_slice %arg11[%dma_start3A_154, %dma_start3A_155] : memref<10240x64xf32, #tpu.memory_space<vmem_shared>> -> memref<10240x64xf32, #tpu.memory_space<vmem_shared>>
        tpu.enqueue_indirect_dma source(%dma_start3A_150 : memref<128x64xf32, #tpu.memory_space<vmem>>) target(%dma_start3A_156 : memref<10240x64xf32, #tpu.memory_space<vmem_shared>>) offsets(%dma_start3A_153 : memref<128xi32, #tpu.memory_space<vmem>>) semaphore(%run_scoped3A_146 : memref<!tpu.dma_semaphore, #tpu.memory_space<semaphore_mem>>) {add = true}
        %dma_wait3A_157 = arith.constant 0 : i32
        %dma_wait3A_158 = arith.constant 0 : i32
        %dma_wait3A_159 = tpu.memref_slice %arg9[%run_scoped3A_138, %dma_wait3A_157, %dma_wait3A_158] : memref<3x128x64xf32, #tpu.memory_space<vmem>> -> memref<1x128x64xf32, #tpu.memory_space<vmem>>
        %dma_wait3A_160 = tpu.memref_squeeze %dma_wait3A_159 : memref<1x128x64xf32, #tpu.memory_space<vmem>> -> memref<128x64xf32, #tpu.memory_space<vmem>>
        %dma_wait3A_161 = arith.constant 0 : i32
        %dma_wait3A_162 = tpu.memref_slice %arg8[%add3A_123, %dma_wait3A_161] : memref<158x128xi32, #tpu.memory_space<vmem>> -> memref<1x128xi32, #tpu.memory_space<vmem>>
        %dma_wait3A_163 = tpu.memref_squeeze %dma_wait3A_162 : memref<1x128xi32, #tpu.memory_space<vmem>> -> memref<128xi32, #tpu.memory_space<vmem>>
        %dma_wait3A_164 = arith.constant 0 : i32
        %dma_wait3A_165 = arith.constant 0 : i32
        %dma_wait3A_166 = tpu.memref_slice %arg11[%dma_wait3A_164, %dma_wait3A_165] : memref<10240x64xf32, #tpu.memory_space<vmem_shared>> -> memref<10240x64xf32, #tpu.memory_space<vmem_shared>>
        tpu.wait_indirect_dma semaphore(%run_scoped3A_146 : memref<!tpu.dma_semaphore, #tpu.memory_space<semaphore_mem>>) src(%dma_wait3A_160 : memref<128x64xf32, #tpu.memory_space<vmem>>) dst(%dma_wait3A_166 : memref<10240x64xf32, #tpu.memory_space<vmem_shared>>)
        tpu.yield
      }) : () -> ()
      %add3A_139 = arith.constant 3 : i32
      %add3A_140 = arith.addi %add3A_123, %add3A_139 : i32
      %lt3A_141 = arith.constant 156 : i32
      %lt3A_142 = arith.cmpi slt, %add3A_140, %lt3A_141 : i32
      %convert_element_type3A_143 = arith.extui %lt3A_142 : i1 to i32
      %cond3A_144 = arith.constant 0 : i32
      %cond3A_145 = arith.cmpi ne, %convert_element_type3A_143, %cond3A_144 : i32
      scf.if %cond3A_145 {
        %add3A_146 = arith.constant 3 : i32
        %add3A_147 = arith.addi %add3A_123, %add3A_146 : i32
        %dma_start3A_148 = arith.constant 2 : i32
        %dma_start3A_149 = arith.constant 2 : i32
        %dma_start3A_150 = arith.constant 0 : i32
        %dma_start3A_151 = arith.constant 0 : i32
        %dma_start3A_152 = tpu.memref_slice %arg9[%dma_start3A_148, %dma_start3A_150, %dma_start3A_151] : memref<3x128x64xf32, #tpu.memory_space<vmem>> -> memref<1x128x64xf32, #tpu.memory_space<vmem>>
        %dma_start3A_153 = tpu.memref_squeeze %dma_start3A_152 : memref<1x128x64xf32, #tpu.memory_space<vmem>> -> memref<128x64xf32, #tpu.memory_space<vmem>>
        %dma_start3A_154 = arith.constant 0 : i32
        %dma_start3A_155 = tpu.memref_slice %arg7[%add3A_147, %dma_start3A_154] : memref<158x128xi32, #tpu.memory_space<vmem>> -> memref<1x128xi32, #tpu.memory_space<vmem>>
        %dma_start3A_156 = tpu.memref_squeeze %dma_start3A_155 : memref<1x128xi32, #tpu.memory_space<vmem>> -> memref<128xi32, #tpu.memory_space<vmem>>
        %dma_start3A_157 = arith.constant 0 : i32
        %dma_start3A_158 = arith.constant 0 : i32
        %dma_start3A_159 = tpu.memref_slice %arg4[%dma_start3A_157, %dma_start3A_158] : memref<20480x64xf32, #tpu.memory_space<hbm>> -> memref<20480x64xf32, #tpu.memory_space<hbm>>
        %dma_start3A_160 = tpu.memref_slice %arg12[%dma_start3A_149] : memref<3x!tpu.dma_semaphore, #tpu.memory_space<semaphore_mem>> -> memref<1x!tpu.dma_semaphore, #tpu.memory_space<semaphore_mem>>
        %dma_start3A_161 = tpu.memref_squeeze %dma_start3A_160 : memref<1x!tpu.dma_semaphore, #tpu.memory_space<semaphore_mem>> -> memref<!tpu.dma_semaphore, #tpu.memory_space<semaphore_mem>>
        tpu.enqueue_indirect_dma source(%dma_start3A_159 : memref<20480x64xf32, #tpu.memory_space<hbm>>) target(%dma_start3A_153 : memref<128x64xf32, #tpu.memory_space<vmem>>) offsets(%dma_start3A_156 : memref<128xi32, #tpu.memory_space<vmem>>) semaphore(%dma_start3A_161 : memref<!tpu.dma_semaphore, #tpu.memory_space<semaphore_mem>>)
      } else {
      }
    }
    %scan3A_54 = arith.constant 52 : i32
    %run_scoped3A = arith.constant 156 : i32
    %run_scoped3A_55 = arith.constant 0 : i32
    "tpu.region"() ({
      %run_scoped3A_71 = tpu.sem_alloc : memref<!tpu.dma_semaphore, #tpu.memory_space<semaphore_mem>>
      %dma_start3A_72 = arith.constant 0 : i32
      %dma_start3A_73 = arith.constant 0 : i32
      %dma_start3A_74 = tpu.memref_slice %arg9[%run_scoped3A_55, %dma_start3A_72, %dma_start3A_73] : memref<3x128x64xf32, #tpu.memory_space<vmem>> -> memref<1x128x64xf32, #tpu.memory_space<vmem>>
      %dma_start3A_75 = tpu.memref_squeeze %dma_start3A_74 : memref<1x128x64xf32, #tpu.memory_space<vmem>> -> memref<128x64xf32, #tpu.memory_space<vmem>>
      %dma_start3A_76 = arith.constant 0 : i32
      %dma_start3A_77 = tpu.memref_slice %arg7[%run_scoped3A, %dma_start3A_76] : memref<158x128xi32, #tpu.memory_space<vmem>> -> memref<1x128xi32, #tpu.memory_space<vmem>>
      %dma_start3A_78 = tpu.memref_squeeze %dma_start3A_77 : memref<1x128xi32, #tpu.memory_space<vmem>> -> memref<128xi32, #tpu.memory_space<vmem>>
      %dma_start3A_79 = arith.constant 0 : i32
      %dma_start3A_80 = arith.constant 0 : i32
      %dma_start3A_81 = tpu.memref_slice %arg4[%dma_start3A_79, %dma_start3A_80] : memref<20480x64xf32, #tpu.memory_space<hbm>> -> memref<20480x64xf32, #tpu.memory_space<hbm>>
      tpu.enqueue_indirect_dma source(%dma_start3A_81 : memref<20480x64xf32, #tpu.memory_space<hbm>>) target(%dma_start3A_75 : memref<128x64xf32, #tpu.memory_space<vmem>>) offsets(%dma_start3A_78 : memref<128xi32, #tpu.memory_space<vmem>>) semaphore(%run_scoped3A_71 : memref<!tpu.dma_semaphore, #tpu.memory_space<semaphore_mem>>)
      %dma_wait3A = arith.constant 0 : i32
      %dma_wait3A_82 = arith.constant 0 : i32
      %dma_wait3A_83 = tpu.memref_slice %arg9[%run_scoped3A_55, %dma_wait3A, %dma_wait3A_82] : memref<3x128x64xf32, #tpu.memory_space<vmem>> -> memref<1x128x64xf32, #tpu.memory_space<vmem>>
      %dma_wait3A_84 = tpu.memref_squeeze %dma_wait3A_83 : memref<1x128x64xf32, #tpu.memory_space<vmem>> -> memref<128x64xf32, #tpu.memory_space<vmem>>
      %dma_wait3A_85 = arith.constant 0 : i32
      %dma_wait3A_86 = tpu.memref_slice %arg7[%run_scoped3A, %dma_wait3A_85] : memref<158x128xi32, #tpu.memory_space<vmem>> -> memref<1x128xi32, #tpu.memory_space<vmem>>
      %dma_wait3A_87 = tpu.memref_squeeze %dma_wait3A_86 : memref<1x128xi32, #tpu.memory_space<vmem>> -> memref<128xi32, #tpu.memory_space<vmem>>
      %dma_wait3A_88 = arith.constant 0 : i32
      %dma_wait3A_89 = arith.constant 0 : i32
      %dma_wait3A_90 = tpu.memref_slice %arg4[%dma_wait3A_88, %dma_wait3A_89] : memref<20480x64xf32, #tpu.memory_space<hbm>> -> memref<20480x64xf32, #tpu.memory_space<hbm>>
      tpu.wait_indirect_dma semaphore(%run_scoped3A_71 : memref<!tpu.dma_semaphore, #tpu.memory_space<semaphore_mem>>) src(%dma_wait3A_90 : memref<20480x64xf32, #tpu.memory_space<hbm>>) dst(%dma_wait3A_84 : memref<128x64xf32, #tpu.memory_space<vmem>>)
      tpu.yield
    }) : () -> ()
    %run_scoped3A_56 = arith.constant 0 : i32
    %run_scoped3A_57 = arith.constant 156 : i32
    "tpu.region"() ({
      %run_scoped3A_71 = tpu.sem_alloc : memref<!tpu.dma_semaphore, #tpu.memory_space<semaphore_mem>>
      %dma_start3A_72 = arith.constant 0 : i32
      %dma_start3A_73 = arith.constant 0 : i32
      %dma_start3A_74 = tpu.memref_slice %arg9[%run_scoped3A_56, %dma_start3A_72, %dma_start3A_73] : memref<3x128x64xf32, #tpu.memory_space<vmem>> -> memref<1x128x64xf32, #tpu.memory_space<vmem>>
      %dma_start3A_75 = tpu.memref_squeeze %dma_start3A_74 : memref<1x128x64xf32, #tpu.memory_space<vmem>> -> memref<128x64xf32, #tpu.memory_space<vmem>>
      %dma_start3A_76 = arith.constant 0 : i32
      %dma_start3A_77 = tpu.memref_slice %arg8[%run_scoped3A_57, %dma_start3A_76] : memref<158x128xi32, #tpu.memory_space<vmem>> -> memref<1x128xi32, #tpu.memory_space<vmem>>
      %dma_start3A_78 = tpu.memref_squeeze %dma_start3A_77 : memref<1x128xi32, #tpu.memory_space<vmem>> -> memref<128xi32, #tpu.memory_space<vmem>>
      %dma_start3A_79 = arith.constant 0 : i32
      %dma_start3A_80 = arith.constant 0 : i32
      %dma_start3A_81 = tpu.memref_slice %arg11[%dma_start3A_79, %dma_start3A_80] : memref<10240x64xf32, #tpu.memory_space<vmem_shared>> -> memref<10240x64xf32, #tpu.memory_space<vmem_shared>>
      tpu.enqueue_indirect_dma source(%dma_start3A_75 : memref<128x64xf32, #tpu.memory_space<vmem>>) target(%dma_start3A_81 : memref<10240x64xf32, #tpu.memory_space<vmem_shared>>) offsets(%dma_start3A_78 : memref<128xi32, #tpu.memory_space<vmem>>) semaphore(%run_scoped3A_71 : memref<!tpu.dma_semaphore, #tpu.memory_space<semaphore_mem>>) {add = true}
      %dma_wait3A = arith.constant 0 : i32
      %dma_wait3A_82 = arith.constant 0 : i32
      %dma_wait3A_83 = tpu.memref_slice %arg9[%run_scoped3A_56, %dma_wait3A, %dma_wait3A_82] : memref<3x128x64xf32, #tpu.memory_space<vmem>> -> memref<1x128x64xf32, #tpu.memory_space<vmem>>
      %dma_wait3A_84 = tpu.memref_squeeze %dma_wait3A_83 : memref<1x128x64xf32, #tpu.memory_space<vmem>> -> memref<128x64xf32, #tpu.memory_space<vmem>>
      %dma_wait3A_85 = arith.constant 0 : i32
      %dma_wait3A_86 = tpu.memref_slice %arg8[%run_scoped3A_57, %dma_wait3A_85] : memref<158x128xi32, #tpu.memory_space<vmem>> -> memref<1x128xi32, #tpu.memory_space<vmem>>
      %dma_wait3A_87 = tpu.memref_squeeze %dma_wait3A_86 : memref<1x128xi32, #tpu.memory_space<vmem>> -> memref<128xi32, #tpu.memory_space<vmem>>
      %dma_wait3A_88 = arith.constant 0 : i32
      %dma_wait3A_89 = arith.constant 0 : i32
      %dma_wait3A_90 = tpu.memref_slice %arg11[%dma_wait3A_88, %dma_wait3A_89] : memref<10240x64xf32, #tpu.memory_space<vmem_shared>> -> memref<10240x64xf32, #tpu.memory_space<vmem_shared>>
      tpu.wait_indirect_dma semaphore(%run_scoped3A_71 : memref<!tpu.dma_semaphore, #tpu.memory_space<semaphore_mem>>) src(%dma_wait3A_84 : memref<128x64xf32, #tpu.memory_space<vmem>>) dst(%dma_wait3A_90 : memref<10240x64xf32, #tpu.memory_space<vmem_shared>>)
      tpu.yield
    }) : () -> ()
    %run_scoped3A_58 = arith.constant 157 : i32
    %run_scoped3A_59 = arith.constant 0 : i32
    "tpu.region"() ({
      %run_scoped3A_71 = tpu.sem_alloc : memref<!tpu.dma_semaphore, #tpu.memory_space<semaphore_mem>>
      %dma_start3A_72 = arith.constant 0 : i32
      %dma_start3A_73 = arith.constant 0 : i32
      %dma_start3A_74 = tpu.memref_slice %arg9[%run_scoped3A_59, %dma_start3A_72, %dma_start3A_73] : memref<3x128x64xf32, #tpu.memory_space<vmem>> -> memref<1x128x64xf32, #tpu.memory_space<vmem>>
      %dma_start3A_75 = tpu.memref_squeeze %dma_start3A_74 : memref<1x128x64xf32, #tpu.memory_space<vmem>> -> memref<128x64xf32, #tpu.memory_space<vmem>>
      %dma_start3A_76 = arith.constant 0 : i32
      %dma_start3A_77 = tpu.memref_slice %arg7[%run_scoped3A_58, %dma_start3A_76] : memref<158x128xi32, #tpu.memory_space<vmem>> -> memref<1x128xi32, #tpu.memory_space<vmem>>
      %dma_start3A_78 = tpu.memref_squeeze %dma_start3A_77 : memref<1x128xi32, #tpu.memory_space<vmem>> -> memref<128xi32, #tpu.memory_space<vmem>>
      %dma_start3A_79 = arith.constant 0 : i32
      %dma_start3A_80 = arith.constant 0 : i32
      %dma_start3A_81 = tpu.memref_slice %arg4[%dma_start3A_79, %dma_start3A_80] : memref<20480x64xf32, #tpu.memory_space<hbm>> -> memref<20480x64xf32, #tpu.memory_space<hbm>>
      tpu.enqueue_indirect_dma source(%dma_start3A_81 : memref<20480x64xf32, #tpu.memory_space<hbm>>) target(%dma_start3A_75 : memref<128x64xf32, #tpu.memory_space<vmem>>) offsets(%dma_start3A_78 : memref<128xi32, #tpu.memory_space<vmem>>) semaphore(%run_scoped3A_71 : memref<!tpu.dma_semaphore, #tpu.memory_space<semaphore_mem>>)
      %dma_wait3A = arith.constant 0 : i32
      %dma_wait3A_82 = arith.constant 0 : i32
      %dma_wait3A_83 = tpu.memref_slice %arg9[%run_scoped3A_59, %dma_wait3A, %dma_wait3A_82] : memref<3x128x64xf32, #tpu.memory_space<vmem>> -> memref<1x128x64xf32, #tpu.memory_space<vmem>>
      %dma_wait3A_84 = tpu.memref_squeeze %dma_wait3A_83 : memref<1x128x64xf32, #tpu.memory_space<vmem>> -> memref<128x64xf32, #tpu.memory_space<vmem>>
      %dma_wait3A_85 = arith.constant 0 : i32
      %dma_wait3A_86 = tpu.memref_slice %arg7[%run_scoped3A_58, %dma_wait3A_85] : memref<158x128xi32, #tpu.memory_space<vmem>> -> memref<1x128xi32, #tpu.memory_space<vmem>>
      %dma_wait3A_87 = tpu.memref_squeeze %dma_wait3A_86 : memref<1x128xi32, #tpu.memory_space<vmem>> -> memref<128xi32, #tpu.memory_space<vmem>>
      %dma_wait3A_88 = arith.constant 0 : i32
      %dma_wait3A_89 = arith.constant 0 : i32
      %dma_wait3A_90 = tpu.memref_slice %arg4[%dma_wait3A_88, %dma_wait3A_89] : memref<20480x64xf32, #tpu.memory_space<hbm>> -> memref<20480x64xf32, #tpu.memory_space<hbm>>
      tpu.wait_indirect_dma semaphore(%run_scoped3A_71 : memref<!tpu.dma_semaphore, #tpu.memory_space<semaphore_mem>>) src(%dma_wait3A_90 : memref<20480x64xf32, #tpu.memory_space<hbm>>) dst(%dma_wait3A_84 : memref<128x64xf32, #tpu.memory_space<vmem>>)
      tpu.yield
    }) : () -> ()
    %run_scoped3A_60 = arith.constant 0 : i32
    %run_scoped3A_61 = arith.constant 157 : i32
    "tpu.region"() ({
      %run_scoped3A_71 = tpu.sem_alloc : memref<!tpu.dma_semaphore, #tpu.memory_space<semaphore_mem>>
      %dma_start3A_72 = arith.constant 0 : i32
      %dma_start3A_73 = arith.constant 0 : i32
      %dma_start3A_74 = tpu.memref_slice %arg9[%run_scoped3A_60, %dma_start3A_72, %dma_start3A_73] : memref<3x128x64xf32, #tpu.memory_space<vmem>> -> memref<1x128x64xf32, #tpu.memory_space<vmem>>
      %dma_start3A_75 = tpu.memref_squeeze %dma_start3A_74 : memref<1x128x64xf32, #tpu.memory_space<vmem>> -> memref<128x64xf32, #tpu.memory_space<vmem>>
      %dma_start3A_76 = arith.constant 0 : i32
      %dma_start3A_77 = tpu.memref_slice %arg8[%run_scoped3A_61, %dma_start3A_76] : memref<158x128xi32, #tpu.memory_space<vmem>> -> memref<1x128xi32, #tpu.memory_space<vmem>>
      %dma_start3A_78 = tpu.memref_squeeze %dma_start3A_77 : memref<1x128xi32, #tpu.memory_space<vmem>> -> memref<128xi32, #tpu.memory_space<vmem>>
      %dma_start3A_79 = arith.constant 0 : i32
      %dma_start3A_80 = arith.constant 0 : i32
      %dma_start3A_81 = tpu.memref_slice %arg11[%dma_start3A_79, %dma_start3A_80] : memref<10240x64xf32, #tpu.memory_space<vmem_shared>> -> memref<10240x64xf32, #tpu.memory_space<vmem_shared>>
      tpu.enqueue_indirect_dma source(%dma_start3A_75 : memref<128x64xf32, #tpu.memory_space<vmem>>) target(%dma_start3A_81 : memref<10240x64xf32, #tpu.memory_space<vmem_shared>>) offsets(%dma_start3A_78 : memref<128xi32, #tpu.memory_space<vmem>>) semaphore(%run_scoped3A_71 : memref<!tpu.dma_semaphore, #tpu.memory_space<semaphore_mem>>) {add = true}
      %dma_wait3A = arith.constant 0 : i32
      %dma_wait3A_82 = arith.constant 0 : i32
      %dma_wait3A_83 = tpu.memref_slice %arg9[%run_scoped3A_60, %dma_wait3A, %dma_wait3A_82] : memref<3x128x64xf32, #tpu.memory_space<vmem>> -> memref<1x128x64xf32, #tpu.memory_space<vmem>>
      %dma_wait3A_84 = tpu.memref_squeeze %dma_wait3A_83 : memref<1x128x64xf32, #tpu.memory_space<vmem>> -> memref<128x64xf32, #tpu.memory_space<vmem>>
      %dma_wait3A_85 = arith.constant 0 : i32
      %dma_wait3A_86 = tpu.memref_slice %arg8[%run_scoped3A_61, %dma_wait3A_85] : memref<158x128xi32, #tpu.memory_space<vmem>> -> memref<1x128xi32, #tpu.memory_space<vmem>>
      %dma_wait3A_87 = tpu.memref_squeeze %dma_wait3A_86 : memref<1x128xi32, #tpu.memory_space<vmem>> -> memref<128xi32, #tpu.memory_space<vmem>>
      %dma_wait3A_88 = arith.constant 0 : i32
      %dma_wait3A_89 = arith.constant 0 : i32
      %dma_wait3A_90 = tpu.memref_slice %arg11[%dma_wait3A_88, %dma_wait3A_89] : memref<10240x64xf32, #tpu.memory_space<vmem_shared>> -> memref<10240x64xf32, #tpu.memory_space<vmem_shared>>
      tpu.wait_indirect_dma semaphore(%run_scoped3A_71 : memref<!tpu.dma_semaphore, #tpu.memory_space<semaphore_mem>>) src(%dma_wait3A_84 : memref<128x64xf32, #tpu.memory_space<vmem>>) dst(%dma_wait3A_90 : memref<10240x64xf32, #tpu.memory_space<vmem_shared>>)
      tpu.yield
    }) : () -> ()
    %barrier3A_62 = arith.constant 0 : index
    tpu.barrier barrier_id(%barrier3A_62)
    %mul3A_63 = arith.constant 640 : i32
    %mul3A_64 = arith.muli %arg1, %mul3A_63 : i32
    %add3A_65 = arith.constant 0 : i32
    %add3A_66 = arith.addi %mul3A_64, %add3A_65 : i32
    "tpu.region"() ({
      %run_scoped3A_71 = tpu.sem_alloc : memref<!tpu.dma_semaphore, #tpu.memory_space<semaphore_mem>>
      %dma_start3A_72 = arith.constant 0 : i32
      %dma_start3A_73 = tpu.memref_slice %arg11[%add3A_66, %dma_start3A_72] : memref<10240x64xf32, #tpu.memory_space<vmem_shared>> -> memref<320x64xf32, #tpu.memory_space<vmem_shared>>
      %dma_start3A_74 = arith.constant 0 : i32
      %dma_start3A_75 = tpu.memref_slice %arg11[%add3A_66, %dma_start3A_74] : memref<10240x64xf32, #tpu.memory_space<vmem_shared>> -> memref<320x64xf32, #tpu.memory_space<vmem_shared>>
      tpu.enqueue_dma source(%dma_start3A_75 : memref<320x64xf32, #tpu.memory_space<vmem_shared>>) target(%arg10 : memref<320x64xf32, #tpu.memory_space<vmem>>) target_semaphore(%run_scoped3A_71 : memref<!tpu.dma_semaphore, #tpu.memory_space<semaphore_mem>>)
      %dma_wait3A = arith.constant 0 : i32
      %dma_wait3A_76 = tpu.memref_slice %arg11[%add3A_66, %dma_wait3A] : memref<10240x64xf32, #tpu.memory_space<vmem_shared>> -> memref<320x64xf32, #tpu.memory_space<vmem_shared>>
      %dma_wait3A_77 = arith.constant 0 : i32
      %dma_wait3A_78 = tpu.memref_slice %arg11[%add3A_66, %dma_wait3A_77] : memref<10240x64xf32, #tpu.memory_space<vmem_shared>> -> memref<320x64xf32, #tpu.memory_space<vmem_shared>>
      tpu.wait_dma2 semaphore(%run_scoped3A_71 : memref<!tpu.dma_semaphore, #tpu.memory_space<semaphore_mem>>) src(%dma_wait3A_78 : memref<320x64xf32, #tpu.memory_space<vmem_shared>>) dst(%arg10 : memref<320x64xf32, #tpu.memory_space<vmem>>)
      tpu.yield
    }) : () -> ()
    "tpu.region"() ({
      %run_scoped3A_71 = tpu.sem_alloc : memref<!tpu.dma_semaphore, #tpu.memory_space<semaphore_mem>>
      %dma_start3A_72 = arith.constant 0 : i32
      %dma_start3A_73 = tpu.memref_slice %arg6[%add3A_66, %arg0, %dma_start3A_72] : memref<10240x2x64xf32, #tpu.memory_space<hbm>> -> memref<320x1x64xf32, #tpu.memory_space<hbm>>
      %dma_start3A_74 = tpu.memref_squeeze %dma_start3A_73 : memref<320x1x64xf32, #tpu.memory_space<hbm>> -> memref<320x64xf32, #tpu.memory_space<hbm>>
      %dma_start3A_75 = arith.constant 0 : i32
      %dma_start3A_76 = tpu.memref_slice %arg6[%add3A_66, %arg0, %dma_start3A_75] : memref<10240x2x64xf32, #tpu.memory_space<hbm>> -> memref<320x1x64xf32, #tpu.memory_space<hbm>>
      %dma_start3A_77 = tpu.memref_squeeze %dma_start3A_76 : memref<320x1x64xf32, #tpu.memory_space<hbm>> -> memref<320x64xf32, #tpu.memory_space<hbm>>
      tpu.enqueue_dma source(%arg10 : memref<320x64xf32, #tpu.memory_space<vmem>>) target(%dma_start3A_77 : memref<320x64xf32, #tpu.memory_space<hbm>>) target_semaphore(%run_scoped3A_71 : memref<!tpu.dma_semaphore, #tpu.memory_space<semaphore_mem>>)
      %dma_wait3A = arith.constant 0 : i32
      %dma_wait3A_78 = tpu.memref_slice %arg6[%add3A_66, %arg0, %dma_wait3A] : memref<10240x2x64xf32, #tpu.memory_space<hbm>> -> memref<320x1x64xf32, #tpu.memory_space<hbm>>
      %dma_wait3A_79 = tpu.memref_squeeze %dma_wait3A_78 : memref<320x1x64xf32, #tpu.memory_space<hbm>> -> memref<320x64xf32, #tpu.memory_space<hbm>>
      %dma_wait3A_80 = arith.constant 0 : i32
      %dma_wait3A_81 = tpu.memref_slice %arg6[%add3A_66, %arg0, %dma_wait3A_80] : memref<10240x2x64xf32, #tpu.memory_space<hbm>> -> memref<320x1x64xf32, #tpu.memory_space<hbm>>
      %dma_wait3A_82 = tpu.memref_squeeze %dma_wait3A_81 : memref<320x1x64xf32, #tpu.memory_space<hbm>> -> memref<320x64xf32, #tpu.memory_space<hbm>>
      tpu.wait_dma2 semaphore(%run_scoped3A_71 : memref<!tpu.dma_semaphore, #tpu.memory_space<semaphore_mem>>) src(%arg10 : memref<320x64xf32, #tpu.memory_space<vmem>>) dst(%dma_wait3A_82 : memref<320x64xf32, #tpu.memory_space<hbm>>)
      tpu.yield
    }) : () -> ()
    %mul3A_67 = arith.constant 640 : i32
    %mul3A_68 = arith.muli %arg1, %mul3A_67 : i32
    %add3A_69 = arith.constant 320 : i32
    %add3A_70 = arith.addi %mul3A_68, %add3A_69 : i32
    "tpu.region"() ({
      %run_scoped3A_71 = tpu.sem_alloc : memref<!tpu.dma_semaphore, #tpu.memory_space<semaphore_mem>>
      %dma_start3A_72 = arith.constant 0 : i32
      %dma_start3A_73 = tpu.memref_slice %arg11[%add3A_70, %dma_start3A_72] : memref<10240x64xf32, #tpu.memory_space<vmem_shared>> -> memref<320x64xf32, #tpu.memory_space<vmem_shared>>
      %dma_start3A_74 = arith.constant 0 : i32
      %dma_start3A_75 = tpu.memref_slice %arg11[%add3A_70, %dma_start3A_74] : memref<10240x64xf32, #tpu.memory_space<vmem_shared>> -> memref<320x64xf32, #tpu.memory_space<vmem_shared>>
      tpu.enqueue_dma source(%dma_start3A_75 : memref<320x64xf32, #tpu.memory_space<vmem_shared>>) target(%arg10 : memref<320x64xf32, #tpu.memory_space<vmem>>) target_semaphore(%run_scoped3A_71 : memref<!tpu.dma_semaphore, #tpu.memory_space<semaphore_mem>>)
      %dma_wait3A = arith.constant 0 : i32
      %dma_wait3A_76 = tpu.memref_slice %arg11[%add3A_70, %dma_wait3A] : memref<10240x64xf32, #tpu.memory_space<vmem_shared>> -> memref<320x64xf32, #tpu.memory_space<vmem_shared>>
      %dma_wait3A_77 = arith.constant 0 : i32
      %dma_wait3A_78 = tpu.memref_slice %arg11[%add3A_70, %dma_wait3A_77] : memref<10240x64xf32, #tpu.memory_space<vmem_shared>> -> memref<320x64xf32, #tpu.memory_space<vmem_shared>>
      tpu.wait_dma2 semaphore(%run_scoped3A_71 : memref<!tpu.dma_semaphore, #tpu.memory_space<semaphore_mem>>) src(%dma_wait3A_78 : memref<320x64xf32, #tpu.memory_space<vmem_shared>>) dst(%arg10 : memref<320x64xf32, #tpu.memory_space<vmem>>)
      tpu.yield
    }) : () -> ()
    "tpu.region"() ({
      %run_scoped3A_71 = tpu.sem_alloc : memref<!tpu.dma_semaphore, #tpu.memory_space<semaphore_mem>>
      %dma_start3A_72 = arith.constant 0 : i32
      %dma_start3A_73 = tpu.memref_slice %arg6[%add3A_70, %arg0, %dma_start3A_72] : memref<10240x2x64xf32, #tpu.memory_space<hbm>> -> memref<320x1x64xf32, #tpu.memory_space<hbm>>
      %dma_start3A_74 = tpu.memref_squeeze %dma_start3A_73 : memref<320x1x64xf32, #tpu.memory_space<hbm>> -> memref<320x64xf32, #tpu.memory_space<hbm>>
      %dma_start3A_75 = arith.constant 0 : i32
      %dma_start3A_76 = tpu.memref_slice %arg6[%add3A_70, %arg0, %dma_start3A_75] : memref<10240x2x64xf32, #tpu.memory_space<hbm>> -> memref<320x1x64xf32, #tpu.memory_space<hbm>>
      %dma_start3A_77 = tpu.memref_squeeze %dma_start3A_76 : memref<320x1x64xf32, #tpu.memory_space<hbm>> -> memref<320x64xf32, #tpu.memory_space<hbm>>
      tpu.enqueue_dma source(%arg10 : memref<320x64xf32, #tpu.memory_space<vmem>>) target(%dma_start3A_77 : memref<320x64xf32, #tpu.memory_space<hbm>>) target_semaphore(%run_scoped3A_71 : memref<!tpu.dma_semaphore, #tpu.memory_space<semaphore_mem>>)
      %dma_wait3A = arith.constant 0 : i32
      %dma_wait3A_78 = tpu.memref_slice %arg6[%add3A_70, %arg0, %dma_wait3A] : memref<10240x2x64xf32, #tpu.memory_space<hbm>> -> memref<320x1x64xf32, #tpu.memory_space<hbm>>
      %dma_wait3A_79 = tpu.memref_squeeze %dma_wait3A_78 : memref<320x1x64xf32, #tpu.memory_space<hbm>> -> memref<320x64xf32, #tpu.memory_space<hbm>>
      %dma_wait3A_80 = arith.constant 0 : i32
      %dma_wait3A_81 = tpu.memref_slice %arg6[%add3A_70, %arg0, %dma_wait3A_80] : memref<10240x2x64xf32, #tpu.memory_space<hbm>> -> memref<320x1x64xf32, #tpu.memory_space<hbm>>
      %dma_wait3A_82 = tpu.memref_squeeze %dma_wait3A_81 : memref<320x1x64xf32, #tpu.memory_space<hbm>> -> memref<320x64xf32, #tpu.memory_space<hbm>>
      tpu.wait_dma2 semaphore(%run_scoped3A_71 : memref<!tpu.dma_semaphore, #tpu.memory_space<semaphore_mem>>) src(%arg10 : memref<320x64xf32, #tpu.memory_space<vmem>>) dst(%dma_wait3A_82 : memref<320x64xf32, #tpu.memory_space<hbm>>)
      tpu.yield
    }) : () -> ()
    return
  }
}

#map = affine_map<(d0, d1) -> (0, 0, 0, 0)>
#map1 = affine_map<(d0, d1) -> (0, 0, 0)>
#map2 = affine_map<(d0, d1) -> (0, 0)>
module attributes {stable_mosaic.version = 14 : i64} {
  func.func @_agg_call(%arg0: i32, %arg1: i32, %arg2: memref<2x16x158x128xi32, #tpu.memory_space<hbm>>, %arg3: memref<16x158x128xi32, #tpu.memory_space<hbm>>, %arg4: memref<20480x64xf32, #tpu.memory_space<hbm>>, %arg5: memref<320x64xf32, #tpu.memory_space<hbm>>, %arg6: memref<10240x2x64xf32, #tpu.memory_space<hbm>>, %arg7: memref<158x128xi32, #tpu.memory_space<vmem>>, %arg8: memref<158x128xi32, #tpu.memory_space<vmem>>, %arg9: memref<3x128x64xf32, #tpu.memory_space<vmem>>, %arg10: memref<320x64xf32, #tpu.memory_space<vmem>>, %arg11: memref<10240x64xf32, #tpu.memory_space<vmem_shared>>, %arg12: memref<3x!tpu.dma_semaphore, #tpu.memory_space<semaphore_mem>>) attributes {dimension_semantics = [#tpu.dimension_semantics<core_parallel>, #tpu.dimension_semantics<subcore_parallel>], iteration_bounds = array<i64: 2, 16>, scalar_prefetch = 0 : i64, scratch_operands = 6 : i64, tpu.core_type = #tpu.core_type<sc_vector_subcore>, window_params = [{transform_indices = #map}, {transform_indices = #map1}, {transform_indices = #map2}, {transform_indices = #map2}, {transform_indices = #map1}]} {
    "tpu.region"() ({
      %run_scoped3A_71 = tpu.sem_alloc : memref<!tpu.dma_semaphore, #tpu.memory_space<semaphore_mem>>
      %dma_start3A_72 = arith.constant 0 : i32
      %dma_start3A_73 = arith.constant 0 : i32
      %dma_start3A_74 = tpu.memref_slice %arg2[%arg0, %arg1, %dma_start3A_72, %dma_start3A_73] : memref<2x16x158x128xi32, #tpu.memory_space<hbm>> -> memref<1x1x158x128xi32, #tpu.memory_space<hbm>>
      %dma_start3A_75 = tpu.memref_squeeze %dma_start3A_74 : memref<1x1x158x128xi32, #tpu.memory_space<hbm>> -> memref<158x128xi32, #tpu.memory_space<hbm>>
      %dma_start3A_76 = arith.constant 0 : i32
      %dma_start3A_77 = arith.constant 0 : i32
      %dma_start3A_78 = tpu.memref_slice %arg2[%arg0, %arg1, %dma_start3A_76, %dma_start3A_77] : memref<2x16x158x128xi32, #tpu.memory_space<hbm>> -> memref<1x1x158x128xi32, #tpu.memory_space<hbm>>
      %dma_start3A_79 = tpu.memref_squeeze %dma_start3A_78 : memref<1x1x158x128xi32, #tpu.memory_space<hbm>> -> memref<158x128xi32, #tpu.memory_space<hbm>>
      tpu.enqueue_dma source(%dma_start3A_79 : memref<158x128xi32, #tpu.memory_space<hbm>>) target(%arg7 : memref<158x128xi32, #tpu.memory_space<vmem>>) target_semaphore(%run_scoped3A_71 : memref<!tpu.dma_semaphore, #tpu.memory_space<semaphore_mem>>)
      %dma_wait3A = arith.constant 0 : i32
      %dma_wait3A_80 = arith.constant 0 : i32
      %dma_wait3A_81 = tpu.memref_slice %arg2[%arg0, %arg1, %dma_wait3A, %dma_wait3A_80] : memref<2x16x158x128xi32, #tpu.memory_space<hbm>> -> memref<1x1x158x128xi32, #tpu.memory_space<hbm>>
      %dma_wait3A_82 = tpu.memref_squeeze %dma_wait3A_81 : memref<1x1x158x128xi32, #tpu.memory_space<hbm>> -> memref<158x128xi32, #tpu.memory_space<hbm>>
      %dma_wait3A_83 = arith.constant 0 : i32
      %dma_wait3A_84 = arith.constant 0 : i32
      %dma_wait3A_85 = tpu.memref_slice %arg2[%arg0, %arg1, %dma_wait3A_83, %dma_wait3A_84] : memref<2x16x158x128xi32, #tpu.memory_space<hbm>> -> memref<1x1x158x128xi32, #tpu.memory_space<hbm>>
      %dma_wait3A_86 = tpu.memref_squeeze %dma_wait3A_85 : memref<1x1x158x128xi32, #tpu.memory_space<hbm>> -> memref<158x128xi32, #tpu.memory_space<hbm>>
      tpu.wait_dma2 semaphore(%run_scoped3A_71 : memref<!tpu.dma_semaphore, #tpu.memory_space<semaphore_mem>>) src(%dma_wait3A_86 : memref<158x128xi32, #tpu.memory_space<hbm>>) dst(%arg7 : memref<158x128xi32, #tpu.memory_space<vmem>>)
      tpu.yield
    }) : () -> ()
    "tpu.region"() ({
      %run_scoped3A_71 = tpu.sem_alloc : memref<!tpu.dma_semaphore, #tpu.memory_space<semaphore_mem>>
      %dma_start3A_72 = arith.constant 0 : i32
      %dma_start3A_73 = arith.constant 0 : i32
      %dma_start3A_74 = tpu.memref_slice %arg3[%arg1, %dma_start3A_72, %dma_start3A_73] : memref<16x158x128xi32, #tpu.memory_space<hbm>> -> memref<1x158x128xi32, #tpu.memory_space<hbm>>
      %dma_start3A_75 = tpu.memref_squeeze %dma_start3A_74 : memref<1x158x128xi32, #tpu.memory_space<hbm>> -> memref<158x128xi32, #tpu.memory_space<hbm>>
      %dma_start3A_76 = arith.constant 0 : i32
      %dma_start3A_77 = arith.constant 0 : i32
      %dma_start3A_78 = tpu.memref_slice %arg3[%arg1, %dma_start3A_76, %dma_start3A_77] : memref<16x158x128xi32, #tpu.memory_space<hbm>> -> memref<1x158x128xi32, #tpu.memory_space<hbm>>
      %dma_start3A_79 = tpu.memref_squeeze %dma_start3A_78 : memref<1x158x128xi32, #tpu.memory_space<hbm>> -> memref<158x128xi32, #tpu.memory_space<hbm>>
      tpu.enqueue_dma source(%dma_start3A_79 : memref<158x128xi32, #tpu.memory_space<hbm>>) target(%arg8 : memref<158x128xi32, #tpu.memory_space<vmem>>) target_semaphore(%run_scoped3A_71 : memref<!tpu.dma_semaphore, #tpu.memory_space<semaphore_mem>>)
      %dma_wait3A = arith.constant 0 : i32
      %dma_wait3A_80 = arith.constant 0 : i32
      %dma_wait3A_81 = tpu.memref_slice %arg3[%arg1, %dma_wait3A, %dma_wait3A_80] : memref<16x158x128xi32, #tpu.memory_space<hbm>> -> memref<1x158x128xi32, #tpu.memory_space<hbm>>
      %dma_wait3A_82 = tpu.memref_squeeze %dma_wait3A_81 : memref<1x158x128xi32, #tpu.memory_space<hbm>> -> memref<158x128xi32, #tpu.memory_space<hbm>>
      %dma_wait3A_83 = arith.constant 0 : i32
      %dma_wait3A_84 = arith.constant 0 : i32
      %dma_wait3A_85 = tpu.memref_slice %arg3[%arg1, %dma_wait3A_83, %dma_wait3A_84] : memref<16x158x128xi32, #tpu.memory_space<hbm>> -> memref<1x158x128xi32, #tpu.memory_space<hbm>>
      %dma_wait3A_86 = tpu.memref_squeeze %dma_wait3A_85 : memref<1x158x128xi32, #tpu.memory_space<hbm>> -> memref<158x128xi32, #tpu.memory_space<hbm>>
      tpu.wait_dma2 semaphore(%run_scoped3A_71 : memref<!tpu.dma_semaphore, #tpu.memory_space<semaphore_mem>>) src(%dma_wait3A_86 : memref<158x128xi32, #tpu.memory_space<hbm>>) dst(%arg8 : memref<158x128xi32, #tpu.memory_space<vmem>>)
      tpu.yield
    }) : () -> ()
    "tpu.region"() ({
      %run_scoped3A_71 = tpu.sem_alloc : memref<!tpu.dma_semaphore, #tpu.memory_space<semaphore_mem>>
      tpu.enqueue_dma source(%arg5 : memref<320x64xf32, #tpu.memory_space<hbm>>) target(%arg10 : memref<320x64xf32, #tpu.memory_space<vmem>>) target_semaphore(%run_scoped3A_71 : memref<!tpu.dma_semaphore, #tpu.memory_space<semaphore_mem>>)
      tpu.wait_dma2 semaphore(%run_scoped3A_71 : memref<!tpu.dma_semaphore, #tpu.memory_space<semaphore_mem>>) src(%arg5 : memref<320x64xf32, #tpu.memory_space<hbm>>) dst(%arg10 : memref<320x64xf32, #tpu.memory_space<vmem>>)
      tpu.yield
    }) : () -> ()
    %mul3A = arith.constant 640 : i32
    %mul3A_0 = arith.muli %arg1, %mul3A : i32
    %add3A = arith.constant 0 : i32
    %add3A_1 = arith.addi %mul3A_0, %add3A : i32
    "tpu.region"() ({
      %run_scoped3A_71 = tpu.sem_alloc : memref<!tpu.dma_semaphore, #tpu.memory_space<semaphore_mem>>
      %dma_start3A_72 = arith.constant 0 : i32
      %dma_start3A_73 = tpu.memref_slice %arg11[%add3A_1, %dma_start3A_72] : memref<10240x64xf32, #tpu.memory_space<vmem_shared>> -> memref<320x64xf32, #tpu.memory_space<vmem_shared>>
      %dma_start3A_74 = arith.constant 0 : i32
      %dma_start3A_75 = tpu.memref_slice %arg11[%add3A_1, %dma_start3A_74] : memref<10240x64xf32, #tpu.memory_space<vmem_shared>> -> memref<320x64xf32, #tpu.memory_space<vmem_shared>>
      tpu.enqueue_dma source(%arg10 : memref<320x64xf32, #tpu.memory_space<vmem>>) target(%dma_start3A_75 : memref<320x64xf32, #tpu.memory_space<vmem_shared>>) target_semaphore(%run_scoped3A_71 : memref<!tpu.dma_semaphore, #tpu.memory_space<semaphore_mem>>)
      %dma_wait3A = arith.constant 0 : i32
      %dma_wait3A_76 = tpu.memref_slice %arg11[%add3A_1, %dma_wait3A] : memref<10240x64xf32, #tpu.memory_space<vmem_shared>> -> memref<320x64xf32, #tpu.memory_space<vmem_shared>>
      %dma_wait3A_77 = arith.constant 0 : i32
      %dma_wait3A_78 = tpu.memref_slice %arg11[%add3A_1, %dma_wait3A_77] : memref<10240x64xf32, #tpu.memory_space<vmem_shared>> -> memref<320x64xf32, #tpu.memory_space<vmem_shared>>
      tpu.wait_dma2 semaphore(%run_scoped3A_71 : memref<!tpu.dma_semaphore, #tpu.memory_space<semaphore_mem>>) src(%arg10 : memref<320x64xf32, #tpu.memory_space<vmem>>) dst(%dma_wait3A_78 : memref<320x64xf32, #tpu.memory_space<vmem_shared>>)
      tpu.yield
    }) : () -> ()
    %mul3A_2 = arith.constant 640 : i32
    %mul3A_3 = arith.muli %arg1, %mul3A_2 : i32
    %add3A_4 = arith.constant 320 : i32
    %add3A_5 = arith.addi %mul3A_3, %add3A_4 : i32
    "tpu.region"() ({
      %run_scoped3A_71 = tpu.sem_alloc : memref<!tpu.dma_semaphore, #tpu.memory_space<semaphore_mem>>
      %dma_start3A_72 = arith.constant 0 : i32
      %dma_start3A_73 = tpu.memref_slice %arg11[%add3A_5, %dma_start3A_72] : memref<10240x64xf32, #tpu.memory_space<vmem_shared>> -> memref<320x64xf32, #tpu.memory_space<vmem_shared>>
      %dma_start3A_74 = arith.constant 0 : i32
      %dma_start3A_75 = tpu.memref_slice %arg11[%add3A_5, %dma_start3A_74] : memref<10240x64xf32, #tpu.memory_space<vmem_shared>> -> memref<320x64xf32, #tpu.memory_space<vmem_shared>>
      tpu.enqueue_dma source(%arg10 : memref<320x64xf32, #tpu.memory_space<vmem>>) target(%dma_start3A_75 : memref<320x64xf32, #tpu.memory_space<vmem_shared>>) target_semaphore(%run_scoped3A_71 : memref<!tpu.dma_semaphore, #tpu.memory_space<semaphore_mem>>)
      %dma_wait3A = arith.constant 0 : i32
      %dma_wait3A_76 = tpu.memref_slice %arg11[%add3A_5, %dma_wait3A] : memref<10240x64xf32, #tpu.memory_space<vmem_shared>> -> memref<320x64xf32, #tpu.memory_space<vmem_shared>>
      %dma_wait3A_77 = arith.constant 0 : i32
      %dma_wait3A_78 = tpu.memref_slice %arg11[%add3A_5, %dma_wait3A_77] : memref<10240x64xf32, #tpu.memory_space<vmem_shared>> -> memref<320x64xf32, #tpu.memory_space<vmem_shared>>
      tpu.wait_dma2 semaphore(%run_scoped3A_71 : memref<!tpu.dma_semaphore, #tpu.memory_space<semaphore_mem>>) src(%arg10 : memref<320x64xf32, #tpu.memory_space<vmem>>) dst(%dma_wait3A_78 : memref<320x64xf32, #tpu.memory_space<vmem_shared>>)
      tpu.yield
    }) : () -> ()
    %barrier3A = arith.constant 0 : index
    tpu.barrier barrier_id(%barrier3A)
    %dma_start3A = arith.constant 0 : i32
    %dma_start3A_6 = arith.constant 0 : i32
    %dma_start3A_7 = arith.constant 0 : i32
    %dma_start3A_8 = arith.constant 0 : i32
    %dma_start3A_9 = arith.constant 0 : i32
    %dma_start3A_10 = tpu.memref_slice %arg9[%dma_start3A_6, %dma_start3A_8, %dma_start3A_9] : memref<3x128x64xf32, #tpu.memory_space<vmem>> -> memref<1x128x64xf32, #tpu.memory_space<vmem>>
    %dma_start3A_11 = tpu.memref_squeeze %dma_start3A_10 : memref<1x128x64xf32, #tpu.memory_space<vmem>> -> memref<128x64xf32, #tpu.memory_space<vmem>>
    %dma_start3A_12 = arith.constant 0 : i32
    %dma_start3A_13 = tpu.memref_slice %arg7[%dma_start3A, %dma_start3A_12] : memref<158x128xi32, #tpu.memory_space<vmem>> -> memref<1x128xi32, #tpu.memory_space<vmem>>
    %dma_start3A_14 = tpu.memref_squeeze %dma_start3A_13 : memref<1x128xi32, #tpu.memory_space<vmem>> -> memref<128xi32, #tpu.memory_space<vmem>>
    %dma_start3A_15 = arith.constant 0 : i32
    %dma_start3A_16 = arith.constant 0 : i32
    %dma_start3A_17 = tpu.memref_slice %arg4[%dma_start3A_15, %dma_start3A_16] : memref<20480x64xf32, #tpu.memory_space<hbm>> -> memref<20480x64xf32, #tpu.memory_space<hbm>>
    %dma_start3A_18 = tpu.memref_slice %arg12[%dma_start3A_7] : memref<3x!tpu.dma_semaphore, #tpu.memory_space<semaphore_mem>> -> memref<1x!tpu.dma_semaphore, #tpu.memory_space<semaphore_mem>>
    %dma_start3A_19 = tpu.memref_squeeze %dma_start3A_18 : memref<1x!tpu.dma_semaphore, #tpu.memory_space<semaphore_mem>> -> memref<!tpu.dma_semaphore, #tpu.memory_space<semaphore_mem>>
    tpu.enqueue_indirect_dma source(%dma_start3A_17 : memref<20480x64xf32, #tpu.memory_space<hbm>>) target(%dma_start3A_11 : memref<128x64xf32, #tpu.memory_space<vmem>>) offsets(%dma_start3A_14 : memref<128xi32, #tpu.memory_space<vmem>>) semaphore(%dma_start3A_19 : memref<!tpu.dma_semaphore, #tpu.memory_space<semaphore_mem>>)
    %dma_start3A_20 = arith.constant 1 : i32
    %dma_start3A_21 = arith.constant 1 : i32
    %dma_start3A_22 = arith.constant 1 : i32
    %dma_start3A_23 = arith.constant 0 : i32
    %dma_start3A_24 = arith.constant 0 : i32
    %dma_start3A_25 = tpu.memref_slice %arg9[%dma_start3A_21, %dma_start3A_23, %dma_start3A_24] : memref<3x128x64xf32, #tpu.memory_space<vmem>> -> memref<1x128x64xf32, #tpu.memory_space<vmem>>
    %dma_start3A_26 = tpu.memref_squeeze %dma_start3A_25 : memref<1x128x64xf32, #tpu.memory_space<vmem>> -> memref<128x64xf32, #tpu.memory_space<vmem>>
    %dma_start3A_27 = arith.constant 0 : i32
    %dma_start3A_28 = tpu.memref_slice %arg7[%dma_start3A_20, %dma_start3A_27] : memref<158x128xi32, #tpu.memory_space<vmem>> -> memref<1x128xi32, #tpu.memory_space<vmem>>
    %dma_start3A_29 = tpu.memref_squeeze %dma_start3A_28 : memref<1x128xi32, #tpu.memory_space<vmem>> -> memref<128xi32, #tpu.memory_space<vmem>>
    %dma_start3A_30 = arith.constant 0 : i32
    %dma_start3A_31 = arith.constant 0 : i32
    %dma_start3A_32 = tpu.memref_slice %arg4[%dma_start3A_30, %dma_start3A_31] : memref<20480x64xf32, #tpu.memory_space<hbm>> -> memref<20480x64xf32, #tpu.memory_space<hbm>>
    %dma_start3A_33 = tpu.memref_slice %arg12[%dma_start3A_22] : memref<3x!tpu.dma_semaphore, #tpu.memory_space<semaphore_mem>> -> memref<1x!tpu.dma_semaphore, #tpu.memory_space<semaphore_mem>>
    %dma_start3A_34 = tpu.memref_squeeze %dma_start3A_33 : memref<1x!tpu.dma_semaphore, #tpu.memory_space<semaphore_mem>> -> memref<!tpu.dma_semaphore, #tpu.memory_space<semaphore_mem>>
    tpu.enqueue_indirect_dma source(%dma_start3A_32 : memref<20480x64xf32, #tpu.memory_space<hbm>>) target(%dma_start3A_26 : memref<128x64xf32, #tpu.memory_space<vmem>>) offsets(%dma_start3A_29 : memref<128xi32, #tpu.memory_space<vmem>>) semaphore(%dma_start3A_34 : memref<!tpu.dma_semaphore, #tpu.memory_space<semaphore_mem>>)
    %dma_start3A_35 = arith.constant 2 : i32
    %dma_start3A_36 = arith.constant 2 : i32
    %dma_start3A_37 = arith.constant 2 : i32
    %dma_start3A_38 = arith.constant 0 : i32
    %dma_start3A_39 = arith.constant 0 : i32
    %dma_start3A_40 = tpu.memref_slice %arg9[%dma_start3A_36, %dma_start3A_38, %dma_start3A_39] : memref<3x128x64xf32, #tpu.memory_space<vmem>> -> memref<1x128x64xf32, #tpu.memory_space<vmem>>
    %dma_start3A_41 = tpu.memref_squeeze %dma_start3A_40 : memref<1x128x64xf32, #tpu.memory_space<vmem>> -> memref<128x64xf32, #tpu.memory_space<vmem>>
    %dma_start3A_42 = arith.constant 0 : i32
    %dma_start3A_43 = tpu.memref_slice %arg7[%dma_start3A_35, %dma_start3A_42] : memref<158x128xi32, #tpu.memory_space<vmem>> -> memref<1x128xi32, #tpu.memory_space<vmem>>
    %dma_start3A_44 = tpu.memref_squeeze %dma_start3A_43 : memref<1x128xi32, #tpu.memory_space<vmem>> -> memref<128xi32, #tpu.memory_space<vmem>>
    %dma_start3A_45 = arith.constant 0 : i32
    %dma_start3A_46 = arith.constant 0 : i32
    %dma_start3A_47 = tpu.memref_slice %arg4[%dma_start3A_45, %dma_start3A_46] : memref<20480x64xf32, #tpu.memory_space<hbm>> -> memref<20480x64xf32, #tpu.memory_space<hbm>>
    %dma_start3A_48 = tpu.memref_slice %arg12[%dma_start3A_37] : memref<3x!tpu.dma_semaphore, #tpu.memory_space<semaphore_mem>> -> memref<1x!tpu.dma_semaphore, #tpu.memory_space<semaphore_mem>>
    %dma_start3A_49 = tpu.memref_squeeze %dma_start3A_48 : memref<1x!tpu.dma_semaphore, #tpu.memory_space<semaphore_mem>> -> memref<!tpu.dma_semaphore, #tpu.memory_space<semaphore_mem>>
    tpu.enqueue_indirect_dma source(%dma_start3A_47 : memref<20480x64xf32, #tpu.memory_space<hbm>>) target(%dma_start3A_41 : memref<128x64xf32, #tpu.memory_space<vmem>>) offsets(%dma_start3A_44 : memref<128xi32, #tpu.memory_space<vmem>>) semaphore(%dma_start3A_49 : memref<!tpu.dma_semaphore, #tpu.memory_space<semaphore_mem>>)
    %scan3A = arith.constant 0 : i32
    %scan3A_50 = arith.constant 0 : i32
    %scan3A_51 = arith.constant 52 : i32
    %scan3A_52 = arith.addi %scan3A_50, %scan3A_51 : i32
    %scan3A_53 = arith.constant 1 : i32
    scf.for %scan3A_71 = %scan3A_50 to %scan3A_52 step %scan3A_53  : i32 {
      %mul3A_72 = arith.constant 3 : i32
      %mul3A_73 = arith.muli %scan3A_71, %mul3A_72 : i32
      %add3A_74 = arith.constant 0 : i32
      %add3A_75 = arith.addi %mul3A_73, %add3A_74 : i32
      %dma_wait3A = arith.constant 0 : i32
      %dma_wait3A_76 = arith.constant 0 : i32
      %dma_wait3A_77 = arith.constant 0 : i32
      %dma_wait3A_78 = arith.constant 0 : i32
      %dma_wait3A_79 = tpu.memref_slice %arg9[%dma_wait3A, %dma_wait3A_77, %dma_wait3A_78] : memref<3x128x64xf32, #tpu.memory_space<vmem>> -> memref<1x128x64xf32, #tpu.memory_space<vmem>>
      %dma_wait3A_80 = tpu.memref_squeeze %dma_wait3A_79 : memref<1x128x64xf32, #tpu.memory_space<vmem>> -> memref<128x64xf32, #tpu.memory_space<vmem>>
      %dma_wait3A_81 = arith.constant 0 : i32
      %dma_wait3A_82 = tpu.memref_slice %arg7[%add3A_75, %dma_wait3A_81] : memref<158x128xi32, #tpu.memory_space<vmem>> -> memref<1x128xi32, #tpu.memory_space<vmem>>
      %dma_wait3A_83 = tpu.memref_squeeze %dma_wait3A_82 : memref<1x128xi32, #tpu.memory_space<vmem>> -> memref<128xi32, #tpu.memory_space<vmem>>
      %dma_wait3A_84 = arith.constant 0 : i32
      %dma_wait3A_85 = arith.constant 0 : i32
      %dma_wait3A_86 = tpu.memref_slice %arg4[%dma_wait3A_84, %dma_wait3A_85] : memref<20480x64xf32, #tpu.memory_space<hbm>> -> memref<20480x64xf32, #tpu.memory_space<hbm>>
      %dma_wait3A_87 = tpu.memref_slice %arg12[%dma_wait3A_76] : memref<3x!tpu.dma_semaphore, #tpu.memory_space<semaphore_mem>> -> memref<1x!tpu.dma_semaphore, #tpu.memory_space<semaphore_mem>>
      %dma_wait3A_88 = tpu.memref_squeeze %dma_wait3A_87 : memref<1x!tpu.dma_semaphore, #tpu.memory_space<semaphore_mem>> -> memref<!tpu.dma_semaphore, #tpu.memory_space<semaphore_mem>>
      tpu.wait_indirect_dma semaphore(%dma_wait3A_88 : memref<!tpu.dma_semaphore, #tpu.memory_space<semaphore_mem>>) src(%dma_wait3A_86 : memref<20480x64xf32, #tpu.memory_space<hbm>>) dst(%dma_wait3A_80 : memref<128x64xf32, #tpu.memory_space<vmem>>)
      %run_scoped3A_89 = arith.constant 0 : i32
      "tpu.region"() ({
        %run_scoped3A_146 = tpu.sem_alloc : memref<!tpu.dma_semaphore, #tpu.memory_space<semaphore_mem>>
        %dma_start3A_147 = arith.constant 0 : i32
        %dma_start3A_148 = arith.constant 0 : i32
        %dma_start3A_149 = tpu.memref_slice %arg9[%run_scoped3A_89, %dma_start3A_147, %dma_start3A_148] : memref<3x128x64xf32, #tpu.memory_space<vmem>> -> memref<1x128x64xf32, #tpu.memory_space<vmem>>
        %dma_start3A_150 = tpu.memref_squeeze %dma_start3A_149 : memref<1x128x64xf32, #tpu.memory_space<vmem>> -> memref<128x64xf32, #tpu.memory_space<vmem>>
        %dma_start3A_151 = arith.constant 0 : i32
        %dma_start3A_152 = tpu.memref_slice %arg8[%add3A_75, %dma_start3A_151] : memref<158x128xi32, #tpu.memory_space<vmem>> -> memref<1x128xi32, #tpu.memory_space<vmem>>
        %dma_start3A_153 = tpu.memref_squeeze %dma_start3A_152 : memref<1x128xi32, #tpu.memory_space<vmem>> -> memref<128xi32, #tpu.memory_space<vmem>>
        %dma_start3A_154 = arith.constant 0 : i32
        %dma_start3A_155 = arith.constant 0 : i32
        %dma_start3A_156 = tpu.memref_slice %arg11[%dma_start3A_154, %dma_start3A_155] : memref<10240x64xf32, #tpu.memory_space<vmem_shared>> -> memref<10240x64xf32, #tpu.memory_space<vmem_shared>>
        tpu.enqueue_indirect_dma source(%dma_start3A_150 : memref<128x64xf32, #tpu.memory_space<vmem>>) target(%dma_start3A_156 : memref<10240x64xf32, #tpu.memory_space<vmem_shared>>) offsets(%dma_start3A_153 : memref<128xi32, #tpu.memory_space<vmem>>) semaphore(%run_scoped3A_146 : memref<!tpu.dma_semaphore, #tpu.memory_space<semaphore_mem>>) {add = true}
        %dma_wait3A_157 = arith.constant 0 : i32
        %dma_wait3A_158 = arith.constant 0 : i32
        %dma_wait3A_159 = tpu.memref_slice %arg9[%run_scoped3A_89, %dma_wait3A_157, %dma_wait3A_158] : memref<3x128x64xf32, #tpu.memory_space<vmem>> -> memref<1x128x64xf32, #tpu.memory_space<vmem>>
        %dma_wait3A_160 = tpu.memref_squeeze %dma_wait3A_159 : memref<1x128x64xf32, #tpu.memory_space<vmem>> -> memref<128x64xf32, #tpu.memory_space<vmem>>
        %dma_wait3A_161 = arith.constant 0 : i32
        %dma_wait3A_162 = tpu.memref_slice %arg8[%add3A_75, %dma_wait3A_161] : memref<158x128xi32, #tpu.memory_space<vmem>> -> memref<1x128xi32, #tpu.memory_space<vmem>>
        %dma_wait3A_163 = tpu.memref_squeeze %dma_wait3A_162 : memref<1x128xi32, #tpu.memory_space<vmem>> -> memref<128xi32, #tpu.memory_space<vmem>>
        %dma_wait3A_164 = arith.constant 0 : i32
        %dma_wait3A_165 = arith.constant 0 : i32
        %dma_wait3A_166 = tpu.memref_slice %arg11[%dma_wait3A_164, %dma_wait3A_165] : memref<10240x64xf32, #tpu.memory_space<vmem_shared>> -> memref<10240x64xf32, #tpu.memory_space<vmem_shared>>
        tpu.wait_indirect_dma semaphore(%run_scoped3A_146 : memref<!tpu.dma_semaphore, #tpu.memory_space<semaphore_mem>>) src(%dma_wait3A_160 : memref<128x64xf32, #tpu.memory_space<vmem>>) dst(%dma_wait3A_166 : memref<10240x64xf32, #tpu.memory_space<vmem_shared>>)
        tpu.yield
      }) : () -> ()
      %add3A_90 = arith.constant 3 : i32
      %add3A_91 = arith.addi %add3A_75, %add3A_90 : i32
      %lt3A = arith.constant 156 : i32
      %lt3A_92 = arith.cmpi slt, %add3A_91, %lt3A : i32
      %convert_element_type3A = arith.extui %lt3A_92 : i1 to i32
      %cond3A = arith.constant 0 : i32
      %cond3A_93 = arith.cmpi ne, %convert_element_type3A, %cond3A : i32
      scf.if %cond3A_93 {
        %add3A_146 = arith.constant 3 : i32
        %add3A_147 = arith.addi %add3A_75, %add3A_146 : i32
        %dma_start3A_148 = arith.constant 0 : i32
        %dma_start3A_149 = arith.constant 0 : i32
        %dma_start3A_150 = arith.constant 0 : i32
        %dma_start3A_151 = arith.constant 0 : i32
        %dma_start3A_152 = tpu.memref_slice %arg9[%dma_start3A_148, %dma_start3A_150, %dma_start3A_151] : memref<3x128x64xf32, #tpu.memory_space<vmem>> -> memref<1x128x64xf32, #tpu.memory_space<vmem>>
        %dma_start3A_153 = tpu.memref_squeeze %dma_start3A_152 : memref<1x128x64xf32, #tpu.memory_space<vmem>> -> memref<128x64xf32, #tpu.memory_space<vmem>>
        %dma_start3A_154 = arith.constant 0 : i32
        %dma_start3A_155 = tpu.memref_slice %arg7[%add3A_147, %dma_start3A_154] : memref<158x128xi32, #tpu.memory_space<vmem>> -> memref<1x128xi32, #tpu.memory_space<vmem>>
        %dma_start3A_156 = tpu.memref_squeeze %dma_start3A_155 : memref<1x128xi32, #tpu.memory_space<vmem>> -> memref<128xi32, #tpu.memory_space<vmem>>
        %dma_start3A_157 = arith.constant 0 : i32
        %dma_start3A_158 = arith.constant 0 : i32
        %dma_start3A_159 = tpu.memref_slice %arg4[%dma_start3A_157, %dma_start3A_158] : memref<20480x64xf32, #tpu.memory_space<hbm>> -> memref<20480x64xf32, #tpu.memory_space<hbm>>
        %dma_start3A_160 = tpu.memref_slice %arg12[%dma_start3A_149] : memref<3x!tpu.dma_semaphore, #tpu.memory_space<semaphore_mem>> -> memref<1x!tpu.dma_semaphore, #tpu.memory_space<semaphore_mem>>
        %dma_start3A_161 = tpu.memref_squeeze %dma_start3A_160 : memref<1x!tpu.dma_semaphore, #tpu.memory_space<semaphore_mem>> -> memref<!tpu.dma_semaphore, #tpu.memory_space<semaphore_mem>>
        tpu.enqueue_indirect_dma source(%dma_start3A_159 : memref<20480x64xf32, #tpu.memory_space<hbm>>) target(%dma_start3A_153 : memref<128x64xf32, #tpu.memory_space<vmem>>) offsets(%dma_start3A_156 : memref<128xi32, #tpu.memory_space<vmem>>) semaphore(%dma_start3A_161 : memref<!tpu.dma_semaphore, #tpu.memory_space<semaphore_mem>>)
      } else {
      }
      %mul3A_94 = arith.constant 3 : i32
      %mul3A_95 = arith.muli %scan3A_71, %mul3A_94 : i32
      %add3A_96 = arith.constant 1 : i32
      %add3A_97 = arith.addi %mul3A_95, %add3A_96 : i32
      %dma_wait3A_98 = arith.constant 1 : i32
      %dma_wait3A_99 = arith.constant 1 : i32
      %dma_wait3A_100 = arith.constant 0 : i32
      %dma_wait3A_101 = arith.constant 0 : i32
      %dma_wait3A_102 = tpu.memref_slice %arg9[%dma_wait3A_98, %dma_wait3A_100, %dma_wait3A_101] : memref<3x128x64xf32, #tpu.memory_space<vmem>> -> memref<1x128x64xf32, #tpu.memory_space<vmem>>
      %dma_wait3A_103 = tpu.memref_squeeze %dma_wait3A_102 : memref<1x128x64xf32, #tpu.memory_space<vmem>> -> memref<128x64xf32, #tpu.memory_space<vmem>>
      %dma_wait3A_104 = arith.constant 0 : i32
      %dma_wait3A_105 = tpu.memref_slice %arg7[%add3A_97, %dma_wait3A_104] : memref<158x128xi32, #tpu.memory_space<vmem>> -> memref<1x128xi32, #tpu.memory_space<vmem>>
      %dma_wait3A_106 = tpu.memref_squeeze %dma_wait3A_105 : memref<1x128xi32, #tpu.memory_space<vmem>> -> memref<128xi32, #tpu.memory_space<vmem>>
      %dma_wait3A_107 = arith.constant 0 : i32
      %dma_wait3A_108 = arith.constant 0 : i32
      %dma_wait3A_109 = tpu.memref_slice %arg4[%dma_wait3A_107, %dma_wait3A_108] : memref<20480x64xf32, #tpu.memory_space<hbm>> -> memref<20480x64xf32, #tpu.memory_space<hbm>>
      %dma_wait3A_110 = tpu.memref_slice %arg12[%dma_wait3A_99] : memref<3x!tpu.dma_semaphore, #tpu.memory_space<semaphore_mem>> -> memref<1x!tpu.dma_semaphore, #tpu.memory_space<semaphore_mem>>
      %dma_wait3A_111 = tpu.memref_squeeze %dma_wait3A_110 : memref<1x!tpu.dma_semaphore, #tpu.memory_space<semaphore_mem>> -> memref<!tpu.dma_semaphore, #tpu.memory_space<semaphore_mem>>
      tpu.wait_indirect_dma semaphore(%dma_wait3A_111 : memref<!tpu.dma_semaphore, #tpu.memory_space<semaphore_mem>>) src(%dma_wait3A_109 : memref<20480x64xf32, #tpu.memory_space<hbm>>) dst(%dma_wait3A_103 : memref<128x64xf32, #tpu.memory_space<vmem>>)
      %run_scoped3A_112 = arith.constant 1 : i32
      "tpu.region"() ({
        %run_scoped3A_146 = tpu.sem_alloc : memref<!tpu.dma_semaphore, #tpu.memory_space<semaphore_mem>>
        %dma_start3A_147 = arith.constant 0 : i32
        %dma_start3A_148 = arith.constant 0 : i32
        %dma_start3A_149 = tpu.memref_slice %arg9[%run_scoped3A_112, %dma_start3A_147, %dma_start3A_148] : memref<3x128x64xf32, #tpu.memory_space<vmem>> -> memref<1x128x64xf32, #tpu.memory_space<vmem>>
        %dma_start3A_150 = tpu.memref_squeeze %dma_start3A_149 : memref<1x128x64xf32, #tpu.memory_space<vmem>> -> memref<128x64xf32, #tpu.memory_space<vmem>>
        %dma_start3A_151 = arith.constant 0 : i32
        %dma_start3A_152 = tpu.memref_slice %arg8[%add3A_97, %dma_start3A_151] : memref<158x128xi32, #tpu.memory_space<vmem>> -> memref<1x128xi32, #tpu.memory_space<vmem>>
        %dma_start3A_153 = tpu.memref_squeeze %dma_start3A_152 : memref<1x128xi32, #tpu.memory_space<vmem>> -> memref<128xi32, #tpu.memory_space<vmem>>
        %dma_start3A_154 = arith.constant 0 : i32
        %dma_start3A_155 = arith.constant 0 : i32
        %dma_start3A_156 = tpu.memref_slice %arg11[%dma_start3A_154, %dma_start3A_155] : memref<10240x64xf32, #tpu.memory_space<vmem_shared>> -> memref<10240x64xf32, #tpu.memory_space<vmem_shared>>
        tpu.enqueue_indirect_dma source(%dma_start3A_150 : memref<128x64xf32, #tpu.memory_space<vmem>>) target(%dma_start3A_156 : memref<10240x64xf32, #tpu.memory_space<vmem_shared>>) offsets(%dma_start3A_153 : memref<128xi32, #tpu.memory_space<vmem>>) semaphore(%run_scoped3A_146 : memref<!tpu.dma_semaphore, #tpu.memory_space<semaphore_mem>>) {add = true}
        %dma_wait3A_157 = arith.constant 0 : i32
        %dma_wait3A_158 = arith.constant 0 : i32
        %dma_wait3A_159 = tpu.memref_slice %arg9[%run_scoped3A_112, %dma_wait3A_157, %dma_wait3A_158] : memref<3x128x64xf32, #tpu.memory_space<vmem>> -> memref<1x128x64xf32, #tpu.memory_space<vmem>>
        %dma_wait3A_160 = tpu.memref_squeeze %dma_wait3A_159 : memref<1x128x64xf32, #tpu.memory_space<vmem>> -> memref<128x64xf32, #tpu.memory_space<vmem>>
        %dma_wait3A_161 = arith.constant 0 : i32
        %dma_wait3A_162 = tpu.memref_slice %arg8[%add3A_97, %dma_wait3A_161] : memref<158x128xi32, #tpu.memory_space<vmem>> -> memref<1x128xi32, #tpu.memory_space<vmem>>
        %dma_wait3A_163 = tpu.memref_squeeze %dma_wait3A_162 : memref<1x128xi32, #tpu.memory_space<vmem>> -> memref<128xi32, #tpu.memory_space<vmem>>
        %dma_wait3A_164 = arith.constant 0 : i32
        %dma_wait3A_165 = arith.constant 0 : i32
        %dma_wait3A_166 = tpu.memref_slice %arg11[%dma_wait3A_164, %dma_wait3A_165] : memref<10240x64xf32, #tpu.memory_space<vmem_shared>> -> memref<10240x64xf32, #tpu.memory_space<vmem_shared>>
        tpu.wait_indirect_dma semaphore(%run_scoped3A_146 : memref<!tpu.dma_semaphore, #tpu.memory_space<semaphore_mem>>) src(%dma_wait3A_160 : memref<128x64xf32, #tpu.memory_space<vmem>>) dst(%dma_wait3A_166 : memref<10240x64xf32, #tpu.memory_space<vmem_shared>>)
        tpu.yield
      }) : () -> ()
      %add3A_113 = arith.constant 3 : i32
      %add3A_114 = arith.addi %add3A_97, %add3A_113 : i32
      %lt3A_115 = arith.constant 156 : i32
      %lt3A_116 = arith.cmpi slt, %add3A_114, %lt3A_115 : i32
      %convert_element_type3A_117 = arith.extui %lt3A_116 : i1 to i32
      %cond3A_118 = arith.constant 0 : i32
      %cond3A_119 = arith.cmpi ne, %convert_element_type3A_117, %cond3A_118 : i32
      scf.if %cond3A_119 {
        %add3A_146 = arith.constant 3 : i32
        %add3A_147 = arith.addi %add3A_97, %add3A_146 : i32
        %dma_start3A_148 = arith.constant 1 : i32
        %dma_start3A_149 = arith.constant 1 : i32
        %dma_start3A_150 = arith.constant 0 : i32
        %dma_start3A_151 = arith.constant 0 : i32
        %dma_start3A_152 = tpu.memref_slice %arg9[%dma_start3A_148, %dma_start3A_150, %dma_start3A_151] : memref<3x128x64xf32, #tpu.memory_space<vmem>> -> memref<1x128x64xf32, #tpu.memory_space<vmem>>
        %dma_start3A_153 = tpu.memref_squeeze %dma_start3A_152 : memref<1x128x64xf32, #tpu.memory_space<vmem>> -> memref<128x64xf32, #tpu.memory_space<vmem>>
        %dma_start3A_154 = arith.constant 0 : i32
        %dma_start3A_155 = tpu.memref_slice %arg7[%add3A_147, %dma_start3A_154] : memref<158x128xi32, #tpu.memory_space<vmem>> -> memref<1x128xi32, #tpu.memory_space<vmem>>
        %dma_start3A_156 = tpu.memref_squeeze %dma_start3A_155 : memref<1x128xi32, #tpu.memory_space<vmem>> -> memref<128xi32, #tpu.memory_space<vmem>>
        %dma_start3A_157 = arith.constant 0 : i32
        %dma_start3A_158 = arith.constant 0 : i32
        %dma_start3A_159 = tpu.memref_slice %arg4[%dma_start3A_157, %dma_start3A_158] : memref<20480x64xf32, #tpu.memory_space<hbm>> -> memref<20480x64xf32, #tpu.memory_space<hbm>>
        %dma_start3A_160 = tpu.memref_slice %arg12[%dma_start3A_149] : memref<3x!tpu.dma_semaphore, #tpu.memory_space<semaphore_mem>> -> memref<1x!tpu.dma_semaphore, #tpu.memory_space<semaphore_mem>>
        %dma_start3A_161 = tpu.memref_squeeze %dma_start3A_160 : memref<1x!tpu.dma_semaphore, #tpu.memory_space<semaphore_mem>> -> memref<!tpu.dma_semaphore, #tpu.memory_space<semaphore_mem>>
        tpu.enqueue_indirect_dma source(%dma_start3A_159 : memref<20480x64xf32, #tpu.memory_space<hbm>>) target(%dma_start3A_153 : memref<128x64xf32, #tpu.memory_space<vmem>>) offsets(%dma_start3A_156 : memref<128xi32, #tpu.memory_space<vmem>>) semaphore(%dma_start3A_161 : memref<!tpu.dma_semaphore, #tpu.memory_space<semaphore_mem>>)
      } else {
      }
      %mul3A_120 = arith.constant 3 : i32
      %mul3A_121 = arith.muli %scan3A_71, %mul3A_120 : i32
      %add3A_122 = arith.constant 2 : i32
      %add3A_123 = arith.addi %mul3A_121, %add3A_122 : i32
      %dma_wait3A_124 = arith.constant 2 : i32
      %dma_wait3A_125 = arith.constant 2 : i32
      %dma_wait3A_126 = arith.constant 0 : i32
      %dma_wait3A_127 = arith.constant 0 : i32
      %dma_wait3A_128 = tpu.memref_slice %arg9[%dma_wait3A_124, %dma_wait3A_126, %dma_wait3A_127] : memref<3x128x64xf32, #tpu.memory_space<vmem>> -> memref<1x128x64xf32, #tpu.memory_space<vmem>>
      %dma_wait3A_129 = tpu.memref_squeeze %dma_wait3A_128 : memref<1x128x64xf32, #tpu.memory_space<vmem>> -> memref<128x64xf32, #tpu.memory_space<vmem>>
      %dma_wait3A_130 = arith.constant 0 : i32
      %dma_wait3A_131 = tpu.memref_slice %arg7[%add3A_123, %dma_wait3A_130] : memref<158x128xi32, #tpu.memory_space<vmem>> -> memref<1x128xi32, #tpu.memory_space<vmem>>
      %dma_wait3A_132 = tpu.memref_squeeze %dma_wait3A_131 : memref<1x128xi32, #tpu.memory_space<vmem>> -> memref<128xi32, #tpu.memory_space<vmem>>
      %dma_wait3A_133 = arith.constant 0 : i32
      %dma_wait3A_134 = arith.constant 0 : i32
      %dma_wait3A_135 = tpu.memref_slice %arg4[%dma_wait3A_133, %dma_wait3A_134] : memref<20480x64xf32, #tpu.memory_space<hbm>> -> memref<20480x64xf32, #tpu.memory_space<hbm>>
      %dma_wait3A_136 = tpu.memref_slice %arg12[%dma_wait3A_125] : memref<3x!tpu.dma_semaphore, #tpu.memory_space<semaphore_mem>> -> memref<1x!tpu.dma_semaphore, #tpu.memory_space<semaphore_mem>>
      %dma_wait3A_137 = tpu.memref_squeeze %dma_wait3A_136 : memref<1x!tpu.dma_semaphore, #tpu.memory_space<semaphore_mem>> -> memref<!tpu.dma_semaphore, #tpu.memory_space<semaphore_mem>>
      tpu.wait_indirect_dma semaphore(%dma_wait3A_137 : memref<!tpu.dma_semaphore, #tpu.memory_space<semaphore_mem>>) src(%dma_wait3A_135 : memref<20480x64xf32, #tpu.memory_space<hbm>>) dst(%dma_wait3A_129 : memref<128x64xf32, #tpu.memory_space<vmem>>)
      %run_scoped3A_138 = arith.constant 2 : i32
      "tpu.region"() ({
        %run_scoped3A_146 = tpu.sem_alloc : memref<!tpu.dma_semaphore, #tpu.memory_space<semaphore_mem>>
        %dma_start3A_147 = arith.constant 0 : i32
        %dma_start3A_148 = arith.constant 0 : i32
        %dma_start3A_149 = tpu.memref_slice %arg9[%run_scoped3A_138, %dma_start3A_147, %dma_start3A_148] : memref<3x128x64xf32, #tpu.memory_space<vmem>> -> memref<1x128x64xf32, #tpu.memory_space<vmem>>
        %dma_start3A_150 = tpu.memref_squeeze %dma_start3A_149 : memref<1x128x64xf32, #tpu.memory_space<vmem>> -> memref<128x64xf32, #tpu.memory_space<vmem>>
        %dma_start3A_151 = arith.constant 0 : i32
        %dma_start3A_152 = tpu.memref_slice %arg8[%add3A_123, %dma_start3A_151] : memref<158x128xi32, #tpu.memory_space<vmem>> -> memref<1x128xi32, #tpu.memory_space<vmem>>
        %dma_start3A_153 = tpu.memref_squeeze %dma_start3A_152 : memref<1x128xi32, #tpu.memory_space<vmem>> -> memref<128xi32, #tpu.memory_space<vmem>>
        %dma_start3A_154 = arith.constant 0 : i32
        %dma_start3A_155 = arith.constant 0 : i32
        %dma_start3A_156 = tpu.memref_slice %arg11[%dma_start3A_154, %dma_start3A_155] : memref<10240x64xf32, #tpu.memory_space<vmem_shared>> -> memref<10240x64xf32, #tpu.memory_space<vmem_shared>>
        tpu.enqueue_indirect_dma source(%dma_start3A_150 : memref<128x64xf32, #tpu.memory_space<vmem>>) target(%dma_start3A_156 : memref<10240x64xf32, #tpu.memory_space<vmem_shared>>) offsets(%dma_start3A_153 : memref<128xi32, #tpu.memory_space<vmem>>) semaphore(%run_scoped3A_146 : memref<!tpu.dma_semaphore, #tpu.memory_space<semaphore_mem>>) {add = true}
        %dma_wait3A_157 = arith.constant 0 : i32
        %dma_wait3A_158 = arith.constant 0 : i32
        %dma_wait3A_159 = tpu.memref_slice %arg9[%run_scoped3A_138, %dma_wait3A_157, %dma_wait3A_158] : memref<3x128x64xf32, #tpu.memory_space<vmem>> -> memref<1x128x64xf32, #tpu.memory_space<vmem>>
        %dma_wait3A_160 = tpu.memref_squeeze %dma_wait3A_159 : memref<1x128x64xf32, #tpu.memory_space<vmem>> -> memref<128x64xf32, #tpu.memory_space<vmem>>
        %dma_wait3A_161 = arith.constant 0 : i32
        %dma_wait3A_162 = tpu.memref_slice %arg8[%add3A_123, %dma_wait3A_161] : memref<158x128xi32, #tpu.memory_space<vmem>> -> memref<1x128xi32, #tpu.memory_space<vmem>>
        %dma_wait3A_163 = tpu.memref_squeeze %dma_wait3A_162 : memref<1x128xi32, #tpu.memory_space<vmem>> -> memref<128xi32, #tpu.memory_space<vmem>>
        %dma_wait3A_164 = arith.constant 0 : i32
        %dma_wait3A_165 = arith.constant 0 : i32
        %dma_wait3A_166 = tpu.memref_slice %arg11[%dma_wait3A_164, %dma_wait3A_165] : memref<10240x64xf32, #tpu.memory_space<vmem_shared>> -> memref<10240x64xf32, #tpu.memory_space<vmem_shared>>
        tpu.wait_indirect_dma semaphore(%run_scoped3A_146 : memref<!tpu.dma_semaphore, #tpu.memory_space<semaphore_mem>>) src(%dma_wait3A_160 : memref<128x64xf32, #tpu.memory_space<vmem>>) dst(%dma_wait3A_166 : memref<10240x64xf32, #tpu.memory_space<vmem_shared>>)
        tpu.yield
      }) : () -> ()
      %add3A_139 = arith.constant 3 : i32
      %add3A_140 = arith.addi %add3A_123, %add3A_139 : i32
      %lt3A_141 = arith.constant 156 : i32
      %lt3A_142 = arith.cmpi slt, %add3A_140, %lt3A_141 : i32
      %convert_element_type3A_143 = arith.extui %lt3A_142 : i1 to i32
      %cond3A_144 = arith.constant 0 : i32
      %cond3A_145 = arith.cmpi ne, %convert_element_type3A_143, %cond3A_144 : i32
      scf.if %cond3A_145 {
        %add3A_146 = arith.constant 3 : i32
        %add3A_147 = arith.addi %add3A_123, %add3A_146 : i32
        %dma_start3A_148 = arith.constant 2 : i32
        %dma_start3A_149 = arith.constant 2 : i32
        %dma_start3A_150 = arith.constant 0 : i32
        %dma_start3A_151 = arith.constant 0 : i32
        %dma_start3A_152 = tpu.memref_slice %arg9[%dma_start3A_148, %dma_start3A_150, %dma_start3A_151] : memref<3x128x64xf32, #tpu.memory_space<vmem>> -> memref<1x128x64xf32, #tpu.memory_space<vmem>>
        %dma_start3A_153 = tpu.memref_squeeze %dma_start3A_152 : memref<1x128x64xf32, #tpu.memory_space<vmem>> -> memref<128x64xf32, #tpu.memory_space<vmem>>
        %dma_start3A_154 = arith.constant 0 : i32
        %dma_start3A_155 = tpu.memref_slice %arg7[%add3A_147, %dma_start3A_154] : memref<158x128xi32, #tpu.memory_space<vmem>> -> memref<1x128xi32, #tpu.memory_space<vmem>>
        %dma_start3A_156 = tpu.memref_squeeze %dma_start3A_155 : memref<1x128xi32, #tpu.memory_space<vmem>> -> memref<128xi32, #tpu.memory_space<vmem>>
        %dma_start3A_157 = arith.constant 0 : i32
        %dma_start3A_158 = arith.constant 0 : i32
        %dma_start3A_159 = tpu.memref_slice %arg4[%dma_start3A_157, %dma_start3A_158] : memref<20480x64xf32, #tpu.memory_space<hbm>> -> memref<20480x64xf32, #tpu.memory_space<hbm>>
        %dma_start3A_160 = tpu.memref_slice %arg12[%dma_start3A_149] : memref<3x!tpu.dma_semaphore, #tpu.memory_space<semaphore_mem>> -> memref<1x!tpu.dma_semaphore, #tpu.memory_space<semaphore_mem>>
        %dma_start3A_161 = tpu.memref_squeeze %dma_start3A_160 : memref<1x!tpu.dma_semaphore, #tpu.memory_space<semaphore_mem>> -> memref<!tpu.dma_semaphore, #tpu.memory_space<semaphore_mem>>
        tpu.enqueue_indirect_dma source(%dma_start3A_159 : memref<20480x64xf32, #tpu.memory_space<hbm>>) target(%dma_start3A_153 : memref<128x64xf32, #tpu.memory_space<vmem>>) offsets(%dma_start3A_156 : memref<128xi32, #tpu.memory_space<vmem>>) semaphore(%dma_start3A_161 : memref<!tpu.dma_semaphore, #tpu.memory_space<semaphore_mem>>)
      } else {
      }
    }
    %scan3A_54 = arith.constant 52 : i32
    %run_scoped3A = arith.constant 156 : i32
    %run_scoped3A_55 = arith.constant 0 : i32
    "tpu.region"() ({
      %run_scoped3A_71 = tpu.sem_alloc : memref<!tpu.dma_semaphore, #tpu.memory_space<semaphore_mem>>
      %dma_start3A_72 = arith.constant 0 : i32
      %dma_start3A_73 = arith.constant 0 : i32
      %dma_start3A_74 = tpu.memref_slice %arg9[%run_scoped3A_55, %dma_start3A_72, %dma_start3A_73] : memref<3x128x64xf32, #tpu.memory_space<vmem>> -> memref<1x128x64xf32, #tpu.memory_space<vmem>>
      %dma_start3A_75 = tpu.memref_squeeze %dma_start3A_74 : memref<1x128x64xf32, #tpu.memory_space<vmem>> -> memref<128x64xf32, #tpu.memory_space<vmem>>
      %dma_start3A_76 = arith.constant 0 : i32
      %dma_start3A_77 = tpu.memref_slice %arg7[%run_scoped3A, %dma_start3A_76] : memref<158x128xi32, #tpu.memory_space<vmem>> -> memref<1x128xi32, #tpu.memory_space<vmem>>
      %dma_start3A_78 = tpu.memref_squeeze %dma_start3A_77 : memref<1x128xi32, #tpu.memory_space<vmem>> -> memref<128xi32, #tpu.memory_space<vmem>>
      %dma_start3A_79 = arith.constant 0 : i32
      %dma_start3A_80 = arith.constant 0 : i32
      %dma_start3A_81 = tpu.memref_slice %arg4[%dma_start3A_79, %dma_start3A_80] : memref<20480x64xf32, #tpu.memory_space<hbm>> -> memref<20480x64xf32, #tpu.memory_space<hbm>>
      tpu.enqueue_indirect_dma source(%dma_start3A_81 : memref<20480x64xf32, #tpu.memory_space<hbm>>) target(%dma_start3A_75 : memref<128x64xf32, #tpu.memory_space<vmem>>) offsets(%dma_start3A_78 : memref<128xi32, #tpu.memory_space<vmem>>) semaphore(%run_scoped3A_71 : memref<!tpu.dma_semaphore, #tpu.memory_space<semaphore_mem>>)
      %dma_wait3A = arith.constant 0 : i32
      %dma_wait3A_82 = arith.constant 0 : i32
      %dma_wait3A_83 = tpu.memref_slice %arg9[%run_scoped3A_55, %dma_wait3A, %dma_wait3A_82] : memref<3x128x64xf32, #tpu.memory_space<vmem>> -> memref<1x128x64xf32, #tpu.memory_space<vmem>>
      %dma_wait3A_84 = tpu.memref_squeeze %dma_wait3A_83 : memref<1x128x64xf32, #tpu.memory_space<vmem>> -> memref<128x64xf32, #tpu.memory_space<vmem>>
      %dma_wait3A_85 = arith.constant 0 : i32
      %dma_wait3A_86 = tpu.memref_slice %arg7[%run_scoped3A, %dma_wait3A_85] : memref<158x128xi32, #tpu.memory_space<vmem>> -> memref<1x128xi32, #tpu.memory_space<vmem>>
      %dma_wait3A_87 = tpu.memref_squeeze %dma_wait3A_86 : memref<1x128xi32, #tpu.memory_space<vmem>> -> memref<128xi32, #tpu.memory_space<vmem>>
      %dma_wait3A_88 = arith.constant 0 : i32
      %dma_wait3A_89 = arith.constant 0 : i32
      %dma_wait3A_90 = tpu.memref_slice %arg4[%dma_wait3A_88, %dma_wait3A_89] : memref<20480x64xf32, #tpu.memory_space<hbm>> -> memref<20480x64xf32, #tpu.memory_space<hbm>>
      tpu.wait_indirect_dma semaphore(%run_scoped3A_71 : memref<!tpu.dma_semaphore, #tpu.memory_space<semaphore_mem>>) src(%dma_wait3A_90 : memref<20480x64xf32, #tpu.memory_space<hbm>>) dst(%dma_wait3A_84 : memref<128x64xf32, #tpu.memory_space<vmem>>)
      tpu.yield
    }) : () -> ()
    %run_scoped3A_56 = arith.constant 0 : i32
    %run_scoped3A_57 = arith.constant 156 : i32
    "tpu.region"() ({
      %run_scoped3A_71 = tpu.sem_alloc : memref<!tpu.dma_semaphore, #tpu.memory_space<semaphore_mem>>
      %dma_start3A_72 = arith.constant 0 : i32
      %dma_start3A_73 = arith.constant 0 : i32
      %dma_start3A_74 = tpu.memref_slice %arg9[%run_scoped3A_56, %dma_start3A_72, %dma_start3A_73] : memref<3x128x64xf32, #tpu.memory_space<vmem>> -> memref<1x128x64xf32, #tpu.memory_space<vmem>>
      %dma_start3A_75 = tpu.memref_squeeze %dma_start3A_74 : memref<1x128x64xf32, #tpu.memory_space<vmem>> -> memref<128x64xf32, #tpu.memory_space<vmem>>
      %dma_start3A_76 = arith.constant 0 : i32
      %dma_start3A_77 = tpu.memref_slice %arg8[%run_scoped3A_57, %dma_start3A_76] : memref<158x128xi32, #tpu.memory_space<vmem>> -> memref<1x128xi32, #tpu.memory_space<vmem>>
      %dma_start3A_78 = tpu.memref_squeeze %dma_start3A_77 : memref<1x128xi32, #tpu.memory_space<vmem>> -> memref<128xi32, #tpu.memory_space<vmem>>
      %dma_start3A_79 = arith.constant 0 : i32
      %dma_start3A_80 = arith.constant 0 : i32
      %dma_start3A_81 = tpu.memref_slice %arg11[%dma_start3A_79, %dma_start3A_80] : memref<10240x64xf32, #tpu.memory_space<vmem_shared>> -> memref<10240x64xf32, #tpu.memory_space<vmem_shared>>
      tpu.enqueue_indirect_dma source(%dma_start3A_75 : memref<128x64xf32, #tpu.memory_space<vmem>>) target(%dma_start3A_81 : memref<10240x64xf32, #tpu.memory_space<vmem_shared>>) offsets(%dma_start3A_78 : memref<128xi32, #tpu.memory_space<vmem>>) semaphore(%run_scoped3A_71 : memref<!tpu.dma_semaphore, #tpu.memory_space<semaphore_mem>>) {add = true}
      %dma_wait3A = arith.constant 0 : i32
      %dma_wait3A_82 = arith.constant 0 : i32
      %dma_wait3A_83 = tpu.memref_slice %arg9[%run_scoped3A_56, %dma_wait3A, %dma_wait3A_82] : memref<3x128x64xf32, #tpu.memory_space<vmem>> -> memref<1x128x64xf32, #tpu.memory_space<vmem>>
      %dma_wait3A_84 = tpu.memref_squeeze %dma_wait3A_83 : memref<1x128x64xf32, #tpu.memory_space<vmem>> -> memref<128x64xf32, #tpu.memory_space<vmem>>
      %dma_wait3A_85 = arith.constant 0 : i32
      %dma_wait3A_86 = tpu.memref_slice %arg8[%run_scoped3A_57, %dma_wait3A_85] : memref<158x128xi32, #tpu.memory_space<vmem>> -> memref<1x128xi32, #tpu.memory_space<vmem>>
      %dma_wait3A_87 = tpu.memref_squeeze %dma_wait3A_86 : memref<1x128xi32, #tpu.memory_space<vmem>> -> memref<128xi32, #tpu.memory_space<vmem>>
      %dma_wait3A_88 = arith.constant 0 : i32
      %dma_wait3A_89 = arith.constant 0 : i32
      %dma_wait3A_90 = tpu.memref_slice %arg11[%dma_wait3A_88, %dma_wait3A_89] : memref<10240x64xf32, #tpu.memory_space<vmem_shared>> -> memref<10240x64xf32, #tpu.memory_space<vmem_shared>>
      tpu.wait_indirect_dma semaphore(%run_scoped3A_71 : memref<!tpu.dma_semaphore, #tpu.memory_space<semaphore_mem>>) src(%dma_wait3A_84 : memref<128x64xf32, #tpu.memory_space<vmem>>) dst(%dma_wait3A_90 : memref<10240x64xf32, #tpu.memory_space<vmem_shared>>)
      tpu.yield
    }) : () -> ()
    %run_scoped3A_58 = arith.constant 157 : i32
    %run_scoped3A_59 = arith.constant 0 : i32
    "tpu.region"() ({
      %run_scoped3A_71 = tpu.sem_alloc : memref<!tpu.dma_semaphore, #tpu.memory_space<semaphore_mem>>
      %dma_start3A_72 = arith.constant 0 : i32
      %dma_start3A_73 = arith.constant 0 : i32
      %dma_start3A_74 = tpu.memref_slice %arg9[%run_scoped3A_59, %dma_start3A_72, %dma_start3A_73] : memref<3x128x64xf32, #tpu.memory_space<vmem>> -> memref<1x128x64xf32, #tpu.memory_space<vmem>>
      %dma_start3A_75 = tpu.memref_squeeze %dma_start3A_74 : memref<1x128x64xf32, #tpu.memory_space<vmem>> -> memref<128x64xf32, #tpu.memory_space<vmem>>
      %dma_start3A_76 = arith.constant 0 : i32
      %dma_start3A_77 = tpu.memref_slice %arg7[%run_scoped3A_58, %dma_start3A_76] : memref<158x128xi32, #tpu.memory_space<vmem>> -> memref<1x128xi32, #tpu.memory_space<vmem>>
      %dma_start3A_78 = tpu.memref_squeeze %dma_start3A_77 : memref<1x128xi32, #tpu.memory_space<vmem>> -> memref<128xi32, #tpu.memory_space<vmem>>
      %dma_start3A_79 = arith.constant 0 : i32
      %dma_start3A_80 = arith.constant 0 : i32
      %dma_start3A_81 = tpu.memref_slice %arg4[%dma_start3A_79, %dma_start3A_80] : memref<20480x64xf32, #tpu.memory_space<hbm>> -> memref<20480x64xf32, #tpu.memory_space<hbm>>
      tpu.enqueue_indirect_dma source(%dma_start3A_81 : memref<20480x64xf32, #tpu.memory_space<hbm>>) target(%dma_start3A_75 : memref<128x64xf32, #tpu.memory_space<vmem>>) offsets(%dma_start3A_78 : memref<128xi32, #tpu.memory_space<vmem>>) semaphore(%run_scoped3A_71 : memref<!tpu.dma_semaphore, #tpu.memory_space<semaphore_mem>>)
      %dma_wait3A = arith.constant 0 : i32
      %dma_wait3A_82 = arith.constant 0 : i32
      %dma_wait3A_83 = tpu.memref_slice %arg9[%run_scoped3A_59, %dma_wait3A, %dma_wait3A_82] : memref<3x128x64xf32, #tpu.memory_space<vmem>> -> memref<1x128x64xf32, #tpu.memory_space<vmem>>
      %dma_wait3A_84 = tpu.memref_squeeze %dma_wait3A_83 : memref<1x128x64xf32, #tpu.memory_space<vmem>> -> memref<128x64xf32, #tpu.memory_space<vmem>>
      %dma_wait3A_85 = arith.constant 0 : i32
      %dma_wait3A_86 = tpu.memref_slice %arg7[%run_scoped3A_58, %dma_wait3A_85] : memref<158x128xi32, #tpu.memory_space<vmem>> -> memref<1x128xi32, #tpu.memory_space<vmem>>
      %dma_wait3A_87 = tpu.memref_squeeze %dma_wait3A_86 : memref<1x128xi32, #tpu.memory_space<vmem>> -> memref<128xi32, #tpu.memory_space<vmem>>
      %dma_wait3A_88 = arith.constant 0 : i32
      %dma_wait3A_89 = arith.constant 0 : i32
      %dma_wait3A_90 = tpu.memref_slice %arg4[%dma_wait3A_88, %dma_wait3A_89] : memref<20480x64xf32, #tpu.memory_space<hbm>> -> memref<20480x64xf32, #tpu.memory_space<hbm>>
      tpu.wait_indirect_dma semaphore(%run_scoped3A_71 : memref<!tpu.dma_semaphore, #tpu.memory_space<semaphore_mem>>) src(%dma_wait3A_90 : memref<20480x64xf32, #tpu.memory_space<hbm>>) dst(%dma_wait3A_84 : memref<128x64xf32, #tpu.memory_space<vmem>>)
      tpu.yield
    }) : () -> ()
    %run_scoped3A_60 = arith.constant 0 : i32
    %run_scoped3A_61 = arith.constant 157 : i32
    "tpu.region"() ({
      %run_scoped3A_71 = tpu.sem_alloc : memref<!tpu.dma_semaphore, #tpu.memory_space<semaphore_mem>>
      %dma_start3A_72 = arith.constant 0 : i32
      %dma_start3A_73 = arith.constant 0 : i32
      %dma_start3A_74 = tpu.memref_slice %arg9[%run_scoped3A_60, %dma_start3A_72, %dma_start3A_73] : memref<3x128x64xf32, #tpu.memory_space<vmem>> -> memref<1x128x64xf32, #tpu.memory_space<vmem>>
      %dma_start3A_75 = tpu.memref_squeeze %dma_start3A_74 : memref<1x128x64xf32, #tpu.memory_space<vmem>> -> memref<128x64xf32, #tpu.memory_space<vmem>>
      %dma_start3A_76 = arith.constant 0 : i32
      %dma_start3A_77 = tpu.memref_slice %arg8[%run_scoped3A_61, %dma_start3A_76] : memref<158x128xi32, #tpu.memory_space<vmem>> -> memref<1x128xi32, #tpu.memory_space<vmem>>
      %dma_start3A_78 = tpu.memref_squeeze %dma_start3A_77 : memref<1x128xi32, #tpu.memory_space<vmem>> -> memref<128xi32, #tpu.memory_space<vmem>>
      %dma_start3A_79 = arith.constant 0 : i32
      %dma_start3A_80 = arith.constant 0 : i32
      %dma_start3A_81 = tpu.memref_slice %arg11[%dma_start3A_79, %dma_start3A_80] : memref<10240x64xf32, #tpu.memory_space<vmem_shared>> -> memref<10240x64xf32, #tpu.memory_space<vmem_shared>>
      tpu.enqueue_indirect_dma source(%dma_start3A_75 : memref<128x64xf32, #tpu.memory_space<vmem>>) target(%dma_start3A_81 : memref<10240x64xf32, #tpu.memory_space<vmem_shared>>) offsets(%dma_start3A_78 : memref<128xi32, #tpu.memory_space<vmem>>) semaphore(%run_scoped3A_71 : memref<!tpu.dma_semaphore, #tpu.memory_space<semaphore_mem>>) {add = true}
      %dma_wait3A = arith.constant 0 : i32
      %dma_wait3A_82 = arith.constant 0 : i32
      %dma_wait3A_83 = tpu.memref_slice %arg9[%run_scoped3A_60, %dma_wait3A, %dma_wait3A_82] : memref<3x128x64xf32, #tpu.memory_space<vmem>> -> memref<1x128x64xf32, #tpu.memory_space<vmem>>
      %dma_wait3A_84 = tpu.memref_squeeze %dma_wait3A_83 : memref<1x128x64xf32, #tpu.memory_space<vmem>> -> memref<128x64xf32, #tpu.memory_space<vmem>>
      %dma_wait3A_85 = arith.constant 0 : i32
      %dma_wait3A_86 = tpu.memref_slice %arg8[%run_scoped3A_61, %dma_wait3A_85] : memref<158x128xi32, #tpu.memory_space<vmem>> -> memref<1x128xi32, #tpu.memory_space<vmem>>
      %dma_wait3A_87 = tpu.memref_squeeze %dma_wait3A_86 : memref<1x128xi32, #tpu.memory_space<vmem>> -> memref<128xi32, #tpu.memory_space<vmem>>
      %dma_wait3A_88 = arith.constant 0 : i32
      %dma_wait3A_89 = arith.constant 0 : i32
      %dma_wait3A_90 = tpu.memref_slice %arg11[%dma_wait3A_88, %dma_wait3A_89] : memref<10240x64xf32, #tpu.memory_space<vmem_shared>> -> memref<10240x64xf32, #tpu.memory_space<vmem_shared>>
      tpu.wait_indirect_dma semaphore(%run_scoped3A_71 : memref<!tpu.dma_semaphore, #tpu.memory_space<semaphore_mem>>) src(%dma_wait3A_84 : memref<128x64xf32, #tpu.memory_space<vmem>>) dst(%dma_wait3A_90 : memref<10240x64xf32, #tpu.memory_space<vmem_shared>>)
      tpu.yield
    }) : () -> ()
    %barrier3A_62 = arith.constant 0 : index
    tpu.barrier barrier_id(%barrier3A_62)
    %mul3A_63 = arith.constant 640 : i32
    %mul3A_64 = arith.muli %arg1, %mul3A_63 : i32
    %add3A_65 = arith.constant 0 : i32
    %add3A_66 = arith.addi %mul3A_64, %add3A_65 : i32
    "tpu.region"() ({
      %run_scoped3A_71 = tpu.sem_alloc : memref<!tpu.dma_semaphore, #tpu.memory_space<semaphore_mem>>
      %dma_start3A_72 = arith.constant 0 : i32
      %dma_start3A_73 = tpu.memref_slice %arg11[%add3A_66, %dma_start3A_72] : memref<10240x64xf32, #tpu.memory_space<vmem_shared>> -> memref<320x64xf32, #tpu.memory_space<vmem_shared>>
      %dma_start3A_74 = arith.constant 0 : i32
      %dma_start3A_75 = tpu.memref_slice %arg11[%add3A_66, %dma_start3A_74] : memref<10240x64xf32, #tpu.memory_space<vmem_shared>> -> memref<320x64xf32, #tpu.memory_space<vmem_shared>>
      tpu.enqueue_dma source(%dma_start3A_75 : memref<320x64xf32, #tpu.memory_space<vmem_shared>>) target(%arg10 : memref<320x64xf32, #tpu.memory_space<vmem>>) target_semaphore(%run_scoped3A_71 : memref<!tpu.dma_semaphore, #tpu.memory_space<semaphore_mem>>)
      %dma_wait3A = arith.constant 0 : i32
      %dma_wait3A_76 = tpu.memref_slice %arg11[%add3A_66, %dma_wait3A] : memref<10240x64xf32, #tpu.memory_space<vmem_shared>> -> memref<320x64xf32, #tpu.memory_space<vmem_shared>>
      %dma_wait3A_77 = arith.constant 0 : i32
      %dma_wait3A_78 = tpu.memref_slice %arg11[%add3A_66, %dma_wait3A_77] : memref<10240x64xf32, #tpu.memory_space<vmem_shared>> -> memref<320x64xf32, #tpu.memory_space<vmem_shared>>
      tpu.wait_dma2 semaphore(%run_scoped3A_71 : memref<!tpu.dma_semaphore, #tpu.memory_space<semaphore_mem>>) src(%dma_wait3A_78 : memref<320x64xf32, #tpu.memory_space<vmem_shared>>) dst(%arg10 : memref<320x64xf32, #tpu.memory_space<vmem>>)
      tpu.yield
    }) : () -> ()
    "tpu.region"() ({
      %run_scoped3A_71 = tpu.sem_alloc : memref<!tpu.dma_semaphore, #tpu.memory_space<semaphore_mem>>
      %dma_start3A_72 = arith.constant 0 : i32
      %dma_start3A_73 = tpu.memref_slice %arg6[%add3A_66, %arg0, %dma_start3A_72] : memref<10240x2x64xf32, #tpu.memory_space<hbm>> -> memref<320x1x64xf32, #tpu.memory_space<hbm>>
      %dma_start3A_74 = tpu.memref_squeeze %dma_start3A_73 : memref<320x1x64xf32, #tpu.memory_space<hbm>> -> memref<320x64xf32, #tpu.memory_space<hbm>>
      %dma_start3A_75 = arith.constant 0 : i32
      %dma_start3A_76 = tpu.memref_slice %arg6[%add3A_66, %arg0, %dma_start3A_75] : memref<10240x2x64xf32, #tpu.memory_space<hbm>> -> memref<320x1x64xf32, #tpu.memory_space<hbm>>
      %dma_start3A_77 = tpu.memref_squeeze %dma_start3A_76 : memref<320x1x64xf32, #tpu.memory_space<hbm>> -> memref<320x64xf32, #tpu.memory_space<hbm>>
      tpu.enqueue_dma source(%arg10 : memref<320x64xf32, #tpu.memory_space<vmem>>) target(%dma_start3A_77 : memref<320x64xf32, #tpu.memory_space<hbm>>) target_semaphore(%run_scoped3A_71 : memref<!tpu.dma_semaphore, #tpu.memory_space<semaphore_mem>>)
      %dma_wait3A = arith.constant 0 : i32
      %dma_wait3A_78 = tpu.memref_slice %arg6[%add3A_66, %arg0, %dma_wait3A] : memref<10240x2x64xf32, #tpu.memory_space<hbm>> -> memref<320x1x64xf32, #tpu.memory_space<hbm>>
      %dma_wait3A_79 = tpu.memref_squeeze %dma_wait3A_78 : memref<320x1x64xf32, #tpu.memory_space<hbm>> -> memref<320x64xf32, #tpu.memory_space<hbm>>
      %dma_wait3A_80 = arith.constant 0 : i32
      %dma_wait3A_81 = tpu.memref_slice %arg6[%add3A_66, %arg0, %dma_wait3A_80] : memref<10240x2x64xf32, #tpu.memory_space<hbm>> -> memref<320x1x64xf32, #tpu.memory_space<hbm>>
      %dma_wait3A_82 = tpu.memref_squeeze %dma_wait3A_81 : memref<320x1x64xf32, #tpu.memory_space<hbm>> -> memref<320x64xf32, #tpu.memory_space<hbm>>
      tpu.wait_dma2 semaphore(%run_scoped3A_71 : memref<!tpu.dma_semaphore, #tpu.memory_space<semaphore_mem>>) src(%arg10 : memref<320x64xf32, #tpu.memory_space<vmem>>) dst(%dma_wait3A_82 : memref<320x64xf32, #tpu.memory_space<hbm>>)
      tpu.yield
    }) : () -> ()
    %mul3A_67 = arith.constant 640 : i32
    %mul3A_68 = arith.muli %arg1, %mul3A_67 : i32
    %add3A_69 = arith.constant 320 : i32
    %add3A_70 = arith.addi %mul3A_68, %add3A_69 : i32
    "tpu.region"() ({
      %run_scoped3A_71 = tpu.sem_alloc : memref<!tpu.dma_semaphore, #tpu.memory_space<semaphore_mem>>
      %dma_start3A_72 = arith.constant 0 : i32
      %dma_start3A_73 = tpu.memref_slice %arg11[%add3A_70, %dma_start3A_72] : memref<10240x64xf32, #tpu.memory_space<vmem_shared>> -> memref<320x64xf32, #tpu.memory_space<vmem_shared>>
      %dma_start3A_74 = arith.constant 0 : i32
      %dma_start3A_75 = tpu.memref_slice %arg11[%add3A_70, %dma_start3A_74] : memref<10240x64xf32, #tpu.memory_space<vmem_shared>> -> memref<320x64xf32, #tpu.memory_space<vmem_shared>>
      tpu.enqueue_dma source(%dma_start3A_75 : memref<320x64xf32, #tpu.memory_space<vmem_shared>>) target(%arg10 : memref<320x64xf32, #tpu.memory_space<vmem>>) target_semaphore(%run_scoped3A_71 : memref<!tpu.dma_semaphore, #tpu.memory_space<semaphore_mem>>)
      %dma_wait3A = arith.constant 0 : i32
      %dma_wait3A_76 = tpu.memref_slice %arg11[%add3A_70, %dma_wait3A] : memref<10240x64xf32, #tpu.memory_space<vmem_shared>> -> memref<320x64xf32, #tpu.memory_space<vmem_shared>>
      %dma_wait3A_77 = arith.constant 0 : i32
      %dma_wait3A_78 = tpu.memref_slice %arg11[%add3A_70, %dma_wait3A_77] : memref<10240x64xf32, #tpu.memory_space<vmem_shared>> -> memref<320x64xf32, #tpu.memory_space<vmem_shared>>
      tpu.wait_dma2 semaphore(%run_scoped3A_71 : memref<!tpu.dma_semaphore, #tpu.memory_space<semaphore_mem>>) src(%dma_wait3A_78 : memref<320x64xf32, #tpu.memory_space<vmem_shared>>) dst(%arg10 : memref<320x64xf32, #tpu.memory_space<vmem>>)
      tpu.yield
    }) : () -> ()
    "tpu.region"() ({
      %run_scoped3A_71 = tpu.sem_alloc : memref<!tpu.dma_semaphore, #tpu.memory_space<semaphore_mem>>
      %dma_start3A_72 = arith.constant 0 : i32
      %dma_start3A_73 = tpu.memref_slice %arg6[%add3A_70, %arg0, %dma_start3A_72] : memref<10240x2x64xf32, #tpu.memory_space<hbm>> -> memref<320x1x64xf32, #tpu.memory_space<hbm>>
      %dma_start3A_74 = tpu.memref_squeeze %dma_start3A_73 : memref<320x1x64xf32, #tpu.memory_space<hbm>> -> memref<320x64xf32, #tpu.memory_space<hbm>>
      %dma_start3A_75 = arith.constant 0 : i32
      %dma_start3A_76 = tpu.memref_slice %arg6[%add3A_70, %arg0, %dma_start3A_75] : memref<10240x2x64xf32, #tpu.memory_space<hbm>> -> memref<320x1x64xf32, #tpu.memory_space<hbm>>
      %dma_start3A_77 = tpu.memref_squeeze %dma_start3A_76 : memref<320x1x64xf32, #tpu.memory_space<hbm>> -> memref<320x64xf32, #tpu.memory_space<hbm>>
      tpu.enqueue_dma source(%arg10 : memref<320x64xf32, #tpu.memory_space<vmem>>) target(%dma_start3A_77 : memref<320x64xf32, #tpu.memory_space<hbm>>) target_semaphore(%run_scoped3A_71 : memref<!tpu.dma_semaphore, #tpu.memory_space<semaphore_mem>>)
      %dma_wait3A = arith.constant 0 : i32
      %dma_wait3A_78 = tpu.memref_slice %arg6[%add3A_70, %arg0, %dma_wait3A] : memref<10240x2x64xf32, #tpu.memory_space<hbm>> -> memref<320x1x64xf32, #tpu.memory_space<hbm>>
      %dma_wait3A_79 = tpu.memref_squeeze %dma_wait3A_78 : memref<320x1x64xf32, #tpu.memory_space<hbm>> -> memref<320x64xf32, #tpu.memory_space<hbm>>
      %dma_wait3A_80 = arith.constant 0 : i32
      %dma_wait3A_81 = tpu.memref_slice %arg6[%add3A_70, %arg0, %dma_wait3A_80] : memref<10240x2x64xf32, #tpu.memory_space<hbm>> -> memref<320x1x64xf32, #tpu.memory_space<hbm>>
      %dma_wait3A_82 = tpu.memref_squeeze %dma_wait3A_81 : memref<320x1x64xf32, #tpu.memory_space<hbm>> -> memref<320x64xf32, #tpu.memory_space<hbm>>
      tpu.wait_dma2 semaphore(%run_scoped3A_71 : memref<!tpu.dma_semaphore, #tpu.memory_space<semaphore_mem>>) src(%arg10 : memref<320x64xf32, #tpu.memory_space<vmem>>) dst(%dma_wait3A_82 : memref<320x64xf32, #tpu.memory_space<hbm>>)
      tpu.yield
    }) : () -> ()
    return
  }
}

#map = affine_map<(d0, d1) -> (0, 0, 0, 0)>
#map1 = affine_map<(d0, d1) -> (0, 0, 0)>
#map2 = affine_map<(d0, d1) -> (0, 0)>
module attributes {stable_mosaic.version = 14 : i64} {
  func.func @_agg_call(%arg0: i32, %arg1: i32, %arg2: memref<2x16x158x128xi32, #tpu.memory_space<hbm>>, %arg3: memref<16x158x128xi32, #tpu.memory_space<hbm>>, %arg4: memref<20480x64xf32, #tpu.memory_space<hbm>>, %arg5: memref<320x64xf32, #tpu.memory_space<hbm>>, %arg6: memref<10240x2x64xf32, #tpu.memory_space<hbm>>, %arg7: memref<158x128xi32, #tpu.memory_space<vmem>>, %arg8: memref<158x128xi32, #tpu.memory_space<vmem>>, %arg9: memref<3x128x64xf32, #tpu.memory_space<vmem>>, %arg10: memref<320x64xf32, #tpu.memory_space<vmem>>, %arg11: memref<10240x64xf32, #tpu.memory_space<vmem_shared>>, %arg12: memref<3x!tpu.dma_semaphore, #tpu.memory_space<semaphore_mem>>) attributes {dimension_semantics = [#tpu.dimension_semantics<core_parallel>, #tpu.dimension_semantics<subcore_parallel>], iteration_bounds = array<i64: 2, 16>, scalar_prefetch = 0 : i64, scratch_operands = 6 : i64, tpu.core_type = #tpu.core_type<sc_vector_subcore>, window_params = [{transform_indices = #map}, {transform_indices = #map1}, {transform_indices = #map2}, {transform_indices = #map2}, {transform_indices = #map1}]} {
    "tpu.region"() ({
      %run_scoped3A_71 = tpu.sem_alloc : memref<!tpu.dma_semaphore, #tpu.memory_space<semaphore_mem>>
      %dma_start3A_72 = arith.constant 0 : i32
      %dma_start3A_73 = arith.constant 0 : i32
      %dma_start3A_74 = tpu.memref_slice %arg2[%arg0, %arg1, %dma_start3A_72, %dma_start3A_73] : memref<2x16x158x128xi32, #tpu.memory_space<hbm>> -> memref<1x1x158x128xi32, #tpu.memory_space<hbm>>
      %dma_start3A_75 = tpu.memref_squeeze %dma_start3A_74 : memref<1x1x158x128xi32, #tpu.memory_space<hbm>> -> memref<158x128xi32, #tpu.memory_space<hbm>>
      %dma_start3A_76 = arith.constant 0 : i32
      %dma_start3A_77 = arith.constant 0 : i32
      %dma_start3A_78 = tpu.memref_slice %arg2[%arg0, %arg1, %dma_start3A_76, %dma_start3A_77] : memref<2x16x158x128xi32, #tpu.memory_space<hbm>> -> memref<1x1x158x128xi32, #tpu.memory_space<hbm>>
      %dma_start3A_79 = tpu.memref_squeeze %dma_start3A_78 : memref<1x1x158x128xi32, #tpu.memory_space<hbm>> -> memref<158x128xi32, #tpu.memory_space<hbm>>
      tpu.enqueue_dma source(%dma_start3A_79 : memref<158x128xi32, #tpu.memory_space<hbm>>) target(%arg7 : memref<158x128xi32, #tpu.memory_space<vmem>>) target_semaphore(%run_scoped3A_71 : memref<!tpu.dma_semaphore, #tpu.memory_space<semaphore_mem>>)
      %dma_wait3A = arith.constant 0 : i32
      %dma_wait3A_80 = arith.constant 0 : i32
      %dma_wait3A_81 = tpu.memref_slice %arg2[%arg0, %arg1, %dma_wait3A, %dma_wait3A_80] : memref<2x16x158x128xi32, #tpu.memory_space<hbm>> -> memref<1x1x158x128xi32, #tpu.memory_space<hbm>>
      %dma_wait3A_82 = tpu.memref_squeeze %dma_wait3A_81 : memref<1x1x158x128xi32, #tpu.memory_space<hbm>> -> memref<158x128xi32, #tpu.memory_space<hbm>>
      %dma_wait3A_83 = arith.constant 0 : i32
      %dma_wait3A_84 = arith.constant 0 : i32
      %dma_wait3A_85 = tpu.memref_slice %arg2[%arg0, %arg1, %dma_wait3A_83, %dma_wait3A_84] : memref<2x16x158x128xi32, #tpu.memory_space<hbm>> -> memref<1x1x158x128xi32, #tpu.memory_space<hbm>>
      %dma_wait3A_86 = tpu.memref_squeeze %dma_wait3A_85 : memref<1x1x158x128xi32, #tpu.memory_space<hbm>> -> memref<158x128xi32, #tpu.memory_space<hbm>>
      tpu.wait_dma2 semaphore(%run_scoped3A_71 : memref<!tpu.dma_semaphore, #tpu.memory_space<semaphore_mem>>) src(%dma_wait3A_86 : memref<158x128xi32, #tpu.memory_space<hbm>>) dst(%arg7 : memref<158x128xi32, #tpu.memory_space<vmem>>)
      tpu.yield
    }) : () -> ()
    "tpu.region"() ({
      %run_scoped3A_71 = tpu.sem_alloc : memref<!tpu.dma_semaphore, #tpu.memory_space<semaphore_mem>>
      %dma_start3A_72 = arith.constant 0 : i32
      %dma_start3A_73 = arith.constant 0 : i32
      %dma_start3A_74 = tpu.memref_slice %arg3[%arg1, %dma_start3A_72, %dma_start3A_73] : memref<16x158x128xi32, #tpu.memory_space<hbm>> -> memref<1x158x128xi32, #tpu.memory_space<hbm>>
      %dma_start3A_75 = tpu.memref_squeeze %dma_start3A_74 : memref<1x158x128xi32, #tpu.memory_space<hbm>> -> memref<158x128xi32, #tpu.memory_space<hbm>>
      %dma_start3A_76 = arith.constant 0 : i32
      %dma_start3A_77 = arith.constant 0 : i32
      %dma_start3A_78 = tpu.memref_slice %arg3[%arg1, %dma_start3A_76, %dma_start3A_77] : memref<16x158x128xi32, #tpu.memory_space<hbm>> -> memref<1x158x128xi32, #tpu.memory_space<hbm>>
      %dma_start3A_79 = tpu.memref_squeeze %dma_start3A_78 : memref<1x158x128xi32, #tpu.memory_space<hbm>> -> memref<158x128xi32, #tpu.memory_space<hbm>>
      tpu.enqueue_dma source(%dma_start3A_79 : memref<158x128xi32, #tpu.memory_space<hbm>>) target(%arg8 : memref<158x128xi32, #tpu.memory_space<vmem>>) target_semaphore(%run_scoped3A_71 : memref<!tpu.dma_semaphore, #tpu.memory_space<semaphore_mem>>)
      %dma_wait3A = arith.constant 0 : i32
      %dma_wait3A_80 = arith.constant 0 : i32
      %dma_wait3A_81 = tpu.memref_slice %arg3[%arg1, %dma_wait3A, %dma_wait3A_80] : memref<16x158x128xi32, #tpu.memory_space<hbm>> -> memref<1x158x128xi32, #tpu.memory_space<hbm>>
      %dma_wait3A_82 = tpu.memref_squeeze %dma_wait3A_81 : memref<1x158x128xi32, #tpu.memory_space<hbm>> -> memref<158x128xi32, #tpu.memory_space<hbm>>
      %dma_wait3A_83 = arith.constant 0 : i32
      %dma_wait3A_84 = arith.constant 0 : i32
      %dma_wait3A_85 = tpu.memref_slice %arg3[%arg1, %dma_wait3A_83, %dma_wait3A_84] : memref<16x158x128xi32, #tpu.memory_space<hbm>> -> memref<1x158x128xi32, #tpu.memory_space<hbm>>
      %dma_wait3A_86 = tpu.memref_squeeze %dma_wait3A_85 : memref<1x158x128xi32, #tpu.memory_space<hbm>> -> memref<158x128xi32, #tpu.memory_space<hbm>>
      tpu.wait_dma2 semaphore(%run_scoped3A_71 : memref<!tpu.dma_semaphore, #tpu.memory_space<semaphore_mem>>) src(%dma_wait3A_86 : memref<158x128xi32, #tpu.memory_space<hbm>>) dst(%arg8 : memref<158x128xi32, #tpu.memory_space<vmem>>)
      tpu.yield
    }) : () -> ()
    "tpu.region"() ({
      %run_scoped3A_71 = tpu.sem_alloc : memref<!tpu.dma_semaphore, #tpu.memory_space<semaphore_mem>>
      tpu.enqueue_dma source(%arg5 : memref<320x64xf32, #tpu.memory_space<hbm>>) target(%arg10 : memref<320x64xf32, #tpu.memory_space<vmem>>) target_semaphore(%run_scoped3A_71 : memref<!tpu.dma_semaphore, #tpu.memory_space<semaphore_mem>>)
      tpu.wait_dma2 semaphore(%run_scoped3A_71 : memref<!tpu.dma_semaphore, #tpu.memory_space<semaphore_mem>>) src(%arg5 : memref<320x64xf32, #tpu.memory_space<hbm>>) dst(%arg10 : memref<320x64xf32, #tpu.memory_space<vmem>>)
      tpu.yield
    }) : () -> ()
    %mul3A = arith.constant 640 : i32
    %mul3A_0 = arith.muli %arg1, %mul3A : i32
    %add3A = arith.constant 0 : i32
    %add3A_1 = arith.addi %mul3A_0, %add3A : i32
    "tpu.region"() ({
      %run_scoped3A_71 = tpu.sem_alloc : memref<!tpu.dma_semaphore, #tpu.memory_space<semaphore_mem>>
      %dma_start3A_72 = arith.constant 0 : i32
      %dma_start3A_73 = tpu.memref_slice %arg11[%add3A_1, %dma_start3A_72] : memref<10240x64xf32, #tpu.memory_space<vmem_shared>> -> memref<320x64xf32, #tpu.memory_space<vmem_shared>>
      %dma_start3A_74 = arith.constant 0 : i32
      %dma_start3A_75 = tpu.memref_slice %arg11[%add3A_1, %dma_start3A_74] : memref<10240x64xf32, #tpu.memory_space<vmem_shared>> -> memref<320x64xf32, #tpu.memory_space<vmem_shared>>
      tpu.enqueue_dma source(%arg10 : memref<320x64xf32, #tpu.memory_space<vmem>>) target(%dma_start3A_75 : memref<320x64xf32, #tpu.memory_space<vmem_shared>>) target_semaphore(%run_scoped3A_71 : memref<!tpu.dma_semaphore, #tpu.memory_space<semaphore_mem>>)
      %dma_wait3A = arith.constant 0 : i32
      %dma_wait3A_76 = tpu.memref_slice %arg11[%add3A_1, %dma_wait3A] : memref<10240x64xf32, #tpu.memory_space<vmem_shared>> -> memref<320x64xf32, #tpu.memory_space<vmem_shared>>
      %dma_wait3A_77 = arith.constant 0 : i32
      %dma_wait3A_78 = tpu.memref_slice %arg11[%add3A_1, %dma_wait3A_77] : memref<10240x64xf32, #tpu.memory_space<vmem_shared>> -> memref<320x64xf32, #tpu.memory_space<vmem_shared>>
      tpu.wait_dma2 semaphore(%run_scoped3A_71 : memref<!tpu.dma_semaphore, #tpu.memory_space<semaphore_mem>>) src(%arg10 : memref<320x64xf32, #tpu.memory_space<vmem>>) dst(%dma_wait3A_78 : memref<320x64xf32, #tpu.memory_space<vmem_shared>>)
      tpu.yield
    }) : () -> ()
    %mul3A_2 = arith.constant 640 : i32
    %mul3A_3 = arith.muli %arg1, %mul3A_2 : i32
    %add3A_4 = arith.constant 320 : i32
    %add3A_5 = arith.addi %mul3A_3, %add3A_4 : i32
    "tpu.region"() ({
      %run_scoped3A_71 = tpu.sem_alloc : memref<!tpu.dma_semaphore, #tpu.memory_space<semaphore_mem>>
      %dma_start3A_72 = arith.constant 0 : i32
      %dma_start3A_73 = tpu.memref_slice %arg11[%add3A_5, %dma_start3A_72] : memref<10240x64xf32, #tpu.memory_space<vmem_shared>> -> memref<320x64xf32, #tpu.memory_space<vmem_shared>>
      %dma_start3A_74 = arith.constant 0 : i32
      %dma_start3A_75 = tpu.memref_slice %arg11[%add3A_5, %dma_start3A_74] : memref<10240x64xf32, #tpu.memory_space<vmem_shared>> -> memref<320x64xf32, #tpu.memory_space<vmem_shared>>
      tpu.enqueue_dma source(%arg10 : memref<320x64xf32, #tpu.memory_space<vmem>>) target(%dma_start3A_75 : memref<320x64xf32, #tpu.memory_space<vmem_shared>>) target_semaphore(%run_scoped3A_71 : memref<!tpu.dma_semaphore, #tpu.memory_space<semaphore_mem>>)
      %dma_wait3A = arith.constant 0 : i32
      %dma_wait3A_76 = tpu.memref_slice %arg11[%add3A_5, %dma_wait3A] : memref<10240x64xf32, #tpu.memory_space<vmem_shared>> -> memref<320x64xf32, #tpu.memory_space<vmem_shared>>
      %dma_wait3A_77 = arith.constant 0 : i32
      %dma_wait3A_78 = tpu.memref_slice %arg11[%add3A_5, %dma_wait3A_77] : memref<10240x64xf32, #tpu.memory_space<vmem_shared>> -> memref<320x64xf32, #tpu.memory_space<vmem_shared>>
      tpu.wait_dma2 semaphore(%run_scoped3A_71 : memref<!tpu.dma_semaphore, #tpu.memory_space<semaphore_mem>>) src(%arg10 : memref<320x64xf32, #tpu.memory_space<vmem>>) dst(%dma_wait3A_78 : memref<320x64xf32, #tpu.memory_space<vmem_shared>>)
      tpu.yield
    }) : () -> ()
    %barrier3A = arith.constant 0 : index
    tpu.barrier barrier_id(%barrier3A)
    %dma_start3A = arith.constant 0 : i32
    %dma_start3A_6 = arith.constant 0 : i32
    %dma_start3A_7 = arith.constant 0 : i32
    %dma_start3A_8 = arith.constant 0 : i32
    %dma_start3A_9 = arith.constant 0 : i32
    %dma_start3A_10 = tpu.memref_slice %arg9[%dma_start3A_6, %dma_start3A_8, %dma_start3A_9] : memref<3x128x64xf32, #tpu.memory_space<vmem>> -> memref<1x128x64xf32, #tpu.memory_space<vmem>>
    %dma_start3A_11 = tpu.memref_squeeze %dma_start3A_10 : memref<1x128x64xf32, #tpu.memory_space<vmem>> -> memref<128x64xf32, #tpu.memory_space<vmem>>
    %dma_start3A_12 = arith.constant 0 : i32
    %dma_start3A_13 = tpu.memref_slice %arg7[%dma_start3A, %dma_start3A_12] : memref<158x128xi32, #tpu.memory_space<vmem>> -> memref<1x128xi32, #tpu.memory_space<vmem>>
    %dma_start3A_14 = tpu.memref_squeeze %dma_start3A_13 : memref<1x128xi32, #tpu.memory_space<vmem>> -> memref<128xi32, #tpu.memory_space<vmem>>
    %dma_start3A_15 = arith.constant 0 : i32
    %dma_start3A_16 = arith.constant 0 : i32
    %dma_start3A_17 = tpu.memref_slice %arg4[%dma_start3A_15, %dma_start3A_16] : memref<20480x64xf32, #tpu.memory_space<hbm>> -> memref<20480x64xf32, #tpu.memory_space<hbm>>
    %dma_start3A_18 = tpu.memref_slice %arg12[%dma_start3A_7] : memref<3x!tpu.dma_semaphore, #tpu.memory_space<semaphore_mem>> -> memref<1x!tpu.dma_semaphore, #tpu.memory_space<semaphore_mem>>
    %dma_start3A_19 = tpu.memref_squeeze %dma_start3A_18 : memref<1x!tpu.dma_semaphore, #tpu.memory_space<semaphore_mem>> -> memref<!tpu.dma_semaphore, #tpu.memory_space<semaphore_mem>>
    tpu.enqueue_indirect_dma source(%dma_start3A_17 : memref<20480x64xf32, #tpu.memory_space<hbm>>) target(%dma_start3A_11 : memref<128x64xf32, #tpu.memory_space<vmem>>) offsets(%dma_start3A_14 : memref<128xi32, #tpu.memory_space<vmem>>) semaphore(%dma_start3A_19 : memref<!tpu.dma_semaphore, #tpu.memory_space<semaphore_mem>>)
    %dma_start3A_20 = arith.constant 1 : i32
    %dma_start3A_21 = arith.constant 1 : i32
    %dma_start3A_22 = arith.constant 1 : i32
    %dma_start3A_23 = arith.constant 0 : i32
    %dma_start3A_24 = arith.constant 0 : i32
    %dma_start3A_25 = tpu.memref_slice %arg9[%dma_start3A_21, %dma_start3A_23, %dma_start3A_24] : memref<3x128x64xf32, #tpu.memory_space<vmem>> -> memref<1x128x64xf32, #tpu.memory_space<vmem>>
    %dma_start3A_26 = tpu.memref_squeeze %dma_start3A_25 : memref<1x128x64xf32, #tpu.memory_space<vmem>> -> memref<128x64xf32, #tpu.memory_space<vmem>>
    %dma_start3A_27 = arith.constant 0 : i32
    %dma_start3A_28 = tpu.memref_slice %arg7[%dma_start3A_20, %dma_start3A_27] : memref<158x128xi32, #tpu.memory_space<vmem>> -> memref<1x128xi32, #tpu.memory_space<vmem>>
    %dma_start3A_29 = tpu.memref_squeeze %dma_start3A_28 : memref<1x128xi32, #tpu.memory_space<vmem>> -> memref<128xi32, #tpu.memory_space<vmem>>
    %dma_start3A_30 = arith.constant 0 : i32
    %dma_start3A_31 = arith.constant 0 : i32
    %dma_start3A_32 = tpu.memref_slice %arg4[%dma_start3A_30, %dma_start3A_31] : memref<20480x64xf32, #tpu.memory_space<hbm>> -> memref<20480x64xf32, #tpu.memory_space<hbm>>
    %dma_start3A_33 = tpu.memref_slice %arg12[%dma_start3A_22] : memref<3x!tpu.dma_semaphore, #tpu.memory_space<semaphore_mem>> -> memref<1x!tpu.dma_semaphore, #tpu.memory_space<semaphore_mem>>
    %dma_start3A_34 = tpu.memref_squeeze %dma_start3A_33 : memref<1x!tpu.dma_semaphore, #tpu.memory_space<semaphore_mem>> -> memref<!tpu.dma_semaphore, #tpu.memory_space<semaphore_mem>>
    tpu.enqueue_indirect_dma source(%dma_start3A_32 : memref<20480x64xf32, #tpu.memory_space<hbm>>) target(%dma_start3A_26 : memref<128x64xf32, #tpu.memory_space<vmem>>) offsets(%dma_start3A_29 : memref<128xi32, #tpu.memory_space<vmem>>) semaphore(%dma_start3A_34 : memref<!tpu.dma_semaphore, #tpu.memory_space<semaphore_mem>>)
    %dma_start3A_35 = arith.constant 2 : i32
    %dma_start3A_36 = arith.constant 2 : i32
    %dma_start3A_37 = arith.constant 2 : i32
    %dma_start3A_38 = arith.constant 0 : i32
    %dma_start3A_39 = arith.constant 0 : i32
    %dma_start3A_40 = tpu.memref_slice %arg9[%dma_start3A_36, %dma_start3A_38, %dma_start3A_39] : memref<3x128x64xf32, #tpu.memory_space<vmem>> -> memref<1x128x64xf32, #tpu.memory_space<vmem>>
    %dma_start3A_41 = tpu.memref_squeeze %dma_start3A_40 : memref<1x128x64xf32, #tpu.memory_space<vmem>> -> memref<128x64xf32, #tpu.memory_space<vmem>>
    %dma_start3A_42 = arith.constant 0 : i32
    %dma_start3A_43 = tpu.memref_slice %arg7[%dma_start3A_35, %dma_start3A_42] : memref<158x128xi32, #tpu.memory_space<vmem>> -> memref<1x128xi32, #tpu.memory_space<vmem>>
    %dma_start3A_44 = tpu.memref_squeeze %dma_start3A_43 : memref<1x128xi32, #tpu.memory_space<vmem>> -> memref<128xi32, #tpu.memory_space<vmem>>
    %dma_start3A_45 = arith.constant 0 : i32
    %dma_start3A_46 = arith.constant 0 : i32
    %dma_start3A_47 = tpu.memref_slice %arg4[%dma_start3A_45, %dma_start3A_46] : memref<20480x64xf32, #tpu.memory_space<hbm>> -> memref<20480x64xf32, #tpu.memory_space<hbm>>
    %dma_start3A_48 = tpu.memref_slice %arg12[%dma_start3A_37] : memref<3x!tpu.dma_semaphore, #tpu.memory_space<semaphore_mem>> -> memref<1x!tpu.dma_semaphore, #tpu.memory_space<semaphore_mem>>
    %dma_start3A_49 = tpu.memref_squeeze %dma_start3A_48 : memref<1x!tpu.dma_semaphore, #tpu.memory_space<semaphore_mem>> -> memref<!tpu.dma_semaphore, #tpu.memory_space<semaphore_mem>>
    tpu.enqueue_indirect_dma source(%dma_start3A_47 : memref<20480x64xf32, #tpu.memory_space<hbm>>) target(%dma_start3A_41 : memref<128x64xf32, #tpu.memory_space<vmem>>) offsets(%dma_start3A_44 : memref<128xi32, #tpu.memory_space<vmem>>) semaphore(%dma_start3A_49 : memref<!tpu.dma_semaphore, #tpu.memory_space<semaphore_mem>>)
    %scan3A = arith.constant 0 : i32
    %scan3A_50 = arith.constant 0 : i32
    %scan3A_51 = arith.constant 52 : i32
    %scan3A_52 = arith.addi %scan3A_50, %scan3A_51 : i32
    %scan3A_53 = arith.constant 1 : i32
    scf.for %scan3A_71 = %scan3A_50 to %scan3A_52 step %scan3A_53  : i32 {
      %mul3A_72 = arith.constant 3 : i32
      %mul3A_73 = arith.muli %scan3A_71, %mul3A_72 : i32
      %add3A_74 = arith.constant 0 : i32
      %add3A_75 = arith.addi %mul3A_73, %add3A_74 : i32
      %dma_wait3A = arith.constant 0 : i32
      %dma_wait3A_76 = arith.constant 0 : i32
      %dma_wait3A_77 = arith.constant 0 : i32
      %dma_wait3A_78 = arith.constant 0 : i32
      %dma_wait3A_79 = tpu.memref_slice %arg9[%dma_wait3A, %dma_wait3A_77, %dma_wait3A_78] : memref<3x128x64xf32, #tpu.memory_space<vmem>> -> memref<1x128x64xf32, #tpu.memory_space<vmem>>
      %dma_wait3A_80 = tpu.memref_squeeze %dma_wait3A_79 : memref<1x128x64xf32, #tpu.memory_space<vmem>> -> memref<128x64xf32, #tpu.memory_space<vmem>>
      %dma_wait3A_81 = arith.constant 0 : i32
      %dma_wait3A_82 = tpu.memref_slice %arg7[%add3A_75, %dma_wait3A_81] : memref<158x128xi32, #tpu.memory_space<vmem>> -> memref<1x128xi32, #tpu.memory_space<vmem>>
      %dma_wait3A_83 = tpu.memref_squeeze %dma_wait3A_82 : memref<1x128xi32, #tpu.memory_space<vmem>> -> memref<128xi32, #tpu.memory_space<vmem>>
      %dma_wait3A_84 = arith.constant 0 : i32
      %dma_wait3A_85 = arith.constant 0 : i32
      %dma_wait3A_86 = tpu.memref_slice %arg4[%dma_wait3A_84, %dma_wait3A_85] : memref<20480x64xf32, #tpu.memory_space<hbm>> -> memref<20480x64xf32, #tpu.memory_space<hbm>>
      %dma_wait3A_87 = tpu.memref_slice %arg12[%dma_wait3A_76] : memref<3x!tpu.dma_semaphore, #tpu.memory_space<semaphore_mem>> -> memref<1x!tpu.dma_semaphore, #tpu.memory_space<semaphore_mem>>
      %dma_wait3A_88 = tpu.memref_squeeze %dma_wait3A_87 : memref<1x!tpu.dma_semaphore, #tpu.memory_space<semaphore_mem>> -> memref<!tpu.dma_semaphore, #tpu.memory_space<semaphore_mem>>
      tpu.wait_indirect_dma semaphore(%dma_wait3A_88 : memref<!tpu.dma_semaphore, #tpu.memory_space<semaphore_mem>>) src(%dma_wait3A_86 : memref<20480x64xf32, #tpu.memory_space<hbm>>) dst(%dma_wait3A_80 : memref<128x64xf32, #tpu.memory_space<vmem>>)
      %run_scoped3A_89 = arith.constant 0 : i32
      "tpu.region"() ({
        %run_scoped3A_146 = tpu.sem_alloc : memref<!tpu.dma_semaphore, #tpu.memory_space<semaphore_mem>>
        %dma_start3A_147 = arith.constant 0 : i32
        %dma_start3A_148 = arith.constant 0 : i32
        %dma_start3A_149 = tpu.memref_slice %arg9[%run_scoped3A_89, %dma_start3A_147, %dma_start3A_148] : memref<3x128x64xf32, #tpu.memory_space<vmem>> -> memref<1x128x64xf32, #tpu.memory_space<vmem>>
        %dma_start3A_150 = tpu.memref_squeeze %dma_start3A_149 : memref<1x128x64xf32, #tpu.memory_space<vmem>> -> memref<128x64xf32, #tpu.memory_space<vmem>>
        %dma_start3A_151 = arith.constant 0 : i32
        %dma_start3A_152 = tpu.memref_slice %arg8[%add3A_75, %dma_start3A_151] : memref<158x128xi32, #tpu.memory_space<vmem>> -> memref<1x128xi32, #tpu.memory_space<vmem>>
        %dma_start3A_153 = tpu.memref_squeeze %dma_start3A_152 : memref<1x128xi32, #tpu.memory_space<vmem>> -> memref<128xi32, #tpu.memory_space<vmem>>
        %dma_start3A_154 = arith.constant 0 : i32
        %dma_start3A_155 = arith.constant 0 : i32
        %dma_start3A_156 = tpu.memref_slice %arg11[%dma_start3A_154, %dma_start3A_155] : memref<10240x64xf32, #tpu.memory_space<vmem_shared>> -> memref<10240x64xf32, #tpu.memory_space<vmem_shared>>
        tpu.enqueue_indirect_dma source(%dma_start3A_150 : memref<128x64xf32, #tpu.memory_space<vmem>>) target(%dma_start3A_156 : memref<10240x64xf32, #tpu.memory_space<vmem_shared>>) offsets(%dma_start3A_153 : memref<128xi32, #tpu.memory_space<vmem>>) semaphore(%run_scoped3A_146 : memref<!tpu.dma_semaphore, #tpu.memory_space<semaphore_mem>>) {add = true}
        %dma_wait3A_157 = arith.constant 0 : i32
        %dma_wait3A_158 = arith.constant 0 : i32
        %dma_wait3A_159 = tpu.memref_slice %arg9[%run_scoped3A_89, %dma_wait3A_157, %dma_wait3A_158] : memref<3x128x64xf32, #tpu.memory_space<vmem>> -> memref<1x128x64xf32, #tpu.memory_space<vmem>>
        %dma_wait3A_160 = tpu.memref_squeeze %dma_wait3A_159 : memref<1x128x64xf32, #tpu.memory_space<vmem>> -> memref<128x64xf32, #tpu.memory_space<vmem>>
        %dma_wait3A_161 = arith.constant 0 : i32
        %dma_wait3A_162 = tpu.memref_slice %arg8[%add3A_75, %dma_wait3A_161] : memref<158x128xi32, #tpu.memory_space<vmem>> -> memref<1x128xi32, #tpu.memory_space<vmem>>
        %dma_wait3A_163 = tpu.memref_squeeze %dma_wait3A_162 : memref<1x128xi32, #tpu.memory_space<vmem>> -> memref<128xi32, #tpu.memory_space<vmem>>
        %dma_wait3A_164 = arith.constant 0 : i32
        %dma_wait3A_165 = arith.constant 0 : i32
        %dma_wait3A_166 = tpu.memref_slice %arg11[%dma_wait3A_164, %dma_wait3A_165] : memref<10240x64xf32, #tpu.memory_space<vmem_shared>> -> memref<10240x64xf32, #tpu.memory_space<vmem_shared>>
        tpu.wait_indirect_dma semaphore(%run_scoped3A_146 : memref<!tpu.dma_semaphore, #tpu.memory_space<semaphore_mem>>) src(%dma_wait3A_160 : memref<128x64xf32, #tpu.memory_space<vmem>>) dst(%dma_wait3A_166 : memref<10240x64xf32, #tpu.memory_space<vmem_shared>>)
        tpu.yield
      }) : () -> ()
      %add3A_90 = arith.constant 3 : i32
      %add3A_91 = arith.addi %add3A_75, %add3A_90 : i32
      %lt3A = arith.constant 156 : i32
      %lt3A_92 = arith.cmpi slt, %add3A_91, %lt3A : i32
      %convert_element_type3A = arith.extui %lt3A_92 : i1 to i32
      %cond3A = arith.constant 0 : i32
      %cond3A_93 = arith.cmpi ne, %convert_element_type3A, %cond3A : i32
      scf.if %cond3A_93 {
        %add3A_146 = arith.constant 3 : i32
        %add3A_147 = arith.addi %add3A_75, %add3A_146 : i32
        %dma_start3A_148 = arith.constant 0 : i32
        %dma_start3A_149 = arith.constant 0 : i32
        %dma_start3A_150 = arith.constant 0 : i32
        %dma_start3A_151 = arith.constant 0 : i32
        %dma_start3A_152 = tpu.memref_slice %arg9[%dma_start3A_148, %dma_start3A_150, %dma_start3A_151] : memref<3x128x64xf32, #tpu.memory_space<vmem>> -> memref<1x128x64xf32, #tpu.memory_space<vmem>>
        %dma_start3A_153 = tpu.memref_squeeze %dma_start3A_152 : memref<1x128x64xf32, #tpu.memory_space<vmem>> -> memref<128x64xf32, #tpu.memory_space<vmem>>
        %dma_start3A_154 = arith.constant 0 : i32
        %dma_start3A_155 = tpu.memref_slice %arg7[%add3A_147, %dma_start3A_154] : memref<158x128xi32, #tpu.memory_space<vmem>> -> memref<1x128xi32, #tpu.memory_space<vmem>>
        %dma_start3A_156 = tpu.memref_squeeze %dma_start3A_155 : memref<1x128xi32, #tpu.memory_space<vmem>> -> memref<128xi32, #tpu.memory_space<vmem>>
        %dma_start3A_157 = arith.constant 0 : i32
        %dma_start3A_158 = arith.constant 0 : i32
        %dma_start3A_159 = tpu.memref_slice %arg4[%dma_start3A_157, %dma_start3A_158] : memref<20480x64xf32, #tpu.memory_space<hbm>> -> memref<20480x64xf32, #tpu.memory_space<hbm>>
        %dma_start3A_160 = tpu.memref_slice %arg12[%dma_start3A_149] : memref<3x!tpu.dma_semaphore, #tpu.memory_space<semaphore_mem>> -> memref<1x!tpu.dma_semaphore, #tpu.memory_space<semaphore_mem>>
        %dma_start3A_161 = tpu.memref_squeeze %dma_start3A_160 : memref<1x!tpu.dma_semaphore, #tpu.memory_space<semaphore_mem>> -> memref<!tpu.dma_semaphore, #tpu.memory_space<semaphore_mem>>
        tpu.enqueue_indirect_dma source(%dma_start3A_159 : memref<20480x64xf32, #tpu.memory_space<hbm>>) target(%dma_start3A_153 : memref<128x64xf32, #tpu.memory_space<vmem>>) offsets(%dma_start3A_156 : memref<128xi32, #tpu.memory_space<vmem>>) semaphore(%dma_start3A_161 : memref<!tpu.dma_semaphore, #tpu.memory_space<semaphore_mem>>)
      } else {
      }
      %mul3A_94 = arith.constant 3 : i32
      %mul3A_95 = arith.muli %scan3A_71, %mul3A_94 : i32
      %add3A_96 = arith.constant 1 : i32
      %add3A_97 = arith.addi %mul3A_95, %add3A_96 : i32
      %dma_wait3A_98 = arith.constant 1 : i32
      %dma_wait3A_99 = arith.constant 1 : i32
      %dma_wait3A_100 = arith.constant 0 : i32
      %dma_wait3A_101 = arith.constant 0 : i32
      %dma_wait3A_102 = tpu.memref_slice %arg9[%dma_wait3A_98, %dma_wait3A_100, %dma_wait3A_101] : memref<3x128x64xf32, #tpu.memory_space<vmem>> -> memref<1x128x64xf32, #tpu.memory_space<vmem>>
      %dma_wait3A_103 = tpu.memref_squeeze %dma_wait3A_102 : memref<1x128x64xf32, #tpu.memory_space<vmem>> -> memref<128x64xf32, #tpu.memory_space<vmem>>
      %dma_wait3A_104 = arith.constant 0 : i32
      %dma_wait3A_105 = tpu.memref_slice %arg7[%add3A_97, %dma_wait3A_104] : memref<158x128xi32, #tpu.memory_space<vmem>> -> memref<1x128xi32, #tpu.memory_space<vmem>>
      %dma_wait3A_106 = tpu.memref_squeeze %dma_wait3A_105 : memref<1x128xi32, #tpu.memory_space<vmem>> -> memref<128xi32, #tpu.memory_space<vmem>>
      %dma_wait3A_107 = arith.constant 0 : i32
      %dma_wait3A_108 = arith.constant 0 : i32
      %dma_wait3A_109 = tpu.memref_slice %arg4[%dma_wait3A_107, %dma_wait3A_108] : memref<20480x64xf32, #tpu.memory_space<hbm>> -> memref<20480x64xf32, #tpu.memory_space<hbm>>
      %dma_wait3A_110 = tpu.memref_slice %arg12[%dma_wait3A_99] : memref<3x!tpu.dma_semaphore, #tpu.memory_space<semaphore_mem>> -> memref<1x!tpu.dma_semaphore, #tpu.memory_space<semaphore_mem>>
      %dma_wait3A_111 = tpu.memref_squeeze %dma_wait3A_110 : memref<1x!tpu.dma_semaphore, #tpu.memory_space<semaphore_mem>> -> memref<!tpu.dma_semaphore, #tpu.memory_space<semaphore_mem>>
      tpu.wait_indirect_dma semaphore(%dma_wait3A_111 : memref<!tpu.dma_semaphore, #tpu.memory_space<semaphore_mem>>) src(%dma_wait3A_109 : memref<20480x64xf32, #tpu.memory_space<hbm>>) dst(%dma_wait3A_103 : memref<128x64xf32, #tpu.memory_space<vmem>>)
      %run_scoped3A_112 = arith.constant 1 : i32
      "tpu.region"() ({
        %run_scoped3A_146 = tpu.sem_alloc : memref<!tpu.dma_semaphore, #tpu.memory_space<semaphore_mem>>
        %dma_start3A_147 = arith.constant 0 : i32
        %dma_start3A_148 = arith.constant 0 : i32
        %dma_start3A_149 = tpu.memref_slice %arg9[%run_scoped3A_112, %dma_start3A_147, %dma_start3A_148] : memref<3x128x64xf32, #tpu.memory_space<vmem>> -> memref<1x128x64xf32, #tpu.memory_space<vmem>>
        %dma_start3A_150 = tpu.memref_squeeze %dma_start3A_149 : memref<1x128x64xf32, #tpu.memory_space<vmem>> -> memref<128x64xf32, #tpu.memory_space<vmem>>
        %dma_start3A_151 = arith.constant 0 : i32
        %dma_start3A_152 = tpu.memref_slice %arg8[%add3A_97, %dma_start3A_151] : memref<158x128xi32, #tpu.memory_space<vmem>> -> memref<1x128xi32, #tpu.memory_space<vmem>>
        %dma_start3A_153 = tpu.memref_squeeze %dma_start3A_152 : memref<1x128xi32, #tpu.memory_space<vmem>> -> memref<128xi32, #tpu.memory_space<vmem>>
        %dma_start3A_154 = arith.constant 0 : i32
        %dma_start3A_155 = arith.constant 0 : i32
        %dma_start3A_156 = tpu.memref_slice %arg11[%dma_start3A_154, %dma_start3A_155] : memref<10240x64xf32, #tpu.memory_space<vmem_shared>> -> memref<10240x64xf32, #tpu.memory_space<vmem_shared>>
        tpu.enqueue_indirect_dma source(%dma_start3A_150 : memref<128x64xf32, #tpu.memory_space<vmem>>) target(%dma_start3A_156 : memref<10240x64xf32, #tpu.memory_space<vmem_shared>>) offsets(%dma_start3A_153 : memref<128xi32, #tpu.memory_space<vmem>>) semaphore(%run_scoped3A_146 : memref<!tpu.dma_semaphore, #tpu.memory_space<semaphore_mem>>) {add = true}
        %dma_wait3A_157 = arith.constant 0 : i32
        %dma_wait3A_158 = arith.constant 0 : i32
        %dma_wait3A_159 = tpu.memref_slice %arg9[%run_scoped3A_112, %dma_wait3A_157, %dma_wait3A_158] : memref<3x128x64xf32, #tpu.memory_space<vmem>> -> memref<1x128x64xf32, #tpu.memory_space<vmem>>
        %dma_wait3A_160 = tpu.memref_squeeze %dma_wait3A_159 : memref<1x128x64xf32, #tpu.memory_space<vmem>> -> memref<128x64xf32, #tpu.memory_space<vmem>>
        %dma_wait3A_161 = arith.constant 0 : i32
        %dma_wait3A_162 = tpu.memref_slice %arg8[%add3A_97, %dma_wait3A_161] : memref<158x128xi32, #tpu.memory_space<vmem>> -> memref<1x128xi32, #tpu.memory_space<vmem>>
        %dma_wait3A_163 = tpu.memref_squeeze %dma_wait3A_162 : memref<1x128xi32, #tpu.memory_space<vmem>> -> memref<128xi32, #tpu.memory_space<vmem>>
        %dma_wait3A_164 = arith.constant 0 : i32
        %dma_wait3A_165 = arith.constant 0 : i32
        %dma_wait3A_166 = tpu.memref_slice %arg11[%dma_wait3A_164, %dma_wait3A_165] : memref<10240x64xf32, #tpu.memory_space<vmem_shared>> -> memref<10240x64xf32, #tpu.memory_space<vmem_shared>>
        tpu.wait_indirect_dma semaphore(%run_scoped3A_146 : memref<!tpu.dma_semaphore, #tpu.memory_space<semaphore_mem>>) src(%dma_wait3A_160 : memref<128x64xf32, #tpu.memory_space<vmem>>) dst(%dma_wait3A_166 : memref<10240x64xf32, #tpu.memory_space<vmem_shared>>)
        tpu.yield
      }) : () -> ()
      %add3A_113 = arith.constant 3 : i32
      %add3A_114 = arith.addi %add3A_97, %add3A_113 : i32
      %lt3A_115 = arith.constant 156 : i32
      %lt3A_116 = arith.cmpi slt, %add3A_114, %lt3A_115 : i32
      %convert_element_type3A_117 = arith.extui %lt3A_116 : i1 to i32
      %cond3A_118 = arith.constant 0 : i32
      %cond3A_119 = arith.cmpi ne, %convert_element_type3A_117, %cond3A_118 : i32
      scf.if %cond3A_119 {
        %add3A_146 = arith.constant 3 : i32
        %add3A_147 = arith.addi %add3A_97, %add3A_146 : i32
        %dma_start3A_148 = arith.constant 1 : i32
        %dma_start3A_149 = arith.constant 1 : i32
        %dma_start3A_150 = arith.constant 0 : i32
        %dma_start3A_151 = arith.constant 0 : i32
        %dma_start3A_152 = tpu.memref_slice %arg9[%dma_start3A_148, %dma_start3A_150, %dma_start3A_151] : memref<3x128x64xf32, #tpu.memory_space<vmem>> -> memref<1x128x64xf32, #tpu.memory_space<vmem>>
        %dma_start3A_153 = tpu.memref_squeeze %dma_start3A_152 : memref<1x128x64xf32, #tpu.memory_space<vmem>> -> memref<128x64xf32, #tpu.memory_space<vmem>>
        %dma_start3A_154 = arith.constant 0 : i32
        %dma_start3A_155 = tpu.memref_slice %arg7[%add3A_147, %dma_start3A_154] : memref<158x128xi32, #tpu.memory_space<vmem>> -> memref<1x128xi32, #tpu.memory_space<vmem>>
        %dma_start3A_156 = tpu.memref_squeeze %dma_start3A_155 : memref<1x128xi32, #tpu.memory_space<vmem>> -> memref<128xi32, #tpu.memory_space<vmem>>
        %dma_start3A_157 = arith.constant 0 : i32
        %dma_start3A_158 = arith.constant 0 : i32
        %dma_start3A_159 = tpu.memref_slice %arg4[%dma_start3A_157, %dma_start3A_158] : memref<20480x64xf32, #tpu.memory_space<hbm>> -> memref<20480x64xf32, #tpu.memory_space<hbm>>
        %dma_start3A_160 = tpu.memref_slice %arg12[%dma_start3A_149] : memref<3x!tpu.dma_semaphore, #tpu.memory_space<semaphore_mem>> -> memref<1x!tpu.dma_semaphore, #tpu.memory_space<semaphore_mem>>
        %dma_start3A_161 = tpu.memref_squeeze %dma_start3A_160 : memref<1x!tpu.dma_semaphore, #tpu.memory_space<semaphore_mem>> -> memref<!tpu.dma_semaphore, #tpu.memory_space<semaphore_mem>>
        tpu.enqueue_indirect_dma source(%dma_start3A_159 : memref<20480x64xf32, #tpu.memory_space<hbm>>) target(%dma_start3A_153 : memref<128x64xf32, #tpu.memory_space<vmem>>) offsets(%dma_start3A_156 : memref<128xi32, #tpu.memory_space<vmem>>) semaphore(%dma_start3A_161 : memref<!tpu.dma_semaphore, #tpu.memory_space<semaphore_mem>>)
      } else {
      }
      %mul3A_120 = arith.constant 3 : i32
      %mul3A_121 = arith.muli %scan3A_71, %mul3A_120 : i32
      %add3A_122 = arith.constant 2 : i32
      %add3A_123 = arith.addi %mul3A_121, %add3A_122 : i32
      %dma_wait3A_124 = arith.constant 2 : i32
      %dma_wait3A_125 = arith.constant 2 : i32
      %dma_wait3A_126 = arith.constant 0 : i32
      %dma_wait3A_127 = arith.constant 0 : i32
      %dma_wait3A_128 = tpu.memref_slice %arg9[%dma_wait3A_124, %dma_wait3A_126, %dma_wait3A_127] : memref<3x128x64xf32, #tpu.memory_space<vmem>> -> memref<1x128x64xf32, #tpu.memory_space<vmem>>
      %dma_wait3A_129 = tpu.memref_squeeze %dma_wait3A_128 : memref<1x128x64xf32, #tpu.memory_space<vmem>> -> memref<128x64xf32, #tpu.memory_space<vmem>>
      %dma_wait3A_130 = arith.constant 0 : i32
      %dma_wait3A_131 = tpu.memref_slice %arg7[%add3A_123, %dma_wait3A_130] : memref<158x128xi32, #tpu.memory_space<vmem>> -> memref<1x128xi32, #tpu.memory_space<vmem>>
      %dma_wait3A_132 = tpu.memref_squeeze %dma_wait3A_131 : memref<1x128xi32, #tpu.memory_space<vmem>> -> memref<128xi32, #tpu.memory_space<vmem>>
      %dma_wait3A_133 = arith.constant 0 : i32
      %dma_wait3A_134 = arith.constant 0 : i32
      %dma_wait3A_135 = tpu.memref_slice %arg4[%dma_wait3A_133, %dma_wait3A_134] : memref<20480x64xf32, #tpu.memory_space<hbm>> -> memref<20480x64xf32, #tpu.memory_space<hbm>>
      %dma_wait3A_136 = tpu.memref_slice %arg12[%dma_wait3A_125] : memref<3x!tpu.dma_semaphore, #tpu.memory_space<semaphore_mem>> -> memref<1x!tpu.dma_semaphore, #tpu.memory_space<semaphore_mem>>
      %dma_wait3A_137 = tpu.memref_squeeze %dma_wait3A_136 : memref<1x!tpu.dma_semaphore, #tpu.memory_space<semaphore_mem>> -> memref<!tpu.dma_semaphore, #tpu.memory_space<semaphore_mem>>
      tpu.wait_indirect_dma semaphore(%dma_wait3A_137 : memref<!tpu.dma_semaphore, #tpu.memory_space<semaphore_mem>>) src(%dma_wait3A_135 : memref<20480x64xf32, #tpu.memory_space<hbm>>) dst(%dma_wait3A_129 : memref<128x64xf32, #tpu.memory_space<vmem>>)
      %run_scoped3A_138 = arith.constant 2 : i32
      "tpu.region"() ({
        %run_scoped3A_146 = tpu.sem_alloc : memref<!tpu.dma_semaphore, #tpu.memory_space<semaphore_mem>>
        %dma_start3A_147 = arith.constant 0 : i32
        %dma_start3A_148 = arith.constant 0 : i32
        %dma_start3A_149 = tpu.memref_slice %arg9[%run_scoped3A_138, %dma_start3A_147, %dma_start3A_148] : memref<3x128x64xf32, #tpu.memory_space<vmem>> -> memref<1x128x64xf32, #tpu.memory_space<vmem>>
        %dma_start3A_150 = tpu.memref_squeeze %dma_start3A_149 : memref<1x128x64xf32, #tpu.memory_space<vmem>> -> memref<128x64xf32, #tpu.memory_space<vmem>>
        %dma_start3A_151 = arith.constant 0 : i32
        %dma_start3A_152 = tpu.memref_slice %arg8[%add3A_123, %dma_start3A_151] : memref<158x128xi32, #tpu.memory_space<vmem>> -> memref<1x128xi32, #tpu.memory_space<vmem>>
        %dma_start3A_153 = tpu.memref_squeeze %dma_start3A_152 : memref<1x128xi32, #tpu.memory_space<vmem>> -> memref<128xi32, #tpu.memory_space<vmem>>
        %dma_start3A_154 = arith.constant 0 : i32
        %dma_start3A_155 = arith.constant 0 : i32
        %dma_start3A_156 = tpu.memref_slice %arg11[%dma_start3A_154, %dma_start3A_155] : memref<10240x64xf32, #tpu.memory_space<vmem_shared>> -> memref<10240x64xf32, #tpu.memory_space<vmem_shared>>
        tpu.enqueue_indirect_dma source(%dma_start3A_150 : memref<128x64xf32, #tpu.memory_space<vmem>>) target(%dma_start3A_156 : memref<10240x64xf32, #tpu.memory_space<vmem_shared>>) offsets(%dma_start3A_153 : memref<128xi32, #tpu.memory_space<vmem>>) semaphore(%run_scoped3A_146 : memref<!tpu.dma_semaphore, #tpu.memory_space<semaphore_mem>>) {add = true}
        %dma_wait3A_157 = arith.constant 0 : i32
        %dma_wait3A_158 = arith.constant 0 : i32
        %dma_wait3A_159 = tpu.memref_slice %arg9[%run_scoped3A_138, %dma_wait3A_157, %dma_wait3A_158] : memref<3x128x64xf32, #tpu.memory_space<vmem>> -> memref<1x128x64xf32, #tpu.memory_space<vmem>>
        %dma_wait3A_160 = tpu.memref_squeeze %dma_wait3A_159 : memref<1x128x64xf32, #tpu.memory_space<vmem>> -> memref<128x64xf32, #tpu.memory_space<vmem>>
        %dma_wait3A_161 = arith.constant 0 : i32
        %dma_wait3A_162 = tpu.memref_slice %arg8[%add3A_123, %dma_wait3A_161] : memref<158x128xi32, #tpu.memory_space<vmem>> -> memref<1x128xi32, #tpu.memory_space<vmem>>
        %dma_wait3A_163 = tpu.memref_squeeze %dma_wait3A_162 : memref<1x128xi32, #tpu.memory_space<vmem>> -> memref<128xi32, #tpu.memory_space<vmem>>
        %dma_wait3A_164 = arith.constant 0 : i32
        %dma_wait3A_165 = arith.constant 0 : i32
        %dma_wait3A_166 = tpu.memref_slice %arg11[%dma_wait3A_164, %dma_wait3A_165] : memref<10240x64xf32, #tpu.memory_space<vmem_shared>> -> memref<10240x64xf32, #tpu.memory_space<vmem_shared>>
        tpu.wait_indirect_dma semaphore(%run_scoped3A_146 : memref<!tpu.dma_semaphore, #tpu.memory_space<semaphore_mem>>) src(%dma_wait3A_160 : memref<128x64xf32, #tpu.memory_space<vmem>>) dst(%dma_wait3A_166 : memref<10240x64xf32, #tpu.memory_space<vmem_shared>>)
        tpu.yield
      }) : () -> ()
      %add3A_139 = arith.constant 3 : i32
      %add3A_140 = arith.addi %add3A_123, %add3A_139 : i32
      %lt3A_141 = arith.constant 156 : i32
      %lt3A_142 = arith.cmpi slt, %add3A_140, %lt3A_141 : i32
      %convert_element_type3A_143 = arith.extui %lt3A_142 : i1 to i32
      %cond3A_144 = arith.constant 0 : i32
      %cond3A_145 = arith.cmpi ne, %convert_element_type3A_143, %cond3A_144 : i32
      scf.if %cond3A_145 {
        %add3A_146 = arith.constant 3 : i32
        %add3A_147 = arith.addi %add3A_123, %add3A_146 : i32
        %dma_start3A_148 = arith.constant 2 : i32
        %dma_start3A_149 = arith.constant 2 : i32
        %dma_start3A_150 = arith.constant 0 : i32
        %dma_start3A_151 = arith.constant 0 : i32
        %dma_start3A_152 = tpu.memref_slice %arg9[%dma_start3A_148, %dma_start3A_150, %dma_start3A_151] : memref<3x128x64xf32, #tpu.memory_space<vmem>> -> memref<1x128x64xf32, #tpu.memory_space<vmem>>
        %dma_start3A_153 = tpu.memref_squeeze %dma_start3A_152 : memref<1x128x64xf32, #tpu.memory_space<vmem>> -> memref<128x64xf32, #tpu.memory_space<vmem>>
        %dma_start3A_154 = arith.constant 0 : i32
        %dma_start3A_155 = tpu.memref_slice %arg7[%add3A_147, %dma_start3A_154] : memref<158x128xi32, #tpu.memory_space<vmem>> -> memref<1x128xi32, #tpu.memory_space<vmem>>
        %dma_start3A_156 = tpu.memref_squeeze %dma_start3A_155 : memref<1x128xi32, #tpu.memory_space<vmem>> -> memref<128xi32, #tpu.memory_space<vmem>>
        %dma_start3A_157 = arith.constant 0 : i32
        %dma_start3A_158 = arith.constant 0 : i32
        %dma_start3A_159 = tpu.memref_slice %arg4[%dma_start3A_157, %dma_start3A_158] : memref<20480x64xf32, #tpu.memory_space<hbm>> -> memref<20480x64xf32, #tpu.memory_space<hbm>>
        %dma_start3A_160 = tpu.memref_slice %arg12[%dma_start3A_149] : memref<3x!tpu.dma_semaphore, #tpu.memory_space<semaphore_mem>> -> memref<1x!tpu.dma_semaphore, #tpu.memory_space<semaphore_mem>>
        %dma_start3A_161 = tpu.memref_squeeze %dma_start3A_160 : memref<1x!tpu.dma_semaphore, #tpu.memory_space<semaphore_mem>> -> memref<!tpu.dma_semaphore, #tpu.memory_space<semaphore_mem>>
        tpu.enqueue_indirect_dma source(%dma_start3A_159 : memref<20480x64xf32, #tpu.memory_space<hbm>>) target(%dma_start3A_153 : memref<128x64xf32, #tpu.memory_space<vmem>>) offsets(%dma_start3A_156 : memref<128xi32, #tpu.memory_space<vmem>>) semaphore(%dma_start3A_161 : memref<!tpu.dma_semaphore, #tpu.memory_space<semaphore_mem>>)
      } else {
      }
    }
    %scan3A_54 = arith.constant 52 : i32
    %run_scoped3A = arith.constant 156 : i32
    %run_scoped3A_55 = arith.constant 0 : i32
    "tpu.region"() ({
      %run_scoped3A_71 = tpu.sem_alloc : memref<!tpu.dma_semaphore, #tpu.memory_space<semaphore_mem>>
      %dma_start3A_72 = arith.constant 0 : i32
      %dma_start3A_73 = arith.constant 0 : i32
      %dma_start3A_74 = tpu.memref_slice %arg9[%run_scoped3A_55, %dma_start3A_72, %dma_start3A_73] : memref<3x128x64xf32, #tpu.memory_space<vmem>> -> memref<1x128x64xf32, #tpu.memory_space<vmem>>
      %dma_start3A_75 = tpu.memref_squeeze %dma_start3A_74 : memref<1x128x64xf32, #tpu.memory_space<vmem>> -> memref<128x64xf32, #tpu.memory_space<vmem>>
      %dma_start3A_76 = arith.constant 0 : i32
      %dma_start3A_77 = tpu.memref_slice %arg7[%run_scoped3A, %dma_start3A_76] : memref<158x128xi32, #tpu.memory_space<vmem>> -> memref<1x128xi32, #tpu.memory_space<vmem>>
      %dma_start3A_78 = tpu.memref_squeeze %dma_start3A_77 : memref<1x128xi32, #tpu.memory_space<vmem>> -> memref<128xi32, #tpu.memory_space<vmem>>
      %dma_start3A_79 = arith.constant 0 : i32
      %dma_start3A_80 = arith.constant 0 : i32
      %dma_start3A_81 = tpu.memref_slice %arg4[%dma_start3A_79, %dma_start3A_80] : memref<20480x64xf32, #tpu.memory_space<hbm>> -> memref<20480x64xf32, #tpu.memory_space<hbm>>
      tpu.enqueue_indirect_dma source(%dma_start3A_81 : memref<20480x64xf32, #tpu.memory_space<hbm>>) target(%dma_start3A_75 : memref<128x64xf32, #tpu.memory_space<vmem>>) offsets(%dma_start3A_78 : memref<128xi32, #tpu.memory_space<vmem>>) semaphore(%run_scoped3A_71 : memref<!tpu.dma_semaphore, #tpu.memory_space<semaphore_mem>>)
      %dma_wait3A = arith.constant 0 : i32
      %dma_wait3A_82 = arith.constant 0 : i32
      %dma_wait3A_83 = tpu.memref_slice %arg9[%run_scoped3A_55, %dma_wait3A, %dma_wait3A_82] : memref<3x128x64xf32, #tpu.memory_space<vmem>> -> memref<1x128x64xf32, #tpu.memory_space<vmem>>
      %dma_wait3A_84 = tpu.memref_squeeze %dma_wait3A_83 : memref<1x128x64xf32, #tpu.memory_space<vmem>> -> memref<128x64xf32, #tpu.memory_space<vmem>>
      %dma_wait3A_85 = arith.constant 0 : i32
      %dma_wait3A_86 = tpu.memref_slice %arg7[%run_scoped3A, %dma_wait3A_85] : memref<158x128xi32, #tpu.memory_space<vmem>> -> memref<1x128xi32, #tpu.memory_space<vmem>>
      %dma_wait3A_87 = tpu.memref_squeeze %dma_wait3A_86 : memref<1x128xi32, #tpu.memory_space<vmem>> -> memref<128xi32, #tpu.memory_space<vmem>>
      %dma_wait3A_88 = arith.constant 0 : i32
      %dma_wait3A_89 = arith.constant 0 : i32
      %dma_wait3A_90 = tpu.memref_slice %arg4[%dma_wait3A_88, %dma_wait3A_89] : memref<20480x64xf32, #tpu.memory_space<hbm>> -> memref<20480x64xf32, #tpu.memory_space<hbm>>
      tpu.wait_indirect_dma semaphore(%run_scoped3A_71 : memref<!tpu.dma_semaphore, #tpu.memory_space<semaphore_mem>>) src(%dma_wait3A_90 : memref<20480x64xf32, #tpu.memory_space<hbm>>) dst(%dma_wait3A_84 : memref<128x64xf32, #tpu.memory_space<vmem>>)
      tpu.yield
    }) : () -> ()
    %run_scoped3A_56 = arith.constant 0 : i32
    %run_scoped3A_57 = arith.constant 156 : i32
    "tpu.region"() ({
      %run_scoped3A_71 = tpu.sem_alloc : memref<!tpu.dma_semaphore, #tpu.memory_space<semaphore_mem>>
      %dma_start3A_72 = arith.constant 0 : i32
      %dma_start3A_73 = arith.constant 0 : i32
      %dma_start3A_74 = tpu.memref_slice %arg9[%run_scoped3A_56, %dma_start3A_72, %dma_start3A_73] : memref<3x128x64xf32, #tpu.memory_space<vmem>> -> memref<1x128x64xf32, #tpu.memory_space<vmem>>
      %dma_start3A_75 = tpu.memref_squeeze %dma_start3A_74 : memref<1x128x64xf32, #tpu.memory_space<vmem>> -> memref<128x64xf32, #tpu.memory_space<vmem>>
      %dma_start3A_76 = arith.constant 0 : i32
      %dma_start3A_77 = tpu.memref_slice %arg8[%run_scoped3A_57, %dma_start3A_76] : memref<158x128xi32, #tpu.memory_space<vmem>> -> memref<1x128xi32, #tpu.memory_space<vmem>>
      %dma_start3A_78 = tpu.memref_squeeze %dma_start3A_77 : memref<1x128xi32, #tpu.memory_space<vmem>> -> memref<128xi32, #tpu.memory_space<vmem>>
      %dma_start3A_79 = arith.constant 0 : i32
      %dma_start3A_80 = arith.constant 0 : i32
      %dma_start3A_81 = tpu.memref_slice %arg11[%dma_start3A_79, %dma_start3A_80] : memref<10240x64xf32, #tpu.memory_space<vmem_shared>> -> memref<10240x64xf32, #tpu.memory_space<vmem_shared>>
      tpu.enqueue_indirect_dma source(%dma_start3A_75 : memref<128x64xf32, #tpu.memory_space<vmem>>) target(%dma_start3A_81 : memref<10240x64xf32, #tpu.memory_space<vmem_shared>>) offsets(%dma_start3A_78 : memref<128xi32, #tpu.memory_space<vmem>>) semaphore(%run_scoped3A_71 : memref<!tpu.dma_semaphore, #tpu.memory_space<semaphore_mem>>) {add = true}
      %dma_wait3A = arith.constant 0 : i32
      %dma_wait3A_82 = arith.constant 0 : i32
      %dma_wait3A_83 = tpu.memref_slice %arg9[%run_scoped3A_56, %dma_wait3A, %dma_wait3A_82] : memref<3x128x64xf32, #tpu.memory_space<vmem>> -> memref<1x128x64xf32, #tpu.memory_space<vmem>>
      %dma_wait3A_84 = tpu.memref_squeeze %dma_wait3A_83 : memref<1x128x64xf32, #tpu.memory_space<vmem>> -> memref<128x64xf32, #tpu.memory_space<vmem>>
      %dma_wait3A_85 = arith.constant 0 : i32
      %dma_wait3A_86 = tpu.memref_slice %arg8[%run_scoped3A_57, %dma_wait3A_85] : memref<158x128xi32, #tpu.memory_space<vmem>> -> memref<1x128xi32, #tpu.memory_space<vmem>>
      %dma_wait3A_87 = tpu.memref_squeeze %dma_wait3A_86 : memref<1x128xi32, #tpu.memory_space<vmem>> -> memref<128xi32, #tpu.memory_space<vmem>>
      %dma_wait3A_88 = arith.constant 0 : i32
      %dma_wait3A_89 = arith.constant 0 : i32
      %dma_wait3A_90 = tpu.memref_slice %arg11[%dma_wait3A_88, %dma_wait3A_89] : memref<10240x64xf32, #tpu.memory_space<vmem_shared>> -> memref<10240x64xf32, #tpu.memory_space<vmem_shared>>
      tpu.wait_indirect_dma semaphore(%run_scoped3A_71 : memref<!tpu.dma_semaphore, #tpu.memory_space<semaphore_mem>>) src(%dma_wait3A_84 : memref<128x64xf32, #tpu.memory_space<vmem>>) dst(%dma_wait3A_90 : memref<10240x64xf32, #tpu.memory_space<vmem_shared>>)
      tpu.yield
    }) : () -> ()
    %run_scoped3A_58 = arith.constant 157 : i32
    %run_scoped3A_59 = arith.constant 0 : i32
    "tpu.region"() ({
      %run_scoped3A_71 = tpu.sem_alloc : memref<!tpu.dma_semaphore, #tpu.memory_space<semaphore_mem>>
      %dma_start3A_72 = arith.constant 0 : i32
      %dma_start3A_73 = arith.constant 0 : i32
      %dma_start3A_74 = tpu.memref_slice %arg9[%run_scoped3A_59, %dma_start3A_72, %dma_start3A_73] : memref<3x128x64xf32, #tpu.memory_space<vmem>> -> memref<1x128x64xf32, #tpu.memory_space<vmem>>
      %dma_start3A_75 = tpu.memref_squeeze %dma_start3A_74 : memref<1x128x64xf32, #tpu.memory_space<vmem>> -> memref<128x64xf32, #tpu.memory_space<vmem>>
      %dma_start3A_76 = arith.constant 0 : i32
      %dma_start3A_77 = tpu.memref_slice %arg7[%run_scoped3A_58, %dma_start3A_76] : memref<158x128xi32, #tpu.memory_space<vmem>> -> memref<1x128xi32, #tpu.memory_space<vmem>>
      %dma_start3A_78 = tpu.memref_squeeze %dma_start3A_77 : memref<1x128xi32, #tpu.memory_space<vmem>> -> memref<128xi32, #tpu.memory_space<vmem>>
      %dma_start3A_79 = arith.constant 0 : i32
      %dma_start3A_80 = arith.constant 0 : i32
      %dma_start3A_81 = tpu.memref_slice %arg4[%dma_start3A_79, %dma_start3A_80] : memref<20480x64xf32, #tpu.memory_space<hbm>> -> memref<20480x64xf32, #tpu.memory_space<hbm>>
      tpu.enqueue_indirect_dma source(%dma_start3A_81 : memref<20480x64xf32, #tpu.memory_space<hbm>>) target(%dma_start3A_75 : memref<128x64xf32, #tpu.memory_space<vmem>>) offsets(%dma_start3A_78 : memref<128xi32, #tpu.memory_space<vmem>>) semaphore(%run_scoped3A_71 : memref<!tpu.dma_semaphore, #tpu.memory_space<semaphore_mem>>)
      %dma_wait3A = arith.constant 0 : i32
      %dma_wait3A_82 = arith.constant 0 : i32
      %dma_wait3A_83 = tpu.memref_slice %arg9[%run_scoped3A_59, %dma_wait3A, %dma_wait3A_82] : memref<3x128x64xf32, #tpu.memory_space<vmem>> -> memref<1x128x64xf32, #tpu.memory_space<vmem>>
      %dma_wait3A_84 = tpu.memref_squeeze %dma_wait3A_83 : memref<1x128x64xf32, #tpu.memory_space<vmem>> -> memref<128x64xf32, #tpu.memory_space<vmem>>
      %dma_wait3A_85 = arith.constant 0 : i32
      %dma_wait3A_86 = tpu.memref_slice %arg7[%run_scoped3A_58, %dma_wait3A_85] : memref<158x128xi32, #tpu.memory_space<vmem>> -> memref<1x128xi32, #tpu.memory_space<vmem>>
      %dma_wait3A_87 = tpu.memref_squeeze %dma_wait3A_86 : memref<1x128xi32, #tpu.memory_space<vmem>> -> memref<128xi32, #tpu.memory_space<vmem>>
      %dma_wait3A_88 = arith.constant 0 : i32
      %dma_wait3A_89 = arith.constant 0 : i32
      %dma_wait3A_90 = tpu.memref_slice %arg4[%dma_wait3A_88, %dma_wait3A_89] : memref<20480x64xf32, #tpu.memory_space<hbm>> -> memref<20480x64xf32, #tpu.memory_space<hbm>>
      tpu.wait_indirect_dma semaphore(%run_scoped3A_71 : memref<!tpu.dma_semaphore, #tpu.memory_space<semaphore_mem>>) src(%dma_wait3A_90 : memref<20480x64xf32, #tpu.memory_space<hbm>>) dst(%dma_wait3A_84 : memref<128x64xf32, #tpu.memory_space<vmem>>)
      tpu.yield
    }) : () -> ()
    %run_scoped3A_60 = arith.constant 0 : i32
    %run_scoped3A_61 = arith.constant 157 : i32
    "tpu.region"() ({
      %run_scoped3A_71 = tpu.sem_alloc : memref<!tpu.dma_semaphore, #tpu.memory_space<semaphore_mem>>
      %dma_start3A_72 = arith.constant 0 : i32
      %dma_start3A_73 = arith.constant 0 : i32
      %dma_start3A_74 = tpu.memref_slice %arg9[%run_scoped3A_60, %dma_start3A_72, %dma_start3A_73] : memref<3x128x64xf32, #tpu.memory_space<vmem>> -> memref<1x128x64xf32, #tpu.memory_space<vmem>>
      %dma_start3A_75 = tpu.memref_squeeze %dma_start3A_74 : memref<1x128x64xf32, #tpu.memory_space<vmem>> -> memref<128x64xf32, #tpu.memory_space<vmem>>
      %dma_start3A_76 = arith.constant 0 : i32
      %dma_start3A_77 = tpu.memref_slice %arg8[%run_scoped3A_61, %dma_start3A_76] : memref<158x128xi32, #tpu.memory_space<vmem>> -> memref<1x128xi32, #tpu.memory_space<vmem>>
      %dma_start3A_78 = tpu.memref_squeeze %dma_start3A_77 : memref<1x128xi32, #tpu.memory_space<vmem>> -> memref<128xi32, #tpu.memory_space<vmem>>
      %dma_start3A_79 = arith.constant 0 : i32
      %dma_start3A_80 = arith.constant 0 : i32
      %dma_start3A_81 = tpu.memref_slice %arg11[%dma_start3A_79, %dma_start3A_80] : memref<10240x64xf32, #tpu.memory_space<vmem_shared>> -> memref<10240x64xf32, #tpu.memory_space<vmem_shared>>
      tpu.enqueue_indirect_dma source(%dma_start3A_75 : memref<128x64xf32, #tpu.memory_space<vmem>>) target(%dma_start3A_81 : memref<10240x64xf32, #tpu.memory_space<vmem_shared>>) offsets(%dma_start3A_78 : memref<128xi32, #tpu.memory_space<vmem>>) semaphore(%run_scoped3A_71 : memref<!tpu.dma_semaphore, #tpu.memory_space<semaphore_mem>>) {add = true}
      %dma_wait3A = arith.constant 0 : i32
      %dma_wait3A_82 = arith.constant 0 : i32
      %dma_wait3A_83 = tpu.memref_slice %arg9[%run_scoped3A_60, %dma_wait3A, %dma_wait3A_82] : memref<3x128x64xf32, #tpu.memory_space<vmem>> -> memref<1x128x64xf32, #tpu.memory_space<vmem>>
      %dma_wait3A_84 = tpu.memref_squeeze %dma_wait3A_83 : memref<1x128x64xf32, #tpu.memory_space<vmem>> -> memref<128x64xf32, #tpu.memory_space<vmem>>
      %dma_wait3A_85 = arith.constant 0 : i32
      %dma_wait3A_86 = tpu.memref_slice %arg8[%run_scoped3A_61, %dma_wait3A_85] : memref<158x128xi32, #tpu.memory_space<vmem>> -> memref<1x128xi32, #tpu.memory_space<vmem>>
      %dma_wait3A_87 = tpu.memref_squeeze %dma_wait3A_86 : memref<1x128xi32, #tpu.memory_space<vmem>> -> memref<128xi32, #tpu.memory_space<vmem>>
      %dma_wait3A_88 = arith.constant 0 : i32
      %dma_wait3A_89 = arith.constant 0 : i32
      %dma_wait3A_90 = tpu.memref_slice %arg11[%dma_wait3A_88, %dma_wait3A_89] : memref<10240x64xf32, #tpu.memory_space<vmem_shared>> -> memref<10240x64xf32, #tpu.memory_space<vmem_shared>>
      tpu.wait_indirect_dma semaphore(%run_scoped3A_71 : memref<!tpu.dma_semaphore, #tpu.memory_space<semaphore_mem>>) src(%dma_wait3A_84 : memref<128x64xf32, #tpu.memory_space<vmem>>) dst(%dma_wait3A_90 : memref<10240x64xf32, #tpu.memory_space<vmem_shared>>)
      tpu.yield
    }) : () -> ()
    %barrier3A_62 = arith.constant 0 : index
    tpu.barrier barrier_id(%barrier3A_62)
    %mul3A_63 = arith.constant 640 : i32
    %mul3A_64 = arith.muli %arg1, %mul3A_63 : i32
    %add3A_65 = arith.constant 0 : i32
    %add3A_66 = arith.addi %mul3A_64, %add3A_65 : i32
    "tpu.region"() ({
      %run_scoped3A_71 = tpu.sem_alloc : memref<!tpu.dma_semaphore, #tpu.memory_space<semaphore_mem>>
      %dma_start3A_72 = arith.constant 0 : i32
      %dma_start3A_73 = tpu.memref_slice %arg11[%add3A_66, %dma_start3A_72] : memref<10240x64xf32, #tpu.memory_space<vmem_shared>> -> memref<320x64xf32, #tpu.memory_space<vmem_shared>>
      %dma_start3A_74 = arith.constant 0 : i32
      %dma_start3A_75 = tpu.memref_slice %arg11[%add3A_66, %dma_start3A_74] : memref<10240x64xf32, #tpu.memory_space<vmem_shared>> -> memref<320x64xf32, #tpu.memory_space<vmem_shared>>
      tpu.enqueue_dma source(%dma_start3A_75 : memref<320x64xf32, #tpu.memory_space<vmem_shared>>) target(%arg10 : memref<320x64xf32, #tpu.memory_space<vmem>>) target_semaphore(%run_scoped3A_71 : memref<!tpu.dma_semaphore, #tpu.memory_space<semaphore_mem>>)
      %dma_wait3A = arith.constant 0 : i32
      %dma_wait3A_76 = tpu.memref_slice %arg11[%add3A_66, %dma_wait3A] : memref<10240x64xf32, #tpu.memory_space<vmem_shared>> -> memref<320x64xf32, #tpu.memory_space<vmem_shared>>
      %dma_wait3A_77 = arith.constant 0 : i32
      %dma_wait3A_78 = tpu.memref_slice %arg11[%add3A_66, %dma_wait3A_77] : memref<10240x64xf32, #tpu.memory_space<vmem_shared>> -> memref<320x64xf32, #tpu.memory_space<vmem_shared>>
      tpu.wait_dma2 semaphore(%run_scoped3A_71 : memref<!tpu.dma_semaphore, #tpu.memory_space<semaphore_mem>>) src(%dma_wait3A_78 : memref<320x64xf32, #tpu.memory_space<vmem_shared>>) dst(%arg10 : memref<320x64xf32, #tpu.memory_space<vmem>>)
      tpu.yield
    }) : () -> ()
    "tpu.region"() ({
      %run_scoped3A_71 = tpu.sem_alloc : memref<!tpu.dma_semaphore, #tpu.memory_space<semaphore_mem>>
      %dma_start3A_72 = arith.constant 0 : i32
      %dma_start3A_73 = tpu.memref_slice %arg6[%add3A_66, %arg0, %dma_start3A_72] : memref<10240x2x64xf32, #tpu.memory_space<hbm>> -> memref<320x1x64xf32, #tpu.memory_space<hbm>>
      %dma_start3A_74 = tpu.memref_squeeze %dma_start3A_73 : memref<320x1x64xf32, #tpu.memory_space<hbm>> -> memref<320x64xf32, #tpu.memory_space<hbm>>
      %dma_start3A_75 = arith.constant 0 : i32
      %dma_start3A_76 = tpu.memref_slice %arg6[%add3A_66, %arg0, %dma_start3A_75] : memref<10240x2x64xf32, #tpu.memory_space<hbm>> -> memref<320x1x64xf32, #tpu.memory_space<hbm>>
      %dma_start3A_77 = tpu.memref_squeeze %dma_start3A_76 : memref<320x1x64xf32, #tpu.memory_space<hbm>> -> memref<320x64xf32, #tpu.memory_space<hbm>>
      tpu.enqueue_dma source(%arg10 : memref<320x64xf32, #tpu.memory_space<vmem>>) target(%dma_start3A_77 : memref<320x64xf32, #tpu.memory_space<hbm>>) target_semaphore(%run_scoped3A_71 : memref<!tpu.dma_semaphore, #tpu.memory_space<semaphore_mem>>)
      %dma_wait3A = arith.constant 0 : i32
      %dma_wait3A_78 = tpu.memref_slice %arg6[%add3A_66, %arg0, %dma_wait3A] : memref<10240x2x64xf32, #tpu.memory_space<hbm>> -> memref<320x1x64xf32, #tpu.memory_space<hbm>>
      %dma_wait3A_79 = tpu.memref_squeeze %dma_wait3A_78 : memref<320x1x64xf32, #tpu.memory_space<hbm>> -> memref<320x64xf32, #tpu.memory_space<hbm>>
      %dma_wait3A_80 = arith.constant 0 : i32
      %dma_wait3A_81 = tpu.memref_slice %arg6[%add3A_66, %arg0, %dma_wait3A_80] : memref<10240x2x64xf32, #tpu.memory_space<hbm>> -> memref<320x1x64xf32, #tpu.memory_space<hbm>>
      %dma_wait3A_82 = tpu.memref_squeeze %dma_wait3A_81 : memref<320x1x64xf32, #tpu.memory_space<hbm>> -> memref<320x64xf32, #tpu.memory_space<hbm>>
      tpu.wait_dma2 semaphore(%run_scoped3A_71 : memref<!tpu.dma_semaphore, #tpu.memory_space<semaphore_mem>>) src(%arg10 : memref<320x64xf32, #tpu.memory_space<vmem>>) dst(%dma_wait3A_82 : memref<320x64xf32, #tpu.memory_space<hbm>>)
      tpu.yield
    }) : () -> ()
    %mul3A_67 = arith.constant 640 : i32
    %mul3A_68 = arith.muli %arg1, %mul3A_67 : i32
    %add3A_69 = arith.constant 320 : i32
    %add3A_70 = arith.addi %mul3A_68, %add3A_69 : i32
    "tpu.region"() ({
      %run_scoped3A_71 = tpu.sem_alloc : memref<!tpu.dma_semaphore, #tpu.memory_space<semaphore_mem>>
      %dma_start3A_72 = arith.constant 0 : i32
      %dma_start3A_73 = tpu.memref_slice %arg11[%add3A_70, %dma_start3A_72] : memref<10240x64xf32, #tpu.memory_space<vmem_shared>> -> memref<320x64xf32, #tpu.memory_space<vmem_shared>>
      %dma_start3A_74 = arith.constant 0 : i32
      %dma_start3A_75 = tpu.memref_slice %arg11[%add3A_70, %dma_start3A_74] : memref<10240x64xf32, #tpu.memory_space<vmem_shared>> -> memref<320x64xf32, #tpu.memory_space<vmem_shared>>
      tpu.enqueue_dma source(%dma_start3A_75 : memref<320x64xf32, #tpu.memory_space<vmem_shared>>) target(%arg10 : memref<320x64xf32, #tpu.memory_space<vmem>>) target_semaphore(%run_scoped3A_71 : memref<!tpu.dma_semaphore, #tpu.memory_space<semaphore_mem>>)
      %dma_wait3A = arith.constant 0 : i32
      %dma_wait3A_76 = tpu.memref_slice %arg11[%add3A_70, %dma_wait3A] : memref<10240x64xf32, #tpu.memory_space<vmem_shared>> -> memref<320x64xf32, #tpu.memory_space<vmem_shared>>
      %dma_wait3A_77 = arith.constant 0 : i32
      %dma_wait3A_78 = tpu.memref_slice %arg11[%add3A_70, %dma_wait3A_77] : memref<10240x64xf32, #tpu.memory_space<vmem_shared>> -> memref<320x64xf32, #tpu.memory_space<vmem_shared>>
      tpu.wait_dma2 semaphore(%run_scoped3A_71 : memref<!tpu.dma_semaphore, #tpu.memory_space<semaphore_mem>>) src(%dma_wait3A_78 : memref<320x64xf32, #tpu.memory_space<vmem_shared>>) dst(%arg10 : memref<320x64xf32, #tpu.memory_space<vmem>>)
      tpu.yield
    }) : () -> ()
    "tpu.region"() ({
      %run_scoped3A_71 = tpu.sem_alloc : memref<!tpu.dma_semaphore, #tpu.memory_space<semaphore_mem>>
      %dma_start3A_72 = arith.constant 0 : i32
      %dma_start3A_73 = tpu.memref_slice %arg6[%add3A_70, %arg0, %dma_start3A_72] : memref<10240x2x64xf32, #tpu.memory_space<hbm>> -> memref<320x1x64xf32, #tpu.memory_space<hbm>>
      %dma_start3A_74 = tpu.memref_squeeze %dma_start3A_73 : memref<320x1x64xf32, #tpu.memory_space<hbm>> -> memref<320x64xf32, #tpu.memory_space<hbm>>
      %dma_start3A_75 = arith.constant 0 : i32
      %dma_start3A_76 = tpu.memref_slice %arg6[%add3A_70, %arg0, %dma_start3A_75] : memref<10240x2x64xf32, #tpu.memory_space<hbm>> -> memref<320x1x64xf32, #tpu.memory_space<hbm>>
      %dma_start3A_77 = tpu.memref_squeeze %dma_start3A_76 : memref<320x1x64xf32, #tpu.memory_space<hbm>> -> memref<320x64xf32, #tpu.memory_space<hbm>>
      tpu.enqueue_dma source(%arg10 : memref<320x64xf32, #tpu.memory_space<vmem>>) target(%dma_start3A_77 : memref<320x64xf32, #tpu.memory_space<hbm>>) target_semaphore(%run_scoped3A_71 : memref<!tpu.dma_semaphore, #tpu.memory_space<semaphore_mem>>)
      %dma_wait3A = arith.constant 0 : i32
      %dma_wait3A_78 = tpu.memref_slice %arg6[%add3A_70, %arg0, %dma_wait3A] : memref<10240x2x64xf32, #tpu.memory_space<hbm>> -> memref<320x1x64xf32, #tpu.memory_space<hbm>>
      %dma_wait3A_79 = tpu.memref_squeeze %dma_wait3A_78 : memref<320x1x64xf32, #tpu.memory_space<hbm>> -> memref<320x64xf32, #tpu.memory_space<hbm>>
      %dma_wait3A_80 = arith.constant 0 : i32
      %dma_wait3A_81 = tpu.memref_slice %arg6[%add3A_70, %arg0, %dma_wait3A_80] : memref<10240x2x64xf32, #tpu.memory_space<hbm>> -> memref<320x1x64xf32, #tpu.memory_space<hbm>>
      %dma_wait3A_82 = tpu.memref_squeeze %dma_wait3A_81 : memref<320x1x64xf32, #tpu.memory_space<hbm>> -> memref<320x64xf32, #tpu.memory_space<hbm>>
      tpu.wait_dma2 semaphore(%run_scoped3A_71 : memref<!tpu.dma_semaphore, #tpu.memory_space<semaphore_mem>>) src(%arg10 : memref<320x64xf32, #tpu.memory_space<vmem>>) dst(%dma_wait3A_82 : memref<320x64xf32, #tpu.memory_space<hbm>>)
      tpu.yield
    }) : () -> ()
    return
  }
}

#map = affine_map<(d0, d1) -> (0, 0, 0, 0)>
#map1 = affine_map<(d0, d1) -> (0, 0, 0)>
#map2 = affine_map<(d0, d1) -> (0, 0)>
module attributes {stable_mosaic.version = 14 : i64} {
  func.func @_agg_call(%arg0: i32, %arg1: i32, %arg2: memref<2x16x158x128xi32, #tpu.memory_space<hbm>>, %arg3: memref<16x158x128xi32, #tpu.memory_space<hbm>>, %arg4: memref<20480x64xf32, #tpu.memory_space<hbm>>, %arg5: memref<320x64xf32, #tpu.memory_space<hbm>>, %arg6: memref<10240x2x64xf32, #tpu.memory_space<hbm>>, %arg7: memref<158x128xi32, #tpu.memory_space<vmem>>, %arg8: memref<158x128xi32, #tpu.memory_space<vmem>>, %arg9: memref<3x128x64xf32, #tpu.memory_space<vmem>>, %arg10: memref<320x64xf32, #tpu.memory_space<vmem>>, %arg11: memref<10240x64xf32, #tpu.memory_space<vmem_shared>>, %arg12: memref<3x!tpu.dma_semaphore, #tpu.memory_space<semaphore_mem>>) attributes {dimension_semantics = [#tpu.dimension_semantics<core_parallel>, #tpu.dimension_semantics<subcore_parallel>], iteration_bounds = array<i64: 2, 16>, scalar_prefetch = 0 : i64, scratch_operands = 6 : i64, tpu.core_type = #tpu.core_type<sc_vector_subcore>, window_params = [{transform_indices = #map}, {transform_indices = #map1}, {transform_indices = #map2}, {transform_indices = #map2}, {transform_indices = #map1}]} {
    "tpu.region"() ({
      %run_scoped3A_71 = tpu.sem_alloc : memref<!tpu.dma_semaphore, #tpu.memory_space<semaphore_mem>>
      %dma_start3A_72 = arith.constant 0 : i32
      %dma_start3A_73 = arith.constant 0 : i32
      %dma_start3A_74 = tpu.memref_slice %arg2[%arg0, %arg1, %dma_start3A_72, %dma_start3A_73] : memref<2x16x158x128xi32, #tpu.memory_space<hbm>> -> memref<1x1x158x128xi32, #tpu.memory_space<hbm>>
      %dma_start3A_75 = tpu.memref_squeeze %dma_start3A_74 : memref<1x1x158x128xi32, #tpu.memory_space<hbm>> -> memref<158x128xi32, #tpu.memory_space<hbm>>
      %dma_start3A_76 = arith.constant 0 : i32
      %dma_start3A_77 = arith.constant 0 : i32
      %dma_start3A_78 = tpu.memref_slice %arg2[%arg0, %arg1, %dma_start3A_76, %dma_start3A_77] : memref<2x16x158x128xi32, #tpu.memory_space<hbm>> -> memref<1x1x158x128xi32, #tpu.memory_space<hbm>>
      %dma_start3A_79 = tpu.memref_squeeze %dma_start3A_78 : memref<1x1x158x128xi32, #tpu.memory_space<hbm>> -> memref<158x128xi32, #tpu.memory_space<hbm>>
      tpu.enqueue_dma source(%dma_start3A_79 : memref<158x128xi32, #tpu.memory_space<hbm>>) target(%arg7 : memref<158x128xi32, #tpu.memory_space<vmem>>) target_semaphore(%run_scoped3A_71 : memref<!tpu.dma_semaphore, #tpu.memory_space<semaphore_mem>>)
      %dma_wait3A = arith.constant 0 : i32
      %dma_wait3A_80 = arith.constant 0 : i32
      %dma_wait3A_81 = tpu.memref_slice %arg2[%arg0, %arg1, %dma_wait3A, %dma_wait3A_80] : memref<2x16x158x128xi32, #tpu.memory_space<hbm>> -> memref<1x1x158x128xi32, #tpu.memory_space<hbm>>
      %dma_wait3A_82 = tpu.memref_squeeze %dma_wait3A_81 : memref<1x1x158x128xi32, #tpu.memory_space<hbm>> -> memref<158x128xi32, #tpu.memory_space<hbm>>
      %dma_wait3A_83 = arith.constant 0 : i32
      %dma_wait3A_84 = arith.constant 0 : i32
      %dma_wait3A_85 = tpu.memref_slice %arg2[%arg0, %arg1, %dma_wait3A_83, %dma_wait3A_84] : memref<2x16x158x128xi32, #tpu.memory_space<hbm>> -> memref<1x1x158x128xi32, #tpu.memory_space<hbm>>
      %dma_wait3A_86 = tpu.memref_squeeze %dma_wait3A_85 : memref<1x1x158x128xi32, #tpu.memory_space<hbm>> -> memref<158x128xi32, #tpu.memory_space<hbm>>
      tpu.wait_dma2 semaphore(%run_scoped3A_71 : memref<!tpu.dma_semaphore, #tpu.memory_space<semaphore_mem>>) src(%dma_wait3A_86 : memref<158x128xi32, #tpu.memory_space<hbm>>) dst(%arg7 : memref<158x128xi32, #tpu.memory_space<vmem>>)
      tpu.yield
    }) : () -> ()
    "tpu.region"() ({
      %run_scoped3A_71 = tpu.sem_alloc : memref<!tpu.dma_semaphore, #tpu.memory_space<semaphore_mem>>
      %dma_start3A_72 = arith.constant 0 : i32
      %dma_start3A_73 = arith.constant 0 : i32
      %dma_start3A_74 = tpu.memref_slice %arg3[%arg1, %dma_start3A_72, %dma_start3A_73] : memref<16x158x128xi32, #tpu.memory_space<hbm>> -> memref<1x158x128xi32, #tpu.memory_space<hbm>>
      %dma_start3A_75 = tpu.memref_squeeze %dma_start3A_74 : memref<1x158x128xi32, #tpu.memory_space<hbm>> -> memref<158x128xi32, #tpu.memory_space<hbm>>
      %dma_start3A_76 = arith.constant 0 : i32
      %dma_start3A_77 = arith.constant 0 : i32
      %dma_start3A_78 = tpu.memref_slice %arg3[%arg1, %dma_start3A_76, %dma_start3A_77] : memref<16x158x128xi32, #tpu.memory_space<hbm>> -> memref<1x158x128xi32, #tpu.memory_space<hbm>>
      %dma_start3A_79 = tpu.memref_squeeze %dma_start3A_78 : memref<1x158x128xi32, #tpu.memory_space<hbm>> -> memref<158x128xi32, #tpu.memory_space<hbm>>
      tpu.enqueue_dma source(%dma_start3A_79 : memref<158x128xi32, #tpu.memory_space<hbm>>) target(%arg8 : memref<158x128xi32, #tpu.memory_space<vmem>>) target_semaphore(%run_scoped3A_71 : memref<!tpu.dma_semaphore, #tpu.memory_space<semaphore_mem>>)
      %dma_wait3A = arith.constant 0 : i32
      %dma_wait3A_80 = arith.constant 0 : i32
      %dma_wait3A_81 = tpu.memref_slice %arg3[%arg1, %dma_wait3A, %dma_wait3A_80] : memref<16x158x128xi32, #tpu.memory_space<hbm>> -> memref<1x158x128xi32, #tpu.memory_space<hbm>>
      %dma_wait3A_82 = tpu.memref_squeeze %dma_wait3A_81 : memref<1x158x128xi32, #tpu.memory_space<hbm>> -> memref<158x128xi32, #tpu.memory_space<hbm>>
      %dma_wait3A_83 = arith.constant 0 : i32
      %dma_wait3A_84 = arith.constant 0 : i32
      %dma_wait3A_85 = tpu.memref_slice %arg3[%arg1, %dma_wait3A_83, %dma_wait3A_84] : memref<16x158x128xi32, #tpu.memory_space<hbm>> -> memref<1x158x128xi32, #tpu.memory_space<hbm>>
      %dma_wait3A_86 = tpu.memref_squeeze %dma_wait3A_85 : memref<1x158x128xi32, #tpu.memory_space<hbm>> -> memref<158x128xi32, #tpu.memory_space<hbm>>
      tpu.wait_dma2 semaphore(%run_scoped3A_71 : memref<!tpu.dma_semaphore, #tpu.memory_space<semaphore_mem>>) src(%dma_wait3A_86 : memref<158x128xi32, #tpu.memory_space<hbm>>) dst(%arg8 : memref<158x128xi32, #tpu.memory_space<vmem>>)
      tpu.yield
    }) : () -> ()
    "tpu.region"() ({
      %run_scoped3A_71 = tpu.sem_alloc : memref<!tpu.dma_semaphore, #tpu.memory_space<semaphore_mem>>
      tpu.enqueue_dma source(%arg5 : memref<320x64xf32, #tpu.memory_space<hbm>>) target(%arg10 : memref<320x64xf32, #tpu.memory_space<vmem>>) target_semaphore(%run_scoped3A_71 : memref<!tpu.dma_semaphore, #tpu.memory_space<semaphore_mem>>)
      tpu.wait_dma2 semaphore(%run_scoped3A_71 : memref<!tpu.dma_semaphore, #tpu.memory_space<semaphore_mem>>) src(%arg5 : memref<320x64xf32, #tpu.memory_space<hbm>>) dst(%arg10 : memref<320x64xf32, #tpu.memory_space<vmem>>)
      tpu.yield
    }) : () -> ()
    %mul3A = arith.constant 640 : i32
    %mul3A_0 = arith.muli %arg1, %mul3A : i32
    %add3A = arith.constant 0 : i32
    %add3A_1 = arith.addi %mul3A_0, %add3A : i32
    "tpu.region"() ({
      %run_scoped3A_71 = tpu.sem_alloc : memref<!tpu.dma_semaphore, #tpu.memory_space<semaphore_mem>>
      %dma_start3A_72 = arith.constant 0 : i32
      %dma_start3A_73 = tpu.memref_slice %arg11[%add3A_1, %dma_start3A_72] : memref<10240x64xf32, #tpu.memory_space<vmem_shared>> -> memref<320x64xf32, #tpu.memory_space<vmem_shared>>
      %dma_start3A_74 = arith.constant 0 : i32
      %dma_start3A_75 = tpu.memref_slice %arg11[%add3A_1, %dma_start3A_74] : memref<10240x64xf32, #tpu.memory_space<vmem_shared>> -> memref<320x64xf32, #tpu.memory_space<vmem_shared>>
      tpu.enqueue_dma source(%arg10 : memref<320x64xf32, #tpu.memory_space<vmem>>) target(%dma_start3A_75 : memref<320x64xf32, #tpu.memory_space<vmem_shared>>) target_semaphore(%run_scoped3A_71 : memref<!tpu.dma_semaphore, #tpu.memory_space<semaphore_mem>>)
      %dma_wait3A = arith.constant 0 : i32
      %dma_wait3A_76 = tpu.memref_slice %arg11[%add3A_1, %dma_wait3A] : memref<10240x64xf32, #tpu.memory_space<vmem_shared>> -> memref<320x64xf32, #tpu.memory_space<vmem_shared>>
      %dma_wait3A_77 = arith.constant 0 : i32
      %dma_wait3A_78 = tpu.memref_slice %arg11[%add3A_1, %dma_wait3A_77] : memref<10240x64xf32, #tpu.memory_space<vmem_shared>> -> memref<320x64xf32, #tpu.memory_space<vmem_shared>>
      tpu.wait_dma2 semaphore(%run_scoped3A_71 : memref<!tpu.dma_semaphore, #tpu.memory_space<semaphore_mem>>) src(%arg10 : memref<320x64xf32, #tpu.memory_space<vmem>>) dst(%dma_wait3A_78 : memref<320x64xf32, #tpu.memory_space<vmem_shared>>)
      tpu.yield
    }) : () -> ()
    %mul3A_2 = arith.constant 640 : i32
    %mul3A_3 = arith.muli %arg1, %mul3A_2 : i32
    %add3A_4 = arith.constant 320 : i32
    %add3A_5 = arith.addi %mul3A_3, %add3A_4 : i32
    "tpu.region"() ({
      %run_scoped3A_71 = tpu.sem_alloc : memref<!tpu.dma_semaphore, #tpu.memory_space<semaphore_mem>>
      %dma_start3A_72 = arith.constant 0 : i32
      %dma_start3A_73 = tpu.memref_slice %arg11[%add3A_5, %dma_start3A_72] : memref<10240x64xf32, #tpu.memory_space<vmem_shared>> -> memref<320x64xf32, #tpu.memory_space<vmem_shared>>
      %dma_start3A_74 = arith.constant 0 : i32
      %dma_start3A_75 = tpu.memref_slice %arg11[%add3A_5, %dma_start3A_74] : memref<10240x64xf32, #tpu.memory_space<vmem_shared>> -> memref<320x64xf32, #tpu.memory_space<vmem_shared>>
      tpu.enqueue_dma source(%arg10 : memref<320x64xf32, #tpu.memory_space<vmem>>) target(%dma_start3A_75 : memref<320x64xf32, #tpu.memory_space<vmem_shared>>) target_semaphore(%run_scoped3A_71 : memref<!tpu.dma_semaphore, #tpu.memory_space<semaphore_mem>>)
      %dma_wait3A = arith.constant 0 : i32
      %dma_wait3A_76 = tpu.memref_slice %arg11[%add3A_5, %dma_wait3A] : memref<10240x64xf32, #tpu.memory_space<vmem_shared>> -> memref<320x64xf32, #tpu.memory_space<vmem_shared>>
      %dma_wait3A_77 = arith.constant 0 : i32
      %dma_wait3A_78 = tpu.memref_slice %arg11[%add3A_5, %dma_wait3A_77] : memref<10240x64xf32, #tpu.memory_space<vmem_shared>> -> memref<320x64xf32, #tpu.memory_space<vmem_shared>>
      tpu.wait_dma2 semaphore(%run_scoped3A_71 : memref<!tpu.dma_semaphore, #tpu.memory_space<semaphore_mem>>) src(%arg10 : memref<320x64xf32, #tpu.memory_space<vmem>>) dst(%dma_wait3A_78 : memref<320x64xf32, #tpu.memory_space<vmem_shared>>)
      tpu.yield
    }) : () -> ()
    %barrier3A = arith.constant 0 : index
    tpu.barrier barrier_id(%barrier3A)
    %dma_start3A = arith.constant 0 : i32
    %dma_start3A_6 = arith.constant 0 : i32
    %dma_start3A_7 = arith.constant 0 : i32
    %dma_start3A_8 = arith.constant 0 : i32
    %dma_start3A_9 = arith.constant 0 : i32
    %dma_start3A_10 = tpu.memref_slice %arg9[%dma_start3A_6, %dma_start3A_8, %dma_start3A_9] : memref<3x128x64xf32, #tpu.memory_space<vmem>> -> memref<1x128x64xf32, #tpu.memory_space<vmem>>
    %dma_start3A_11 = tpu.memref_squeeze %dma_start3A_10 : memref<1x128x64xf32, #tpu.memory_space<vmem>> -> memref<128x64xf32, #tpu.memory_space<vmem>>
    %dma_start3A_12 = arith.constant 0 : i32
    %dma_start3A_13 = tpu.memref_slice %arg7[%dma_start3A, %dma_start3A_12] : memref<158x128xi32, #tpu.memory_space<vmem>> -> memref<1x128xi32, #tpu.memory_space<vmem>>
    %dma_start3A_14 = tpu.memref_squeeze %dma_start3A_13 : memref<1x128xi32, #tpu.memory_space<vmem>> -> memref<128xi32, #tpu.memory_space<vmem>>
    %dma_start3A_15 = arith.constant 0 : i32
    %dma_start3A_16 = arith.constant 0 : i32
    %dma_start3A_17 = tpu.memref_slice %arg4[%dma_start3A_15, %dma_start3A_16] : memref<20480x64xf32, #tpu.memory_space<hbm>> -> memref<20480x64xf32, #tpu.memory_space<hbm>>
    %dma_start3A_18 = tpu.memref_slice %arg12[%dma_start3A_7] : memref<3x!tpu.dma_semaphore, #tpu.memory_space<semaphore_mem>> -> memref<1x!tpu.dma_semaphore, #tpu.memory_space<semaphore_mem>>
    %dma_start3A_19 = tpu.memref_squeeze %dma_start3A_18 : memref<1x!tpu.dma_semaphore, #tpu.memory_space<semaphore_mem>> -> memref<!tpu.dma_semaphore, #tpu.memory_space<semaphore_mem>>
    tpu.enqueue_indirect_dma source(%dma_start3A_17 : memref<20480x64xf32, #tpu.memory_space<hbm>>) target(%dma_start3A_11 : memref<128x64xf32, #tpu.memory_space<vmem>>) offsets(%dma_start3A_14 : memref<128xi32, #tpu.memory_space<vmem>>) semaphore(%dma_start3A_19 : memref<!tpu.dma_semaphore, #tpu.memory_space<semaphore_mem>>)
    %dma_start3A_20 = arith.constant 1 : i32
    %dma_start3A_21 = arith.constant 1 : i32
    %dma_start3A_22 = arith.constant 1 : i32
    %dma_start3A_23 = arith.constant 0 : i32
    %dma_start3A_24 = arith.constant 0 : i32
    %dma_start3A_25 = tpu.memref_slice %arg9[%dma_start3A_21, %dma_start3A_23, %dma_start3A_24] : memref<3x128x64xf32, #tpu.memory_space<vmem>> -> memref<1x128x64xf32, #tpu.memory_space<vmem>>
    %dma_start3A_26 = tpu.memref_squeeze %dma_start3A_25 : memref<1x128x64xf32, #tpu.memory_space<vmem>> -> memref<128x64xf32, #tpu.memory_space<vmem>>
    %dma_start3A_27 = arith.constant 0 : i32
    %dma_start3A_28 = tpu.memref_slice %arg7[%dma_start3A_20, %dma_start3A_27] : memref<158x128xi32, #tpu.memory_space<vmem>> -> memref<1x128xi32, #tpu.memory_space<vmem>>
    %dma_start3A_29 = tpu.memref_squeeze %dma_start3A_28 : memref<1x128xi32, #tpu.memory_space<vmem>> -> memref<128xi32, #tpu.memory_space<vmem>>
    %dma_start3A_30 = arith.constant 0 : i32
    %dma_start3A_31 = arith.constant 0 : i32
    %dma_start3A_32 = tpu.memref_slice %arg4[%dma_start3A_30, %dma_start3A_31] : memref<20480x64xf32, #tpu.memory_space<hbm>> -> memref<20480x64xf32, #tpu.memory_space<hbm>>
    %dma_start3A_33 = tpu.memref_slice %arg12[%dma_start3A_22] : memref<3x!tpu.dma_semaphore, #tpu.memory_space<semaphore_mem>> -> memref<1x!tpu.dma_semaphore, #tpu.memory_space<semaphore_mem>>
    %dma_start3A_34 = tpu.memref_squeeze %dma_start3A_33 : memref<1x!tpu.dma_semaphore, #tpu.memory_space<semaphore_mem>> -> memref<!tpu.dma_semaphore, #tpu.memory_space<semaphore_mem>>
    tpu.enqueue_indirect_dma source(%dma_start3A_32 : memref<20480x64xf32, #tpu.memory_space<hbm>>) target(%dma_start3A_26 : memref<128x64xf32, #tpu.memory_space<vmem>>) offsets(%dma_start3A_29 : memref<128xi32, #tpu.memory_space<vmem>>) semaphore(%dma_start3A_34 : memref<!tpu.dma_semaphore, #tpu.memory_space<semaphore_mem>>)
    %dma_start3A_35 = arith.constant 2 : i32
    %dma_start3A_36 = arith.constant 2 : i32
    %dma_start3A_37 = arith.constant 2 : i32
    %dma_start3A_38 = arith.constant 0 : i32
    %dma_start3A_39 = arith.constant 0 : i32
    %dma_start3A_40 = tpu.memref_slice %arg9[%dma_start3A_36, %dma_start3A_38, %dma_start3A_39] : memref<3x128x64xf32, #tpu.memory_space<vmem>> -> memref<1x128x64xf32, #tpu.memory_space<vmem>>
    %dma_start3A_41 = tpu.memref_squeeze %dma_start3A_40 : memref<1x128x64xf32, #tpu.memory_space<vmem>> -> memref<128x64xf32, #tpu.memory_space<vmem>>
    %dma_start3A_42 = arith.constant 0 : i32
    %dma_start3A_43 = tpu.memref_slice %arg7[%dma_start3A_35, %dma_start3A_42] : memref<158x128xi32, #tpu.memory_space<vmem>> -> memref<1x128xi32, #tpu.memory_space<vmem>>
    %dma_start3A_44 = tpu.memref_squeeze %dma_start3A_43 : memref<1x128xi32, #tpu.memory_space<vmem>> -> memref<128xi32, #tpu.memory_space<vmem>>
    %dma_start3A_45 = arith.constant 0 : i32
    %dma_start3A_46 = arith.constant 0 : i32
    %dma_start3A_47 = tpu.memref_slice %arg4[%dma_start3A_45, %dma_start3A_46] : memref<20480x64xf32, #tpu.memory_space<hbm>> -> memref<20480x64xf32, #tpu.memory_space<hbm>>
    %dma_start3A_48 = tpu.memref_slice %arg12[%dma_start3A_37] : memref<3x!tpu.dma_semaphore, #tpu.memory_space<semaphore_mem>> -> memref<1x!tpu.dma_semaphore, #tpu.memory_space<semaphore_mem>>
    %dma_start3A_49 = tpu.memref_squeeze %dma_start3A_48 : memref<1x!tpu.dma_semaphore, #tpu.memory_space<semaphore_mem>> -> memref<!tpu.dma_semaphore, #tpu.memory_space<semaphore_mem>>
    tpu.enqueue_indirect_dma source(%dma_start3A_47 : memref<20480x64xf32, #tpu.memory_space<hbm>>) target(%dma_start3A_41 : memref<128x64xf32, #tpu.memory_space<vmem>>) offsets(%dma_start3A_44 : memref<128xi32, #tpu.memory_space<vmem>>) semaphore(%dma_start3A_49 : memref<!tpu.dma_semaphore, #tpu.memory_space<semaphore_mem>>)
    %scan3A = arith.constant 0 : i32
    %scan3A_50 = arith.constant 0 : i32
    %scan3A_51 = arith.constant 52 : i32
    %scan3A_52 = arith.addi %scan3A_50, %scan3A_51 : i32
    %scan3A_53 = arith.constant 1 : i32
    scf.for %scan3A_71 = %scan3A_50 to %scan3A_52 step %scan3A_53  : i32 {
      %mul3A_72 = arith.constant 3 : i32
      %mul3A_73 = arith.muli %scan3A_71, %mul3A_72 : i32
      %add3A_74 = arith.constant 0 : i32
      %add3A_75 = arith.addi %mul3A_73, %add3A_74 : i32
      %dma_wait3A = arith.constant 0 : i32
      %dma_wait3A_76 = arith.constant 0 : i32
      %dma_wait3A_77 = arith.constant 0 : i32
      %dma_wait3A_78 = arith.constant 0 : i32
      %dma_wait3A_79 = tpu.memref_slice %arg9[%dma_wait3A, %dma_wait3A_77, %dma_wait3A_78] : memref<3x128x64xf32, #tpu.memory_space<vmem>> -> memref<1x128x64xf32, #tpu.memory_space<vmem>>
      %dma_wait3A_80 = tpu.memref_squeeze %dma_wait3A_79 : memref<1x128x64xf32, #tpu.memory_space<vmem>> -> memref<128x64xf32, #tpu.memory_space<vmem>>
      %dma_wait3A_81 = arith.constant 0 : i32
      %dma_wait3A_82 = tpu.memref_slice %arg7[%add3A_75, %dma_wait3A_81] : memref<158x128xi32, #tpu.memory_space<vmem>> -> memref<1x128xi32, #tpu.memory_space<vmem>>
      %dma_wait3A_83 = tpu.memref_squeeze %dma_wait3A_82 : memref<1x128xi32, #tpu.memory_space<vmem>> -> memref<128xi32, #tpu.memory_space<vmem>>
      %dma_wait3A_84 = arith.constant 0 : i32
      %dma_wait3A_85 = arith.constant 0 : i32
      %dma_wait3A_86 = tpu.memref_slice %arg4[%dma_wait3A_84, %dma_wait3A_85] : memref<20480x64xf32, #tpu.memory_space<hbm>> -> memref<20480x64xf32, #tpu.memory_space<hbm>>
      %dma_wait3A_87 = tpu.memref_slice %arg12[%dma_wait3A_76] : memref<3x!tpu.dma_semaphore, #tpu.memory_space<semaphore_mem>> -> memref<1x!tpu.dma_semaphore, #tpu.memory_space<semaphore_mem>>
      %dma_wait3A_88 = tpu.memref_squeeze %dma_wait3A_87 : memref<1x!tpu.dma_semaphore, #tpu.memory_space<semaphore_mem>> -> memref<!tpu.dma_semaphore, #tpu.memory_space<semaphore_mem>>
      tpu.wait_indirect_dma semaphore(%dma_wait3A_88 : memref<!tpu.dma_semaphore, #tpu.memory_space<semaphore_mem>>) src(%dma_wait3A_86 : memref<20480x64xf32, #tpu.memory_space<hbm>>) dst(%dma_wait3A_80 : memref<128x64xf32, #tpu.memory_space<vmem>>)
      %run_scoped3A_89 = arith.constant 0 : i32
      "tpu.region"() ({
        %run_scoped3A_146 = tpu.sem_alloc : memref<!tpu.dma_semaphore, #tpu.memory_space<semaphore_mem>>
        %dma_start3A_147 = arith.constant 0 : i32
        %dma_start3A_148 = arith.constant 0 : i32
        %dma_start3A_149 = tpu.memref_slice %arg9[%run_scoped3A_89, %dma_start3A_147, %dma_start3A_148] : memref<3x128x64xf32, #tpu.memory_space<vmem>> -> memref<1x128x64xf32, #tpu.memory_space<vmem>>
        %dma_start3A_150 = tpu.memref_squeeze %dma_start3A_149 : memref<1x128x64xf32, #tpu.memory_space<vmem>> -> memref<128x64xf32, #tpu.memory_space<vmem>>
        %dma_start3A_151 = arith.constant 0 : i32
        %dma_start3A_152 = tpu.memref_slice %arg8[%add3A_75, %dma_start3A_151] : memref<158x128xi32, #tpu.memory_space<vmem>> -> memref<1x128xi32, #tpu.memory_space<vmem>>
        %dma_start3A_153 = tpu.memref_squeeze %dma_start3A_152 : memref<1x128xi32, #tpu.memory_space<vmem>> -> memref<128xi32, #tpu.memory_space<vmem>>
        %dma_start3A_154 = arith.constant 0 : i32
        %dma_start3A_155 = arith.constant 0 : i32
        %dma_start3A_156 = tpu.memref_slice %arg11[%dma_start3A_154, %dma_start3A_155] : memref<10240x64xf32, #tpu.memory_space<vmem_shared>> -> memref<10240x64xf32, #tpu.memory_space<vmem_shared>>
        tpu.enqueue_indirect_dma source(%dma_start3A_150 : memref<128x64xf32, #tpu.memory_space<vmem>>) target(%dma_start3A_156 : memref<10240x64xf32, #tpu.memory_space<vmem_shared>>) offsets(%dma_start3A_153 : memref<128xi32, #tpu.memory_space<vmem>>) semaphore(%run_scoped3A_146 : memref<!tpu.dma_semaphore, #tpu.memory_space<semaphore_mem>>) {add = true}
        %dma_wait3A_157 = arith.constant 0 : i32
        %dma_wait3A_158 = arith.constant 0 : i32
        %dma_wait3A_159 = tpu.memref_slice %arg9[%run_scoped3A_89, %dma_wait3A_157, %dma_wait3A_158] : memref<3x128x64xf32, #tpu.memory_space<vmem>> -> memref<1x128x64xf32, #tpu.memory_space<vmem>>
        %dma_wait3A_160 = tpu.memref_squeeze %dma_wait3A_159 : memref<1x128x64xf32, #tpu.memory_space<vmem>> -> memref<128x64xf32, #tpu.memory_space<vmem>>
        %dma_wait3A_161 = arith.constant 0 : i32
        %dma_wait3A_162 = tpu.memref_slice %arg8[%add3A_75, %dma_wait3A_161] : memref<158x128xi32, #tpu.memory_space<vmem>> -> memref<1x128xi32, #tpu.memory_space<vmem>>
        %dma_wait3A_163 = tpu.memref_squeeze %dma_wait3A_162 : memref<1x128xi32, #tpu.memory_space<vmem>> -> memref<128xi32, #tpu.memory_space<vmem>>
        %dma_wait3A_164 = arith.constant 0 : i32
        %dma_wait3A_165 = arith.constant 0 : i32
        %dma_wait3A_166 = tpu.memref_slice %arg11[%dma_wait3A_164, %dma_wait3A_165] : memref<10240x64xf32, #tpu.memory_space<vmem_shared>> -> memref<10240x64xf32, #tpu.memory_space<vmem_shared>>
        tpu.wait_indirect_dma semaphore(%run_scoped3A_146 : memref<!tpu.dma_semaphore, #tpu.memory_space<semaphore_mem>>) src(%dma_wait3A_160 : memref<128x64xf32, #tpu.memory_space<vmem>>) dst(%dma_wait3A_166 : memref<10240x64xf32, #tpu.memory_space<vmem_shared>>)
        tpu.yield
      }) : () -> ()
      %add3A_90 = arith.constant 3 : i32
      %add3A_91 = arith.addi %add3A_75, %add3A_90 : i32
      %lt3A = arith.constant 156 : i32
      %lt3A_92 = arith.cmpi slt, %add3A_91, %lt3A : i32
      %convert_element_type3A = arith.extui %lt3A_92 : i1 to i32
      %cond3A = arith.constant 0 : i32
      %cond3A_93 = arith.cmpi ne, %convert_element_type3A, %cond3A : i32
      scf.if %cond3A_93 {
        %add3A_146 = arith.constant 3 : i32
        %add3A_147 = arith.addi %add3A_75, %add3A_146 : i32
        %dma_start3A_148 = arith.constant 0 : i32
        %dma_start3A_149 = arith.constant 0 : i32
        %dma_start3A_150 = arith.constant 0 : i32
        %dma_start3A_151 = arith.constant 0 : i32
        %dma_start3A_152 = tpu.memref_slice %arg9[%dma_start3A_148, %dma_start3A_150, %dma_start3A_151] : memref<3x128x64xf32, #tpu.memory_space<vmem>> -> memref<1x128x64xf32, #tpu.memory_space<vmem>>
        %dma_start3A_153 = tpu.memref_squeeze %dma_start3A_152 : memref<1x128x64xf32, #tpu.memory_space<vmem>> -> memref<128x64xf32, #tpu.memory_space<vmem>>
        %dma_start3A_154 = arith.constant 0 : i32
        %dma_start3A_155 = tpu.memref_slice %arg7[%add3A_147, %dma_start3A_154] : memref<158x128xi32, #tpu.memory_space<vmem>> -> memref<1x128xi32, #tpu.memory_space<vmem>>
        %dma_start3A_156 = tpu.memref_squeeze %dma_start3A_155 : memref<1x128xi32, #tpu.memory_space<vmem>> -> memref<128xi32, #tpu.memory_space<vmem>>
        %dma_start3A_157 = arith.constant 0 : i32
        %dma_start3A_158 = arith.constant 0 : i32
        %dma_start3A_159 = tpu.memref_slice %arg4[%dma_start3A_157, %dma_start3A_158] : memref<20480x64xf32, #tpu.memory_space<hbm>> -> memref<20480x64xf32, #tpu.memory_space<hbm>>
        %dma_start3A_160 = tpu.memref_slice %arg12[%dma_start3A_149] : memref<3x!tpu.dma_semaphore, #tpu.memory_space<semaphore_mem>> -> memref<1x!tpu.dma_semaphore, #tpu.memory_space<semaphore_mem>>
        %dma_start3A_161 = tpu.memref_squeeze %dma_start3A_160 : memref<1x!tpu.dma_semaphore, #tpu.memory_space<semaphore_mem>> -> memref<!tpu.dma_semaphore, #tpu.memory_space<semaphore_mem>>
        tpu.enqueue_indirect_dma source(%dma_start3A_159 : memref<20480x64xf32, #tpu.memory_space<hbm>>) target(%dma_start3A_153 : memref<128x64xf32, #tpu.memory_space<vmem>>) offsets(%dma_start3A_156 : memref<128xi32, #tpu.memory_space<vmem>>) semaphore(%dma_start3A_161 : memref<!tpu.dma_semaphore, #tpu.memory_space<semaphore_mem>>)
      } else {
      }
      %mul3A_94 = arith.constant 3 : i32
      %mul3A_95 = arith.muli %scan3A_71, %mul3A_94 : i32
      %add3A_96 = arith.constant 1 : i32
      %add3A_97 = arith.addi %mul3A_95, %add3A_96 : i32
      %dma_wait3A_98 = arith.constant 1 : i32
      %dma_wait3A_99 = arith.constant 1 : i32
      %dma_wait3A_100 = arith.constant 0 : i32
      %dma_wait3A_101 = arith.constant 0 : i32
      %dma_wait3A_102 = tpu.memref_slice %arg9[%dma_wait3A_98, %dma_wait3A_100, %dma_wait3A_101] : memref<3x128x64xf32, #tpu.memory_space<vmem>> -> memref<1x128x64xf32, #tpu.memory_space<vmem>>
      %dma_wait3A_103 = tpu.memref_squeeze %dma_wait3A_102 : memref<1x128x64xf32, #tpu.memory_space<vmem>> -> memref<128x64xf32, #tpu.memory_space<vmem>>
      %dma_wait3A_104 = arith.constant 0 : i32
      %dma_wait3A_105 = tpu.memref_slice %arg7[%add3A_97, %dma_wait3A_104] : memref<158x128xi32, #tpu.memory_space<vmem>> -> memref<1x128xi32, #tpu.memory_space<vmem>>
      %dma_wait3A_106 = tpu.memref_squeeze %dma_wait3A_105 : memref<1x128xi32, #tpu.memory_space<vmem>> -> memref<128xi32, #tpu.memory_space<vmem>>
      %dma_wait3A_107 = arith.constant 0 : i32
      %dma_wait3A_108 = arith.constant 0 : i32
      %dma_wait3A_109 = tpu.memref_slice %arg4[%dma_wait3A_107, %dma_wait3A_108] : memref<20480x64xf32, #tpu.memory_space<hbm>> -> memref<20480x64xf32, #tpu.memory_space<hbm>>
      %dma_wait3A_110 = tpu.memref_slice %arg12[%dma_wait3A_99] : memref<3x!tpu.dma_semaphore, #tpu.memory_space<semaphore_mem>> -> memref<1x!tpu.dma_semaphore, #tpu.memory_space<semaphore_mem>>
      %dma_wait3A_111 = tpu.memref_squeeze %dma_wait3A_110 : memref<1x!tpu.dma_semaphore, #tpu.memory_space<semaphore_mem>> -> memref<!tpu.dma_semaphore, #tpu.memory_space<semaphore_mem>>
      tpu.wait_indirect_dma semaphore(%dma_wait3A_111 : memref<!tpu.dma_semaphore, #tpu.memory_space<semaphore_mem>>) src(%dma_wait3A_109 : memref<20480x64xf32, #tpu.memory_space<hbm>>) dst(%dma_wait3A_103 : memref<128x64xf32, #tpu.memory_space<vmem>>)
      %run_scoped3A_112 = arith.constant 1 : i32
      "tpu.region"() ({
        %run_scoped3A_146 = tpu.sem_alloc : memref<!tpu.dma_semaphore, #tpu.memory_space<semaphore_mem>>
        %dma_start3A_147 = arith.constant 0 : i32
        %dma_start3A_148 = arith.constant 0 : i32
        %dma_start3A_149 = tpu.memref_slice %arg9[%run_scoped3A_112, %dma_start3A_147, %dma_start3A_148] : memref<3x128x64xf32, #tpu.memory_space<vmem>> -> memref<1x128x64xf32, #tpu.memory_space<vmem>>
        %dma_start3A_150 = tpu.memref_squeeze %dma_start3A_149 : memref<1x128x64xf32, #tpu.memory_space<vmem>> -> memref<128x64xf32, #tpu.memory_space<vmem>>
        %dma_start3A_151 = arith.constant 0 : i32
        %dma_start3A_152 = tpu.memref_slice %arg8[%add3A_97, %dma_start3A_151] : memref<158x128xi32, #tpu.memory_space<vmem>> -> memref<1x128xi32, #tpu.memory_space<vmem>>
        %dma_start3A_153 = tpu.memref_squeeze %dma_start3A_152 : memref<1x128xi32, #tpu.memory_space<vmem>> -> memref<128xi32, #tpu.memory_space<vmem>>
        %dma_start3A_154 = arith.constant 0 : i32
        %dma_start3A_155 = arith.constant 0 : i32
        %dma_start3A_156 = tpu.memref_slice %arg11[%dma_start3A_154, %dma_start3A_155] : memref<10240x64xf32, #tpu.memory_space<vmem_shared>> -> memref<10240x64xf32, #tpu.memory_space<vmem_shared>>
        tpu.enqueue_indirect_dma source(%dma_start3A_150 : memref<128x64xf32, #tpu.memory_space<vmem>>) target(%dma_start3A_156 : memref<10240x64xf32, #tpu.memory_space<vmem_shared>>) offsets(%dma_start3A_153 : memref<128xi32, #tpu.memory_space<vmem>>) semaphore(%run_scoped3A_146 : memref<!tpu.dma_semaphore, #tpu.memory_space<semaphore_mem>>) {add = true}
        %dma_wait3A_157 = arith.constant 0 : i32
        %dma_wait3A_158 = arith.constant 0 : i32
        %dma_wait3A_159 = tpu.memref_slice %arg9[%run_scoped3A_112, %dma_wait3A_157, %dma_wait3A_158] : memref<3x128x64xf32, #tpu.memory_space<vmem>> -> memref<1x128x64xf32, #tpu.memory_space<vmem>>
        %dma_wait3A_160 = tpu.memref_squeeze %dma_wait3A_159 : memref<1x128x64xf32, #tpu.memory_space<vmem>> -> memref<128x64xf32, #tpu.memory_space<vmem>>
        %dma_wait3A_161 = arith.constant 0 : i32
        %dma_wait3A_162 = tpu.memref_slice %arg8[%add3A_97, %dma_wait3A_161] : memref<158x128xi32, #tpu.memory_space<vmem>> -> memref<1x128xi32, #tpu.memory_space<vmem>>
        %dma_wait3A_163 = tpu.memref_squeeze %dma_wait3A_162 : memref<1x128xi32, #tpu.memory_space<vmem>> -> memref<128xi32, #tpu.memory_space<vmem>>
        %dma_wait3A_164 = arith.constant 0 : i32
        %dma_wait3A_165 = arith.constant 0 : i32
        %dma_wait3A_166 = tpu.memref_slice %arg11[%dma_wait3A_164, %dma_wait3A_165] : memref<10240x64xf32, #tpu.memory_space<vmem_shared>> -> memref<10240x64xf32, #tpu.memory_space<vmem_shared>>
        tpu.wait_indirect_dma semaphore(%run_scoped3A_146 : memref<!tpu.dma_semaphore, #tpu.memory_space<semaphore_mem>>) src(%dma_wait3A_160 : memref<128x64xf32, #tpu.memory_space<vmem>>) dst(%dma_wait3A_166 : memref<10240x64xf32, #tpu.memory_space<vmem_shared>>)
        tpu.yield
      }) : () -> ()
      %add3A_113 = arith.constant 3 : i32
      %add3A_114 = arith.addi %add3A_97, %add3A_113 : i32
      %lt3A_115 = arith.constant 156 : i32
      %lt3A_116 = arith.cmpi slt, %add3A_114, %lt3A_115 : i32
      %convert_element_type3A_117 = arith.extui %lt3A_116 : i1 to i32
      %cond3A_118 = arith.constant 0 : i32
      %cond3A_119 = arith.cmpi ne, %convert_element_type3A_117, %cond3A_118 : i32
      scf.if %cond3A_119 {
        %add3A_146 = arith.constant 3 : i32
        %add3A_147 = arith.addi %add3A_97, %add3A_146 : i32
        %dma_start3A_148 = arith.constant 1 : i32
        %dma_start3A_149 = arith.constant 1 : i32
        %dma_start3A_150 = arith.constant 0 : i32
        %dma_start3A_151 = arith.constant 0 : i32
        %dma_start3A_152 = tpu.memref_slice %arg9[%dma_start3A_148, %dma_start3A_150, %dma_start3A_151] : memref<3x128x64xf32, #tpu.memory_space<vmem>> -> memref<1x128x64xf32, #tpu.memory_space<vmem>>
        %dma_start3A_153 = tpu.memref_squeeze %dma_start3A_152 : memref<1x128x64xf32, #tpu.memory_space<vmem>> -> memref<128x64xf32, #tpu.memory_space<vmem>>
        %dma_start3A_154 = arith.constant 0 : i32
        %dma_start3A_155 = tpu.memref_slice %arg7[%add3A_147, %dma_start3A_154] : memref<158x128xi32, #tpu.memory_space<vmem>> -> memref<1x128xi32, #tpu.memory_space<vmem>>
        %dma_start3A_156 = tpu.memref_squeeze %dma_start3A_155 : memref<1x128xi32, #tpu.memory_space<vmem>> -> memref<128xi32, #tpu.memory_space<vmem>>
        %dma_start3A_157 = arith.constant 0 : i32
        %dma_start3A_158 = arith.constant 0 : i32
        %dma_start3A_159 = tpu.memref_slice %arg4[%dma_start3A_157, %dma_start3A_158] : memref<20480x64xf32, #tpu.memory_space<hbm>> -> memref<20480x64xf32, #tpu.memory_space<hbm>>
        %dma_start3A_160 = tpu.memref_slice %arg12[%dma_start3A_149] : memref<3x!tpu.dma_semaphore, #tpu.memory_space<semaphore_mem>> -> memref<1x!tpu.dma_semaphore, #tpu.memory_space<semaphore_mem>>
        %dma_start3A_161 = tpu.memref_squeeze %dma_start3A_160 : memref<1x!tpu.dma_semaphore, #tpu.memory_space<semaphore_mem>> -> memref<!tpu.dma_semaphore, #tpu.memory_space<semaphore_mem>>
        tpu.enqueue_indirect_dma source(%dma_start3A_159 : memref<20480x64xf32, #tpu.memory_space<hbm>>) target(%dma_start3A_153 : memref<128x64xf32, #tpu.memory_space<vmem>>) offsets(%dma_start3A_156 : memref<128xi32, #tpu.memory_space<vmem>>) semaphore(%dma_start3A_161 : memref<!tpu.dma_semaphore, #tpu.memory_space<semaphore_mem>>)
      } else {
      }
      %mul3A_120 = arith.constant 3 : i32
      %mul3A_121 = arith.muli %scan3A_71, %mul3A_120 : i32
      %add3A_122 = arith.constant 2 : i32
      %add3A_123 = arith.addi %mul3A_121, %add3A_122 : i32
      %dma_wait3A_124 = arith.constant 2 : i32
      %dma_wait3A_125 = arith.constant 2 : i32
      %dma_wait3A_126 = arith.constant 0 : i32
      %dma_wait3A_127 = arith.constant 0 : i32
      %dma_wait3A_128 = tpu.memref_slice %arg9[%dma_wait3A_124, %dma_wait3A_126, %dma_wait3A_127] : memref<3x128x64xf32, #tpu.memory_space<vmem>> -> memref<1x128x64xf32, #tpu.memory_space<vmem>>
      %dma_wait3A_129 = tpu.memref_squeeze %dma_wait3A_128 : memref<1x128x64xf32, #tpu.memory_space<vmem>> -> memref<128x64xf32, #tpu.memory_space<vmem>>
      %dma_wait3A_130 = arith.constant 0 : i32
      %dma_wait3A_131 = tpu.memref_slice %arg7[%add3A_123, %dma_wait3A_130] : memref<158x128xi32, #tpu.memory_space<vmem>> -> memref<1x128xi32, #tpu.memory_space<vmem>>
      %dma_wait3A_132 = tpu.memref_squeeze %dma_wait3A_131 : memref<1x128xi32, #tpu.memory_space<vmem>> -> memref<128xi32, #tpu.memory_space<vmem>>
      %dma_wait3A_133 = arith.constant 0 : i32
      %dma_wait3A_134 = arith.constant 0 : i32
      %dma_wait3A_135 = tpu.memref_slice %arg4[%dma_wait3A_133, %dma_wait3A_134] : memref<20480x64xf32, #tpu.memory_space<hbm>> -> memref<20480x64xf32, #tpu.memory_space<hbm>>
      %dma_wait3A_136 = tpu.memref_slice %arg12[%dma_wait3A_125] : memref<3x!tpu.dma_semaphore, #tpu.memory_space<semaphore_mem>> -> memref<1x!tpu.dma_semaphore, #tpu.memory_space<semaphore_mem>>
      %dma_wait3A_137 = tpu.memref_squeeze %dma_wait3A_136 : memref<1x!tpu.dma_semaphore, #tpu.memory_space<semaphore_mem>> -> memref<!tpu.dma_semaphore, #tpu.memory_space<semaphore_mem>>
      tpu.wait_indirect_dma semaphore(%dma_wait3A_137 : memref<!tpu.dma_semaphore, #tpu.memory_space<semaphore_mem>>) src(%dma_wait3A_135 : memref<20480x64xf32, #tpu.memory_space<hbm>>) dst(%dma_wait3A_129 : memref<128x64xf32, #tpu.memory_space<vmem>>)
      %run_scoped3A_138 = arith.constant 2 : i32
      "tpu.region"() ({
        %run_scoped3A_146 = tpu.sem_alloc : memref<!tpu.dma_semaphore, #tpu.memory_space<semaphore_mem>>
        %dma_start3A_147 = arith.constant 0 : i32
        %dma_start3A_148 = arith.constant 0 : i32
        %dma_start3A_149 = tpu.memref_slice %arg9[%run_scoped3A_138, %dma_start3A_147, %dma_start3A_148] : memref<3x128x64xf32, #tpu.memory_space<vmem>> -> memref<1x128x64xf32, #tpu.memory_space<vmem>>
        %dma_start3A_150 = tpu.memref_squeeze %dma_start3A_149 : memref<1x128x64xf32, #tpu.memory_space<vmem>> -> memref<128x64xf32, #tpu.memory_space<vmem>>
        %dma_start3A_151 = arith.constant 0 : i32
        %dma_start3A_152 = tpu.memref_slice %arg8[%add3A_123, %dma_start3A_151] : memref<158x128xi32, #tpu.memory_space<vmem>> -> memref<1x128xi32, #tpu.memory_space<vmem>>
        %dma_start3A_153 = tpu.memref_squeeze %dma_start3A_152 : memref<1x128xi32, #tpu.memory_space<vmem>> -> memref<128xi32, #tpu.memory_space<vmem>>
        %dma_start3A_154 = arith.constant 0 : i32
        %dma_start3A_155 = arith.constant 0 : i32
        %dma_start3A_156 = tpu.memref_slice %arg11[%dma_start3A_154, %dma_start3A_155] : memref<10240x64xf32, #tpu.memory_space<vmem_shared>> -> memref<10240x64xf32, #tpu.memory_space<vmem_shared>>
        tpu.enqueue_indirect_dma source(%dma_start3A_150 : memref<128x64xf32, #tpu.memory_space<vmem>>) target(%dma_start3A_156 : memref<10240x64xf32, #tpu.memory_space<vmem_shared>>) offsets(%dma_start3A_153 : memref<128xi32, #tpu.memory_space<vmem>>) semaphore(%run_scoped3A_146 : memref<!tpu.dma_semaphore, #tpu.memory_space<semaphore_mem>>) {add = true}
        %dma_wait3A_157 = arith.constant 0 : i32
        %dma_wait3A_158 = arith.constant 0 : i32
        %dma_wait3A_159 = tpu.memref_slice %arg9[%run_scoped3A_138, %dma_wait3A_157, %dma_wait3A_158] : memref<3x128x64xf32, #tpu.memory_space<vmem>> -> memref<1x128x64xf32, #tpu.memory_space<vmem>>
        %dma_wait3A_160 = tpu.memref_squeeze %dma_wait3A_159 : memref<1x128x64xf32, #tpu.memory_space<vmem>> -> memref<128x64xf32, #tpu.memory_space<vmem>>
        %dma_wait3A_161 = arith.constant 0 : i32
        %dma_wait3A_162 = tpu.memref_slice %arg8[%add3A_123, %dma_wait3A_161] : memref<158x128xi32, #tpu.memory_space<vmem>> -> memref<1x128xi32, #tpu.memory_space<vmem>>
        %dma_wait3A_163 = tpu.memref_squeeze %dma_wait3A_162 : memref<1x128xi32, #tpu.memory_space<vmem>> -> memref<128xi32, #tpu.memory_space<vmem>>
        %dma_wait3A_164 = arith.constant 0 : i32
        %dma_wait3A_165 = arith.constant 0 : i32
        %dma_wait3A_166 = tpu.memref_slice %arg11[%dma_wait3A_164, %dma_wait3A_165] : memref<10240x64xf32, #tpu.memory_space<vmem_shared>> -> memref<10240x64xf32, #tpu.memory_space<vmem_shared>>
        tpu.wait_indirect_dma semaphore(%run_scoped3A_146 : memref<!tpu.dma_semaphore, #tpu.memory_space<semaphore_mem>>) src(%dma_wait3A_160 : memref<128x64xf32, #tpu.memory_space<vmem>>) dst(%dma_wait3A_166 : memref<10240x64xf32, #tpu.memory_space<vmem_shared>>)
        tpu.yield
      }) : () -> ()
      %add3A_139 = arith.constant 3 : i32
      %add3A_140 = arith.addi %add3A_123, %add3A_139 : i32
      %lt3A_141 = arith.constant 156 : i32
      %lt3A_142 = arith.cmpi slt, %add3A_140, %lt3A_141 : i32
      %convert_element_type3A_143 = arith.extui %lt3A_142 : i1 to i32
      %cond3A_144 = arith.constant 0 : i32
      %cond3A_145 = arith.cmpi ne, %convert_element_type3A_143, %cond3A_144 : i32
      scf.if %cond3A_145 {
        %add3A_146 = arith.constant 3 : i32
        %add3A_147 = arith.addi %add3A_123, %add3A_146 : i32
        %dma_start3A_148 = arith.constant 2 : i32
        %dma_start3A_149 = arith.constant 2 : i32
        %dma_start3A_150 = arith.constant 0 : i32
        %dma_start3A_151 = arith.constant 0 : i32
        %dma_start3A_152 = tpu.memref_slice %arg9[%dma_start3A_148, %dma_start3A_150, %dma_start3A_151] : memref<3x128x64xf32, #tpu.memory_space<vmem>> -> memref<1x128x64xf32, #tpu.memory_space<vmem>>
        %dma_start3A_153 = tpu.memref_squeeze %dma_start3A_152 : memref<1x128x64xf32, #tpu.memory_space<vmem>> -> memref<128x64xf32, #tpu.memory_space<vmem>>
        %dma_start3A_154 = arith.constant 0 : i32
        %dma_start3A_155 = tpu.memref_slice %arg7[%add3A_147, %dma_start3A_154] : memref<158x128xi32, #tpu.memory_space<vmem>> -> memref<1x128xi32, #tpu.memory_space<vmem>>
        %dma_start3A_156 = tpu.memref_squeeze %dma_start3A_155 : memref<1x128xi32, #tpu.memory_space<vmem>> -> memref<128xi32, #tpu.memory_space<vmem>>
        %dma_start3A_157 = arith.constant 0 : i32
        %dma_start3A_158 = arith.constant 0 : i32
        %dma_start3A_159 = tpu.memref_slice %arg4[%dma_start3A_157, %dma_start3A_158] : memref<20480x64xf32, #tpu.memory_space<hbm>> -> memref<20480x64xf32, #tpu.memory_space<hbm>>
        %dma_start3A_160 = tpu.memref_slice %arg12[%dma_start3A_149] : memref<3x!tpu.dma_semaphore, #tpu.memory_space<semaphore_mem>> -> memref<1x!tpu.dma_semaphore, #tpu.memory_space<semaphore_mem>>
        %dma_start3A_161 = tpu.memref_squeeze %dma_start3A_160 : memref<1x!tpu.dma_semaphore, #tpu.memory_space<semaphore_mem>> -> memref<!tpu.dma_semaphore, #tpu.memory_space<semaphore_mem>>
        tpu.enqueue_indirect_dma source(%dma_start3A_159 : memref<20480x64xf32, #tpu.memory_space<hbm>>) target(%dma_start3A_153 : memref<128x64xf32, #tpu.memory_space<vmem>>) offsets(%dma_start3A_156 : memref<128xi32, #tpu.memory_space<vmem>>) semaphore(%dma_start3A_161 : memref<!tpu.dma_semaphore, #tpu.memory_space<semaphore_mem>>)
      } else {
      }
    }
    %scan3A_54 = arith.constant 52 : i32
    %run_scoped3A = arith.constant 156 : i32
    %run_scoped3A_55 = arith.constant 0 : i32
    "tpu.region"() ({
      %run_scoped3A_71 = tpu.sem_alloc : memref<!tpu.dma_semaphore, #tpu.memory_space<semaphore_mem>>
      %dma_start3A_72 = arith.constant 0 : i32
      %dma_start3A_73 = arith.constant 0 : i32
      %dma_start3A_74 = tpu.memref_slice %arg9[%run_scoped3A_55, %dma_start3A_72, %dma_start3A_73] : memref<3x128x64xf32, #tpu.memory_space<vmem>> -> memref<1x128x64xf32, #tpu.memory_space<vmem>>
      %dma_start3A_75 = tpu.memref_squeeze %dma_start3A_74 : memref<1x128x64xf32, #tpu.memory_space<vmem>> -> memref<128x64xf32, #tpu.memory_space<vmem>>
      %dma_start3A_76 = arith.constant 0 : i32
      %dma_start3A_77 = tpu.memref_slice %arg7[%run_scoped3A, %dma_start3A_76] : memref<158x128xi32, #tpu.memory_space<vmem>> -> memref<1x128xi32, #tpu.memory_space<vmem>>
      %dma_start3A_78 = tpu.memref_squeeze %dma_start3A_77 : memref<1x128xi32, #tpu.memory_space<vmem>> -> memref<128xi32, #tpu.memory_space<vmem>>
      %dma_start3A_79 = arith.constant 0 : i32
      %dma_start3A_80 = arith.constant 0 : i32
      %dma_start3A_81 = tpu.memref_slice %arg4[%dma_start3A_79, %dma_start3A_80] : memref<20480x64xf32, #tpu.memory_space<hbm>> -> memref<20480x64xf32, #tpu.memory_space<hbm>>
      tpu.enqueue_indirect_dma source(%dma_start3A_81 : memref<20480x64xf32, #tpu.memory_space<hbm>>) target(%dma_start3A_75 : memref<128x64xf32, #tpu.memory_space<vmem>>) offsets(%dma_start3A_78 : memref<128xi32, #tpu.memory_space<vmem>>) semaphore(%run_scoped3A_71 : memref<!tpu.dma_semaphore, #tpu.memory_space<semaphore_mem>>)
      %dma_wait3A = arith.constant 0 : i32
      %dma_wait3A_82 = arith.constant 0 : i32
      %dma_wait3A_83 = tpu.memref_slice %arg9[%run_scoped3A_55, %dma_wait3A, %dma_wait3A_82] : memref<3x128x64xf32, #tpu.memory_space<vmem>> -> memref<1x128x64xf32, #tpu.memory_space<vmem>>
      %dma_wait3A_84 = tpu.memref_squeeze %dma_wait3A_83 : memref<1x128x64xf32, #tpu.memory_space<vmem>> -> memref<128x64xf32, #tpu.memory_space<vmem>>
      %dma_wait3A_85 = arith.constant 0 : i32
      %dma_wait3A_86 = tpu.memref_slice %arg7[%run_scoped3A, %dma_wait3A_85] : memref<158x128xi32, #tpu.memory_space<vmem>> -> memref<1x128xi32, #tpu.memory_space<vmem>>
      %dma_wait3A_87 = tpu.memref_squeeze %dma_wait3A_86 : memref<1x128xi32, #tpu.memory_space<vmem>> -> memref<128xi32, #tpu.memory_space<vmem>>
      %dma_wait3A_88 = arith.constant 0 : i32
      %dma_wait3A_89 = arith.constant 0 : i32
      %dma_wait3A_90 = tpu.memref_slice %arg4[%dma_wait3A_88, %dma_wait3A_89] : memref<20480x64xf32, #tpu.memory_space<hbm>> -> memref<20480x64xf32, #tpu.memory_space<hbm>>
      tpu.wait_indirect_dma semaphore(%run_scoped3A_71 : memref<!tpu.dma_semaphore, #tpu.memory_space<semaphore_mem>>) src(%dma_wait3A_90 : memref<20480x64xf32, #tpu.memory_space<hbm>>) dst(%dma_wait3A_84 : memref<128x64xf32, #tpu.memory_space<vmem>>)
      tpu.yield
    }) : () -> ()
    %run_scoped3A_56 = arith.constant 0 : i32
    %run_scoped3A_57 = arith.constant 156 : i32
    "tpu.region"() ({
      %run_scoped3A_71 = tpu.sem_alloc : memref<!tpu.dma_semaphore, #tpu.memory_space<semaphore_mem>>
      %dma_start3A_72 = arith.constant 0 : i32
      %dma_start3A_73 = arith.constant 0 : i32
      %dma_start3A_74 = tpu.memref_slice %arg9[%run_scoped3A_56, %dma_start3A_72, %dma_start3A_73] : memref<3x128x64xf32, #tpu.memory_space<vmem>> -> memref<1x128x64xf32, #tpu.memory_space<vmem>>
      %dma_start3A_75 = tpu.memref_squeeze %dma_start3A_74 : memref<1x128x64xf32, #tpu.memory_space<vmem>> -> memref<128x64xf32, #tpu.memory_space<vmem>>
      %dma_start3A_76 = arith.constant 0 : i32
      %dma_start3A_77 = tpu.memref_slice %arg8[%run_scoped3A_57, %dma_start3A_76] : memref<158x128xi32, #tpu.memory_space<vmem>> -> memref<1x128xi32, #tpu.memory_space<vmem>>
      %dma_start3A_78 = tpu.memref_squeeze %dma_start3A_77 : memref<1x128xi32, #tpu.memory_space<vmem>> -> memref<128xi32, #tpu.memory_space<vmem>>
      %dma_start3A_79 = arith.constant 0 : i32
      %dma_start3A_80 = arith.constant 0 : i32
      %dma_start3A_81 = tpu.memref_slice %arg11[%dma_start3A_79, %dma_start3A_80] : memref<10240x64xf32, #tpu.memory_space<vmem_shared>> -> memref<10240x64xf32, #tpu.memory_space<vmem_shared>>
      tpu.enqueue_indirect_dma source(%dma_start3A_75 : memref<128x64xf32, #tpu.memory_space<vmem>>) target(%dma_start3A_81 : memref<10240x64xf32, #tpu.memory_space<vmem_shared>>) offsets(%dma_start3A_78 : memref<128xi32, #tpu.memory_space<vmem>>) semaphore(%run_scoped3A_71 : memref<!tpu.dma_semaphore, #tpu.memory_space<semaphore_mem>>) {add = true}
      %dma_wait3A = arith.constant 0 : i32
      %dma_wait3A_82 = arith.constant 0 : i32
      %dma_wait3A_83 = tpu.memref_slice %arg9[%run_scoped3A_56, %dma_wait3A, %dma_wait3A_82] : memref<3x128x64xf32, #tpu.memory_space<vmem>> -> memref<1x128x64xf32, #tpu.memory_space<vmem>>
      %dma_wait3A_84 = tpu.memref_squeeze %dma_wait3A_83 : memref<1x128x64xf32, #tpu.memory_space<vmem>> -> memref<128x64xf32, #tpu.memory_space<vmem>>
      %dma_wait3A_85 = arith.constant 0 : i32
      %dma_wait3A_86 = tpu.memref_slice %arg8[%run_scoped3A_57, %dma_wait3A_85] : memref<158x128xi32, #tpu.memory_space<vmem>> -> memref<1x128xi32, #tpu.memory_space<vmem>>
      %dma_wait3A_87 = tpu.memref_squeeze %dma_wait3A_86 : memref<1x128xi32, #tpu.memory_space<vmem>> -> memref<128xi32, #tpu.memory_space<vmem>>
      %dma_wait3A_88 = arith.constant 0 : i32
      %dma_wait3A_89 = arith.constant 0 : i32
      %dma_wait3A_90 = tpu.memref_slice %arg11[%dma_wait3A_88, %dma_wait3A_89] : memref<10240x64xf32, #tpu.memory_space<vmem_shared>> -> memref<10240x64xf32, #tpu.memory_space<vmem_shared>>
      tpu.wait_indirect_dma semaphore(%run_scoped3A_71 : memref<!tpu.dma_semaphore, #tpu.memory_space<semaphore_mem>>) src(%dma_wait3A_84 : memref<128x64xf32, #tpu.memory_space<vmem>>) dst(%dma_wait3A_90 : memref<10240x64xf32, #tpu.memory_space<vmem_shared>>)
      tpu.yield
    }) : () -> ()
    %run_scoped3A_58 = arith.constant 157 : i32
    %run_scoped3A_59 = arith.constant 0 : i32
    "tpu.region"() ({
      %run_scoped3A_71 = tpu.sem_alloc : memref<!tpu.dma_semaphore, #tpu.memory_space<semaphore_mem>>
      %dma_start3A_72 = arith.constant 0 : i32
      %dma_start3A_73 = arith.constant 0 : i32
      %dma_start3A_74 = tpu.memref_slice %arg9[%run_scoped3A_59, %dma_start3A_72, %dma_start3A_73] : memref<3x128x64xf32, #tpu.memory_space<vmem>> -> memref<1x128x64xf32, #tpu.memory_space<vmem>>
      %dma_start3A_75 = tpu.memref_squeeze %dma_start3A_74 : memref<1x128x64xf32, #tpu.memory_space<vmem>> -> memref<128x64xf32, #tpu.memory_space<vmem>>
      %dma_start3A_76 = arith.constant 0 : i32
      %dma_start3A_77 = tpu.memref_slice %arg7[%run_scoped3A_58, %dma_start3A_76] : memref<158x128xi32, #tpu.memory_space<vmem>> -> memref<1x128xi32, #tpu.memory_space<vmem>>
      %dma_start3A_78 = tpu.memref_squeeze %dma_start3A_77 : memref<1x128xi32, #tpu.memory_space<vmem>> -> memref<128xi32, #tpu.memory_space<vmem>>
      %dma_start3A_79 = arith.constant 0 : i32
      %dma_start3A_80 = arith.constant 0 : i32
      %dma_start3A_81 = tpu.memref_slice %arg4[%dma_start3A_79, %dma_start3A_80] : memref<20480x64xf32, #tpu.memory_space<hbm>> -> memref<20480x64xf32, #tpu.memory_space<hbm>>
      tpu.enqueue_indirect_dma source(%dma_start3A_81 : memref<20480x64xf32, #tpu.memory_space<hbm>>) target(%dma_start3A_75 : memref<128x64xf32, #tpu.memory_space<vmem>>) offsets(%dma_start3A_78 : memref<128xi32, #tpu.memory_space<vmem>>) semaphore(%run_scoped3A_71 : memref<!tpu.dma_semaphore, #tpu.memory_space<semaphore_mem>>)
      %dma_wait3A = arith.constant 0 : i32
      %dma_wait3A_82 = arith.constant 0 : i32
      %dma_wait3A_83 = tpu.memref_slice %arg9[%run_scoped3A_59, %dma_wait3A, %dma_wait3A_82] : memref<3x128x64xf32, #tpu.memory_space<vmem>> -> memref<1x128x64xf32, #tpu.memory_space<vmem>>
      %dma_wait3A_84 = tpu.memref_squeeze %dma_wait3A_83 : memref<1x128x64xf32, #tpu.memory_space<vmem>> -> memref<128x64xf32, #tpu.memory_space<vmem>>
      %dma_wait3A_85 = arith.constant 0 : i32
      %dma_wait3A_86 = tpu.memref_slice %arg7[%run_scoped3A_58, %dma_wait3A_85] : memref<158x128xi32, #tpu.memory_space<vmem>> -> memref<1x128xi32, #tpu.memory_space<vmem>>
      %dma_wait3A_87 = tpu.memref_squeeze %dma_wait3A_86 : memref<1x128xi32, #tpu.memory_space<vmem>> -> memref<128xi32, #tpu.memory_space<vmem>>
      %dma_wait3A_88 = arith.constant 0 : i32
      %dma_wait3A_89 = arith.constant 0 : i32
      %dma_wait3A_90 = tpu.memref_slice %arg4[%dma_wait3A_88, %dma_wait3A_89] : memref<20480x64xf32, #tpu.memory_space<hbm>> -> memref<20480x64xf32, #tpu.memory_space<hbm>>
      tpu.wait_indirect_dma semaphore(%run_scoped3A_71 : memref<!tpu.dma_semaphore, #tpu.memory_space<semaphore_mem>>) src(%dma_wait3A_90 : memref<20480x64xf32, #tpu.memory_space<hbm>>) dst(%dma_wait3A_84 : memref<128x64xf32, #tpu.memory_space<vmem>>)
      tpu.yield
    }) : () -> ()
    %run_scoped3A_60 = arith.constant 0 : i32
    %run_scoped3A_61 = arith.constant 157 : i32
    "tpu.region"() ({
      %run_scoped3A_71 = tpu.sem_alloc : memref<!tpu.dma_semaphore, #tpu.memory_space<semaphore_mem>>
      %dma_start3A_72 = arith.constant 0 : i32
      %dma_start3A_73 = arith.constant 0 : i32
      %dma_start3A_74 = tpu.memref_slice %arg9[%run_scoped3A_60, %dma_start3A_72, %dma_start3A_73] : memref<3x128x64xf32, #tpu.memory_space<vmem>> -> memref<1x128x64xf32, #tpu.memory_space<vmem>>
      %dma_start3A_75 = tpu.memref_squeeze %dma_start3A_74 : memref<1x128x64xf32, #tpu.memory_space<vmem>> -> memref<128x64xf32, #tpu.memory_space<vmem>>
      %dma_start3A_76 = arith.constant 0 : i32
      %dma_start3A_77 = tpu.memref_slice %arg8[%run_scoped3A_61, %dma_start3A_76] : memref<158x128xi32, #tpu.memory_space<vmem>> -> memref<1x128xi32, #tpu.memory_space<vmem>>
      %dma_start3A_78 = tpu.memref_squeeze %dma_start3A_77 : memref<1x128xi32, #tpu.memory_space<vmem>> -> memref<128xi32, #tpu.memory_space<vmem>>
      %dma_start3A_79 = arith.constant 0 : i32
      %dma_start3A_80 = arith.constant 0 : i32
      %dma_start3A_81 = tpu.memref_slice %arg11[%dma_start3A_79, %dma_start3A_80] : memref<10240x64xf32, #tpu.memory_space<vmem_shared>> -> memref<10240x64xf32, #tpu.memory_space<vmem_shared>>
      tpu.enqueue_indirect_dma source(%dma_start3A_75 : memref<128x64xf32, #tpu.memory_space<vmem>>) target(%dma_start3A_81 : memref<10240x64xf32, #tpu.memory_space<vmem_shared>>) offsets(%dma_start3A_78 : memref<128xi32, #tpu.memory_space<vmem>>) semaphore(%run_scoped3A_71 : memref<!tpu.dma_semaphore, #tpu.memory_space<semaphore_mem>>) {add = true}
      %dma_wait3A = arith.constant 0 : i32
      %dma_wait3A_82 = arith.constant 0 : i32
      %dma_wait3A_83 = tpu.memref_slice %arg9[%run_scoped3A_60, %dma_wait3A, %dma_wait3A_82] : memref<3x128x64xf32, #tpu.memory_space<vmem>> -> memref<1x128x64xf32, #tpu.memory_space<vmem>>
      %dma_wait3A_84 = tpu.memref_squeeze %dma_wait3A_83 : memref<1x128x64xf32, #tpu.memory_space<vmem>> -> memref<128x64xf32, #tpu.memory_space<vmem>>
      %dma_wait3A_85 = arith.constant 0 : i32
      %dma_wait3A_86 = tpu.memref_slice %arg8[%run_scoped3A_61, %dma_wait3A_85] : memref<158x128xi32, #tpu.memory_space<vmem>> -> memref<1x128xi32, #tpu.memory_space<vmem>>
      %dma_wait3A_87 = tpu.memref_squeeze %dma_wait3A_86 : memref<1x128xi32, #tpu.memory_space<vmem>> -> memref<128xi32, #tpu.memory_space<vmem>>
      %dma_wait3A_88 = arith.constant 0 : i32
      %dma_wait3A_89 = arith.constant 0 : i32
      %dma_wait3A_90 = tpu.memref_slice %arg11[%dma_wait3A_88, %dma_wait3A_89] : memref<10240x64xf32, #tpu.memory_space<vmem_shared>> -> memref<10240x64xf32, #tpu.memory_space<vmem_shared>>
      tpu.wait_indirect_dma semaphore(%run_scoped3A_71 : memref<!tpu.dma_semaphore, #tpu.memory_space<semaphore_mem>>) src(%dma_wait3A_84 : memref<128x64xf32, #tpu.memory_space<vmem>>) dst(%dma_wait3A_90 : memref<10240x64xf32, #tpu.memory_space<vmem_shared>>)
      tpu.yield
    }) : () -> ()
    %barrier3A_62 = arith.constant 0 : index
    tpu.barrier barrier_id(%barrier3A_62)
    %mul3A_63 = arith.constant 640 : i32
    %mul3A_64 = arith.muli %arg1, %mul3A_63 : i32
    %add3A_65 = arith.constant 0 : i32
    %add3A_66 = arith.addi %mul3A_64, %add3A_65 : i32
    "tpu.region"() ({
      %run_scoped3A_71 = tpu.sem_alloc : memref<!tpu.dma_semaphore, #tpu.memory_space<semaphore_mem>>
      %dma_start3A_72 = arith.constant 0 : i32
      %dma_start3A_73 = tpu.memref_slice %arg11[%add3A_66, %dma_start3A_72] : memref<10240x64xf32, #tpu.memory_space<vmem_shared>> -> memref<320x64xf32, #tpu.memory_space<vmem_shared>>
      %dma_start3A_74 = arith.constant 0 : i32
      %dma_start3A_75 = tpu.memref_slice %arg11[%add3A_66, %dma_start3A_74] : memref<10240x64xf32, #tpu.memory_space<vmem_shared>> -> memref<320x64xf32, #tpu.memory_space<vmem_shared>>
      tpu.enqueue_dma source(%dma_start3A_75 : memref<320x64xf32, #tpu.memory_space<vmem_shared>>) target(%arg10 : memref<320x64xf32, #tpu.memory_space<vmem>>) target_semaphore(%run_scoped3A_71 : memref<!tpu.dma_semaphore, #tpu.memory_space<semaphore_mem>>)
      %dma_wait3A = arith.constant 0 : i32
      %dma_wait3A_76 = tpu.memref_slice %arg11[%add3A_66, %dma_wait3A] : memref<10240x64xf32, #tpu.memory_space<vmem_shared>> -> memref<320x64xf32, #tpu.memory_space<vmem_shared>>
      %dma_wait3A_77 = arith.constant 0 : i32
      %dma_wait3A_78 = tpu.memref_slice %arg11[%add3A_66, %dma_wait3A_77] : memref<10240x64xf32, #tpu.memory_space<vmem_shared>> -> memref<320x64xf32, #tpu.memory_space<vmem_shared>>
      tpu.wait_dma2 semaphore(%run_scoped3A_71 : memref<!tpu.dma_semaphore, #tpu.memory_space<semaphore_mem>>) src(%dma_wait3A_78 : memref<320x64xf32, #tpu.memory_space<vmem_shared>>) dst(%arg10 : memref<320x64xf32, #tpu.memory_space<vmem>>)
      tpu.yield
    }) : () -> ()
    "tpu.region"() ({
      %run_scoped3A_71 = tpu.sem_alloc : memref<!tpu.dma_semaphore, #tpu.memory_space<semaphore_mem>>
      %dma_start3A_72 = arith.constant 0 : i32
      %dma_start3A_73 = tpu.memref_slice %arg6[%add3A_66, %arg0, %dma_start3A_72] : memref<10240x2x64xf32, #tpu.memory_space<hbm>> -> memref<320x1x64xf32, #tpu.memory_space<hbm>>
      %dma_start3A_74 = tpu.memref_squeeze %dma_start3A_73 : memref<320x1x64xf32, #tpu.memory_space<hbm>> -> memref<320x64xf32, #tpu.memory_space<hbm>>
      %dma_start3A_75 = arith.constant 0 : i32
      %dma_start3A_76 = tpu.memref_slice %arg6[%add3A_66, %arg0, %dma_start3A_75] : memref<10240x2x64xf32, #tpu.memory_space<hbm>> -> memref<320x1x64xf32, #tpu.memory_space<hbm>>
      %dma_start3A_77 = tpu.memref_squeeze %dma_start3A_76 : memref<320x1x64xf32, #tpu.memory_space<hbm>> -> memref<320x64xf32, #tpu.memory_space<hbm>>
      tpu.enqueue_dma source(%arg10 : memref<320x64xf32, #tpu.memory_space<vmem>>) target(%dma_start3A_77 : memref<320x64xf32, #tpu.memory_space<hbm>>) target_semaphore(%run_scoped3A_71 : memref<!tpu.dma_semaphore, #tpu.memory_space<semaphore_mem>>)
      %dma_wait3A = arith.constant 0 : i32
      %dma_wait3A_78 = tpu.memref_slice %arg6[%add3A_66, %arg0, %dma_wait3A] : memref<10240x2x64xf32, #tpu.memory_space<hbm>> -> memref<320x1x64xf32, #tpu.memory_space<hbm>>
      %dma_wait3A_79 = tpu.memref_squeeze %dma_wait3A_78 : memref<320x1x64xf32, #tpu.memory_space<hbm>> -> memref<320x64xf32, #tpu.memory_space<hbm>>
      %dma_wait3A_80 = arith.constant 0 : i32
      %dma_wait3A_81 = tpu.memref_slice %arg6[%add3A_66, %arg0, %dma_wait3A_80] : memref<10240x2x64xf32, #tpu.memory_space<hbm>> -> memref<320x1x64xf32, #tpu.memory_space<hbm>>
      %dma_wait3A_82 = tpu.memref_squeeze %dma_wait3A_81 : memref<320x1x64xf32, #tpu.memory_space<hbm>> -> memref<320x64xf32, #tpu.memory_space<hbm>>
      tpu.wait_dma2 semaphore(%run_scoped3A_71 : memref<!tpu.dma_semaphore, #tpu.memory_space<semaphore_mem>>) src(%arg10 : memref<320x64xf32, #tpu.memory_space<vmem>>) dst(%dma_wait3A_82 : memref<320x64xf32, #tpu.memory_space<hbm>>)
      tpu.yield
    }) : () -> ()
    %mul3A_67 = arith.constant 640 : i32
    %mul3A_68 = arith.muli %arg1, %mul3A_67 : i32
    %add3A_69 = arith.constant 320 : i32
    %add3A_70 = arith.addi %mul3A_68, %add3A_69 : i32
    "tpu.region"() ({
      %run_scoped3A_71 = tpu.sem_alloc : memref<!tpu.dma_semaphore, #tpu.memory_space<semaphore_mem>>
      %dma_start3A_72 = arith.constant 0 : i32
      %dma_start3A_73 = tpu.memref_slice %arg11[%add3A_70, %dma_start3A_72] : memref<10240x64xf32, #tpu.memory_space<vmem_shared>> -> memref<320x64xf32, #tpu.memory_space<vmem_shared>>
      %dma_start3A_74 = arith.constant 0 : i32
      %dma_start3A_75 = tpu.memref_slice %arg11[%add3A_70, %dma_start3A_74] : memref<10240x64xf32, #tpu.memory_space<vmem_shared>> -> memref<320x64xf32, #tpu.memory_space<vmem_shared>>
      tpu.enqueue_dma source(%dma_start3A_75 : memref<320x64xf32, #tpu.memory_space<vmem_shared>>) target(%arg10 : memref<320x64xf32, #tpu.memory_space<vmem>>) target_semaphore(%run_scoped3A_71 : memref<!tpu.dma_semaphore, #tpu.memory_space<semaphore_mem>>)
      %dma_wait3A = arith.constant 0 : i32
      %dma_wait3A_76 = tpu.memref_slice %arg11[%add3A_70, %dma_wait3A] : memref<10240x64xf32, #tpu.memory_space<vmem_shared>> -> memref<320x64xf32, #tpu.memory_space<vmem_shared>>
      %dma_wait3A_77 = arith.constant 0 : i32
      %dma_wait3A_78 = tpu.memref_slice %arg11[%add3A_70, %dma_wait3A_77] : memref<10240x64xf32, #tpu.memory_space<vmem_shared>> -> memref<320x64xf32, #tpu.memory_space<vmem_shared>>
      tpu.wait_dma2 semaphore(%run_scoped3A_71 : memref<!tpu.dma_semaphore, #tpu.memory_space<semaphore_mem>>) src(%dma_wait3A_78 : memref<320x64xf32, #tpu.memory_space<vmem_shared>>) dst(%arg10 : memref<320x64xf32, #tpu.memory_space<vmem>>)
      tpu.yield
    }) : () -> ()
    "tpu.region"() ({
      %run_scoped3A_71 = tpu.sem_alloc : memref<!tpu.dma_semaphore, #tpu.memory_space<semaphore_mem>>
      %dma_start3A_72 = arith.constant 0 : i32
      %dma_start3A_73 = tpu.memref_slice %arg6[%add3A_70, %arg0, %dma_start3A_72] : memref<10240x2x64xf32, #tpu.memory_space<hbm>> -> memref<320x1x64xf32, #tpu.memory_space<hbm>>
      %dma_start3A_74 = tpu.memref_squeeze %dma_start3A_73 : memref<320x1x64xf32, #tpu.memory_space<hbm>> -> memref<320x64xf32, #tpu.memory_space<hbm>>
      %dma_start3A_75 = arith.constant 0 : i32
      %dma_start3A_76 = tpu.memref_slice %arg6[%add3A_70, %arg0, %dma_start3A_75] : memref<10240x2x64xf32, #tpu.memory_space<hbm>> -> memref<320x1x64xf32, #tpu.memory_space<hbm>>
      %dma_start3A_77 = tpu.memref_squeeze %dma_start3A_76 : memref<320x1x64xf32, #tpu.memory_space<hbm>> -> memref<320x64xf32, #tpu.memory_space<hbm>>
      tpu.enqueue_dma source(%arg10 : memref<320x64xf32, #tpu.memory_space<vmem>>) target(%dma_start3A_77 : memref<320x64xf32, #tpu.memory_space<hbm>>) target_semaphore(%run_scoped3A_71 : memref<!tpu.dma_semaphore, #tpu.memory_space<semaphore_mem>>)
      %dma_wait3A = arith.constant 0 : i32
      %dma_wait3A_78 = tpu.memref_slice %arg6[%add3A_70, %arg0, %dma_wait3A] : memref<10240x2x64xf32, #tpu.memory_space<hbm>> -> memref<320x1x64xf32, #tpu.memory_space<hbm>>
      %dma_wait3A_79 = tpu.memref_squeeze %dma_wait3A_78 : memref<320x1x64xf32, #tpu.memory_space<hbm>> -> memref<320x64xf32, #tpu.memory_space<hbm>>
      %dma_wait3A_80 = arith.constant 0 : i32
      %dma_wait3A_81 = tpu.memref_slice %arg6[%add3A_70, %arg0, %dma_wait3A_80] : memref<10240x2x64xf32, #tpu.memory_space<hbm>> -> memref<320x1x64xf32, #tpu.memory_space<hbm>>
      %dma_wait3A_82 = tpu.memref_squeeze %dma_wait3A_81 : memref<320x1x64xf32, #tpu.memory_space<hbm>> -> memref<320x64xf32, #tpu.memory_space<hbm>>
      tpu.wait_dma2 semaphore(%run_scoped3A_71 : memref<!tpu.dma_semaphore, #tpu.memory_space<semaphore_mem>>) src(%arg10 : memref<320x64xf32, #tpu.memory_space<vmem>>) dst(%dma_wait3A_82 : memref<320x64xf32, #tpu.memory_space<hbm>>)
      tpu.yield
    }) : () -> ()
    return
  }
}

module attributes {stable_mosaic.version = 14 : i64} {
  func.func @_prep_body(%arg0: i32, %arg1: memref<1280x128xf32, #tpu.memory_space<vmem>>, %arg2: memref<128x128xf32, #tpu.memory_space<vmem>>, %arg3: memref<1280x1xf32, #tpu.memory_space<vmem>>, %arg4: memref<1280x128xf32, #tpu.memory_space<vmem>>) attributes {dimension_semantics = [#tpu.dimension_semantics<arbitrary>], iteration_bounds = array<i64: 8>, scalar_prefetch = 0 : i64, scratch_operands = 0 : i64, tpu.core_type = #tpu.core_type<tc>, window_params = [{transform_indices = @transform_0, window_bounds = array<i64: 1280, 128>}, {pipeline_mode = #tpu.pipeline_mode<synchronous>, transform_indices = @transform_1, window_bounds = array<i64: 128, 128>}, {transform_indices = @transform_2, window_bounds = array<i64: 1280, 1>}, {transform_indices = @transform_3, window_bounds = array<i64: 1280, 128>}]} {
    %get3A = arith.constant 0 : index
    %get3A_0 = arith.constant 0 : index
    %get3A_1 = vector.load %arg1[%get3A, %get3A_0] : memref<1280x128xf32, #tpu.memory_space<vmem>>, vector<1280x128xf32>
    %get3A_2 = arith.constant 0 : index
    %get3A_3 = arith.constant 0 : index
    %get3A_4 = vector.load %arg2[%get3A_2, %get3A_3] : memref<128x128xf32, #tpu.memory_space<vmem>>, vector<128x128xf32>
    %dot_general3A = arith.constant dense<0.000000e+00> : vector<1280x128xf32>
    %dot_general3A_5 = tpu.matmul %get3A_1, %get3A_4, %dot_general3A {dimension_numbers = #tpu.dot_dimension_numbers<[1], [0], [0], [1], [0, 0, 1, 1], [], []>, precision = #tpu.contract_precision<fp32>, transpose_lhs_hint = false} : vector<1280x128xf32>, vector<128x128xf32>, vector<1280x128xf32> -> vector<1280x128xf32>
    %get3A_6 = arith.constant 0 : index
    %get3A_7 = arith.constant 0 : index
    %get3A_8 = vector.load %arg3[%get3A_6, %get3A_7] : memref<1280x1xf32, #tpu.memory_space<vmem>>, vector<1280x1xf32>
    %mul3A = vector.broadcast %get3A_8 : vector<1280x1xf32> to vector<1280x128xf32>
    %mul3A_9 = arith.mulf %dot_general3A_5, %mul3A : vector<1280x128xf32>
    %swap3A = arith.constant 0 : index
    %swap3A_10 = arith.constant 0 : index
    %swap3A_11 = vector.load %arg4[%swap3A, %swap3A_10] : memref<1280x128xf32, #tpu.memory_space<vmem>>, vector<1280x128xf32>
    tpu.vector_store %arg4[%swap3A, %swap3A_10], %mul3A_9 {strides = array<i32>} : memref<1280x128xf32, #tpu.memory_space<vmem>>, vector<1280x128xf32>,
    return
  }
  func.func @transform_0(%arg0: i32) -> (i32, i32) {
    %c0_i32 = arith.constant 0 : i32
    %c0_i32_0 = arith.constant 0 : i32
    return %arg0, %c0_i32 : i32, i32
  }
  func.func @transform_1(%arg0: i32) -> (i32, i32) {
    %c0_i32 = arith.constant 0 : i32
    %c0_i32_0 = arith.constant 0 : i32
    %c0_i32_1 = arith.constant 0 : i32
    return %c0_i32, %c0_i32_0 : i32, i32
  }
  func.func @transform_2(%arg0: i32) -> (i32, i32) {
    %c0_i32 = arith.constant 0 : i32
    %c0_i32_0 = arith.constant 0 : i32
    return %arg0, %c0_i32 : i32, i32
  }
  func.func @transform_3(%arg0: i32) -> (i32, i32) {
    %c0_i32 = arith.constant 0 : i32
    %c0_i32_0 = arith.constant 0 : i32
    return %arg0, %c0_i32 : i32, i32
  }
}

module attributes {stable_mosaic.version = 14 : i64} {
  func.func @_next_body(%arg0: i32, %arg1: memref<1280x128xf32, #tpu.memory_space<vmem>>, %arg2: memref<1280x128xf32, #tpu.memory_space<vmem>>, %arg3: memref<1280x1xf32, #tpu.memory_space<vmem>>, %arg4: memref<1x128xf32, #tpu.memory_space<vmem>>, %arg5: memref<128x128xf32, #tpu.memory_space<vmem>>, %arg6: memref<1280x128xf32, #tpu.memory_space<vmem>>) attributes {dimension_semantics = [#tpu.dimension_semantics<arbitrary>], iteration_bounds = array<i64: 8>, scalar_prefetch = 0 : i64, scratch_operands = 0 : i64, tpu.core_type = #tpu.core_type<tc>, window_params = [{transform_indices = @transform_0, window_bounds = array<i64: 1280, 128>}, {transform_indices = @transform_1, window_bounds = array<i64: 1280, 128>}, {transform_indices = @transform_2, window_bounds = array<i64: 1280, 1>}, {pipeline_mode = #tpu.pipeline_mode<synchronous>, transform_indices = @transform_3, window_bounds = array<i64: 1, 128>}, {pipeline_mode = #tpu.pipeline_mode<synchronous>, transform_indices = @transform_4, window_bounds = array<i64: 128, 128>}, {transform_indices = @transform_5, window_bounds = array<i64: 1280, 128>}]} {
    %get3A = arith.constant 0 : index
    %get3A_0 = arith.constant 0 : index
    %get3A_1 = vector.load %arg3[%get3A, %get3A_0] : memref<1280x1xf32, #tpu.memory_space<vmem>>, vector<1280x1xf32>
    %get3A_2 = arith.constant 0 : index
    %get3A_3 = arith.constant 0 : index
    %get3A_4 = vector.load %arg1[%get3A_2, %get3A_3] : memref<1280x128xf32, #tpu.memory_space<vmem>>, vector<1280x128xf32>
    %get3A_5 = arith.constant 0 : index
    %get3A_6 = arith.constant 0 : index
    %get3A_7 = vector.load %arg2[%get3A_5, %get3A_6] : memref<1280x128xf32, #tpu.memory_space<vmem>>, vector<1280x128xf32>
    %add3A = arith.addf %get3A_4, %get3A_7 : vector<1280x128xf32>
    %mul3A = vector.broadcast %get3A_1 : vector<1280x1xf32> to vector<1280x128xf32>
    %mul3A_8 = arith.mulf %add3A, %mul3A : vector<1280x128xf32>
    %get3A_9 = arith.constant 0 : index
    %get3A_10 = arith.constant 0 : index
    %get3A_11 = vector.load %arg4[%get3A_9, %get3A_10] : memref<1x128xf32, #tpu.memory_space<vmem>>, vector<1x128xf32>
    %add3A_12 = vector.broadcast %get3A_11 : vector<1x128xf32> to vector<1280x128xf32>
    %add3A_13 = arith.addf %mul3A_8, %add3A_12 : vector<1280x128xf32>
    %max3A = arith.constant 0.000000e+00 : f32
    %max3A_14 = vector.broadcast %max3A : f32 to vector<1280x128xf32>
    %max3A_15 = arith.maximumf %add3A_13, %max3A_14 : vector<1280x128xf32>
    %get3A_16 = arith.constant 0 : index
    %get3A_17 = arith.constant 0 : index
    %get3A_18 = vector.load %arg5[%get3A_16, %get3A_17] : memref<128x128xf32, #tpu.memory_space<vmem>>, vector<128x128xf32>
    %dot_general3A = arith.constant dense<0.000000e+00> : vector<1280x128xf32>
    %dot_general3A_19 = tpu.matmul %max3A_15, %get3A_18, %dot_general3A {dimension_numbers = #tpu.dot_dimension_numbers<[1], [0], [0], [1], [0, 0, 1, 1], [], []>, precision = #tpu.contract_precision<fp32>, transpose_lhs_hint = false} : vector<1280x128xf32>, vector<128x128xf32>, vector<1280x128xf32> -> vector<1280x128xf32>
    %mul3A_20 = vector.broadcast %get3A_1 : vector<1280x1xf32> to vector<1280x128xf32>
    %mul3A_21 = arith.mulf %dot_general3A_19, %mul3A_20 : vector<1280x128xf32>
    %swap3A = arith.constant 0 : index
    %swap3A_22 = arith.constant 0 : index
    %swap3A_23 = vector.load %arg6[%swap3A, %swap3A_22] : memref<1280x128xf32, #tpu.memory_space<vmem>>, vector<1280x128xf32>
    tpu.vector_store %arg6[%swap3A, %swap3A_22], %mul3A_21 {strides = array<i32>} : memref<1280x128xf32, #tpu.memory_space<vmem>>, vector<1280x128xf32>,
    return
  }
  func.func @transform_0(%arg0: i32) -> (i32, i32) {
    %c0_i32 = arith.constant 0 : i32
    %c0_i32_0 = arith.constant 0 : i32
    return %arg0, %c0_i32 : i32, i32
  }
  func.func @transform_1(%arg0: i32) -> (i32, i32) {
    %c0_i32 = arith.constant 0 : i32
    %c0_i32_0 = arith.constant 0 : i32
    return %arg0, %c0_i32 : i32, i32
  }
  func.func @transform_2(%arg0: i32) -> (i32, i32) {
    %c0_i32 = arith.constant 0 : i32
    %c0_i32_0 = arith.constant 0 : i32
    return %arg0, %c0_i32 : i32, i32
  }
  func.func @transform_3(%arg0: i32) -> (i32, i32) {
    %c0_i32 = arith.constant 0 : i32
    %c0_i32_0 = arith.constant 0 : i32
    %c0_i32_1 = arith.constant 0 : i32
    return %c0_i32, %c0_i32_0 : i32, i32
  }
  func.func @transform_4(%arg0: i32) -> (i32, i32) {
    %c0_i32 = arith.constant 0 : i32
    %c0_i32_0 = arith.constant 0 : i32
    %c0_i32_1 = arith.constant 0 : i32
    return %c0_i32, %c0_i32_0 : i32, i32
  }
  func.func @transform_5(%arg0: i32) -> (i32, i32) {
    %c0_i32 = arith.constant 0 : i32
    %c0_i32_0 = arith.constant 0 : i32
    return %arg0, %c0_i32 : i32, i32
  }
}

module attributes {stable_mosaic.version = 14 : i64} {
  func.func @_fin_body(%arg0: i32, %arg1: memref<1000x128xf32, #tpu.memory_space<vmem>>, %arg2: memref<1000x128xf32, #tpu.memory_space<vmem>>, %arg3: memref<1000x1xf32, #tpu.memory_space<vmem>>, %arg4: memref<1x128xf32, #tpu.memory_space<vmem>>, %arg5: memref<1000x128xf32, #tpu.memory_space<vmem>>) attributes {dimension_semantics = [#tpu.dimension_semantics<arbitrary>], iteration_bounds = array<i64: 10>, scalar_prefetch = 0 : i64, scratch_operands = 0 : i64, tpu.core_type = #tpu.core_type<tc>, window_params = [{transform_indices = @transform_0, window_bounds = array<i64: 1000, 128>}, {transform_indices = @transform_1, window_bounds = array<i64: 1000, 128>}, {transform_indices = @transform_2, window_bounds = array<i64: 1000, 1>}, {pipeline_mode = #tpu.pipeline_mode<synchronous>, transform_indices = @transform_3, window_bounds = array<i64: 1, 128>}, {transform_indices = @transform_4, window_bounds = array<i64: 1000, 128>}]} {
    %get3A = arith.constant 0 : index
    %get3A_0 = arith.constant 0 : index
    %get3A_1 = vector.load %arg1[%get3A, %get3A_0] : memref<1000x128xf32, #tpu.memory_space<vmem>>, vector<1000x128xf32>
    %get3A_2 = arith.constant 0 : index
    %get3A_3 = arith.constant 0 : index
    %get3A_4 = vector.load %arg2[%get3A_2, %get3A_3] : memref<1000x128xf32, #tpu.memory_space<vmem>>, vector<1000x128xf32>
    %add3A = arith.addf %get3A_1, %get3A_4 : vector<1000x128xf32>
    %get3A_5 = arith.constant 0 : index
    %get3A_6 = arith.constant 0 : index
    %get3A_7 = vector.load %arg3[%get3A_5, %get3A_6] : memref<1000x1xf32, #tpu.memory_space<vmem>>, vector<1000x1xf32>
    %mul3A = vector.broadcast %get3A_7 : vector<1000x1xf32> to vector<1000x128xf32>
    %mul3A_8 = arith.mulf %add3A, %mul3A : vector<1000x128xf32>
    %get3A_9 = arith.constant 0 : index
    %get3A_10 = arith.constant 0 : index
    %get3A_11 = vector.load %arg4[%get3A_9, %get3A_10] : memref<1x128xf32, #tpu.memory_space<vmem>>, vector<1x128xf32>
    %add3A_12 = vector.broadcast %get3A_11 : vector<1x128xf32> to vector<1000x128xf32>
    %add3A_13 = arith.addf %mul3A_8, %add3A_12 : vector<1000x128xf32>
    %max3A = arith.constant 0.000000e+00 : f32
    %max3A_14 = vector.broadcast %max3A : f32 to vector<1000x128xf32>
    %max3A_15 = arith.maximumf %add3A_13, %max3A_14 : vector<1000x128xf32>
    %swap3A = arith.constant 0 : index
    %swap3A_16 = arith.constant 0 : index
    %swap3A_17 = vector.load %arg5[%swap3A, %swap3A_16] : memref<1000x128xf32, #tpu.memory_space<vmem>>, vector<1000x128xf32>
    tpu.vector_store %arg5[%swap3A, %swap3A_16], %max3A_15 {strides = array<i32>} : memref<1000x128xf32, #tpu.memory_space<vmem>>, vector<1000x128xf32>,
    return
  }
  func.func @transform_0(%arg0: i32) -> (i32, i32) {
    %c0_i32 = arith.constant 0 : i32
    %c0_i32_0 = arith.constant 0 : i32
    return %arg0, %c0_i32 : i32, i32
  }
  func.func @transform_1(%arg0: i32) -> (i32, i32) {
    %c0_i32 = arith.constant 0 : i32
    %c0_i32_0 = arith.constant 0 : i32
    return %arg0, %c0_i32 : i32, i32
  }
  func.func @transform_2(%arg0: i32) -> (i32, i32) {
    %c0_i32 = arith.constant 0 : i32
    %c0_i32_0 = arith.constant 0 : i32
    return %arg0, %c0_i32 : i32, i32
  }
  func.func @transform_3(%arg0: i32) -> (i32, i32) {
    %c0_i32 = arith.constant 0 : i32
    %c0_i32_0 = arith.constant 0 : i32
    %c0_i32_1 = arith.constant 0 : i32
    return %c0_i32, %c0_i32_0 : i32, i32
  }
  func.func @transform_4(%arg0: i32) -> (i32, i32) {
    %c0_i32 = arith.constant 0 : i32
    %c0_i32_0 = arith.constant 0 : i32
    return %arg0, %c0_i32 : i32, i32
  }
}

module attributes {stable_mosaic.version = 14 : i64} {
  func.func @_rec_body(%arg0: i32, %arg1: memref<400x128xf32, #tpu.memory_space<vmem>>, %arg2: memref<10000x128xf32, #tpu.memory_space<vmem>>, %arg3: memref<400x10000xf32, #tpu.memory_space<vmem>>) attributes {dimension_semantics = [#tpu.dimension_semantics<arbitrary>], iteration_bounds = array<i64: 25>, scalar_prefetch = 0 : i64, scratch_operands = 0 : i64, tpu.core_type = #tpu.core_type<tc>, window_params = [{transform_indices = @transform_0, window_bounds = array<i64: 400, 128>}, {pipeline_mode = #tpu.pipeline_mode<synchronous>, transform_indices = @transform_1, window_bounds = array<i64: 10000, 128>}, {transform_indices = @transform_2, window_bounds = array<i64: 400, 10000>}]} {
    %get3A = arith.constant 0 : index
    %get3A_0 = arith.constant 0 : index
    %get3A_1 = vector.load %arg1[%get3A, %get3A_0] : memref<400x128xf32, #tpu.memory_space<vmem>>, vector<400x128xf32>
    %get3A_2 = arith.constant 0 : index
    %get3A_3 = arith.constant 0 : index
    %get3A_4 = vector.load %arg2[%get3A_2, %get3A_3] : memref<10000x128xf32, #tpu.memory_space<vmem>>, vector<10000x128xf32>
    %dot_general3A = arith.constant dense<0.000000e+00> : vector<400x10000xf32>
    %dot_general3A_5 = tpu.matmul %get3A_1, %get3A_4, %dot_general3A {dimension_numbers = #tpu.dot_dimension_numbers<[1], [1], [0], [0], [0, 0, 1, 0], [], []>, transpose_lhs_hint = false} : vector<400x128xf32>, vector<10000x128xf32>, vector<400x10000xf32> -> vector<400x10000xf32>
    %swap3A = arith.constant 0 : index
    %swap3A_6 = arith.constant 0 : index
    %swap3A_7 = vector.load %arg3[%swap3A, %swap3A_6] : memref<400x10000xf32, #tpu.memory_space<vmem>>, vector<400x10000xf32>
    tpu.vector_store %arg3[%swap3A, %swap3A_6], %dot_general3A_5 {strides = array<i32>} : memref<400x10000xf32, #tpu.memory_space<vmem>>, vector<400x10000xf32>,
    return
  }
  func.func @transform_0(%arg0: i32) -> (i32, i32) {
    %c0_i32 = arith.constant 0 : i32
    %c0_i32_0 = arith.constant 0 : i32
    return %arg0, %c0_i32 : i32, i32
  }
  func.func @transform_1(%arg0: i32) -> (i32, i32) {
    %c0_i32 = arith.constant 0 : i32
    %c0_i32_0 = arith.constant 0 : i32
    %c0_i32_1 = arith.constant 0 : i32
    return %c0_i32, %c0_i32_0 : i32, i32
  }
  func.func @transform_2(%arg0: i32) -> (i32, i32) {
    %c0_i32 = arith.constant 0 : i32
    %c0_i32_0 = arith.constant 0 : i32
    return %arg0, %c0_i32 : i32, i32
  }
}

module attributes {stable_mosaic.version = 14 : i64} {
  func.func @_fin_body(%arg0: i32, %arg1: memref<1000x128xf32, #tpu.memory_space<vmem>>, %arg2: memref<1000x128xf32, #tpu.memory_space<vmem>>, %arg3: memref<1000x1xf32, #tpu.memory_space<vmem>>, %arg4: memref<1x128xf32, #tpu.memory_space<vmem>>, %arg5: memref<1000x128xf32, #tpu.memory_space<vmem>>) attributes {dimension_semantics = [#tpu.dimension_semantics<arbitrary>], iteration_bounds = array<i64: 10>, scalar_prefetch = 0 : i64, scratch_operands = 0 : i64, tpu.core_type = #tpu.core_type<tc>, window_params = [{transform_indices = @transform_0, window_bounds = array<i64: 1000, 128>}, {transform_indices = @transform_1, window_bounds = array<i64: 1000, 128>}, {transform_indices = @transform_2, window_bounds = array<i64: 1000, 1>}, {pipeline_mode = #tpu.pipeline_mode<synchronous>, transform_indices = @transform_3, window_bounds = array<i64: 1, 128>}, {transform_indices = @transform_4, window_bounds = array<i64: 1000, 128>}]} {
    %get3A = arith.constant 0 : index
    %get3A_0 = arith.constant 0 : index
    %get3A_1 = vector.load %arg1[%get3A, %get3A_0] : memref<1000x128xf32, #tpu.memory_space<vmem>>, vector<1000x128xf32>
    %get3A_2 = arith.constant 0 : index
    %get3A_3 = arith.constant 0 : index
    %get3A_4 = vector.load %arg2[%get3A_2, %get3A_3] : memref<1000x128xf32, #tpu.memory_space<vmem>>, vector<1000x128xf32>
    %add3A = arith.addf %get3A_1, %get3A_4 : vector<1000x128xf32>
    %get3A_5 = arith.constant 0 : index
    %get3A_6 = arith.constant 0 : index
    %get3A_7 = vector.load %arg3[%get3A_5, %get3A_6] : memref<1000x1xf32, #tpu.memory_space<vmem>>, vector<1000x1xf32>
    %mul3A = vector.broadcast %get3A_7 : vector<1000x1xf32> to vector<1000x128xf32>
    %mul3A_8 = arith.mulf %add3A, %mul3A : vector<1000x128xf32>
    %get3A_9 = arith.constant 0 : index
    %get3A_10 = arith.constant 0 : index
    %get3A_11 = vector.load %arg4[%get3A_9, %get3A_10] : memref<1x128xf32, #tpu.memory_space<vmem>>, vector<1x128xf32>
    %add3A_12 = vector.broadcast %get3A_11 : vector<1x128xf32> to vector<1000x128xf32>
    %add3A_13 = arith.addf %mul3A_8, %add3A_12 : vector<1000x128xf32>
    %max3A = arith.constant 0.000000e+00 : f32
    %max3A_14 = vector.broadcast %max3A : f32 to vector<1000x128xf32>
    %max3A_15 = arith.maximumf %add3A_13, %max3A_14 : vector<1000x128xf32>
    %swap3A = arith.constant 0 : index
    %swap3A_16 = arith.constant 0 : index
    %swap3A_17 = vector.load %arg5[%swap3A, %swap3A_16] : memref<1000x128xf32, #tpu.memory_space<vmem>>, vector<1000x128xf32>
    tpu.vector_store %arg5[%swap3A, %swap3A_16], %max3A_15 {strides = array<i32>} : memref<1000x128xf32, #tpu.memory_space<vmem>>, vector<1000x128xf32>,
    return
  }
  func.func @transform_0(%arg0: i32) -> (i32, i32) {
    %c0_i32 = arith.constant 0 : i32
    %c0_i32_0 = arith.constant 0 : i32
    return %arg0, %c0_i32 : i32, i32
  }
  func.func @transform_1(%arg0: i32) -> (i32, i32) {
    %c0_i32 = arith.constant 0 : i32
    %c0_i32_0 = arith.constant 0 : i32
    return %arg0, %c0_i32 : i32, i32
  }
  func.func @transform_2(%arg0: i32) -> (i32, i32) {
    %c0_i32 = arith.constant 0 : i32
    %c0_i32_0 = arith.constant 0 : i32
    return %arg0, %c0_i32 : i32, i32
  }
  func.func @transform_3(%arg0: i32) -> (i32, i32) {
    %c0_i32 = arith.constant 0 : i32
    %c0_i32_0 = arith.constant 0 : i32
    %c0_i32_1 = arith.constant 0 : i32
    return %c0_i32, %c0_i32_0 : i32, i32
  }
  func.func @transform_4(%arg0: i32) -> (i32, i32) {
    %c0_i32 = arith.constant 0 : i32
    %c0_i32_0 = arith.constant 0 : i32
    return %arg0, %c0_i32 : i32, i32
  }
}

</mosaic_0001>

<sc_bundles>
// kernel: kernel.16.cloned.1.call-start
scs
__scs_entry_jumppad:
0x0: {  	(pc) =	sbr.rel $0x88, $3  }
0x1: {  	(tag) =	ssettag $0x0;
	lr =	simm.s32 $0x1  }
0x2: {  	[smem:$0x3F95] =	sst lr;
	_ =	strace $0xD0000000  }
0x3: {  	_ = 	snop  }
0x4: {  	_ = 	snop  }
0x5: {  	_ = 	snop  }
0x6: {  	_ = 	snop  }
0x7: {  	_ = 	snop  }
__scs_overlays_trampoline_lowered:
0x8: {  	[smem:$0x3FA4] =	sst s0  }
0x9: {  	[smem:$0x3FA5] =	sst s1  }
0xa: {  	[smem:$0x3FA6] =	sst s2  }
0xb: {  	[smem:$0x3FA7] =	sst s3  }
0xc: {  	[smem:$0x3FA8] =	sst s4  }
0xd: {  	[smem:$0x3FA9] =	sst s5  }
0xe: {  	[smem:$0x3FAA] =	sst s6  }
0xf: {  	[smem:$0x3FAB] =	sst s7  }
0x10: {  	[smem:$0x3FAC] =	sst s8  }
0x11: {  	[smem:$0x3FAD] =	sst s9;
	s0 =	simm.s32 @!p0 $0x0  }
0x12: {  	s1 =	sld [smem:$0x3F93];
	s0 =	simm.s32 @p0 $0x1  }
0x13: {  	[smem:$0x3FAE] =	sst s0;
	s0 =	simm.s32 @!p1 $0x0  }
0x14: {  	s2 =	sld [smem:$0x3F92];
	s0 =	simm.s32 @p1 $0x1  }
0x15: {  	[smem:$0x3FAF] =	sst s0;
	s0 =	simm.s32 @!p2 $0x0  }
0x16: {  	s3 =	sld [smem:$0x3FDB];
	s0 =	simm.s32 @p2 $0x1  }
0x17: {  	s4 =	simm.s32 $0x1BF5;
	[smem:$0x3FB1] =	sst s0  }
0x18: {  	s0 =	sld [smem:$0x3F94];
	_ =	swait.ge [sflag:s4], $0x0  }
0x19: {  	s7 =	sld [smem:$0x3F95]  }
0x1a: {  	s8 =	sadd.s32 $0xFFFFE003, lr  }
0x1b: {  	s9 =	sadd.s32 $0xFFFFFEF7, lr;
	s5 =	simm.s32 $0xFFFFFFFF;
	p2 =	slt.u32 s8, $0xFFFFF086  }
0x1c: {  	p1 =	slt.u32 s9, $0xF7A;
	s5 =	simm.s32 @!p2 $0x0  }
0x1d: {  	s5 =	simm.s32 @p1 $0x1;
	p0 =	seq.s32 s7, s2  }
0x1e: {  	s7 =	smul.u32 @!p0 $0xF7A, s2;
	p2 =	seq.s32 @!p0 s5, $0x0  }
0x1f: {  	s9 =	smul.u32 $0xF7A, s1;
	s8 =	simm.s32 @!p0 $0x1BF5;
	p2 =	por !p2, p0  }
0x20: {  	[sflag:s8] =	ssyncset.s32 @!p0 $0xFFFFF086;
	s6 =	sadd.s32 @!p0 s3, s7;
	s7 =	simm.s32 @!p0 $0x108  }
0x21: {  	s3 =	sadd.s32 s3, s9;
	s6 =	sadd.s32 @!p0 $0x88, s6;
	s7 =	simm.s32 @p2 $0x1082  }
0x22: {  	[simem:s7], [sflag:s8] =	dma.local @!p0 [hbm:s6], $0xF7A  }
0x23: {  	s9 =	sor.u32 $0xD0000000, s2;
	s6 =	simm.s32 $0x108;
	_ =	swait.ge @!p0 [sflag:s8], $0x0  }
0x24: {  	s3 =	sadd.s32 $0x88, s3;
	s6 =	simm.s32 @!p1 $0x1082;
	[sflag:s4] =	ssyncset.s32 $0xFFFFF086  }
0x25: {  	[simem:s6], [sflag:s4] =	dma.local [hbm:s3], $0xF7A  }
0x26: {  	[smem:$0x3F95] =	sst s1;
	(tag) =	ssettag s2;
	_ =	strace s9  }
0x27: {  	s1 =	sld [smem:$0x3FA5]  }
0x28: {  	s2 =	sld [smem:$0x3FA6]  }
0x29: {  	s4 =	sld [smem:$0x3FA8]  }
0x2a: {  	p0 =	seq.s32 s5, $0x0;
	s5 =	sld [smem:$0x3FA9]  }
0x2b: {  	s6 =	sld [smem:$0x3FAA]  }
0x2c: {  	s7 =	sld [smem:$0x3FAB]  }
0x2d: {  	s3 =	simm.s32 $0x108;
	s8 =	sld [smem:$0x3FAC]  }
0x2e: {  	s3 =	simm.s32 @!p0 $0x1082;
	s9 =	sld [smem:$0x3FAD]  }
0x2f: {  	lr =	sadd.s32 s0, s3;
	s0 =	sld [smem:$0x3FA4]  }
0x30: {  	s3 =	sld [smem:$0x3FA7]  }
0x31: {  	[smem:$0x3FB0] =	sst s10  }
0x32: {  	s10 =	sld [smem:$0x3FAE];
	_ =	sdelay $0x3  }
0x33: {  	p0 =	seq.s32 s10, $0x1;
	s10 =	sld [smem:$0x3FB0];
	_ =	sdelay $0x3  }
0x34: {  	[smem:$0x3FB0] =	sst s10  }
0x35: {  	s10 =	sld [smem:$0x3FAF];
	_ =	sdelay $0x3  }
0x36: {  	p1 =	seq.s32 s10, $0x1;
	s10 =	sld [smem:$0x3FB0];
	_ =	sdelay $0x3  }
0x37: {  	[smem:$0x3FB0] =	sst s10  }
0x38: {  	s10 =	sld [smem:$0x3FB1]  }
0x39: {  	_ = 	snop;
	(pc) =	sbr.ind lr, $3  }
0x3a: {  	_ = 	snop  }
0x3b: {  	_ = 	snop  }
0x3c: {  	p2 =	seq.s32 s10, $0x1;
	s10 =	sld [smem:$0x3FB0]  }
0x3d: {  	_ =	shalt  }
0x3e: {  	_ =	shalt  }
0x3f: {  	_ =	shalt  }
0x40: {  	_ =	shalt  }
0x41: {  	_ =	shalt  }
0x42: {  	_ =	shalt  }
0x43: {  	_ =	shalt  }
0x44: {  	_ =	shalt  }
0x45: {  	_ =	shalt  }
0x46: {  	_ =	shalt  }
0x47: {  	_ =	shalt  }
0x48: {  	_ =	shalt  }
0x49: {  	_ =	shalt  }
0x4a: {  	_ =	shalt  }
0x4b: {  	_ =	shalt  }
0x4c: {  	_ =	shalt  }
0x4d: {  	_ =	shalt  }
0x4e: {  	_ =	shalt  }
0x4f: {  	_ =	shalt  }
0x50: {  	_ =	shalt  }
0x51: {  	_ =	shalt  }
0x52: {  	_ =	shalt  }
0x53: {  	_ =	shalt  }
0x54: {  	_ =	shalt  }
0x55: {  	_ =	shalt  }
0x56: {  	_ =	shalt  }
0x57: {  	_ =	shalt  }
0x58: {  	_ =	shalt  }
0x59: {  	_ =	shalt  }
0x5a: {  	_ =	shalt  }
0x5b: {  	_ =	shalt  }
0x5c: {  	_ =	shalt  }
0x5d: {  	_ =	shalt  }
0x5e: {  	_ =	shalt  }
0x5f: {  	_ =	shalt  }
0x60: {  	_ =	shalt  }
0x61: {  	_ =	shalt  }
0x62: {  	_ =	shalt  }
0x63: {  	_ =	shalt  }
0x64: {  	_ =	shalt  }
0x65: {  	_ =	shalt  }
0x66: {  	_ =	shalt  }
0x67: {  	_ =	shalt  }
0x68: {  	_ =	shalt  }
0x69: {  	_ =	shalt  }
0x6a: {  	_ =	shalt  }
0x6b: {  	_ =	shalt  }
0x6c: {  	_ =	shalt  }
0x6d: {  	_ =	shalt  }
0x6e: {  	_ =	shalt  }
0x6f: {  	_ =	shalt  }
0x70: {  	_ =	shalt  }
0x71: {  	_ =	shalt  }
0x72: {  	_ =	shalt  }
0x73: {  	_ =	shalt  }
0x74: {  	_ =	shalt  }
0x75: {  	_ =	shalt  }
0x76: {  	_ =	shalt  }
0x77: {  	_ =	shalt  }
0x78: {  	_ =	shalt  }
0x79: {  	_ =	shalt  }
0x7a: {  	_ =	shalt  }
0x7b: {  	_ =	shalt  }
0x7c: {  	_ =	shalt  }
0x7d: {  	_ =	shalt  }
0x7e: {  	_ =	shalt  }
0x7f: {  	_ =	shalt  }
0x80: {  	_ =	shalt  }
0x81: {  	_ =	shalt  }
0x82: {  	_ =	shalt  }
0x83: {  	_ =	shalt  }
0x84: {  	_ =	shalt  }
0x85: {  	_ =	shalt  }
0x86: {  	_ =	shalt  }
0x87: {  	_ =	shalt  }
.Lfunc_end0:
.L_simem_size_0:
called_computation_lowered:
.L_overlay_start_0:
0x88: {  	s2 =	sld [smem:$0x3FD9]  }
0x89: {  	s3 =	sld [smem:$0x3FFE];
	_ =	sdelay $0x1  }
0x8a: {  	s1 =	srdreg.scid  }
0x8b: {  	s0 =	sand.u32 $0x1, s1  }
0x8c: {  	s14 =	sshll.u32 s0, $0xA;
	s2 =	sadd.s32 s3, s2  }
0x8d: {  	s2 =	sadd.s32 s2, s14  }
0x8e: {  	[smem:$0x3FBC] =	sst s2  }
0x8f: {  	_ = 	snop  }
0x90: {  	s2 =	sld [smem:$0x3FD0];
	_ =	sdelay $0x2  }
0x91: {  	s15 =	simm.s32 $0xB;
	s4 =	simm.s32 $0x10  }
0x92: {  	[smem:s4], [sflag:s15] =	dma.local [hbm:s2], $0x1  }
0x93: {  	_ =	swait.eq [sflag:s15], $0x1  }
0x94: {  	[sflag:s15] =	ssyncset.done $0x0  }
0x95: {  	[sflag:s15] =	ssyncadd.s32 $0xFFFFFFFF  }
0x96: {  	s16 =	sld [smem:$0x10];
	(tm) =	ssettm $0x1  }
0x97: {  	s17 =	sld [smem:$0x3FFB];
	_ =	sdelay $0x3  }
0x98: {  	_ =	strace s17  }
0x99: {  	s3 =	sld [smem:$0x3FFC];
	_ =	sdelay $0x3  }
0x9a: {  	_ =	strace s3  }
0x9b: {  	s3 =	sld [smem:$0x3FFD];
	_ =	sdelay $0x3  }
0x9c: {  	_ =	strace s3  }
0x9d: {  	_ =	strace $0x8FFFFFFF  }
0x9e: {  	s18 =	sld [smem:$0x3FDB];
	_ =	sdelay $0x1  }
0x9f: {  	s19 =	simm.s32 $_scs_section_size  }
0xa0: {  	s5 =	simm.s32 $_size__tile_overlayer_lowered;
	s6 =	simm.s32 $_tile_overlayer_lowered  }
0xa1: {  	s22 =	simm.s32 $0x1BFF;
	s21 =	sshll.u32 s6, $0x1;
	s3 =	sadd.s32 s19, s18  }
0xa2: {  	s7 =	simm.s32 $0x0;
	s20 =	sshll.u32 s5, $0x1;
	s5 =	sadd.s32 s21, s3  }
0xa3: {  	[timem:s7], [sflag:s22] =	dma.local [hbm:s5], s20  }
0xa4: {  	_ =	swait.ge [sflag:s22], s20  }
0xa5: {  	s4 =	ssub.s32 $0x0, s20;
	[sflag:s22] =	ssyncset.done $0x0  }
0xa6: {  	[sflag:s22] =	ssyncadd.s32 s4;
	_ =	sdelay $0x1  }
0xa7: {  	s23 =	simm.s32 $0x1B8B  }
0xa8: {  	_ =	swait.ge [sflag:s23], $0x1  }
0xa9: {  	[sflag:s23] =	ssyncset.done $0x0  }
0xaa: {  	s25 =	simm.s32 $0x1B8E;
	s24 =	sld [smem:$0x3FFE];
	[sflag:s23] =	ssyncadd.s32 $0xFFFFFFFF  }
0xab: {  	s26 =	simm.s32 $execute0_lowered;
	[smem:$0x3FD2] =	sst s25  }
0xac: {  	s5 =	sshll.u32 s26, $0x1;
	_ =	strace $0x80000046;
	[dreg:$0x1] =	wrdreg $0xFFFFFFFF  }
0xad: {  	s28 =	simm.s32 $_size_execute0_lowered;
	s3 =	sadd.s32 s3, s5;
	[dreg:$0x0] =	wrdreg $0x0  }
0xae: {  	s5 =	sshll.u32 s28, $0x1;
	[dreg:$0x2] =	wrdreg s3  }
0xaf: {  	[dreg:$0x3] =	wrdreg s5  }
0xb0: {  	[dreg:$0x4] =	wrdreg $0xC0  }
0xb1: {  	_ =	task [dreg:s7], $0x5FFFF  }
0xb2: {  	[dreg:$0x1] =	wrdreg $0xFFFFFFFF  }
0xb3: {  	[dreg:$0x0] =	wrdreg $0x60  }
0xb4: {  	[dreg:$0x2] =	wrdreg s24  }
0xb5: {  	[dreg:$0x3] =	wrdreg s16  }
0xb6: {  	[dreg:$0x4] =	wrdreg $0x57800  }
0xb7: {  	[dreg:$0x5] =	wrdreg $0x9  }
0xb8: {  	_ =	task.clear_ibuf [dreg:s7], $0x6FFFF;
	_ =	strace $0x90000046  }
0xb9: {  	s29 =	simm.s32 $0x9;
	_ =	strace $0x80000048  }
0xba: {  	_ =	swait.ge [sflag:s29], $0x1  }
0xbb: {  	[sflag:s29] =	ssyncadd.s32 $0xFFFFFFFF  }
0xbc: {  	_ =	strace $0x90000048  }
0xbd: {  	_ =	sfence  }
0xbe: {  	s30 =	sld [smem:$0x0];
	_ =	sdelay $0x2  }
0xbf: {  	s31 =	sshll.u32 s1, $0xD;
	s1 =	sshrl.u32 s1, $0x2  }
0xc0: {  	s3 =	sand.u32 $0x4000, s31;
	s1 =	sadd.s32 s1, s30  }
0xc1: {  	s0 =	sor.u32 s3, s0;
	s1 =	sshll.u32 s1, $0x11  }
0xc2: {  	s0 =	sor.u32 s1, s0  }
0xc3: {  	s0 =	sadd.s32 $0x8F2B, s0  }
0xc4: {  	[sflag:s0] =	ssyncadd.remote.s32 $0x1  }
0xc5: {  	_ =	sfence.sel $0xFFFF  }
0xc6: {  	[dreg:$0x0] =	wrdreg $0xFFFFFFFF;
	(pc) =	sbr.abs _section_cstart, $3  }
0xc7: {  	[dreg:$0x1] =	wrdreg $0xFFFFFFFF  }
0xc8: {  	_ =	task.clear_ibuf [dreg:s7], $0x2FFFF;
	_ =	strace $0x9FFFFFFF  }
0xc9: {  	(tm) =	ssettm $0x7FFFFFFF  }
tec
execute0_lowered:
.L_overlay_start_1:
0x0: {  	(tag) =	ssettag $0x1  }
0x1: {  	s5 =	rddreg [dreg:$0x0]  }
0x2: {  	s1 =	srdreg.scid;
	s8 =	rddreg [dreg:$0x1]  }
0x3: {  	s0 =	stileid.u32;
	s2 =	rddreg [dreg:$0x2];
	s3 =	simm.s32 $0x0  }
0x4: {  	s13 =	simm.s32 $0x80;
	s14 =	simm.s32 $0x10;
	s15 =	simm.s32 $0x20  }
0x5: {  	s16 =	simm.s32 $0x0;
	s6 =	sand.u32 $0x1, s1;
	s1 =	rddreg [dreg:$0x3]  }
0x6: {  	s30 =	sshll.u32 s0, $0x1;
	[smem:$0x7FF] =	sst s3;
	s9 =	smul.u32 $0xA000, s0  }
0x7: {  	s11 =	smul.u32 $0x5000, s0;
	s4 =	sor.u32 s6, s30;
	_ =	strace $0x80000047  }
0x8: {  	s10 =	ssub.s32 $0x2, s6;
	s6 =	sshll.u32 s6, $0x4;
	s4 =	smul.u32 $0x4F0, s4  }
0x9: {  	s12 =	sshrl.u32 s10, $0x1;
	s9 =	sshrl.u32 s9, $0x2;
	s11 =	sor.u32 s6, s11  }
0xa: {  	s10 =	ssub.s32 s10, s12;
	s31 =	sshrl.u32 s11, $0x3;
	s11 =	simm.s32 $0x2780  }
0xb: {  	s12 =	simm.s32 $0x2F80;
	s7 =	sadd.s32 s4, s5;
	s4 =	sadd.s32 $0xFE00, s5  }
0xc: {  	s5 =	sadd.s32 $0x10000, s5;
	s8 =	sadd.s32 s8, s31;
	s6 =	sadd.s32 $0x6000, s7  }
0xd: {  	s7 =	sadd.s32 s9, s2;
	s9 =	smax.u32 s10, $0x1;
	s10 =	simm.s32 $0x1  }
.LBB2_1:
0xe: {  	[tilespmem:s3], [sflag:$0x1] =	stream.linear.gather [hbm4b:s6+s3], $0x2780, $0x38;
	[tilespmem:$0x7F80] =	vst v63  }
0xf: {  	_ =	swait.ge [sflag:s10], $0x2780  }
0x10: {  	[sflag:s10] =	ssyncset.done $0x0  }
0x11: {  	[sflag:s10] =	ssyncadd.s32 $0xFFFFD880  }
0x12: {  	[tilespmem:s11], [sflag:$0x1] =	stream.linear.gather [hbm4b:s4+s3], $0x800, $0x38;
	[tilespmem:$0x7F80] =	vst v63  }
0x13: {  	_ =	swait.ge [sflag:s10], $0x800  }
0x14: {  	[sflag:s10] =	ssyncset.done $0x0  }
0x15: {  	[sflag:s10] =	ssyncadd.s32 $0xFFFFF800  }
0x16: {  	[tilespmem:s12], [sflag:$0x1] =	stream.linear.gather [hbm4b:s5+s3], $0x2800, $0x38;
	[tilespmem:$0x7F80] =	vst v63  }
0x17: {  	_ =	swait.ge [sflag:s10], $0x2800  }
0x18: {  	[sflag:s10] =	ssyncset.done $0x0  }
0x19: {  	[sflag:s10] =	ssyncadd.s32 $0xFFFFD800  }
0x1a: {  	[spmem:s7] =	stream.linear.scatter [tilespmem:s12], [sflag:$0x1], $0x2800, $0x38;
	[tilespmem:$0x7F80] =	vst v63  }
0x1b: {  	_ =	swait.ge [sflag:s10], $0x2800  }
0x1c: {  	[sflag:s10] =	ssyncset.done $0x0  }
0x1d: {  	[sflag:s10] =	ssyncadd.s32 $0xFFFFD800  }
0x1e: {  	s17 =	simm.s32 $0x0;
	[bflag:$0x0] =	sbarrier.arrive $0xFFFF  }
0x1f: {  	[spmem:s2] =	stream.indirect.scatter.add.f32 [tilespmem:s11], [sflag:$0x1], $0x10, s17, s13, $0xb8;
	[tilespmem:$0x7F80] =	vst v63  }
0x20: {  	_ =	swait.ge [sflag:s10], $0x800  }
0x21: {  	s17 =	simm.s32 $0x200;
	[sflag:s10] =	ssyncset.done $0x0  }
.LBB2_2:
0x22: {  	s18 =	sshra.s32 s17, $0x2;
	[sflag:s10] =	ssyncadd.s32 $0xFFFFF800;
	p0 =	sne.s32 s17, $0x9C00  }
0x23: {  	[spmem:s2] =	stream.indirect.scatter.add.f32 [tilespmem:s11], [sflag:$0x1], $0x10, s18, s13, $0xb8;
	[tilespmem:$0x7F80] =	vst v63  }
.Ltmp0:
0x24: {  	_ = 	snop;
	(pc) =	sbr.rel @p0 .LBB2_2-.Ltmp0, $4  }
0x25: {  	_ = 	snop  }
0x26: {  	s17 =	sadd.s32 $0x200, s17  }
0x27: {  	_ =	swait.ge [sflag:s10], $0x800  }
0x28: {  	[sflag:s10] =	ssyncset.done $0x0  }
0x29: {  	[sflag:s10] =	ssyncadd.s32 $0xFFFFF800  }
0x2a: {  	[bflag:$0x0] =	sbarrier.arrive $0xFFFF  }
0x2b: {  	[tilespmem:s12], [sflag:$0x1] =	stream.linear.gather [spmem:s7], $0x2800, $0x38;
	[tilespmem:$0x7F80] =	vst v63  }
0x2c: {  	s16 =	sadd.s32 $0x1, s16;
	_ =	swait.ge [sflag:s10], $0x2800  }
0x2d: {  	p0 =	sne.s32 s16, s9;
	[sflag:s10] =	ssyncset.done $0x0  }
.Ltmp1:
0x2e: {  	[sflag:s10] =	ssyncadd.s32 $0xFFFFD800;
	(pc) =	sbr.rel @p0 .LBB2_1-.Ltmp1, $4  }
0x2f: {  	[hbm4b:s8+s14] =	stream.strided.scatter [tilespmem:s12], [sflag:$0x1], $0x2800, s15, s14, $0x38;
	[tilespmem:$0x7F80] =	vst v63  }
0x30: {  	_ =	swait.ge [sflag:s10], $0x2800  }
0x31: {  	[sflag:s10] =	ssyncset.done $0x0  }
0x32: {  	[sflag:s10] =	ssyncadd.s32 $0xFFFFD800  }
0x33: {  	_ =	sfence.sel $0x180000  }
0x34: {  	[bflag:$0x0] =	sbarrier.arrive $0xFFFF  }
0x35: {  	p0 =	sne.s32 s0, $0x0;
	_ =	strace $0x90000047  }
0x36: {  	s0 =	sadd.s32 @!p0 $0x100000, s1;
	[bflag:$0x2] =	sbarrier.arrive $0xFFFF  }
0x37: {  	[sflag:s0] =	ssyncadd.tile.s32 @!p0 $0x1;
	_ =	shalt  }
.Lfunc_end2:
_tile_overlayer_lowered:
.L_overlay_start_2:
0x38: {  	(tag) =	ssettag $0x2  }
0x39: {  	s0 =	rddreg [dreg:$0x0];
	s2 =	stileid.u32  }
0x3a: {  	s1 =	rddreg [dreg:$0x1];
	p0 =	sne.s32 s2, $0x0  }
0x3b: {  	s3 =	rddreg [dreg:$0x2];
	[bflag:$0x3] =	sbarrier.arrive $0xFFFF;
	s2 =	simm.s32 @!p0 $0x1C01  }
0x3c: {  	[timem:s3], [sflag:s2] =	dma.local @!p0 [hbm:s0], s1  }
0x3d: {  	s0 =	simm.s32 @!p0 $0x1  }
0x3e: {  	_ =	swait.ge @!p0 [sflag:s0], s1  }
0x3f: {  	s1 =	ssub.s32 @!p0 $0x0, s1;
	[sflag:s0] =	ssyncset.done @!p0 $0x0  }
0x40: {  	[sflag:s0] =	ssyncadd.s32 @!p0 s1  }
0x41: {  	[bflag:$0x3] =	sbarrier.arrive $0xFFFF  }
0x42: {  	_ =	shalt  }

// kernel: kernel.19.cloned.1.call-start
scs
__scs_entry_jumppad:
0x0: {  	(pc) =	sbr.rel $0x88, $3  }
0x1: {  	(tag) =	ssettag $0x0;
	lr =	simm.s32 $0x1  }
0x2: {  	[smem:$0x3F95] =	sst lr;
	_ =	strace $0xD0000000  }
0x3: {  	_ = 	snop  }
0x4: {  	_ = 	snop  }
0x5: {  	_ = 	snop  }
0x6: {  	_ = 	snop  }
0x7: {  	_ = 	snop  }
__scs_overlays_trampoline_lowered:
0x8: {  	[smem:$0x3FA4] =	sst s0  }
0x9: {  	[smem:$0x3FA5] =	sst s1  }
0xa: {  	[smem:$0x3FA6] =	sst s2  }
0xb: {  	[smem:$0x3FA7] =	sst s3  }
0xc: {  	[smem:$0x3FA8] =	sst s4  }
0xd: {  	[smem:$0x3FA9] =	sst s5  }
0xe: {  	[smem:$0x3FAA] =	sst s6  }
0xf: {  	[smem:$0x3FAB] =	sst s7  }
0x10: {  	[smem:$0x3FAC] =	sst s8  }
0x11: {  	[smem:$0x3FAD] =	sst s9;
	s0 =	simm.s32 @!p0 $0x0  }
0x12: {  	s1 =	sld [smem:$0x3F93];
	s0 =	simm.s32 @p0 $0x1  }
0x13: {  	[smem:$0x3FAE] =	sst s0;
	s0 =	simm.s32 @!p1 $0x0  }
0x14: {  	s2 =	sld [smem:$0x3F92];
	s0 =	simm.s32 @p1 $0x1  }
0x15: {  	[smem:$0x3FAF] =	sst s0;
	s0 =	simm.s32 @!p2 $0x0  }
0x16: {  	s3 =	sld [smem:$0x3FDB];
	s0 =	simm.s32 @p2 $0x1  }
0x17: {  	s4 =	simm.s32 $0x1BF5;
	[smem:$0x3FB1] =	sst s0  }
0x18: {  	s0 =	sld [smem:$0x3F94];
	_ =	swait.ge [sflag:s4], $0x0  }
0x19: {  	s7 =	sld [smem:$0x3F95]  }
0x1a: {  	s8 =	sadd.s32 $0xFFFFE003, lr  }
0x1b: {  	s9 =	sadd.s32 $0xFFFFFEF7, lr;
	s5 =	simm.s32 $0xFFFFFFFF;
	p2 =	slt.u32 s8, $0xFFFFF086  }
0x1c: {  	p1 =	slt.u32 s9, $0xF7A;
	s5 =	simm.s32 @!p2 $0x0  }
0x1d: {  	s5 =	simm.s32 @p1 $0x1;
	p0 =	seq.s32 s7, s2  }
0x1e: {  	s7 =	smul.u32 @!p0 $0xF7A, s2;
	p2 =	seq.s32 @!p0 s5, $0x0  }
0x1f: {  	s9 =	smul.u32 $0xF7A, s1;
	s8 =	simm.s32 @!p0 $0x1BF5;
	p2 =	por !p2, p0  }
0x20: {  	[sflag:s8] =	ssyncset.s32 @!p0 $0xFFFFF086;
	s6 =	sadd.s32 @!p0 s3, s7;
	s7 =	simm.s32 @!p0 $0x108  }
0x21: {  	s3 =	sadd.s32 s3, s9;
	s6 =	sadd.s32 @!p0 $0x88, s6;
	s7 =	simm.s32 @p2 $0x1082  }
0x22: {  	[simem:s7], [sflag:s8] =	dma.local @!p0 [hbm:s6], $0xF7A  }
0x23: {  	s9 =	sor.u32 $0xD0000000, s2;
	s6 =	simm.s32 $0x108;
	_ =	swait.ge @!p0 [sflag:s8], $0x0  }
0x24: {  	s3 =	sadd.s32 $0x88, s3;
	s6 =	simm.s32 @!p1 $0x1082;
	[sflag:s4] =	ssyncset.s32 $0xFFFFF086  }
0x25: {  	[simem:s6], [sflag:s4] =	dma.local [hbm:s3], $0xF7A  }
0x26: {  	[smem:$0x3F95] =	sst s1;
	(tag) =	ssettag s2;
	_ =	strace s9  }
0x27: {  	s1 =	sld [smem:$0x3FA5]  }
0x28: {  	s2 =	sld [smem:$0x3FA6]  }
0x29: {  	s4 =	sld [smem:$0x3FA8]  }
0x2a: {  	p0 =	seq.s32 s5, $0x0;
	s5 =	sld [smem:$0x3FA9]  }
0x2b: {  	s6 =	sld [smem:$0x3FAA]  }
0x2c: {  	s7 =	sld [smem:$0x3FAB]  }
0x2d: {  	s3 =	simm.s32 $0x108;
	s8 =	sld [smem:$0x3FAC]  }
0x2e: {  	s3 =	simm.s32 @!p0 $0x1082;
	s9 =	sld [smem:$0x3FAD]  }
0x2f: {  	lr =	sadd.s32 s0, s3;
	s0 =	sld [smem:$0x3FA4]  }
0x30: {  	s3 =	sld [smem:$0x3FA7]  }
0x31: {  	[smem:$0x3FB0] =	sst s10  }
0x32: {  	s10 =	sld [smem:$0x3FAE];
	_ =	sdelay $0x3  }
0x33: {  	p0 =	seq.s32 s10, $0x1;
	s10 =	sld [smem:$0x3FB0];
	_ =	sdelay $0x3  }
0x34: {  	[smem:$0x3FB0] =	sst s10  }
0x35: {  	s10 =	sld [smem:$0x3FAF];
	_ =	sdelay $0x3  }
0x36: {  	p1 =	seq.s32 s10, $0x1;
	s10 =	sld [smem:$0x3FB0];
	_ =	sdelay $0x3  }
0x37: {  	[smem:$0x3FB0] =	sst s10  }
0x38: {  	s10 =	sld [smem:$0x3FB1]  }
0x39: {  	_ = 	snop;
	(pc) =	sbr.ind lr, $3  }
0x3a: {  	_ = 	snop  }
0x3b: {  	_ = 	snop  }
0x3c: {  	p2 =	seq.s32 s10, $0x1;
	s10 =	sld [smem:$0x3FB0]  }
0x3d: {  	_ =	shalt  }
0x3e: {  	_ =	shalt  }
0x3f: {  	_ =	shalt  }
0x40: {  	_ =	shalt  }
0x41: {  	_ =	shalt  }
0x42: {  	_ =	shalt  }
0x43: {  	_ =	shalt  }
0x44: {  	_ =	shalt  }
0x45: {  	_ =	shalt  }
0x46: {  	_ =	shalt  }
0x47: {  	_ =	shalt  }
0x48: {  	_ =	shalt  }
0x49: {  	_ =	shalt  }
0x4a: {  	_ =	shalt  }
0x4b: {  	_ =	shalt  }
0x4c: {  	_ =	shalt  }
0x4d: {  	_ =	shalt  }
0x4e: {  	_ =	shalt  }
0x4f: {  	_ =	shalt  }
0x50: {  	_ =	shalt  }
0x51: {  	_ =	shalt  }
0x52: {  	_ =	shalt  }
0x53: {  	_ =	shalt  }
0x54: {  	_ =	shalt  }
0x55: {  	_ =	shalt  }
0x56: {  	_ =	shalt  }
0x57: {  	_ =	shalt  }
0x58: {  	_ =	shalt  }
0x59: {  	_ =	shalt  }
0x5a: {  	_ =	shalt  }
0x5b: {  	_ =	shalt  }
0x5c: {  	_ =	shalt  }
0x5d: {  	_ =	shalt  }
0x5e: {  	_ =	shalt  }
0x5f: {  	_ =	shalt  }
0x60: {  	_ =	shalt  }
0x61: {  	_ =	shalt  }
0x62: {  	_ =	shalt  }
0x63: {  	_ =	shalt  }
0x64: {  	_ =	shalt  }
0x65: {  	_ =	shalt  }
0x66: {  	_ =	shalt  }
0x67: {  	_ =	shalt  }
0x68: {  	_ =	shalt  }
0x69: {  	_ =	shalt  }
0x6a: {  	_ =	shalt  }
0x6b: {  	_ =	shalt  }
0x6c: {  	_ =	shalt  }
0x6d: {  	_ =	shalt  }
0x6e: {  	_ =	shalt  }
0x6f: {  	_ =	shalt  }
0x70: {  	_ =	shalt  }
0x71: {  	_ =	shalt  }
0x72: {  	_ =	shalt  }
0x73: {  	_ =	shalt  }
0x74: {  	_ =	shalt  }
0x75: {  	_ =	shalt  }
0x76: {  	_ =	shalt  }
0x77: {  	_ =	shalt  }
0x78: {  	_ =	shalt  }
0x79: {  	_ =	shalt  }
0x7a: {  	_ =	shalt  }
0x7b: {  	_ =	shalt  }
0x7c: {  	_ =	shalt  }
0x7d: {  	_ =	shalt  }
0x7e: {  	_ =	shalt  }
0x7f: {  	_ =	shalt  }
0x80: {  	_ =	shalt  }
0x81: {  	_ =	shalt  }
0x82: {  	_ =	shalt  }
0x83: {  	_ =	shalt  }
0x84: {  	_ =	shalt  }
0x85: {  	_ =	shalt  }
0x86: {  	_ =	shalt  }
0x87: {  	_ =	shalt  }
.Lfunc_end0:
.L_simem_size_0:
called_computation.1_lowered:
.L_overlay_start_0:
0x88: {  	s2 =	sld [smem:$0x3FD9]  }
0x89: {  	s3 =	sld [smem:$0x3FFE];
	_ =	sdelay $0x1  }
0x8a: {  	s1 =	srdreg.scid  }
0x8b: {  	s0 =	sand.u32 $0x1, s1  }
0x8c: {  	s14 =	sshll.u32 s0, $0xA;
	s2 =	sadd.s32 s3, s2  }
0x8d: {  	s2 =	sadd.s32 s2, s14  }
0x8e: {  	[smem:$0x3FBC] =	sst s2  }
0x8f: {  	_ = 	snop  }
0x90: {  	s2 =	sld [smem:$0x3FD0];
	_ =	sdelay $0x2  }
0x91: {  	s15 =	simm.s32 $0xB;
	s4 =	simm.s32 $0x10  }
0x92: {  	[smem:s4], [sflag:s15] =	dma.local [hbm:s2], $0x1  }
0x93: {  	_ =	swait.eq [sflag:s15], $0x1  }
0x94: {  	[sflag:s15] =	ssyncset.done $0x0  }
0x95: {  	s16 =	sld [smem:$0x10];
	[sflag:s15] =	ssyncadd.s32 $0xFFFFFFFF  }
0x96: {  	s17 =	sld [smem:$0x11];
	(tm) =	ssettm $0x1  }
0x97: {  	s18 =	sld [smem:$0x3FFB];
	_ =	sdelay $0x3  }
0x98: {  	_ =	strace s18  }
0x99: {  	s4 =	sld [smem:$0x3FFC];
	_ =	sdelay $0x3  }
0x9a: {  	_ =	strace s4  }
0x9b: {  	s4 =	sld [smem:$0x3FFD];
	_ =	sdelay $0x3  }
0x9c: {  	_ =	strace s4  }
0x9d: {  	_ =	strace $0x8FFFFFFF  }
0x9e: {  	s19 =	sld [smem:$0x3FDB];
	_ =	sdelay $0x1  }
0x9f: {  	s5 =	simm.s32 $_scs_section_size  }
0xa0: {  	s6 =	simm.s32 $_size__tile_overlayer_lowered;
	s7 =	simm.s32 $_tile_overlayer_lowered  }
0xa1: {  	s22 =	simm.s32 $0x1BFF;
	s21 =	sshll.u32 s7, $0x1;
	s4 =	sadd.s32 s5, s19  }
0xa2: {  	s8 =	simm.s32 $0x0;
	s20 =	sshll.u32 s6, $0x1;
	s6 =	sadd.s32 s21, s4  }
0xa3: {  	[timem:s8], [sflag:s22] =	dma.local [hbm:s6], s20  }
0xa4: {  	_ =	swait.ge [sflag:s22], s20  }
0xa5: {  	s5 =	ssub.s32 $0x0, s20;
	[sflag:s22] =	ssyncset.done $0x0  }
0xa6: {  	[sflag:s22] =	ssyncadd.s32 s5;
	_ =	sdelay $0x1  }
0xa7: {  	s23 =	simm.s32 $0x1B8B  }
0xa8: {  	_ =	swait.ge [sflag:s23], $0x1  }
0xa9: {  	[sflag:s23] =	ssyncset.done $0x0  }
0xaa: {  	s25 =	simm.s32 $0x1B8E;
	s24 =	sld [smem:$0x3FFE];
	[sflag:s23] =	ssyncadd.s32 $0xFFFFFFFF  }
0xab: {  	s26 =	simm.s32 $execute0_lowered;
	[smem:$0x3FD2] =	sst s25  }
0xac: {  	s6 =	sshll.u32 s26, $0x1;
	_ =	strace $0x80000049;
	[dreg:$0x1] =	wrdreg $0xFFFFFFFF  }
0xad: {  	s28 =	simm.s32 $_size_execute0_lowered;
	s4 =	sadd.s32 s4, s6;
	[dreg:$0x0] =	wrdreg $0x0  }
0xae: {  	s6 =	sshll.u32 s28, $0x1;
	[dreg:$0x2] =	wrdreg s4  }
0xaf: {  	[dreg:$0x3] =	wrdreg s6  }
0xb0: {  	[dreg:$0x4] =	wrdreg $0xC0  }
0xb1: {  	_ =	task [dreg:s8], $0x5FFFF  }
0xb2: {  	[dreg:$0x1] =	wrdreg $0xFFFFFFFF  }
0xb3: {  	[dreg:$0x0] =	wrdreg $0x60  }
0xb4: {  	[dreg:$0x2] =	wrdreg s17  }
0xb5: {  	[dreg:$0x3] =	wrdreg s24  }
0xb6: {  	[dreg:$0x4] =	wrdreg s16  }
0xb7: {  	[dreg:$0x5] =	wrdreg $0x14E000  }
0xb8: {  	[dreg:$0x6] =	wrdreg $0x9  }
0xb9: {  	_ =	task.clear_ibuf [dreg:s8], $0x7FFFF;
	_ =	strace $0x90000049  }
0xba: {  	s29 =	simm.s32 $0x9;
	_ =	strace $0x8000004B  }
0xbb: {  	_ =	swait.ge [sflag:s29], $0x1  }
0xbc: {  	[sflag:s29] =	ssyncadd.s32 $0xFFFFFFFF  }
0xbd: {  	_ =	strace $0x9000004B  }
0xbe: {  	_ =	sfence  }
0xbf: {  	s30 =	sld [smem:$0x0];
	_ =	sdelay $0x2  }
0xc0: {  	s31 =	sshll.u32 s1, $0xD;
	s1 =	sshrl.u32 s1, $0x2  }
0xc1: {  	s3 =	sand.u32 $0x4000, s31;
	s1 =	sadd.s32 s1, s30  }
0xc2: {  	s0 =	sor.u32 s3, s0;
	s1 =	sshll.u32 s1, $0x11  }
0xc3: {  	s0 =	sor.u32 s1, s0  }
0xc4: {  	s0 =	sadd.s32 $0x8F2B, s0  }
0xc5: {  	[sflag:s0] =	ssyncadd.remote.s32 $0x1  }
0xc6: {  	_ =	sfence.sel $0xFFFF  }
0xc7: {  	[dreg:$0x0] =	wrdreg $0xFFFFFFFF;
	(pc) =	sbr.abs _section_cstart, $3  }
0xc8: {  	[dreg:$0x1] =	wrdreg $0xFFFFFFFF  }
0xc9: {  	_ =	task.clear_ibuf [dreg:s8], $0x2FFFF;
	_ =	strace $0x9FFFFFFF  }
0xca: {  	(tm) =	ssettm $0x7FFFFFFF  }
0xcb: {  	_ =	shalt  }
tec
execute0_lowered:
.L_overlay_start_1:
0x0: {  	(tag) =	ssettag $0x1  }
0x1: {  	s0 =	rddreg [dreg:$0x0]  }
0x2: {  	s1 =	rddreg [dreg:$0x1]  }
0x3: {  	s2 =	rddreg [dreg:$0x2]  }
0x4: {  	s3 =	rddreg [dreg:$0x3]  }
0x5: {  	s13 =	stileid.u32;
	s5 =	srdreg.scid  }
0x6: {  	s4 =	simm.s32 $0x0;
	s15 =	simm.s32 $0xFE00;
	s16 =	simm.s32 $0x80  }
0x7: {  	s17 =	simm.s32 $0x9E00;
	s28 =	simm.s32 $0x4E00;
	s6 =	smul.u32 $0x4F00, s13  }
0x8: {  	s29 =	simm.s32 $0x9D00;
	s30 =	simm.s32 $0x4E80;
	s11 =	smul.u32 $0x280, s13  }
0x9: {  	s31 =	simm.s32 $0x9D80;
	s8 =	sand.u32 $0x1, s5;
	s20 =	smul.u32 $0x28000, s13  }
0xa: {  	[smem:$0x7FF] =	sst s4;
	s5 =	sadd.s32 $0xFE00, s1;
	s22 =	smul.u32 $0x14000, s13  }
0xb: {  	s13 =	simm.s32 $0x4;
	s7 =	smul.u32 $0x4F000, s8;
	_ =	strace $0x8000004A  }
0xc: {  	s10 =	ssub.s32 $0x2, s8;
	s23 =	sshll.u32 s8, $0x6;
	s18 =	sshrl.u32 s6, $0x3  }
0xd: {  	s19 =	sshrl.u32 s10, $0x1;
	s21 =	sadd.s32 $0x140, s11;
	s25 =	sor.u32 s23, s22  }
0xe: {  	s22 =	simm.s32 $0x2;
	s9 =	sadd.s32 s18, s1;
	s1 =	sadd.s32 $0x10800, s1  }
0xf: {  	s6 =	sadd.s32 s6, s7;
	s12 =	ssub.s32 s10, s19;
	s24 =	sshll.u32 s21, $0x7  }
0x10: {  	s18 =	simm.s32 $0xBE00;
	s6 =	sshrl.u32 s6, $0x3;
	s7 =	sadd.s32 $0x6000, s9  }
0x11: {  	s26 =	sor.u32 s23, s24;
	s9 =	sshll.u32 s21, $0x6;
	s12 =	smax.u32 s12, $0x1  }
0x12: {  	s21 =	simm.s32 $0x1;
	s23 =	simm.s32 $0x3;
	s6 =	sadd.s32 s0, s6  }
0x13: {  	s0 =	sshrl.u32 s20, $0x2;
	s11 =	sshrl.u32 s26, $0x3;
	s9 =	sadd.s32 s9, s3  }
0x14: {  	s20 =	simm.s32 $0xDE00;
	s26 =	simm.s32 $0x9C80;
	s8 =	sadd.s32 s0, s3  }
0x15: {  	s0 =	sshrl.u32 s25, $0x3;
	s11 =	sadd.s32 s1, s11;
	s25 =	simm.s32 $0x9C00  }
0x16: {  	s10 =	sadd.s32 s1, s0;
	s1 =	simm.s32 $0x40;
	s0 =	simm.s32 $0x0  }
.LBB2_1:
0x17: {  	[tilespmem:s4], [sflag:$0x4] =	stream.linear.gather [hbm4b:s6+s4], $0x4F00, $0x38;
	[tilespmem:$0x1EE00] =	vst v63  }
0x18: {  	_ =	swait.ge [sflag:s13], $0x4F00  }
0x19: {  	[sflag:s13] =	ssyncset.done $0x0  }
0x1a: {  	s14 =	simm.s32 $0x4F00;
	[sflag:s13] =	ssyncadd.s32 $0xFFFFB100  }
0x1b: {  	[tilespmem:s14], [sflag:$0x4] =	stream.linear.gather [hbm4b:s7+s4], $0x4F00, $0x38;
	[tilespmem:$0x1EE00] =	vst v63  }
0x1c: {  	_ =	swait.ge [sflag:s13], $0x4F00  }
0x1d: {  	[sflag:s13] =	ssyncset.done $0x0  }
0x1e: {  	[sflag:s13] =	ssyncadd.s32 $0xFFFFB100  }
0x1f: {  	[tilespmem:s15], [sflag:$0x4] =	stream.linear.gather [hbm4b:s5+s4], $0x5000, $0x38;
	[tilespmem:$0x1EE00] =	vst v63  }
0x20: {  	_ =	swait.ge [sflag:s13], $0x5000  }
0x21: {  	[sflag:s13] =	ssyncset.done $0x0  }
0x22: {  	[sflag:s13] =	ssyncadd.s32 $0xFFFFB000  }
0x23: {  	[spmem:s8] =	stream.linear.scatter [tilespmem:s15], [sflag:$0x4], $0x5000, $0x38;
	[tilespmem:$0x1EE00] =	vst v63  }
0x24: {  	_ =	swait.ge [sflag:s13], $0x5000  }
0x25: {  	[sflag:s13] =	ssyncset.done $0x0  }
0x26: {  	[sflag:s13] =	ssyncadd.s32 $0xFFFFB000  }
0x27: {  	[spmem:s9] =	stream.linear.scatter [tilespmem:s15], [sflag:$0x4], $0x5000, $0x38;
	[tilespmem:$0x1EE00] =	vst v63  }
0x28: {  	_ =	swait.ge [sflag:s13], $0x5000  }
0x29: {  	[sflag:s13] =	ssyncset.done $0x0  }
0x2a: {  	[sflag:s13] =	ssyncadd.s32 $0xFFFFB000  }
0x2b: {  	[bflag:$0x0] =	sbarrier.arrive $0xFFFF  }
0x2c: {  	[tilespmem:s17], [sflag:$0x1] =	stream.indirect.gather [hbm4b:s2+s16], $0x40, s4, s16, $0xb8;
	[tilespmem:$0x1EE00] =	vst v63  }
0x2d: {  	_ = 	snop  }
0x2e: {  	[tilespmem:s18], [sflag:$0x2] =	stream.indirect.gather [hbm4b:s2+s16], $0x40, s16, s16, $0xb8;
	[tilespmem:$0x1EE00] =	vst v63  }
0x2f: {  	s19 =	simm.s32 $0x100  }
0x30: {  	[tilespmem:s20], [sflag:$0x3] =	stream.indirect.gather [hbm4b:s2+s16], $0x40, s19, s16, $0xb8;
	[tilespmem:$0x1EE00] =	vst v63  }
0x31: {  	_ =	swait.ge [sflag:s21], $0x2000  }
0x32: {  	[sflag:s21] =	ssyncset.done $0x0  }
0x33: {  	s24 =	simm.s32 $0x4F00;
	[sflag:s21] =	ssyncadd.s32 $0xFFFFE000  }
0x34: {  	[spmem:s3] =	stream.indirect.scatter.add.f32 [tilespmem:s17], [sflag:$0x4], $0x40, s24, s16, $0xb8;
	[tilespmem:$0x1EE00] =	vst v63  }
0x35: {  	_ =	swait.ge [sflag:s13], $0x2000  }
0x36: {  	[sflag:s13] =	ssyncset.done $0x0  }
0x37: {  	s19 =	simm.s32 $0x180;
	[sflag:s13] =	ssyncadd.s32 $0xFFFFE000  }
0x38: {  	[tilespmem:s17], [sflag:$0x1] =	stream.indirect.gather [hbm4b:s2+s16], $0x40, s19, s16, $0xb8;
	[tilespmem:$0x1EE00] =	vst v63  }
0x39: {  	_ =	swait.ge [sflag:s22], $0x2000  }
0x3a: {  	[sflag:s22] =	ssyncset.done $0x0  }
0x3b: {  	s24 =	simm.s32 $0x4F80;
	[sflag:s22] =	ssyncadd.s32 $0xFFFFE000  }
0x3c: {  	[spmem:s3] =	stream.indirect.scatter.add.f32 [tilespmem:s18], [sflag:$0x4], $0x40, s24, s16, $0xb8;
	[tilespmem:$0x1EE00] =	vst v63  }
0x3d: {  	_ =	swait.ge [sflag:s13], $0x2000  }
0x3e: {  	[sflag:s13] =	ssyncset.done $0x0  }
0x3f: {  	s19 =	simm.s32 $0x200;
	[sflag:s13] =	ssyncadd.s32 $0xFFFFE000  }
0x40: {  	[tilespmem:s18], [sflag:$0x2] =	stream.indirect.gather [hbm4b:s2+s16], $0x40, s19, s16, $0xb8;
	[tilespmem:$0x1EE00] =	vst v63  }
0x41: {  	_ =	swait.ge [sflag:s23], $0x2000  }
0x42: {  	[sflag:s23] =	ssyncset.done $0x0  }
0x43: {  	s24 =	simm.s32 $0x5000;
	[sflag:s23] =	ssyncadd.s32 $0xFFFFE000  }
0x44: {  	[spmem:s3] =	stream.indirect.scatter.add.f32 [tilespmem:s20], [sflag:$0x4], $0x40, s24, s16, $0xb8;
	[tilespmem:$0x1EE00] =	vst v63  }
0x45: {  	_ =	swait.ge [sflag:s13], $0x2000  }
0x46: {  	[sflag:s13] =	ssyncset.done $0x0  }
0x47: {  	s14 =	simm.s32 $0x600;
	s19 =	simm.s32 $0x280;
	[sflag:s13] =	ssyncadd.s32 $0xFFFFE000  }
.LBB2_2:
0x48: {  	[tilespmem:s20], [sflag:$0x3] =	stream.indirect.gather [hbm4b:s2+s16], $0x40, s19, s16, $0xb8;
	[tilespmem:$0x1EE00] =	vst v63  }
0x49: {  	s19 =	smov.u32 s14  }
0x4a: {  	p0 =	sne.s32 s14, $0x12C00;
	s14 =	sadd.s32 $0x600, s14;
	_ =	swait.ge [sflag:s21], $0x2000  }
0x4b: {  	s19 =	sshra.s32 s19, $0x2;
	[sflag:s21] =	ssyncset.done $0x0  }
0x4c: {  	s24 =	sadd.s32 $0x4F00, s19;
	[sflag:s21] =	ssyncadd.s32 $0xFFFFE000  }
0x4d: {  	[spmem:s3] =	stream.indirect.scatter.add.f32 [tilespmem:s17], [sflag:$0x4], $0x40, s24, s16, $0xb8;
	[tilespmem:$0x1EE00] =	vst v63  }
0x4e: {  	_ =	swait.ge [sflag:s13], $0x2000  }
0x4f: {  	[sflag:s13] =	ssyncset.done $0x0  }
0x50: {  	s24 =	sadd.s32 $0x180, s19;
	[sflag:s13] =	ssyncadd.s32 $0xFFFFE000  }
0x51: {  	[tilespmem:s17], [sflag:$0x1] =	stream.indirect.gather [hbm4b:s2+s16], $0x40, s24, s16, $0xb8;
	[tilespmem:$0x1EE00] =	vst v63  }
0x52: {  	_ =	swait.ge [sflag:s22], $0x2000  }
0x53: {  	[sflag:s22] =	ssyncset.done $0x0  }
0x54: {  	s24 =	sadd.s32 $0x4F80, s19;
	[sflag:s22] =	ssyncadd.s32 $0xFFFFE000  }
0x55: {  	[spmem:s3] =	stream.indirect.scatter.add.f32 [tilespmem:s18], [sflag:$0x4], $0x40, s24, s16, $0xb8;
	[tilespmem:$0x1EE00] =	vst v63  }
0x56: {  	_ =	swait.ge [sflag:s13], $0x2000  }
0x57: {  	[sflag:s13] =	ssyncset.done $0x0  }
0x58: {  	s24 =	sadd.s32 $0x200, s19;
	[sflag:s13] =	ssyncadd.s32 $0xFFFFE000  }
0x59: {  	[tilespmem:s18], [sflag:$0x2] =	stream.indirect.gather [hbm4b:s2+s16], $0x40, s24, s16, $0xb8;
	[tilespmem:$0x1EE00] =	vst v63  }
0x5a: {  	_ =	swait.ge [sflag:s23], $0x2000  }
0x5b: {  	[sflag:s23] =	ssyncset.done $0x0  }
.Ltmp0:
0x5c: {  	s24 =	sadd.s32 $0x5000, s19;
	[sflag:s23] =	ssyncadd.s32 $0xFFFFE000;
	(pc) =	sbr.rel @p0 .LBB2_2-.Ltmp0, $4  }
0x5d: {  	[spmem:s3] =	stream.indirect.scatter.add.f32 [tilespmem:s20], [sflag:$0x4], $0x40, s24, s16, $0xb8;
	[tilespmem:$0x1EE00] =	vst v63  }
0x5e: {  	_ =	swait.ge [sflag:s13], $0x2000  }
0x5f: {  	[sflag:s13] =	ssyncset.done $0x0  }
0x60: {  	s19 =	sadd.s32 $0x280, s19;
	[sflag:s13] =	ssyncadd.s32 $0xFFFFE000  }
0x61: {  	[tilespmem:s20], [sflag:$0x3] =	stream.indirect.gather [hbm4b:s2+s16], $0x40, s19, s16, $0xb8;
	[tilespmem:$0x1EE00] =	vst v63  }
0x62: {  	_ =	swait.ge [sflag:s21], $0x2000  }
0x63: {  	[sflag:s21] =	ssyncset.done $0x0  }
0x64: {  	s14 =	simm.s32 $0x9B80;
	[sflag:s21] =	ssyncadd.s32 $0xFFFFE000  }
0x65: {  	[spmem:s3] =	stream.indirect.scatter.add.f32 [tilespmem:s17], [sflag:$0x4], $0x40, s14, s16, $0xb8;
	[tilespmem:$0x1EE00] =	vst v63  }
0x66: {  	_ =	swait.ge [sflag:s13], $0x2000  }
0x67: {  	[sflag:s13] =	ssyncset.done $0x0  }
0x68: {  	[sflag:s13] =	ssyncadd.s32 $0xFFFFE000  }
0x69: {  	_ =	swait.ge [sflag:s22], $0x2000  }
0x6a: {  	[sflag:s22] =	ssyncset.done $0x0  }
0x6b: {  	[sflag:s22] =	ssyncadd.s32 $0xFFFFE000  }
0x6c: {  	[spmem:s3] =	stream.indirect.scatter.add.f32 [tilespmem:s18], [sflag:$0x4], $0x40, s25, s16, $0xb8;
	[tilespmem:$0x1EE00] =	vst v63  }
0x6d: {  	_ =	swait.ge [sflag:s13], $0x2000  }
0x6e: {  	[sflag:s13] =	ssyncset.done $0x0  }
0x6f: {  	[sflag:s13] =	ssyncadd.s32 $0xFFFFE000  }
0x70: {  	_ =	swait.ge [sflag:s23], $0x2000  }
0x71: {  	[sflag:s23] =	ssyncset.done $0x0  }
0x72: {  	[sflag:s23] =	ssyncadd.s32 $0xFFFFE000  }
0x73: {  	[spmem:s3] =	stream.indirect.scatter.add.f32 [tilespmem:s20], [sflag:$0x4], $0x40, s26, s16, $0xb8;
	[tilespmem:$0x1EE00] =	vst v63  }
0x74: {  	_ =	swait.ge [sflag:s13], $0x2000  }
0x75: {  	[sflag:s13] =	ssyncset.done $0x0  }
0x76: {  	[sflag:s13] =	ssyncadd.s32 $0xFFFFE000  }
0x77: {  	[tilespmem:s17], [sflag:$0x4] =	stream.indirect.gather [hbm4b:s2+s16], $0x40, s28, s16, $0xb8;
	[tilespmem:$0x1EE00] =	vst v63  }
0x78: {  	_ =	swait.ge [sflag:s13], $0x2000  }
0x79: {  	[sflag:s13] =	ssyncset.done $0x0  }
0x7a: {  	[sflag:s13] =	ssyncadd.s32 $0xFFFFE000  }
0x7b: {  	[spmem:s3] =	stream.indirect.scatter.add.f32 [tilespmem:s17], [sflag:$0x4], $0x40, s29, s16, $0xb8;
	[tilespmem:$0x1EE00] =	vst v63  }
0x7c: {  	_ =	swait.ge [sflag:s13], $0x2000  }
0x7d: {  	[sflag:s13] =	ssyncset.done $0x0  }
0x7e: {  	[sflag:s13] =	ssyncadd.s32 $0xFFFFE000  }
0x7f: {  	[tilespmem:s17], [sflag:$0x4] =	stream.indirect.gather [hbm4b:s2+s16], $0x40, s30, s16, $0xb8;
	[tilespmem:$0x1EE00] =	vst v63  }
0x80: {  	_ =	swait.ge [sflag:s13], $0x2000  }
0x81: {  	[sflag:s13] =	ssyncset.done $0x0  }
0x82: {  	[sflag:s13] =	ssyncadd.s32 $0xFFFFE000  }
0x83: {  	[spmem:s3] =	stream.indirect.scatter.add.f32 [tilespmem:s17], [sflag:$0x4], $0x40, s31, s16, $0xb8;
	[tilespmem:$0x1EE00] =	vst v63  }
0x84: {  	_ =	swait.ge [sflag:s13], $0x2000  }
0x85: {  	[sflag:s13] =	ssyncset.done $0x0  }
0x86: {  	[sflag:s13] =	ssyncadd.s32 $0xFFFFE000  }
0x87: {  	[bflag:$0x0] =	sbarrier.arrive $0xFFFF  }
0x88: {  	[tilespmem:s15], [sflag:$0x4] =	stream.linear.gather [spmem:s8], $0x5000, $0x38;
	[tilespmem:$0x1EE00] =	vst v63  }
0x89: {  	_ =	swait.ge [sflag:s13], $0x5000  }
0x8a: {  	[sflag:s13] =	ssyncset.done $0x0  }
0x8b: {  	[sflag:s13] =	ssyncadd.s32 $0xFFFFB000  }
0x8c: {  	[hbm4b:s10+s1] =	stream.strided.scatter [tilespmem:s15], [sflag:$0x4], $0x5000, s16, s1, $0x38;
	[tilespmem:$0x1EE00] =	vst v63  }
0x8d: {  	_ =	swait.ge [sflag:s13], $0x5000  }
0x8e: {  	[sflag:s13] =	ssyncset.done $0x0  }
0x8f: {  	[sflag:s13] =	ssyncadd.s32 $0xFFFFB000  }
0x90: {  	[tilespmem:s15], [sflag:$0x4] =	stream.linear.gather [spmem:s9], $0x5000, $0x38;
	[tilespmem:$0x1EE00] =	vst v63  }
0x91: {  	s0 =	sadd.s32 $0x1, s0;
	_ =	swait.ge [sflag:s13], $0x5000  }
0x92: {  	p0 =	sne.s32 s0, s12;
	[sflag:s13] =	ssyncset.done $0x0  }
.Ltmp1:
0x93: {  	[sflag:s13] =	ssyncadd.s32 $0xFFFFB000;
	(pc) =	sbr.rel @p0 .LBB2_1-.Ltmp1, $4  }
0x94: {  	[hbm4b:s11+s1] =	stream.strided.scatter [tilespmem:s15], [sflag:$0x4], $0x5000, s16, s1, $0x38;
	[tilespmem:$0x1EE00] =	vst v63  }
0x95: {  	_ =	swait.ge [sflag:s13], $0x5000  }
0x96: {  	[sflag:s13] =	ssyncset.done $0x0  }
0x97: {  	[sflag:s13] =	ssyncadd.s32 $0xFFFFB000  }
0x98: {  	_ =	sfence.sel $0x180000  }
0x99: {  	[bflag:$0x0] =	sbarrier.arrive $0xFFFF  }
0x9a: {  	_ =	strace $0x9000004A  }
0x9b: {  	s0 =	stileid.u32;
	[bflag:$0x2] =	sbarrier.arrive $0xFFFF  }
0x9c: {  	p0 =	sne.s32 s0, $0x0;
	s0 =	rddreg [dreg:$0x4]  }
0x9d: {  	s0 =	sadd.s32 @!p0 $0x100000, s0  }
0x9e: {  	[sflag:s0] =	ssyncadd.tile.s32 @!p0 $0x1;
	_ =	shalt  }
.Lfunc_end2:
_tile_overlayer_lowered:
.L_overlay_start_2:
0x9f: {  	(tag) =	ssettag $0x2  }
0xa0: {  	s0 =	rddreg [dreg:$0x0];
	s2 =	stileid.u32  }
0xa1: {  	s1 =	rddreg [dreg:$0x1];
	p0 =	sne.s32 s2, $0x0  }
0xa2: {  	s3 =	rddreg [dreg:$0x2];
	[bflag:$0x3] =	sbarrier.arrive $0xFFFF;
	s2 =	simm.s32 @!p0 $0x1C04  }
0xa3: {  	[timem:s3], [sflag:s2] =	dma.local @!p0 [hbm:s0], s1  }
0xa4: {  	s0 =	simm.s32 @!p0 $0x4  }
0xa5: {  	_ =	swait.ge @!p0 [sflag:s0], s1  }
0xa6: {  	s1 =	ssub.s32 @!p0 $0x0, s1;
	[sflag:s0] =	ssyncset.done @!p0 $0x0  }
0xa7: {  	[sflag:s0] =	ssyncadd.s32 @!p0 s1  }
0xa8: {  	[bflag:$0x3] =	sbarrier.arrive $0xFFFF  }
0xa9: {  	_ =	shalt  }

// kernel: kernel.22.cloned.1.call-start
scs
__scs_entry_jumppad:
0x0: {  	(pc) =	sbr.rel $0x88, $3  }
0x1: {  	(tag) =	ssettag $0x0;
	lr =	simm.s32 $0x1  }
0x2: {  	[smem:$0x3F95] =	sst lr;
	_ =	strace $0xD0000000  }
0x3: {  	_ = 	snop  }
0x4: {  	_ = 	snop  }
0x5: {  	_ = 	snop  }
0x6: {  	_ = 	snop  }
0x7: {  	_ = 	snop  }
__scs_overlays_trampoline_lowered:
0x8: {  	[smem:$0x3FA4] =	sst s0  }
0x9: {  	[smem:$0x3FA5] =	sst s1  }
0xa: {  	[smem:$0x3FA6] =	sst s2  }
0xb: {  	[smem:$0x3FA7] =	sst s3  }
0xc: {  	[smem:$0x3FA8] =	sst s4  }
0xd: {  	[smem:$0x3FA9] =	sst s5  }
0xe: {  	[smem:$0x3FAA] =	sst s6  }
0xf: {  	[smem:$0x3FAB] =	sst s7  }
0x10: {  	[smem:$0x3FAC] =	sst s8  }
0x11: {  	[smem:$0x3FAD] =	sst s9;
	s0 =	simm.s32 @!p0 $0x0  }
0x12: {  	s1 =	sld [smem:$0x3F93];
	s0 =	simm.s32 @p0 $0x1  }
0x13: {  	[smem:$0x3FAE] =	sst s0;
	s0 =	simm.s32 @!p1 $0x0  }
0x14: {  	s2 =	sld [smem:$0x3F92];
	s0 =	simm.s32 @p1 $0x1  }
0x15: {  	[smem:$0x3FAF] =	sst s0;
	s0 =	simm.s32 @!p2 $0x0  }
0x16: {  	s3 =	sld [smem:$0x3FDB];
	s0 =	simm.s32 @p2 $0x1  }
0x17: {  	s4 =	simm.s32 $0x1BF5;
	[smem:$0x3FB1] =	sst s0  }
0x18: {  	s0 =	sld [smem:$0x3F94];
	_ =	swait.ge [sflag:s4], $0x0  }
0x19: {  	s7 =	sld [smem:$0x3F95]  }
0x1a: {  	s8 =	sadd.s32 $0xFFFFE003, lr  }
0x1b: {  	s9 =	sadd.s32 $0xFFFFFEF7, lr;
	s5 =	simm.s32 $0xFFFFFFFF;
	p2 =	slt.u32 s8, $0xFFFFF086  }
0x1c: {  	p1 =	slt.u32 s9, $0xF7A;
	s5 =	simm.s32 @!p2 $0x0  }
0x1d: {  	s5 =	simm.s32 @p1 $0x1;
	p0 =	seq.s32 s7, s2  }
0x1e: {  	s7 =	smul.u32 @!p0 $0xF7A, s2;
	p2 =	seq.s32 @!p0 s5, $0x0  }
0x1f: {  	s9 =	smul.u32 $0xF7A, s1;
	s8 =	simm.s32 @!p0 $0x1BF5;
	p2 =	por !p2, p0  }
0x20: {  	[sflag:s8] =	ssyncset.s32 @!p0 $0xFFFFF086;
	s6 =	sadd.s32 @!p0 s3, s7;
	s7 =	simm.s32 @!p0 $0x108  }
0x21: {  	s3 =	sadd.s32 s3, s9;
	s6 =	sadd.s32 @!p0 $0x88, s6;
	s7 =	simm.s32 @p2 $0x1082  }
0x22: {  	[simem:s7], [sflag:s8] =	dma.local @!p0 [hbm:s6], $0xF7A  }
0x23: {  	s9 =	sor.u32 $0xD0000000, s2;
	s6 =	simm.s32 $0x108;
	_ =	swait.ge @!p0 [sflag:s8], $0x0  }
0x24: {  	s3 =	sadd.s32 $0x88, s3;
	s6 =	simm.s32 @!p1 $0x1082;
	[sflag:s4] =	ssyncset.s32 $0xFFFFF086  }
0x25: {  	[simem:s6], [sflag:s4] =	dma.local [hbm:s3], $0xF7A  }
0x26: {  	[smem:$0x3F95] =	sst s1;
	(tag) =	ssettag s2;
	_ =	strace s9  }
0x27: {  	s1 =	sld [smem:$0x3FA5]  }
0x28: {  	s2 =	sld [smem:$0x3FA6]  }
0x29: {  	s4 =	sld [smem:$0x3FA8]  }
0x2a: {  	p0 =	seq.s32 s5, $0x0;
	s5 =	sld [smem:$0x3FA9]  }
0x2b: {  	s6 =	sld [smem:$0x3FAA]  }
0x2c: {  	s7 =	sld [smem:$0x3FAB]  }
0x2d: {  	s3 =	simm.s32 $0x108;
	s8 =	sld [smem:$0x3FAC]  }
0x2e: {  	s3 =	simm.s32 @!p0 $0x1082;
	s9 =	sld [smem:$0x3FAD]  }
0x2f: {  	lr =	sadd.s32 s0, s3;
	s0 =	sld [smem:$0x3FA4]  }
0x30: {  	s3 =	sld [smem:$0x3FA7]  }
0x31: {  	[smem:$0x3FB0] =	sst s10  }
0x32: {  	s10 =	sld [smem:$0x3FAE];
	_ =	sdelay $0x3  }
0x33: {  	p0 =	seq.s32 s10, $0x1;
	s10 =	sld [smem:$0x3FB0];
	_ =	sdelay $0x3  }
0x34: {  	[smem:$0x3FB0] =	sst s10  }
0x35: {  	s10 =	sld [smem:$0x3FAF];
	_ =	sdelay $0x3  }
0x36: {  	p1 =	seq.s32 s10, $0x1;
	s10 =	sld [smem:$0x3FB0];
	_ =	sdelay $0x3  }
0x37: {  	[smem:$0x3FB0] =	sst s10  }
0x38: {  	s10 =	sld [smem:$0x3FB1]  }
0x39: {  	_ = 	snop;
	(pc) =	sbr.ind lr, $3  }
0x3a: {  	_ = 	snop  }
0x3b: {  	_ = 	snop  }
0x3c: {  	p2 =	seq.s32 s10, $0x1;
	s10 =	sld [smem:$0x3FB0]  }
0x3d: {  	_ =	shalt  }
0x3e: {  	_ =	shalt  }
0x3f: {  	_ =	shalt  }
0x40: {  	_ =	shalt  }
0x41: {  	_ =	shalt  }
0x42: {  	_ =	shalt  }
0x43: {  	_ =	shalt  }
0x44: {  	_ =	shalt  }
0x45: {  	_ =	shalt  }
0x46: {  	_ =	shalt  }
0x47: {  	_ =	shalt  }
0x48: {  	_ =	shalt  }
0x49: {  	_ =	shalt  }
0x4a: {  	_ =	shalt  }
0x4b: {  	_ =	shalt  }
0x4c: {  	_ =	shalt  }
0x4d: {  	_ =	shalt  }
0x4e: {  	_ =	shalt  }
0x4f: {  	_ =	shalt  }
0x50: {  	_ =	shalt  }
0x51: {  	_ =	shalt  }
0x52: {  	_ =	shalt  }
0x53: {  	_ =	shalt  }
0x54: {  	_ =	shalt  }
0x55: {  	_ =	shalt  }
0x56: {  	_ =	shalt  }
0x57: {  	_ =	shalt  }
0x58: {  	_ =	shalt  }
0x59: {  	_ =	shalt  }
0x5a: {  	_ =	shalt  }
0x5b: {  	_ =	shalt  }
0x5c: {  	_ =	shalt  }
0x5d: {  	_ =	shalt  }
0x5e: {  	_ =	shalt  }
0x5f: {  	_ =	shalt  }
0x60: {  	_ =	shalt  }
0x61: {  	_ =	shalt  }
0x62: {  	_ =	shalt  }
0x63: {  	_ =	shalt  }
0x64: {  	_ =	shalt  }
0x65: {  	_ =	shalt  }
0x66: {  	_ =	shalt  }
0x67: {  	_ =	shalt  }
0x68: {  	_ =	shalt  }
0x69: {  	_ =	shalt  }
0x6a: {  	_ =	shalt  }
0x6b: {  	_ =	shalt  }
0x6c: {  	_ =	shalt  }
0x6d: {  	_ =	shalt  }
0x6e: {  	_ =	shalt  }
0x6f: {  	_ =	shalt  }
0x70: {  	_ =	shalt  }
0x71: {  	_ =	shalt  }
0x72: {  	_ =	shalt  }
0x73: {  	_ =	shalt  }
0x74: {  	_ =	shalt  }
0x75: {  	_ =	shalt  }
0x76: {  	_ =	shalt  }
0x77: {  	_ =	shalt  }
0x78: {  	_ =	shalt  }
0x79: {  	_ =	shalt  }
0x7a: {  	_ =	shalt  }
0x7b: {  	_ =	shalt  }
0x7c: {  	_ =	shalt  }
0x7d: {  	_ =	shalt  }
0x7e: {  	_ =	shalt  }
0x7f: {  	_ =	shalt  }
0x80: {  	_ =	shalt  }
0x81: {  	_ =	shalt  }
0x82: {  	_ =	shalt  }
0x83: {  	_ =	shalt  }
0x84: {  	_ =	shalt  }
0x85: {  	_ =	shalt  }
0x86: {  	_ =	shalt  }
0x87: {  	_ =	shalt  }
.Lfunc_end0:
.L_simem_size_0:
called_computation.2_lowered:
.L_overlay_start_0:
0x88: {  	s2 =	sld [smem:$0x3FD9]  }
0x89: {  	s3 =	sld [smem:$0x3FFE];
	_ =	sdelay $0x1  }
0x8a: {  	s1 =	srdreg.scid  }
0x8b: {  	s0 =	sand.u32 $0x1, s1  }
0x8c: {  	s14 =	sshll.u32 s0, $0xA;
	s2 =	sadd.s32 s3, s2  }
0x8d: {  	s2 =	sadd.s32 s2, s14  }
0x8e: {  	[smem:$0x3FBC] =	sst s2  }
0x8f: {  	_ = 	snop  }
0x90: {  	s2 =	sld [smem:$0x3FD0];
	_ =	sdelay $0x2  }
0x91: {  	s15 =	simm.s32 $0xB;
	s4 =	simm.s32 $0x10  }
0x92: {  	[smem:s4], [sflag:s15] =	dma.local [hbm:s2], $0x1  }
0x93: {  	_ =	swait.eq [sflag:s15], $0x1  }
0x94: {  	[sflag:s15] =	ssyncset.done $0x0  }
0x95: {  	s16 =	sld [smem:$0x10];
	[sflag:s15] =	ssyncadd.s32 $0xFFFFFFFF  }
0x96: {  	s17 =	sld [smem:$0x11];
	(tm) =	ssettm $0x1  }
0x97: {  	s18 =	sld [smem:$0x3FFB];
	_ =	sdelay $0x3  }
0x98: {  	_ =	strace s18  }
0x99: {  	s4 =	sld [smem:$0x3FFC];
	_ =	sdelay $0x3  }
0x9a: {  	_ =	strace s4  }
0x9b: {  	s4 =	sld [smem:$0x3FFD];
	_ =	sdelay $0x3  }
0x9c: {  	_ =	strace s4  }
0x9d: {  	_ =	strace $0x8FFFFFFF  }
0x9e: {  	s19 =	sld [smem:$0x3FDB];
	_ =	sdelay $0x1  }
0x9f: {  	s5 =	simm.s32 $_scs_section_size  }
0xa0: {  	s6 =	simm.s32 $_size__tile_overlayer_lowered;
	s7 =	simm.s32 $_tile_overlayer_lowered  }
0xa1: {  	s22 =	simm.s32 $0x1BFF;
	s21 =	sshll.u32 s7, $0x1;
	s4 =	sadd.s32 s5, s19  }
0xa2: {  	s8 =	simm.s32 $0x0;
	s20 =	sshll.u32 s6, $0x1;
	s6 =	sadd.s32 s21, s4  }
0xa3: {  	[timem:s8], [sflag:s22] =	dma.local [hbm:s6], s20  }
0xa4: {  	_ =	swait.ge [sflag:s22], s20  }
0xa5: {  	s5 =	ssub.s32 $0x0, s20;
	[sflag:s22] =	ssyncset.done $0x0  }
0xa6: {  	[sflag:s22] =	ssyncadd.s32 s5;
	_ =	sdelay $0x1  }
0xa7: {  	s23 =	simm.s32 $0x1B8B  }
0xa8: {  	_ =	swait.ge [sflag:s23], $0x1  }
0xa9: {  	[sflag:s23] =	ssyncset.done $0x0  }
0xaa: {  	s25 =	simm.s32 $0x1B8E;
	s24 =	sld [smem:$0x3FFE];
	[sflag:s23] =	ssyncadd.s32 $0xFFFFFFFF  }
0xab: {  	s26 =	simm.s32 $execute0_lowered;
	[smem:$0x3FD2] =	sst s25  }
0xac: {  	s6 =	sshll.u32 s26, $0x1;
	_ =	strace $0x8000004C;
	[dreg:$0x1] =	wrdreg $0xFFFFFFFF  }
0xad: {  	s28 =	simm.s32 $_size_execute0_lowered;
	s4 =	sadd.s32 s4, s6;
	[dreg:$0x0] =	wrdreg $0x0  }
0xae: {  	s6 =	sshll.u32 s28, $0x1;
	[dreg:$0x2] =	wrdreg s4  }
0xaf: {  	[dreg:$0x3] =	wrdreg s6  }
0xb0: {  	[dreg:$0x4] =	wrdreg $0xC0  }
0xb1: {  	_ =	task [dreg:s8], $0x5FFFF  }
0xb2: {  	[dreg:$0x1] =	wrdreg $0xFFFFFFFF  }
0xb3: {  	[dreg:$0x0] =	wrdreg $0x60  }
0xb4: {  	[dreg:$0x2] =	wrdreg s17  }
0xb5: {  	[dreg:$0x3] =	wrdreg s24  }
0xb6: {  	[dreg:$0x4] =	wrdreg s16  }
0xb7: {  	[dreg:$0x5] =	wrdreg $0x14E000  }
0xb8: {  	[dreg:$0x6] =	wrdreg $0x9  }
0xb9: {  	_ =	task.clear_ibuf [dreg:s8], $0x7FFFF;
	_ =	strace $0x9000004C  }
0xba: {  	s29 =	simm.s32 $0x9;
	_ =	strace $0x8000004E  }
0xbb: {  	_ =	swait.ge [sflag:s29], $0x1  }
0xbc: {  	[sflag:s29] =	ssyncadd.s32 $0xFFFFFFFF  }
0xbd: {  	_ =	strace $0x9000004E  }
0xbe: {  	_ =	sfence  }
0xbf: {  	s30 =	sld [smem:$0x0];
	_ =	sdelay $0x2  }
0xc0: {  	s31 =	sshll.u32 s1, $0xD;
	s1 =	sshrl.u32 s1, $0x2  }
0xc1: {  	s3 =	sand.u32 $0x4000, s31;
	s1 =	sadd.s32 s1, s30  }
0xc2: {  	s0 =	sor.u32 s3, s0;
	s1 =	sshll.u32 s1, $0x11  }
0xc3: {  	s0 =	sor.u32 s1, s0  }
0xc4: {  	s0 =	sadd.s32 $0x8F2B, s0  }
0xc5: {  	[sflag:s0] =	ssyncadd.remote.s32 $0x1  }
0xc6: {  	_ =	sfence.sel $0xFFFF  }
0xc7: {  	[dreg:$0x0] =	wrdreg $0xFFFFFFFF;
	(pc) =	sbr.abs _section_cstart, $3  }
0xc8: {  	[dreg:$0x1] =	wrdreg $0xFFFFFFFF  }
0xc9: {  	_ =	task.clear_ibuf [dreg:s8], $0x2FFFF;
	_ =	strace $0x9FFFFFFF  }
0xca: {  	(tm) =	ssettm $0x7FFFFFFF  }
0xcb: {  	_ =	shalt  }
tec
execute0_lowered:
.L_overlay_start_1:
0x0: {  	(tag) =	ssettag $0x1  }
0x1: {  	s0 =	rddreg [dreg:$0x0]  }
0x2: {  	s1 =	rddreg [dreg:$0x1]  }
0x3: {  	s2 =	rddreg [dreg:$0x2]  }
0x4: {  	s3 =	rddreg [dreg:$0x3]  }
0x5: {  	s13 =	stileid.u32;
	s5 =	srdreg.scid  }
0x6: {  	s4 =	simm.s32 $0x0;
	s15 =	simm.s32 $0xFE00;
	s16 =	simm.s32 $0x80  }
0x7: {  	s17 =	simm.s32 $0x9E00;
	s28 =	simm.s32 $0x4E00;
	s6 =	smul.u32 $0x4F00, s13  }
0x8: {  	s29 =	simm.s32 $0x9D00;
	s30 =	simm.s32 $0x4E80;
	s11 =	smul.u32 $0x280, s13  }
0x9: {  	s31 =	simm.s32 $0x9D80;
	s8 =	sand.u32 $0x1, s5;
	s20 =	smul.u32 $0x28000, s13  }
0xa: {  	[smem:$0x7FF] =	sst s4;
	s5 =	sadd.s32 $0xFE00, s1;
	s22 =	smul.u32 $0x14000, s13  }
0xb: {  	s13 =	simm.s32 $0x4;
	s7 =	smul.u32 $0x4F000, s8;
	_ =	strace $0x8000004D  }
0xc: {  	s10 =	ssub.s32 $0x2, s8;
	s23 =	sshll.u32 s8, $0x6;
	s18 =	sshrl.u32 s6, $0x3  }
0xd: {  	s19 =	sshrl.u32 s10, $0x1;
	s21 =	sadd.s32 $0x140, s11;
	s25 =	sor.u32 s23, s22  }
0xe: {  	s22 =	simm.s32 $0x2;
	s9 =	sadd.s32 s18, s1;
	s1 =	sadd.s32 $0x10800, s1  }
0xf: {  	s6 =	sadd.s32 s6, s7;
	s12 =	ssub.s32 s10, s19;
	s24 =	sshll.u32 s21, $0x7  }
0x10: {  	s18 =	simm.s32 $0xBE00;
	s6 =	sshrl.u32 s6, $0x3;
	s7 =	sadd.s32 $0x6000, s9  }
0x11: {  	s26 =	sor.u32 s23, s24;
	s9 =	sshll.u32 s21, $0x6;
	s12 =	smax.u32 s12, $0x1  }
0x12: {  	s21 =	simm.s32 $0x1;
	s23 =	simm.s32 $0x3;
	s6 =	sadd.s32 s0, s6  }
0x13: {  	s0 =	sshrl.u32 s20, $0x2;
	s11 =	sshrl.u32 s26, $0x3;
	s9 =	sadd.s32 s9, s3  }
0x14: {  	s20 =	simm.s32 $0xDE00;
	s26 =	simm.s32 $0x9C80;
	s8 =	sadd.s32 s0, s3  }
0x15: {  	s0 =	sshrl.u32 s25, $0x3;
	s11 =	sadd.s32 s1, s11;
	s25 =	simm.s32 $0x9C00  }
0x16: {  	s10 =	sadd.s32 s1, s0;
	s1 =	simm.s32 $0x40;
	s0 =	simm.s32 $0x0  }
.LBB2_1:
0x17: {  	[tilespmem:s4], [sflag:$0x4] =	stream.linear.gather [hbm4b:s6+s4], $0x4F00, $0x38;
	[tilespmem:$0x1EE00] =	vst v63  }
0x18: {  	_ =	swait.ge [sflag:s13], $0x4F00  }
0x19: {  	[sflag:s13] =	ssyncset.done $0x0  }
0x1a: {  	s14 =	simm.s32 $0x4F00;
	[sflag:s13] =	ssyncadd.s32 $0xFFFFB100  }
0x1b: {  	[tilespmem:s14], [sflag:$0x4] =	stream.linear.gather [hbm4b:s7+s4], $0x4F00, $0x38;
	[tilespmem:$0x1EE00] =	vst v63  }
0x1c: {  	_ =	swait.ge [sflag:s13], $0x4F00  }
0x1d: {  	[sflag:s13] =	ssyncset.done $0x0  }
0x1e: {  	[sflag:s13] =	ssyncadd.s32 $0xFFFFB100  }
0x1f: {  	[tilespmem:s15], [sflag:$0x4] =	stream.linear.gather [hbm4b:s5+s4], $0x5000, $0x38;
	[tilespmem:$0x1EE00] =	vst v63  }
0x20: {  	_ =	swait.ge [sflag:s13], $0x5000  }
0x21: {  	[sflag:s13] =	ssyncset.done $0x0  }
0x22: {  	[sflag:s13] =	ssyncadd.s32 $0xFFFFB000  }
0x23: {  	[spmem:s8] =	stream.linear.scatter [tilespmem:s15], [sflag:$0x4], $0x5000, $0x38;
	[tilespmem:$0x1EE00] =	vst v63  }
0x24: {  	_ =	swait.ge [sflag:s13], $0x5000  }
0x25: {  	[sflag:s13] =	ssyncset.done $0x0  }
0x26: {  	[sflag:s13] =	ssyncadd.s32 $0xFFFFB000  }
0x27: {  	[spmem:s9] =	stream.linear.scatter [tilespmem:s15], [sflag:$0x4], $0x5000, $0x38;
	[tilespmem:$0x1EE00] =	vst v63  }
0x28: {  	_ =	swait.ge [sflag:s13], $0x5000  }
0x29: {  	[sflag:s13] =	ssyncset.done $0x0  }
0x2a: {  	[sflag:s13] =	ssyncadd.s32 $0xFFFFB000  }
0x2b: {  	[bflag:$0x0] =	sbarrier.arrive $0xFFFF  }
0x2c: {  	[tilespmem:s17], [sflag:$0x1] =	stream.indirect.gather [hbm4b:s2+s16], $0x40, s4, s16, $0xb8;
	[tilespmem:$0x1EE00] =	vst v63  }
0x2d: {  	_ = 	snop  }
0x2e: {  	[tilespmem:s18], [sflag:$0x2] =	stream.indirect.gather [hbm4b:s2+s16], $0x40, s16, s16, $0xb8;
	[tilespmem:$0x1EE00] =	vst v63  }
0x2f: {  	s19 =	simm.s32 $0x100  }
0x30: {  	[tilespmem:s20], [sflag:$0x3] =	stream.indirect.gather [hbm4b:s2+s16], $0x40, s19, s16, $0xb8;
	[tilespmem:$0x1EE00] =	vst v63  }
0x31: {  	_ =	swait.ge [sflag:s21], $0x2000  }
0x32: {  	[sflag:s21] =	ssyncset.done $0x0  }
0x33: {  	s24 =	simm.s32 $0x4F00;
	[sflag:s21] =	ssyncadd.s32 $0xFFFFE000  }
0x34: {  	[spmem:s3] =	stream.indirect.scatter.add.f32 [tilespmem:s17], [sflag:$0x4], $0x40, s24, s16, $0xb8;
	[tilespmem:$0x1EE00] =	vst v63  }
0x35: {  	_ =	swait.ge [sflag:s13], $0x2000  }
0x36: {  	[sflag:s13] =	ssyncset.done $0x0  }
0x37: {  	s19 =	simm.s32 $0x180;
	[sflag:s13] =	ssyncadd.s32 $0xFFFFE000  }
0x38: {  	[tilespmem:s17], [sflag:$0x1] =	stream.indirect.gather [hbm4b:s2+s16], $0x40, s19, s16, $0xb8;
	[tilespmem:$0x1EE00] =	vst v63  }
0x39: {  	_ =	swait.ge [sflag:s22], $0x2000  }
0x3a: {  	[sflag:s22] =	ssyncset.done $0x0  }
0x3b: {  	s24 =	simm.s32 $0x4F80;
	[sflag:s22] =	ssyncadd.s32 $0xFFFFE000  }
0x3c: {  	[spmem:s3] =	stream.indirect.scatter.add.f32 [tilespmem:s18], [sflag:$0x4], $0x40, s24, s16, $0xb8;
	[tilespmem:$0x1EE00] =	vst v63  }
0x3d: {  	_ =	swait.ge [sflag:s13], $0x2000  }
0x3e: {  	[sflag:s13] =	ssyncset.done $0x0  }
0x3f: {  	s19 =	simm.s32 $0x200;
	[sflag:s13] =	ssyncadd.s32 $0xFFFFE000  }
0x40: {  	[tilespmem:s18], [sflag:$0x2] =	stream.indirect.gather [hbm4b:s2+s16], $0x40, s19, s16, $0xb8;
	[tilespmem:$0x1EE00] =	vst v63  }
0x41: {  	_ =	swait.ge [sflag:s23], $0x2000  }
0x42: {  	[sflag:s23] =	ssyncset.done $0x0  }
0x43: {  	s24 =	simm.s32 $0x5000;
	[sflag:s23] =	ssyncadd.s32 $0xFFFFE000  }
0x44: {  	[spmem:s3] =	stream.indirect.scatter.add.f32 [tilespmem:s20], [sflag:$0x4], $0x40, s24, s16, $0xb8;
	[tilespmem:$0x1EE00] =	vst v63  }
0x45: {  	_ =	swait.ge [sflag:s13], $0x2000  }
0x46: {  	[sflag:s13] =	ssyncset.done $0x0  }
0x47: {  	s14 =	simm.s32 $0x600;
	s19 =	simm.s32 $0x280;
	[sflag:s13] =	ssyncadd.s32 $0xFFFFE000  }
.LBB2_2:
0x48: {  	[tilespmem:s20], [sflag:$0x3] =	stream.indirect.gather [hbm4b:s2+s16], $0x40, s19, s16, $0xb8;
	[tilespmem:$0x1EE00] =	vst v63  }
0x49: {  	s19 =	smov.u32 s14  }
0x4a: {  	p0 =	sne.s32 s14, $0x12C00;
	s14 =	sadd.s32 $0x600, s14;
	_ =	swait.ge [sflag:s21], $0x2000  }
0x4b: {  	s19 =	sshra.s32 s19, $0x2;
	[sflag:s21] =	ssyncset.done $0x0  }
0x4c: {  	s24 =	sadd.s32 $0x4F00, s19;
	[sflag:s21] =	ssyncadd.s32 $0xFFFFE000  }
0x4d: {  	[spmem:s3] =	stream.indirect.scatter.add.f32 [tilespmem:s17], [sflag:$0x4], $0x40, s24, s16, $0xb8;
	[tilespmem:$0x1EE00] =	vst v63  }
0x4e: {  	_ =	swait.ge [sflag:s13], $0x2000  }
0x4f: {  	[sflag:s13] =	ssyncset.done $0x0  }
0x50: {  	s24 =	sadd.s32 $0x180, s19;
	[sflag:s13] =	ssyncadd.s32 $0xFFFFE000  }
0x51: {  	[tilespmem:s17], [sflag:$0x1] =	stream.indirect.gather [hbm4b:s2+s16], $0x40, s24, s16, $0xb8;
	[tilespmem:$0x1EE00] =	vst v63  }
0x52: {  	_ =	swait.ge [sflag:s22], $0x2000  }
0x53: {  	[sflag:s22] =	ssyncset.done $0x0  }
0x54: {  	s24 =	sadd.s32 $0x4F80, s19;
	[sflag:s22] =	ssyncadd.s32 $0xFFFFE000  }
0x55: {  	[spmem:s3] =	stream.indirect.scatter.add.f32 [tilespmem:s18], [sflag:$0x4], $0x40, s24, s16, $0xb8;
	[tilespmem:$0x1EE00] =	vst v63  }
0x56: {  	_ =	swait.ge [sflag:s13], $0x2000  }
0x57: {  	[sflag:s13] =	ssyncset.done $0x0  }
0x58: {  	s24 =	sadd.s32 $0x200, s19;
	[sflag:s13] =	ssyncadd.s32 $0xFFFFE000  }
0x59: {  	[tilespmem:s18], [sflag:$0x2] =	stream.indirect.gather [hbm4b:s2+s16], $0x40, s24, s16, $0xb8;
	[tilespmem:$0x1EE00] =	vst v63  }
0x5a: {  	_ =	swait.ge [sflag:s23], $0x2000  }
0x5b: {  	[sflag:s23] =	ssyncset.done $0x0  }
.Ltmp0:
0x5c: {  	s24 =	sadd.s32 $0x5000, s19;
	[sflag:s23] =	ssyncadd.s32 $0xFFFFE000;
	(pc) =	sbr.rel @p0 .LBB2_2-.Ltmp0, $4  }
0x5d: {  	[spmem:s3] =	stream.indirect.scatter.add.f32 [tilespmem:s20], [sflag:$0x4], $0x40, s24, s16, $0xb8;
	[tilespmem:$0x1EE00] =	vst v63  }
0x5e: {  	_ =	swait.ge [sflag:s13], $0x2000  }
0x5f: {  	[sflag:s13] =	ssyncset.done $0x0  }
0x60: {  	s19 =	sadd.s32 $0x280, s19;
	[sflag:s13] =	ssyncadd.s32 $0xFFFFE000  }
0x61: {  	[tilespmem:s20], [sflag:$0x3] =	stream.indirect.gather [hbm4b:s2+s16], $0x40, s19, s16, $0xb8;
	[tilespmem:$0x1EE00] =	vst v63  }
0x62: {  	_ =	swait.ge [sflag:s21], $0x2000  }
0x63: {  	[sflag:s21] =	ssyncset.done $0x0  }
0x64: {  	s14 =	simm.s32 $0x9B80;
	[sflag:s21] =	ssyncadd.s32 $0xFFFFE000  }
0x65: {  	[spmem:s3] =	stream.indirect.scatter.add.f32 [tilespmem:s17], [sflag:$0x4], $0x40, s14, s16, $0xb8;
	[tilespmem:$0x1EE00] =	vst v63  }
0x66: {  	_ =	swait.ge [sflag:s13], $0x2000  }
0x67: {  	[sflag:s13] =	ssyncset.done $0x0  }
0x68: {  	[sflag:s13] =	ssyncadd.s32 $0xFFFFE000  }
0x69: {  	_ =	swait.ge [sflag:s22], $0x2000  }
0x6a: {  	[sflag:s22] =	ssyncset.done $0x0  }
0x6b: {  	[sflag:s22] =	ssyncadd.s32 $0xFFFFE000  }
0x6c: {  	[spmem:s3] =	stream.indirect.scatter.add.f32 [tilespmem:s18], [sflag:$0x4], $0x40, s25, s16, $0xb8;
	[tilespmem:$0x1EE00] =	vst v63  }
0x6d: {  	_ =	swait.ge [sflag:s13], $0x2000  }
0x6e: {  	[sflag:s13] =	ssyncset.done $0x0  }
0x6f: {  	[sflag:s13] =	ssyncadd.s32 $0xFFFFE000  }
0x70: {  	_ =	swait.ge [sflag:s23], $0x2000  }
0x71: {  	[sflag:s23] =	ssyncset.done $0x0  }
0x72: {  	[sflag:s23] =	ssyncadd.s32 $0xFFFFE000  }
0x73: {  	[spmem:s3] =	stream.indirect.scatter.add.f32 [tilespmem:s20], [sflag:$0x4], $0x40, s26, s16, $0xb8;
	[tilespmem:$0x1EE00] =	vst v63  }
0x74: {  	_ =	swait.ge [sflag:s13], $0x2000  }
0x75: {  	[sflag:s13] =	ssyncset.done $0x0  }
0x76: {  	[sflag:s13] =	ssyncadd.s32 $0xFFFFE000  }
0x77: {  	[tilespmem:s17], [sflag:$0x4] =	stream.indirect.gather [hbm4b:s2+s16], $0x40, s28, s16, $0xb8;
	[tilespmem:$0x1EE00] =	vst v63  }
0x78: {  	_ =	swait.ge [sflag:s13], $0x2000  }
0x79: {  	[sflag:s13] =	ssyncset.done $0x0  }
0x7a: {  	[sflag:s13] =	ssyncadd.s32 $0xFFFFE000  }
0x7b: {  	[spmem:s3] =	stream.indirect.scatter.add.f32 [tilespmem:s17], [sflag:$0x4], $0x40, s29, s16, $0xb8;
	[tilespmem:$0x1EE00] =	vst v63  }
0x7c: {  	_ =	swait.ge [sflag:s13], $0x2000  }
0x7d: {  	[sflag:s13] =	ssyncset.done $0x0  }
0x7e: {  	[sflag:s13] =	ssyncadd.s32 $0xFFFFE000  }
0x7f: {  	[tilespmem:s17], [sflag:$0x4] =	stream.indirect.gather [hbm4b:s2+s16], $0x40, s30, s16, $0xb8;
	[tilespmem:$0x1EE00] =	vst v63  }
0x80: {  	_ =	swait.ge [sflag:s13], $0x2000  }
0x81: {  	[sflag:s13] =	ssyncset.done $0x0  }
0x82: {  	[sflag:s13] =	ssyncadd.s32 $0xFFFFE000  }
0x83: {  	[spmem:s3] =	stream.indirect.scatter.add.f32 [tilespmem:s17], [sflag:$0x4], $0x40, s31, s16, $0xb8;
	[tilespmem:$0x1EE00] =	vst v63  }
0x84: {  	_ =	swait.ge [sflag:s13], $0x2000  }
0x85: {  	[sflag:s13] =	ssyncset.done $0x0  }
0x86: {  	[sflag:s13] =	ssyncadd.s32 $0xFFFFE000  }
0x87: {  	[bflag:$0x0] =	sbarrier.arrive $0xFFFF  }
0x88: {  	[tilespmem:s15], [sflag:$0x4] =	stream.linear.gather [spmem:s8], $0x5000, $0x38;
	[tilespmem:$0x1EE00] =	vst v63  }
0x89: {  	_ =	swait.ge [sflag:s13], $0x5000  }
0x8a: {  	[sflag:s13] =	ssyncset.done $0x0  }
0x8b: {  	[sflag:s13] =	ssyncadd.s32 $0xFFFFB000  }
0x8c: {  	[hbm4b:s10+s1] =	stream.strided.scatter [tilespmem:s15], [sflag:$0x4], $0x5000, s16, s1, $0x38;
	[tilespmem:$0x1EE00] =	vst v63  }
0x8d: {  	_ =	swait.ge [sflag:s13], $0x5000  }
0x8e: {  	[sflag:s13] =	ssyncset.done $0x0  }
0x8f: {  	[sflag:s13] =	ssyncadd.s32 $0xFFFFB000  }
0x90: {  	[tilespmem:s15], [sflag:$0x4] =	stream.linear.gather [spmem:s9], $0x5000, $0x38;
	[tilespmem:$0x1EE00] =	vst v63  }
0x91: {  	s0 =	sadd.s32 $0x1, s0;
	_ =	swait.ge [sflag:s13], $0x5000  }
0x92: {  	p0 =	sne.s32 s0, s12;
	[sflag:s13] =	ssyncset.done $0x0  }
.Ltmp1:
0x93: {  	[sflag:s13] =	ssyncadd.s32 $0xFFFFB000;
	(pc) =	sbr.rel @p0 .LBB2_1-.Ltmp1, $4  }
0x94: {  	[hbm4b:s11+s1] =	stream.strided.scatter [tilespmem:s15], [sflag:$0x4], $0x5000, s16, s1, $0x38;
	[tilespmem:$0x1EE00] =	vst v63  }
0x95: {  	_ =	swait.ge [sflag:s13], $0x5000  }
0x96: {  	[sflag:s13] =	ssyncset.done $0x0  }
0x97: {  	[sflag:s13] =	ssyncadd.s32 $0xFFFFB000  }
0x98: {  	_ =	sfence.sel $0x180000  }
0x99: {  	[bflag:$0x0] =	sbarrier.arrive $0xFFFF  }
0x9a: {  	_ =	strace $0x9000004D  }
0x9b: {  	s0 =	stileid.u32;
	[bflag:$0x2] =	sbarrier.arrive $0xFFFF  }
0x9c: {  	p0 =	sne.s32 s0, $0x0;
	s0 =	rddreg [dreg:$0x4]  }
0x9d: {  	s0 =	sadd.s32 @!p0 $0x100000, s0  }
0x9e: {  	[sflag:s0] =	ssyncadd.tile.s32 @!p0 $0x1;
	_ =	shalt  }
.Lfunc_end2:
_tile_overlayer_lowered:
.L_overlay_start_2:
0x9f: {  	(tag) =	ssettag $0x2  }
0xa0: {  	s0 =	rddreg [dreg:$0x0];
	s2 =	stileid.u32  }
0xa1: {  	s1 =	rddreg [dreg:$0x1];
	p0 =	sne.s32 s2, $0x0  }
0xa2: {  	s3 =	rddreg [dreg:$0x2];
	[bflag:$0x3] =	sbarrier.arrive $0xFFFF;
	s2 =	simm.s32 @!p0 $0x1C04  }
0xa3: {  	[timem:s3], [sflag:s2] =	dma.local @!p0 [hbm:s0], s1  }
0xa4: {  	s0 =	simm.s32 @!p0 $0x4  }
0xa5: {  	_ =	swait.ge @!p0 [sflag:s0], s1  }
0xa6: {  	s1 =	ssub.s32 @!p0 $0x0, s1;
	[sflag:s0] =	ssyncset.done @!p0 $0x0  }
0xa7: {  	[sflag:s0] =	ssyncadd.s32 @!p0 s1  }
0xa8: {  	[bflag:$0x3] =	sbarrier.arrive $0xFFFF  }
0xa9: {  	_ =	shalt  }

// kernel: kernel.25.cloned.1.call-start
scs
__scs_entry_jumppad:
0x0: {  	(pc) =	sbr.rel $0x88, $3  }
0x1: {  	(tag) =	ssettag $0x0;
	lr =	simm.s32 $0x1  }
0x2: {  	[smem:$0x3F95] =	sst lr;
	_ =	strace $0xD0000000  }
0x3: {  	_ = 	snop  }
0x4: {  	_ = 	snop  }
0x5: {  	_ = 	snop  }
0x6: {  	_ = 	snop  }
0x7: {  	_ = 	snop  }
__scs_overlays_trampoline_lowered:
0x8: {  	[smem:$0x3FA4] =	sst s0  }
0x9: {  	[smem:$0x3FA5] =	sst s1  }
0xa: {  	[smem:$0x3FA6] =	sst s2  }
0xb: {  	[smem:$0x3FA7] =	sst s3  }
0xc: {  	[smem:$0x3FA8] =	sst s4  }
0xd: {  	[smem:$0x3FA9] =	sst s5  }
0xe: {  	[smem:$0x3FAA] =	sst s6  }
0xf: {  	[smem:$0x3FAB] =	sst s7  }
0x10: {  	[smem:$0x3FAC] =	sst s8  }
0x11: {  	[smem:$0x3FAD] =	sst s9;
	s0 =	simm.s32 @!p0 $0x0  }
0x12: {  	s1 =	sld [smem:$0x3F93];
	s0 =	simm.s32 @p0 $0x1  }
0x13: {  	[smem:$0x3FAE] =	sst s0;
	s0 =	simm.s32 @!p1 $0x0  }
0x14: {  	s2 =	sld [smem:$0x3F92];
	s0 =	simm.s32 @p1 $0x1  }
0x15: {  	[smem:$0x3FAF] =	sst s0;
	s0 =	simm.s32 @!p2 $0x0  }
0x16: {  	s3 =	sld [smem:$0x3FDB];
	s0 =	simm.s32 @p2 $0x1  }
0x17: {  	s4 =	simm.s32 $0x1BF5;
	[smem:$0x3FB1] =	sst s0  }
0x18: {  	s0 =	sld [smem:$0x3F94];
	_ =	swait.ge [sflag:s4], $0x0  }
0x19: {  	s7 =	sld [smem:$0x3F95]  }
0x1a: {  	s8 =	sadd.s32 $0xFFFFE003, lr  }
0x1b: {  	s9 =	sadd.s32 $0xFFFFFEF7, lr;
	s5 =	simm.s32 $0xFFFFFFFF;
	p2 =	slt.u32 s8, $0xFFFFF086  }
0x1c: {  	p1 =	slt.u32 s9, $0xF7A;
	s5 =	simm.s32 @!p2 $0x0  }
0x1d: {  	s5 =	simm.s32 @p1 $0x1;
	p0 =	seq.s32 s7, s2  }
0x1e: {  	s7 =	smul.u32 @!p0 $0xF7A, s2;
	p2 =	seq.s32 @!p0 s5, $0x0  }
0x1f: {  	s9 =	smul.u32 $0xF7A, s1;
	s8 =	simm.s32 @!p0 $0x1BF5;
	p2 =	por !p2, p0  }
0x20: {  	[sflag:s8] =	ssyncset.s32 @!p0 $0xFFFFF086;
	s6 =	sadd.s32 @!p0 s3, s7;
	s7 =	simm.s32 @!p0 $0x108  }
0x21: {  	s3 =	sadd.s32 s3, s9;
	s6 =	sadd.s32 @!p0 $0x88, s6;
	s7 =	simm.s32 @p2 $0x1082  }
0x22: {  	[simem:s7], [sflag:s8] =	dma.local @!p0 [hbm:s6], $0xF7A  }
0x23: {  	s9 =	sor.u32 $0xD0000000, s2;
	s6 =	simm.s32 $0x108;
	_ =	swait.ge @!p0 [sflag:s8], $0x0  }
0x24: {  	s3 =	sadd.s32 $0x88, s3;
	s6 =	simm.s32 @!p1 $0x1082;
	[sflag:s4] =	ssyncset.s32 $0xFFFFF086  }
0x25: {  	[simem:s6], [sflag:s4] =	dma.local [hbm:s3], $0xF7A  }
0x26: {  	[smem:$0x3F95] =	sst s1;
	(tag) =	ssettag s2;
	_ =	strace s9  }
0x27: {  	s1 =	sld [smem:$0x3FA5]  }
0x28: {  	s2 =	sld [smem:$0x3FA6]  }
0x29: {  	s4 =	sld [smem:$0x3FA8]  }
0x2a: {  	p0 =	seq.s32 s5, $0x0;
	s5 =	sld [smem:$0x3FA9]  }
0x2b: {  	s6 =	sld [smem:$0x3FAA]  }
0x2c: {  	s7 =	sld [smem:$0x3FAB]  }
0x2d: {  	s3 =	simm.s32 $0x108;
	s8 =	sld [smem:$0x3FAC]  }
0x2e: {  	s3 =	simm.s32 @!p0 $0x1082;
	s9 =	sld [smem:$0x3FAD]  }
0x2f: {  	lr =	sadd.s32 s0, s3;
	s0 =	sld [smem:$0x3FA4]  }
0x30: {  	s3 =	sld [smem:$0x3FA7]  }
0x31: {  	[smem:$0x3FB0] =	sst s10  }
0x32: {  	s10 =	sld [smem:$0x3FAE];
	_ =	sdelay $0x3  }
0x33: {  	p0 =	seq.s32 s10, $0x1;
	s10 =	sld [smem:$0x3FB0];
	_ =	sdelay $0x3  }
0x34: {  	[smem:$0x3FB0] =	sst s10  }
0x35: {  	s10 =	sld [smem:$0x3FAF];
	_ =	sdelay $0x3  }
0x36: {  	p1 =	seq.s32 s10, $0x1;
	s10 =	sld [smem:$0x3FB0];
	_ =	sdelay $0x3  }
0x37: {  	[smem:$0x3FB0] =	sst s10  }
0x38: {  	s10 =	sld [smem:$0x3FB1]  }
0x39: {  	_ = 	snop;
	(pc) =	sbr.ind lr, $3  }
0x3a: {  	_ = 	snop  }
0x3b: {  	_ = 	snop  }
0x3c: {  	p2 =	seq.s32 s10, $0x1;
	s10 =	sld [smem:$0x3FB0]  }
0x3d: {  	_ =	shalt  }
0x3e: {  	_ =	shalt  }
0x3f: {  	_ =	shalt  }
0x40: {  	_ =	shalt  }
0x41: {  	_ =	shalt  }
0x42: {  	_ =	shalt  }
0x43: {  	_ =	shalt  }
0x44: {  	_ =	shalt  }
0x45: {  	_ =	shalt  }
0x46: {  	_ =	shalt  }
0x47: {  	_ =	shalt  }
0x48: {  	_ =	shalt  }
0x49: {  	_ =	shalt  }
0x4a: {  	_ =	shalt  }
0x4b: {  	_ =	shalt  }
0x4c: {  	_ =	shalt  }
0x4d: {  	_ =	shalt  }
0x4e: {  	_ =	shalt  }
0x4f: {  	_ =	shalt  }
0x50: {  	_ =	shalt  }
0x51: {  	_ =	shalt  }
0x52: {  	_ =	shalt  }
0x53: {  	_ =	shalt  }
0x54: {  	_ =	shalt  }
0x55: {  	_ =	shalt  }
0x56: {  	_ =	shalt  }
0x57: {  	_ =	shalt  }
0x58: {  	_ =	shalt  }
0x59: {  	_ =	shalt  }
0x5a: {  	_ =	shalt  }
0x5b: {  	_ =	shalt  }
0x5c: {  	_ =	shalt  }
0x5d: {  	_ =	shalt  }
0x5e: {  	_ =	shalt  }
0x5f: {  	_ =	shalt  }
0x60: {  	_ =	shalt  }
0x61: {  	_ =	shalt  }
0x62: {  	_ =	shalt  }
0x63: {  	_ =	shalt  }
0x64: {  	_ =	shalt  }
0x65: {  	_ =	shalt  }
0x66: {  	_ =	shalt  }
0x67: {  	_ =	shalt  }
0x68: {  	_ =	shalt  }
0x69: {  	_ =	shalt  }
0x6a: {  	_ =	shalt  }
0x6b: {  	_ =	shalt  }
0x6c: {  	_ =	shalt  }
0x6d: {  	_ =	shalt  }
0x6e: {  	_ =	shalt  }
0x6f: {  	_ =	shalt  }
0x70: {  	_ =	shalt  }
0x71: {  	_ =	shalt  }
0x72: {  	_ =	shalt  }
0x73: {  	_ =	shalt  }
0x74: {  	_ =	shalt  }
0x75: {  	_ =	shalt  }
0x76: {  	_ =	shalt  }
0x77: {  	_ =	shalt  }
0x78: {  	_ =	shalt  }
0x79: {  	_ =	shalt  }
0x7a: {  	_ =	shalt  }
0x7b: {  	_ =	shalt  }
0x7c: {  	_ =	shalt  }
0x7d: {  	_ =	shalt  }
0x7e: {  	_ =	shalt  }
0x7f: {  	_ =	shalt  }
0x80: {  	_ =	shalt  }
0x81: {  	_ =	shalt  }
0x82: {  	_ =	shalt  }
0x83: {  	_ =	shalt  }
0x84: {  	_ =	shalt  }
0x85: {  	_ =	shalt  }
0x86: {  	_ =	shalt  }
0x87: {  	_ =	shalt  }
.Lfunc_end0:
.L_simem_size_0:
called_computation.3_lowered:
.L_overlay_start_0:
0x88: {  	s2 =	sld [smem:$0x3FD9]  }
0x89: {  	s3 =	sld [smem:$0x3FFE];
	_ =	sdelay $0x1  }
0x8a: {  	s1 =	srdreg.scid  }
0x8b: {  	s0 =	sand.u32 $0x1, s1  }
0x8c: {  	s15 =	sshll.u32 s0, $0xA;
	s2 =	sadd.s32 s3, s2  }
0x8d: {  	s2 =	sadd.s32 s2, s15  }
0x8e: {  	[smem:$0x3FBC] =	sst s2  }
0x8f: {  	_ = 	snop  }
0x90: {  	s2 =	sld [smem:$0x3FD0];
	_ =	sdelay $0x2  }
0x91: {  	s4 =	simm.s32 $0xB;
	s16 =	simm.s32 $0x10  }
0x92: {  	[smem:s16], [sflag:s4] =	dma.local [hbm:s2], $0x1  }
0x93: {  	_ =	swait.eq [sflag:s4], $0x1  }
0x94: {  	[sflag:s4] =	ssyncset.done $0x0  }
0x95: {  	s17 =	sld [smem:$0x10];
	[sflag:s4] =	ssyncadd.s32 $0xFFFFFFFF  }
0x96: {  	s18 =	sld [smem:$0x11];
	(tm) =	ssettm $0x1  }
0x97: {  	s19 =	sld [smem:$0x3FFB];
	_ =	sdelay $0x3  }
0x98: {  	_ =	strace s19  }
0x99: {  	s2 =	sld [smem:$0x3FFC];
	_ =	sdelay $0x3  }
0x9a: {  	_ =	strace s2  }
0x9b: {  	s2 =	sld [smem:$0x3FFD];
	_ =	sdelay $0x3  }
0x9c: {  	_ =	strace s2  }
0x9d: {  	_ =	strace $0x8FFFFFFF  }
0x9e: {  	s20 =	sld [smem:$0x3FDB];
	_ =	sdelay $0x1  }
0x9f: {  	s5 =	simm.s32 $_scs_section_size  }
0xa0: {  	s6 =	simm.s32 $_size__tile_overlayer_lowered;
	s7 =	simm.s32 $_tile_overlayer_lowered  }
0xa1: {  	s8 =	simm.s32 $0x1BFF;
	s21 =	sshll.u32 s7, $0x1;
	s5 =	sadd.s32 s5, s20  }
0xa2: {  	s22 =	simm.s32 $0x0;
	s6 =	sshll.u32 s6, $0x1;
	s7 =	sadd.s32 s21, s5  }
0xa3: {  	[timem:s22], [sflag:s8] =	dma.local [hbm:s7], s6  }
0xa4: {  	_ =	swait.ge [sflag:s8], s6  }
0xa5: {  	s6 =	ssub.s32 $0x0, s6;
	[sflag:s8] =	ssyncset.done $0x0  }
0xa6: {  	[sflag:s8] =	ssyncadd.s32 s6;
	_ =	sdelay $0x1  }
0xa7: {  	s23 =	simm.s32 $0x1B8B  }
0xa8: {  	_ =	swait.ge [sflag:s23], $0x1  }
0xa9: {  	[sflag:s23] =	ssyncset.done $0x0  }
0xaa: {  	[sflag:s23] =	ssyncadd.s32 $0xFFFFFFFF  }
0xab: {  	s6 =	sld [smem:$0x0]  }
0xac: {  	s7 =	sand.u32 $0xFFFFFFFE, s1  }
0xad: {  	p0 =	sne.s32 s1, s7  }
0xae: {  	s7 =	sshll.u32 @p0 s7, $0xE  }
0xaf: {  	s7 =	sadd.s32 @p0 $0x11B8D, s7;
	s8 =	sshll.u32 @p0 s6, $0x11  }
0xb0: {  	s7 =	sor.u32 @p0 s8, s7  }
0xb1: {  	[sflag:s7] =	ssyncadd.remote.s32 @p0 $0x1;
	_ =	sdelay $0x1  }
0xb2: {  	s7 =	simm.s32 @p0 $0x1B8D  }
0xb3: {  	_ =	swait.eq @p0 [sflag:s7], $0x1  }
0xb4: {  	[sflag:s7] =	ssyncadd.s32 @p0 $0xFFFFFFFF  }
0xb5: {  	s8 =	sshll.u32 @!p0 s1, $0xE  }
0xb6: {  	s8 =	sor.u32 @!p0 $0x4000, s8;
	s7 =	simm.s32 @!p0 $0x1B8D  }
0xb7: {  	s6 =	sshll.u32 @!p0 s6, $0x11;
	s8 =	sadd.s32 @!p0 $0x11B8D, s8;
	_ =	swait.eq @!p0 [sflag:s7], $0x1  }
0xb8: {  	s6 =	sor.u32 @!p0 s6, s8;
	[sflag:s7] =	ssyncadd.s32 @!p0 $0xFFFFFFFF  }
0xb9: {  	s25 =	simm.s32 $0x1B8E;
	s24 =	sld [smem:$0x3FFE];
	[sflag:s6] =	ssyncadd.remote.s32 @!p0 $0x1  }
0xba: {  	s26 =	simm.s32 $execute0_lowered;
	[smem:$0x3FD2] =	sst s25  }
0xbb: {  	s7 =	sshll.u32 s26, $0x1;
	_ =	strace $0x80000052;
	[dreg:$0x1] =	wrdreg $0xFFFFFFFF  }
0xbc: {  	s28 =	simm.s32 $_size_execute0_lowered;
	s5 =	sadd.s32 s5, s7;
	[dreg:$0x0] =	wrdreg $0x0  }
0xbd: {  	s7 =	sshll.u32 s28, $0x1;
	[dreg:$0x2] =	wrdreg s5  }
0xbe: {  	[dreg:$0x3] =	wrdreg s7  }
0xbf: {  	[dreg:$0x4] =	wrdreg $0xC0  }
0xc0: {  	_ =	task [dreg:s22], $0x5FFFF  }
0xc1: {  	[dreg:$0x1] =	wrdreg $0xFFFFFFFF  }
0xc2: {  	[dreg:$0x0] =	wrdreg $0x60  }
0xc3: {  	[dreg:$0x2] =	wrdreg s18  }
0xc4: {  	[dreg:$0x3] =	wrdreg s24  }
0xc5: {  	[dreg:$0x4] =	wrdreg s17  }
0xc6: {  	[dreg:$0x5] =	wrdreg $0x14E000  }
0xc7: {  	[dreg:$0x6] =	wrdreg $0x9  }
0xc8: {  	_ =	task.clear_ibuf [dreg:s22], $0x7FFFF;
	_ =	strace $0x90000052  }
0xc9: {  	s29 =	simm.s32 $0x9;
	_ =	strace $0x80000054  }
0xca: {  	_ =	swait.ge [sflag:s29], $0x1  }
0xcb: {  	[sflag:s29] =	ssyncadd.s32 $0xFFFFFFFF  }
0xcc: {  	_ =	strace $0x90000054  }
0xcd: {  	_ =	sfence  }
0xce: {  	s30 =	sld [smem:$0x0];
	_ =	sdelay $0x2  }
0xcf: {  	s31 =	sshll.u32 s1, $0xD;
	s1 =	sshrl.u32 s1, $0x2  }
0xd0: {  	s4 =	sand.u32 $0x4000, s31;
	s1 =	sadd.s32 s1, s30  }
0xd1: {  	s0 =	sor.u32 s4, s0;
	s1 =	sshll.u32 s1, $0x11  }
0xd2: {  	s0 =	sor.u32 s1, s0  }
0xd3: {  	s0 =	sadd.s32 $0x8F2B, s0  }
0xd4: {  	[sflag:s0] =	ssyncadd.remote.s32 $0x1  }
0xd5: {  	_ =	sfence.sel $0xFFFF  }
0xd6: {  	[dreg:$0x0] =	wrdreg $0xFFFFFFFF;
	(pc) =	sbr.abs _section_cstart, $3  }
0xd7: {  	[dreg:$0x1] =	wrdreg $0xFFFFFFFF  }
0xd8: {  	_ =	task.clear_ibuf [dreg:s22], $0x2FFFF;
	_ =	strace $0x9FFFFFFF  }
0xd9: {  	(tm) =	ssettm $0x7FFFFFFF  }
tec
execute0_lowered:
.L_overlay_start_1:
0x0: {  	(tag) =	ssettag $0x1  }
0x1: {  	s0 =	rddreg [dreg:$0x0]  }
0x2: {  	s1 =	rddreg [dreg:$0x1]  }
0x3: {  	s2 =	rddreg [dreg:$0x2]  }
0x4: {  	s3 =	rddreg [dreg:$0x3]  }
0x5: {  	s13 =	stileid.u32;
	s5 =	srdreg.scid  }
0x6: {  	s4 =	simm.s32 $0x0;
	s15 =	simm.s32 $0xFE00;
	s16 =	simm.s32 $0x80  }
0x7: {  	s17 =	simm.s32 $0x9E00;
	s28 =	simm.s32 $0x4E00;
	s6 =	smul.u32 $0x4F00, s13  }
0x8: {  	s29 =	simm.s32 $0x9D00;
	s30 =	simm.s32 $0x4E80;
	s11 =	smul.u32 $0x280, s13  }
0x9: {  	s31 =	simm.s32 $0x9D80;
	s8 =	sand.u32 $0x1, s5;
	s20 =	smul.u32 $0x28000, s13  }
0xa: {  	[smem:$0x7FF] =	sst s4;
	s5 =	sadd.s32 $0xFE00, s1;
	s22 =	smul.u32 $0x14000, s13  }
0xb: {  	s13 =	simm.s32 $0x4;
	s7 =	smul.u32 $0x4F000, s8;
	_ =	strace $0x80000053  }
0xc: {  	s10 =	ssub.s32 $0x2, s8;
	s23 =	sshll.u32 s8, $0x6;
	s18 =	sshrl.u32 s6, $0x3  }
0xd: {  	s19 =	sshrl.u32 s10, $0x1;
	s21 =	sadd.s32 $0x140, s11;
	s25 =	sor.u32 s23, s22  }
0xe: {  	s22 =	simm.s32 $0x2;
	s9 =	sadd.s32 s18, s1;
	s1 =	sadd.s32 $0x60800, s1  }
0xf: {  	s6 =	sadd.s32 s6, s7;
	s12 =	ssub.s32 s10, s19;
	s24 =	sshll.u32 s21, $0x7  }
0x10: {  	s18 =	simm.s32 $0xBE00;
	s6 =	sshrl.u32 s6, $0x3;
	s7 =	sadd.s32 $0x6000, s9  }
0x11: {  	s26 =	sor.u32 s23, s24;
	s9 =	sshll.u32 s21, $0x6;
	s12 =	smax.u32 s12, $0x1  }
0x12: {  	s21 =	simm.s32 $0x1;
	s23 =	simm.s32 $0x3;
	s6 =	sadd.s32 s0, s6  }
0x13: {  	s0 =	sshrl.u32 s20, $0x2;
	s11 =	sshrl.u32 s26, $0x3;
	s9 =	sadd.s32 s9, s3  }
0x14: {  	s20 =	simm.s32 $0xDE00;
	s26 =	simm.s32 $0x9C80;
	s8 =	sadd.s32 s0, s3  }
0x15: {  	s0 =	sshrl.u32 s25, $0x3;
	s11 =	sadd.s32 s1, s11;
	s25 =	simm.s32 $0x9C00  }
0x16: {  	s10 =	sadd.s32 s1, s0;
	s1 =	simm.s32 $0x40;
	s0 =	simm.s32 $0x0  }
.LBB2_1:
0x17: {  	[tilespmem:s4], [sflag:$0x4] =	stream.linear.gather [hbm4b:s6+s4], $0x4F00, $0x38;
	[tilespmem:$0x1EE00] =	vst v63  }
0x18: {  	_ =	swait.ge [sflag:s13], $0x4F00  }
0x19: {  	[sflag:s13] =	ssyncset.done $0x0  }
0x1a: {  	s14 =	simm.s32 $0x4F00;
	[sflag:s13] =	ssyncadd.s32 $0xFFFFB100  }
0x1b: {  	[tilespmem:s14], [sflag:$0x4] =	stream.linear.gather [hbm4b:s7+s4], $0x4F00, $0x38;
	[tilespmem:$0x1EE00] =	vst v63  }
0x1c: {  	_ =	swait.ge [sflag:s13], $0x4F00  }
0x1d: {  	[sflag:s13] =	ssyncset.done $0x0  }
0x1e: {  	[sflag:s13] =	ssyncadd.s32 $0xFFFFB100  }
0x1f: {  	[tilespmem:s15], [sflag:$0x4] =	stream.linear.gather [hbm4b:s5+s4], $0x5000, $0x38;
	[tilespmem:$0x1EE00] =	vst v63  }
0x20: {  	_ =	swait.ge [sflag:s13], $0x5000  }
0x21: {  	[sflag:s13] =	ssyncset.done $0x0  }
0x22: {  	[sflag:s13] =	ssyncadd.s32 $0xFFFFB000  }
0x23: {  	[spmem:s8] =	stream.linear.scatter [tilespmem:s15], [sflag:$0x4], $0x5000, $0x38;
	[tilespmem:$0x1EE00] =	vst v63  }
0x24: {  	_ =	swait.ge [sflag:s13], $0x5000  }
0x25: {  	[sflag:s13] =	ssyncset.done $0x0  }
0x26: {  	[sflag:s13] =	ssyncadd.s32 $0xFFFFB000  }
0x27: {  	[spmem:s9] =	stream.linear.scatter [tilespmem:s15], [sflag:$0x4], $0x5000, $0x38;
	[tilespmem:$0x1EE00] =	vst v63  }
0x28: {  	_ =	swait.ge [sflag:s13], $0x5000  }
0x29: {  	[sflag:s13] =	ssyncset.done $0x0  }
0x2a: {  	[sflag:s13] =	ssyncadd.s32 $0xFFFFB000  }
0x2b: {  	[bflag:$0x0] =	sbarrier.arrive $0xFFFF  }
0x2c: {  	[tilespmem:s17], [sflag:$0x1] =	stream.indirect.gather [hbm4b:s2+s16], $0x40, s4, s16, $0xb8;
	[tilespmem:$0x1EE00] =	vst v63  }
0x2d: {  	_ = 	snop  }
0x2e: {  	[tilespmem:s18], [sflag:$0x2] =	stream.indirect.gather [hbm4b:s2+s16], $0x40, s16, s16, $0xb8;
	[tilespmem:$0x1EE00] =	vst v63  }
0x2f: {  	s19 =	simm.s32 $0x100  }
0x30: {  	[tilespmem:s20], [sflag:$0x3] =	stream.indirect.gather [hbm4b:s2+s16], $0x40, s19, s16, $0xb8;
	[tilespmem:$0x1EE00] =	vst v63  }
0x31: {  	_ =	swait.ge [sflag:s21], $0x2000  }
0x32: {  	[sflag:s21] =	ssyncset.done $0x0  }
0x33: {  	s24 =	simm.s32 $0x4F00;
	[sflag:s21] =	ssyncadd.s32 $0xFFFFE000  }
0x34: {  	[spmem:s3] =	stream.indirect.scatter.add.f32 [tilespmem:s17], [sflag:$0x4], $0x40, s24, s16, $0xb8;
	[tilespmem:$0x1EE00] =	vst v63  }
0x35: {  	_ =	swait.ge [sflag:s13], $0x2000  }
0x36: {  	[sflag:s13] =	ssyncset.done $0x0  }
0x37: {  	s19 =	simm.s32 $0x180;
	[sflag:s13] =	ssyncadd.s32 $0xFFFFE000  }
0x38: {  	[tilespmem:s17], [sflag:$0x1] =	stream.indirect.gather [hbm4b:s2+s16], $0x40, s19, s16, $0xb8;
	[tilespmem:$0x1EE00] =	vst v63  }
0x39: {  	_ =	swait.ge [sflag:s22], $0x2000  }
0x3a: {  	[sflag:s22] =	ssyncset.done $0x0  }
0x3b: {  	s24 =	simm.s32 $0x4F80;
	[sflag:s22] =	ssyncadd.s32 $0xFFFFE000  }
0x3c: {  	[spmem:s3] =	stream.indirect.scatter.add.f32 [tilespmem:s18], [sflag:$0x4], $0x40, s24, s16, $0xb8;
	[tilespmem:$0x1EE00] =	vst v63  }
0x3d: {  	_ =	swait.ge [sflag:s13], $0x2000  }
0x3e: {  	[sflag:s13] =	ssyncset.done $0x0  }
0x3f: {  	s19 =	simm.s32 $0x200;
	[sflag:s13] =	ssyncadd.s32 $0xFFFFE000  }
0x40: {  	[tilespmem:s18], [sflag:$0x2] =	stream.indirect.gather [hbm4b:s2+s16], $0x40, s19, s16, $0xb8;
	[tilespmem:$0x1EE00] =	vst v63  }
0x41: {  	_ =	swait.ge [sflag:s23], $0x2000  }
0x42: {  	[sflag:s23] =	ssyncset.done $0x0  }
0x43: {  	s24 =	simm.s32 $0x5000;
	[sflag:s23] =	ssyncadd.s32 $0xFFFFE000  }
0x44: {  	[spmem:s3] =	stream.indirect.scatter.add.f32 [tilespmem:s20], [sflag:$0x4], $0x40, s24, s16, $0xb8;
	[tilespmem:$0x1EE00] =	vst v63  }
0x45: {  	_ =	swait.ge [sflag:s13], $0x2000  }
0x46: {  	[sflag:s13] =	ssyncset.done $0x0  }
0x47: {  	s14 =	simm.s32 $0x600;
	s19 =	simm.s32 $0x280;
	[sflag:s13] =	ssyncadd.s32 $0xFFFFE000  }
.LBB2_2:
0x48: {  	[tilespmem:s20], [sflag:$0x3] =	stream.indirect.gather [hbm4b:s2+s16], $0x40, s19, s16, $0xb8;
	[tilespmem:$0x1EE00] =	vst v63  }
0x49: {  	s19 =	smov.u32 s14  }
0x4a: {  	p0 =	sne.s32 s14, $0x12C00;
	s14 =	sadd.s32 $0x600, s14;
	_ =	swait.ge [sflag:s21], $0x2000  }
0x4b: {  	s19 =	sshra.s32 s19, $0x2;
	[sflag:s21] =	ssyncset.done $0x0  }
0x4c: {  	s24 =	sadd.s32 $0x4F00, s19;
	[sflag:s21] =	ssyncadd.s32 $0xFFFFE000  }
0x4d: {  	[spmem:s3] =	stream.indirect.scatter.add.f32 [tilespmem:s17], [sflag:$0x4], $0x40, s24, s16, $0xb8;
	[tilespmem:$0x1EE00] =	vst v63  }
0x4e: {  	_ =	swait.ge [sflag:s13], $0x2000  }
0x4f: {  	[sflag:s13] =	ssyncset.done $0x0  }
0x50: {  	s24 =	sadd.s32 $0x180, s19;
	[sflag:s13] =	ssyncadd.s32 $0xFFFFE000  }
0x51: {  	[tilespmem:s17], [sflag:$0x1] =	stream.indirect.gather [hbm4b:s2+s16], $0x40, s24, s16, $0xb8;
	[tilespmem:$0x1EE00] =	vst v63  }
0x52: {  	_ =	swait.ge [sflag:s22], $0x2000  }
0x53: {  	[sflag:s22] =	ssyncset.done $0x0  }
0x54: {  	s24 =	sadd.s32 $0x4F80, s19;
	[sflag:s22] =	ssyncadd.s32 $0xFFFFE000  }
0x55: {  	[spmem:s3] =	stream.indirect.scatter.add.f32 [tilespmem:s18], [sflag:$0x4], $0x40, s24, s16, $0xb8;
	[tilespmem:$0x1EE00] =	vst v63  }
0x56: {  	_ =	swait.ge [sflag:s13], $0x2000  }
0x57: {  	[sflag:s13] =	ssyncset.done $0x0  }
0x58: {  	s24 =	sadd.s32 $0x200, s19;
	[sflag:s13] =	ssyncadd.s32 $0xFFFFE000  }
0x59: {  	[tilespmem:s18], [sflag:$0x2] =	stream.indirect.gather [hbm4b:s2+s16], $0x40, s24, s16, $0xb8;
	[tilespmem:$0x1EE00] =	vst v63  }
0x5a: {  	_ =	swait.ge [sflag:s23], $0x2000  }
0x5b: {  	[sflag:s23] =	ssyncset.done $0x0  }
.Ltmp0:
0x5c: {  	s24 =	sadd.s32 $0x5000, s19;
	[sflag:s23] =	ssyncadd.s32 $0xFFFFE000;
	(pc) =	sbr.rel @p0 .LBB2_2-.Ltmp0, $4  }
0x5d: {  	[spmem:s3] =	stream.indirect.scatter.add.f32 [tilespmem:s20], [sflag:$0x4], $0x40, s24, s16, $0xb8;
	[tilespmem:$0x1EE00] =	vst v63  }
0x5e: {  	_ =	swait.ge [sflag:s13], $0x2000  }
0x5f: {  	[sflag:s13] =	ssyncset.done $0x0  }
0x60: {  	s19 =	sadd.s32 $0x280, s19;
	[sflag:s13] =	ssyncadd.s32 $0xFFFFE000  }
0x61: {  	[tilespmem:s20], [sflag:$0x3] =	stream.indirect.gather [hbm4b:s2+s16], $0x40, s19, s16, $0xb8;
	[tilespmem:$0x1EE00] =	vst v63  }
0x62: {  	_ =	swait.ge [sflag:s21], $0x2000  }
0x63: {  	[sflag:s21] =	ssyncset.done $0x0  }
0x64: {  	s14 =	simm.s32 $0x9B80;
	[sflag:s21] =	ssyncadd.s32 $0xFFFFE000  }
0x65: {  	[spmem:s3] =	stream.indirect.scatter.add.f32 [tilespmem:s17], [sflag:$0x4], $0x40, s14, s16, $0xb8;
	[tilespmem:$0x1EE00] =	vst v63  }
0x66: {  	_ =	swait.ge [sflag:s13], $0x2000  }
0x67: {  	[sflag:s13] =	ssyncset.done $0x0  }
0x68: {  	[sflag:s13] =	ssyncadd.s32 $0xFFFFE000  }
0x69: {  	_ =	swait.ge [sflag:s22], $0x2000  }
0x6a: {  	[sflag:s22] =	ssyncset.done $0x0  }
0x6b: {  	[sflag:s22] =	ssyncadd.s32 $0xFFFFE000  }
0x6c: {  	[spmem:s3] =	stream.indirect.scatter.add.f32 [tilespmem:s18], [sflag:$0x4], $0x40, s25, s16, $0xb8;
	[tilespmem:$0x1EE00] =	vst v63  }
0x6d: {  	_ =	swait.ge [sflag:s13], $0x2000  }
0x6e: {  	[sflag:s13] =	ssyncset.done $0x0  }
0x6f: {  	[sflag:s13] =	ssyncadd.s32 $0xFFFFE000  }
0x70: {  	_ =	swait.ge [sflag:s23], $0x2000  }
0x71: {  	[sflag:s23] =	ssyncset.done $0x0  }
0x72: {  	[sflag:s23] =	ssyncadd.s32 $0xFFFFE000  }
0x73: {  	[spmem:s3] =	stream.indirect.scatter.add.f32 [tilespmem:s20], [sflag:$0x4], $0x40, s26, s16, $0xb8;
	[tilespmem:$0x1EE00] =	vst v63  }
0x74: {  	_ =	swait.ge [sflag:s13], $0x2000  }
0x75: {  	[sflag:s13] =	ssyncset.done $0x0  }
0x76: {  	[sflag:s13] =	ssyncadd.s32 $0xFFFFE000  }
0x77: {  	[tilespmem:s17], [sflag:$0x4] =	stream.indirect.gather [hbm4b:s2+s16], $0x40, s28, s16, $0xb8;
	[tilespmem:$0x1EE00] =	vst v63  }
0x78: {  	_ =	swait.ge [sflag:s13], $0x2000  }
0x79: {  	[sflag:s13] =	ssyncset.done $0x0  }
0x7a: {  	[sflag:s13] =	ssyncadd.s32 $0xFFFFE000  }
0x7b: {  	[spmem:s3] =	stream.indirect.scatter.add.f32 [tilespmem:s17], [sflag:$0x4], $0x40, s29, s16, $0xb8;
	[tilespmem:$0x1EE00] =	vst v63  }
0x7c: {  	_ =	swait.ge [sflag:s13], $0x2000  }
0x7d: {  	[sflag:s13] =	ssyncset.done $0x0  }
0x7e: {  	[sflag:s13] =	ssyncadd.s32 $0xFFFFE000  }
0x7f: {  	[tilespmem:s17], [sflag:$0x4] =	stream.indirect.gather [hbm4b:s2+s16], $0x40, s30, s16, $0xb8;
	[tilespmem:$0x1EE00] =	vst v63  }
0x80: {  	_ =	swait.ge [sflag:s13], $0x2000  }
0x81: {  	[sflag:s13] =	ssyncset.done $0x0  }
0x82: {  	[sflag:s13] =	ssyncadd.s32 $0xFFFFE000  }
0x83: {  	[spmem:s3] =	stream.indirect.scatter.add.f32 [tilespmem:s17], [sflag:$0x4], $0x40, s31, s16, $0xb8;
	[tilespmem:$0x1EE00] =	vst v63  }
0x84: {  	_ =	swait.ge [sflag:s13], $0x2000  }
0x85: {  	[sflag:s13] =	ssyncset.done $0x0  }
0x86: {  	[sflag:s13] =	ssyncadd.s32 $0xFFFFE000  }
0x87: {  	[bflag:$0x0] =	sbarrier.arrive $0xFFFF  }
0x88: {  	[tilespmem:s15], [sflag:$0x4] =	stream.linear.gather [spmem:s8], $0x5000, $0x38;
	[tilespmem:$0x1EE00] =	vst v63  }
0x89: {  	_ =	swait.ge [sflag:s13], $0x5000  }
0x8a: {  	[sflag:s13] =	ssyncset.done $0x0  }
0x8b: {  	[sflag:s13] =	ssyncadd.s32 $0xFFFFB000  }
0x8c: {  	[hbm4b:s10+s1] =	stream.strided.scatter [tilespmem:s15], [sflag:$0x4], $0x5000, s16, s1, $0x38;
	[tilespmem:$0x1EE00] =	vst v63  }
0x8d: {  	_ =	swait.ge [sflag:s13], $0x5000  }
0x8e: {  	[sflag:s13] =	ssyncset.done $0x0  }
0x8f: {  	[sflag:s13] =	ssyncadd.s32 $0xFFFFB000  }
0x90: {  	[tilespmem:s15], [sflag:$0x4] =	stream.linear.gather [spmem:s9], $0x5000, $0x38;
	[tilespmem:$0x1EE00] =	vst v63  }
0x91: {  	s0 =	sadd.s32 $0x1, s0;
	_ =	swait.ge [sflag:s13], $0x5000  }
0x92: {  	p0 =	sne.s32 s0, s12;
	[sflag:s13] =	ssyncset.done $0x0  }
.Ltmp1:
0x93: {  	[sflag:s13] =	ssyncadd.s32 $0xFFFFB000;
	(pc) =	sbr.rel @p0 .LBB2_1-.Ltmp1, $4  }
0x94: {  	[hbm4b:s11+s1] =	stream.strided.scatter [tilespmem:s15], [sflag:$0x4], $0x5000, s16, s1, $0x38;
	[tilespmem:$0x1EE00] =	vst v63  }
0x95: {  	_ =	swait.ge [sflag:s13], $0x5000  }
0x96: {  	[sflag:s13] =	ssyncset.done $0x0  }
0x97: {  	[sflag:s13] =	ssyncadd.s32 $0xFFFFB000  }
0x98: {  	_ =	sfence.sel $0x180000  }
0x99: {  	[bflag:$0x0] =	sbarrier.arrive $0xFFFF  }
0x9a: {  	_ =	strace $0x90000053  }
0x9b: {  	s0 =	stileid.u32;
	[bflag:$0x2] =	sbarrier.arrive $0xFFFF  }
0x9c: {  	p0 =	sne.s32 s0, $0x0;
	s0 =	rddreg [dreg:$0x4]  }
0x9d: {  	s0 =	sadd.s32 @!p0 $0x100000, s0  }
0x9e: {  	[sflag:s0] =	ssyncadd.tile.s32 @!p0 $0x1;
	_ =	shalt  }
.Lfunc_end2:
_tile_overlayer_lowered:
.L_overlay_start_2:
0x9f: {  	(tag) =	ssettag $0x2  }
0xa0: {  	s0 =	rddreg [dreg:$0x0];
	s2 =	stileid.u32  }
0xa1: {  	s1 =	rddreg [dreg:$0x1];
	p0 =	sne.s32 s2, $0x0  }
0xa2: {  	s3 =	rddreg [dreg:$0x2];
	[bflag:$0x3] =	sbarrier.arrive $0xFFFF;
	s2 =	simm.s32 @!p0 $0x1C04  }
0xa3: {  	[timem:s3], [sflag:s2] =	dma.local @!p0 [hbm:s0], s1  }
0xa4: {  	s0 =	simm.s32 @!p0 $0x4  }
0xa5: {  	_ =	swait.ge @!p0 [sflag:s0], s1  }
0xa6: {  	s1 =	ssub.s32 @!p0 $0x0, s1;
	[sflag:s0] =	ssyncset.done @!p0 $0x0  }
0xa7: {  	[sflag:s0] =	ssyncadd.s32 @!p0 s1  }
0xa8: {  	[bflag:$0x3] =	sbarrier.arrive $0xFFFF  }
0xa9: {  	_ =	shalt  }

// kernel: kernel.28.cloned.1.call-start
scs
__scs_entry_jumppad:
0x0: {  	(pc) =	sbr.rel $0x88, $3  }
0x1: {  	(tag) =	ssettag $0x0;
	lr =	simm.s32 $0x1  }
0x2: {  	[smem:$0x3F95] =	sst lr;
	_ =	strace $0xD0000000  }
0x3: {  	_ = 	snop  }
0x4: {  	_ = 	snop  }
0x5: {  	_ = 	snop  }
0x6: {  	_ = 	snop  }
0x7: {  	_ = 	snop  }
__scs_overlays_trampoline_lowered:
0x8: {  	[smem:$0x3FA4] =	sst s0  }
0x9: {  	[smem:$0x3FA5] =	sst s1  }
0xa: {  	[smem:$0x3FA6] =	sst s2  }
0xb: {  	[smem:$0x3FA7] =	sst s3  }
0xc: {  	[smem:$0x3FA8] =	sst s4  }
0xd: {  	[smem:$0x3FA9] =	sst s5  }
0xe: {  	[smem:$0x3FAA] =	sst s6  }
0xf: {  	[smem:$0x3FAB] =	sst s7  }
0x10: {  	[smem:$0x3FAC] =	sst s8  }
0x11: {  	[smem:$0x3FAD] =	sst s9;
	s0 =	simm.s32 @!p0 $0x0  }
0x12: {  	s1 =	sld [smem:$0x3F93];
	s0 =	simm.s32 @p0 $0x1  }
0x13: {  	[smem:$0x3FAE] =	sst s0;
	s0 =	simm.s32 @!p1 $0x0  }
0x14: {  	s2 =	sld [smem:$0x3F92];
	s0 =	simm.s32 @p1 $0x1  }
0x15: {  	[smem:$0x3FAF] =	sst s0;
	s0 =	simm.s32 @!p2 $0x0  }
0x16: {  	s3 =	sld [smem:$0x3FDB];
	s0 =	simm.s32 @p2 $0x1  }
0x17: {  	s4 =	simm.s32 $0x1BF5;
	[smem:$0x3FB1] =	sst s0  }
0x18: {  	s0 =	sld [smem:$0x3F94];
	_ =	swait.ge [sflag:s4], $0x0  }
0x19: {  	s7 =	sld [smem:$0x3F95]  }
0x1a: {  	s8 =	sadd.s32 $0xFFFFE003, lr  }
0x1b: {  	s9 =	sadd.s32 $0xFFFFFEF7, lr;
	s5 =	simm.s32 $0xFFFFFFFF;
	p2 =	slt.u32 s8, $0xFFFFF086  }
0x1c: {  	p1 =	slt.u32 s9, $0xF7A;
	s5 =	simm.s32 @!p2 $0x0  }
0x1d: {  	s5 =	simm.s32 @p1 $0x1;
	p0 =	seq.s32 s7, s2  }
0x1e: {  	s7 =	smul.u32 @!p0 $0xF7A, s2;
	p2 =	seq.s32 @!p0 s5, $0x0  }
0x1f: {  	s9 =	smul.u32 $0xF7A, s1;
	s8 =	simm.s32 @!p0 $0x1BF5;
	p2 =	por !p2, p0  }
0x20: {  	[sflag:s8] =	ssyncset.s32 @!p0 $0xFFFFF086;
	s6 =	sadd.s32 @!p0 s3, s7;
	s7 =	simm.s32 @!p0 $0x108  }
0x21: {  	s3 =	sadd.s32 s3, s9;
	s6 =	sadd.s32 @!p0 $0x88, s6;
	s7 =	simm.s32 @p2 $0x1082  }
0x22: {  	[simem:s7], [sflag:s8] =	dma.local @!p0 [hbm:s6], $0xF7A  }
0x23: {  	s9 =	sor.u32 $0xD0000000, s2;
	s6 =	simm.s32 $0x108;
	_ =	swait.ge @!p0 [sflag:s8], $0x0  }
0x24: {  	s3 =	sadd.s32 $0x88, s3;
	s6 =	simm.s32 @!p1 $0x1082;
	[sflag:s4] =	ssyncset.s32 $0xFFFFF086  }
0x25: {  	[simem:s6], [sflag:s4] =	dma.local [hbm:s3], $0xF7A  }
0x26: {  	[smem:$0x3F95] =	sst s1;
	(tag) =	ssettag s2;
	_ =	strace s9  }
0x27: {  	s1 =	sld [smem:$0x3FA5]  }
0x28: {  	s2 =	sld [smem:$0x3FA6]  }
0x29: {  	s4 =	sld [smem:$0x3FA8]  }
0x2a: {  	p0 =	seq.s32 s5, $0x0;
	s5 =	sld [smem:$0x3FA9]  }
0x2b: {  	s6 =	sld [smem:$0x3FAA]  }
0x2c: {  	s7 =	sld [smem:$0x3FAB]  }
0x2d: {  	s3 =	simm.s32 $0x108;
	s8 =	sld [smem:$0x3FAC]  }
0x2e: {  	s3 =	simm.s32 @!p0 $0x1082;
	s9 =	sld [smem:$0x3FAD]  }
0x2f: {  	lr =	sadd.s32 s0, s3;
	s0 =	sld [smem:$0x3FA4]  }
0x30: {  	s3 =	sld [smem:$0x3FA7]  }
0x31: {  	[smem:$0x3FB0] =	sst s10  }
0x32: {  	s10 =	sld [smem:$0x3FAE];
	_ =	sdelay $0x3  }
0x33: {  	p0 =	seq.s32 s10, $0x1;
	s10 =	sld [smem:$0x3FB0];
	_ =	sdelay $0x3  }
0x34: {  	[smem:$0x3FB0] =	sst s10  }
0x35: {  	s10 =	sld [smem:$0x3FAF];
	_ =	sdelay $0x3  }
0x36: {  	p1 =	seq.s32 s10, $0x1;
	s10 =	sld [smem:$0x3FB0];
	_ =	sdelay $0x3  }
0x37: {  	[smem:$0x3FB0] =	sst s10  }
0x38: {  	s10 =	sld [smem:$0x3FB1]  }
0x39: {  	_ = 	snop;
	(pc) =	sbr.ind lr, $3  }
0x3a: {  	_ = 	snop  }
0x3b: {  	_ = 	snop  }
0x3c: {  	p2 =	seq.s32 s10, $0x1;
	s10 =	sld [smem:$0x3FB0]  }
0x3d: {  	_ =	shalt  }
0x3e: {  	_ =	shalt  }
0x3f: {  	_ =	shalt  }
0x40: {  	_ =	shalt  }
0x41: {  	_ =	shalt  }
0x42: {  	_ =	shalt  }
0x43: {  	_ =	shalt  }
0x44: {  	_ =	shalt  }
0x45: {  	_ =	shalt  }
0x46: {  	_ =	shalt  }
0x47: {  	_ =	shalt  }
0x48: {  	_ =	shalt  }
0x49: {  	_ =	shalt  }
0x4a: {  	_ =	shalt  }
0x4b: {  	_ =	shalt  }
0x4c: {  	_ =	shalt  }
0x4d: {  	_ =	shalt  }
0x4e: {  	_ =	shalt  }
0x4f: {  	_ =	shalt  }
0x50: {  	_ =	shalt  }
0x51: {  	_ =	shalt  }
0x52: {  	_ =	shalt  }
0x53: {  	_ =	shalt  }
0x54: {  	_ =	shalt  }
0x55: {  	_ =	shalt  }
0x56: {  	_ =	shalt  }
0x57: {  	_ =	shalt  }
0x58: {  	_ =	shalt  }
0x59: {  	_ =	shalt  }
0x5a: {  	_ =	shalt  }
0x5b: {  	_ =	shalt  }
0x5c: {  	_ =	shalt  }
0x5d: {  	_ =	shalt  }
0x5e: {  	_ =	shalt  }
0x5f: {  	_ =	shalt  }
0x60: {  	_ =	shalt  }
0x61: {  	_ =	shalt  }
0x62: {  	_ =	shalt  }
0x63: {  	_ =	shalt  }
0x64: {  	_ =	shalt  }
0x65: {  	_ =	shalt  }
0x66: {  	_ =	shalt  }
0x67: {  	_ =	shalt  }
0x68: {  	_ =	shalt  }
0x69: {  	_ =	shalt  }
0x6a: {  	_ =	shalt  }
0x6b: {  	_ =	shalt  }
0x6c: {  	_ =	shalt  }
0x6d: {  	_ =	shalt  }
0x6e: {  	_ =	shalt  }
0x6f: {  	_ =	shalt  }
0x70: {  	_ =	shalt  }
0x71: {  	_ =	shalt  }
0x72: {  	_ =	shalt  }
0x73: {  	_ =	shalt  }
0x74: {  	_ =	shalt  }
0x75: {  	_ =	shalt  }
0x76: {  	_ =	shalt  }
0x77: {  	_ =	shalt  }
0x78: {  	_ =	shalt  }
0x79: {  	_ =	shalt  }
0x7a: {  	_ =	shalt  }
0x7b: {  	_ =	shalt  }
0x7c: {  	_ =	shalt  }
0x7d: {  	_ =	shalt  }
0x7e: {  	_ =	shalt  }
0x7f: {  	_ =	shalt  }
0x80: {  	_ =	shalt  }
0x81: {  	_ =	shalt  }
0x82: {  	_ =	shalt  }
0x83: {  	_ =	shalt  }
0x84: {  	_ =	shalt  }
0x85: {  	_ =	shalt  }
0x86: {  	_ =	shalt  }
0x87: {  	_ =	shalt  }
.Lfunc_end0:
.L_simem_size_0:
called_computation.4_lowered:
.L_overlay_start_0:
0x88: {  	s2 =	sld [smem:$0x3FD9]  }
0x89: {  	s3 =	sld [smem:$0x3FFE];
	_ =	sdelay $0x1  }
0x8a: {  	s1 =	srdreg.scid  }
0x8b: {  	s0 =	sand.u32 $0x1, s1  }
0x8c: {  	s14 =	sshll.u32 s0, $0xA;
	s2 =	sadd.s32 s3, s2  }
0x8d: {  	s2 =	sadd.s32 s2, s14  }
0x8e: {  	[smem:$0x3FBC] =	sst s2  }
0x8f: {  	_ = 	snop  }
0x90: {  	s2 =	sld [smem:$0x3FD0];
	_ =	sdelay $0x2  }
0x91: {  	s15 =	simm.s32 $0xB;
	s4 =	simm.s32 $0x10  }
0x92: {  	[smem:s4], [sflag:s15] =	dma.local [hbm:s2], $0x1  }
0x93: {  	_ =	swait.eq [sflag:s15], $0x1  }
0x94: {  	[sflag:s15] =	ssyncset.done $0x0  }
0x95: {  	[sflag:s15] =	ssyncadd.s32 $0xFFFFFFFF  }
0x96: {  	s16 =	sld [smem:$0x11];
	(tm) =	ssettm $0x1  }
0x97: {  	s17 =	sld [smem:$0x3FFB];
	_ =	sdelay $0x3  }
0x98: {  	_ =	strace s17  }
0x99: {  	s3 =	sld [smem:$0x3FFC];
	_ =	sdelay $0x3  }
0x9a: {  	_ =	strace s3  }
0x9b: {  	s3 =	sld [smem:$0x3FFD];
	_ =	sdelay $0x3  }
0x9c: {  	_ =	strace s3  }
0x9d: {  	_ =	strace $0x8FFFFFFF  }
0x9e: {  	s18 =	sld [smem:$0x3FDB];
	_ =	sdelay $0x1  }
0x9f: {  	s19 =	simm.s32 $_scs_section_size  }
0xa0: {  	s5 =	simm.s32 $_size__tile_overlayer_lowered;
	s6 =	simm.s32 $_tile_overlayer_lowered  }
0xa1: {  	s22 =	simm.s32 $0x1BFF;
	s21 =	sshll.u32 s6, $0x1;
	s3 =	sadd.s32 s19, s18  }
0xa2: {  	s7 =	simm.s32 $0x0;
	s20 =	sshll.u32 s5, $0x1;
	s5 =	sadd.s32 s21, s3  }
0xa3: {  	[timem:s7], [sflag:s22] =	dma.local [hbm:s5], s20  }
0xa4: {  	_ =	swait.ge [sflag:s22], s20  }
0xa5: {  	s4 =	ssub.s32 $0x0, s20;
	[sflag:s22] =	ssyncset.done $0x0  }
0xa6: {  	[sflag:s22] =	ssyncadd.s32 s4;
	_ =	sdelay $0x1  }
0xa7: {  	s23 =	simm.s32 $0x1B8B  }
0xa8: {  	_ =	swait.ge [sflag:s23], $0x1  }
0xa9: {  	[sflag:s23] =	ssyncset.done $0x0  }
0xaa: {  	s25 =	simm.s32 $0x1B8E;
	s24 =	sld [smem:$0x3FFE];
	[sflag:s23] =	ssyncadd.s32 $0xFFFFFFFF  }
0xab: {  	s26 =	simm.s32 $execute0_lowered;
	[smem:$0x3FD2] =	sst s25  }
0xac: {  	s5 =	sshll.u32 s26, $0x1;
	_ =	strace $0x8000004F;
	[dreg:$0x1] =	wrdreg $0xFFFFFFFF  }
0xad: {  	s28 =	simm.s32 $_size_execute0_lowered;
	s3 =	sadd.s32 s3, s5;
	[dreg:$0x0] =	wrdreg $0x0  }
0xae: {  	s5 =	sshll.u32 s28, $0x1;
	[dreg:$0x2] =	wrdreg s3  }
0xaf: {  	[dreg:$0x3] =	wrdreg s5  }
0xb0: {  	[dreg:$0x4] =	wrdreg $0xC0  }
0xb1: {  	_ =	task [dreg:s7], $0x5FFFF  }
0xb2: {  	[dreg:$0x1] =	wrdreg $0xFFFFFFFF  }
0xb3: {  	[dreg:$0x0] =	wrdreg $0x60  }
0xb4: {  	[dreg:$0x2] =	wrdreg s16  }
0xb5: {  	[dreg:$0x3] =	wrdreg s24  }
0xb6: {  	[dreg:$0x4] =	wrdreg $0x14E000  }
0xb7: {  	[dreg:$0x5] =	wrdreg $0xA  }
0xb8: {  	_ =	task.clear_ibuf [dreg:s7], $0x6FFFF;
	_ =	strace $0x9000004F  }
0xb9: {  	s29 =	simm.s32 $0xA;
	_ =	strace $0x80000051  }
0xba: {  	_ =	swait.ge [sflag:s29], $0x1  }
0xbb: {  	[sflag:s29] =	ssyncadd.s32 $0xFFFFFFFF  }
0xbc: {  	_ =	strace $0x90000051  }
0xbd: {  	_ =	sfence  }
0xbe: {  	s30 =	sld [smem:$0x0];
	_ =	sdelay $0x2  }
0xbf: {  	s31 =	sshll.u32 s1, $0xD;
	s1 =	sshrl.u32 s1, $0x2  }
0xc0: {  	s3 =	sand.u32 $0x4000, s31;
	s1 =	sadd.s32 s1, s30  }
0xc1: {  	s0 =	sor.u32 s3, s0;
	s1 =	sshll.u32 s1, $0x11  }
0xc2: {  	s0 =	sor.u32 s1, s0  }
0xc3: {  	s0 =	sadd.s32 $0x8F2B, s0  }
0xc4: {  	[sflag:s0] =	ssyncadd.remote.s32 $0x1  }
0xc5: {  	_ =	sfence.sel $0xFFFF  }
0xc6: {  	[dreg:$0x0] =	wrdreg $0xFFFFFFFF;
	(pc) =	sbr.abs _section_cstart, $3  }
0xc7: {  	[dreg:$0x1] =	wrdreg $0xFFFFFFFF  }
0xc8: {  	_ =	task.clear_ibuf [dreg:s7], $0x2FFFF;
	_ =	strace $0x9FFFFFFF  }
0xc9: {  	(tm) =	ssettm $0x7FFFFFFF  }
tec
execute0_lowered:
.L_overlay_start_1:
0x0: {  	(tag) =	ssettag $0x1  }
0x1: {  	s0 =	rddreg [dreg:$0x0]  }
0x2: {  	s1 =	rddreg [dreg:$0x1]  }
0x3: {  	s2 =	rddreg [dreg:$0x2]  }
0x4: {  	s13 =	stileid.u32;
	s3 =	simm.s32 $0x0;
	s4 =	srdreg.scid  }
0x5: {  	s15 =	simm.s32 $0xFE00;
	s16 =	simm.s32 $0x80;
	s17 =	simm.s32 $0x9E00  }
0x6: {  	s28 =	simm.s32 $0x4E00;
	s29 =	simm.s32 $0x9D00;
	s6 =	smul.u32 $0x4F00, s13  }
0x7: {  	s30 =	simm.s32 $0x4E80;
	s31 =	simm.s32 $0x9D80;
	s11 =	smul.u32 $0x280, s13  }
0x8: {  	[smem:$0x7FF] =	sst s3;
	s8 =	sand.u32 $0x1, s4;
	s20 =	smul.u32 $0x28000, s13  }
0x9: {  	s4 =	sadd.s32 $0x10800, s1;
	s5 =	sadd.s32 $0xFE00, s1;
	s22 =	smul.u32 $0x14000, s13  }
0xa: {  	s13 =	simm.s32 $0x4;
	_ =	strace $0x80000050;
	s7 =	smul.u32 $0x4F000, s8  }
0xb: {  	s10 =	ssub.s32 $0x2, s8;
	s23 =	sshll.u32 s8, $0x6;
	s18 =	sshrl.u32 s6, $0x3  }
0xc: {  	s19 =	sshrl.u32 s10, $0x1;
	s21 =	sadd.s32 $0x140, s11;
	s25 =	sor.u32 s23, s22  }
0xd: {  	s22 =	simm.s32 $0x2;
	s9 =	sadd.s32 s18, s1;
	s1 =	sadd.s32 $0x38800, s1  }
0xe: {  	s6 =	sadd.s32 s6, s7;
	s12 =	ssub.s32 s10, s19;
	s24 =	sshll.u32 s21, $0x7  }
0xf: {  	s18 =	simm.s32 $0xBE00;
	s6 =	sshrl.u32 s6, $0x3;
	s7 =	sadd.s32 $0x6000, s9  }
0x10: {  	s26 =	sor.u32 s23, s24;
	s9 =	sshll.u32 s21, $0x6;
	s12 =	smax.u32 s12, $0x1  }
0x11: {  	s21 =	simm.s32 $0x1;
	s23 =	simm.s32 $0x3;
	s6 =	sadd.s32 s0, s6  }
0x12: {  	s0 =	sshrl.u32 s20, $0x2;
	s11 =	sshrl.u32 s26, $0x3;
	s9 =	sadd.s32 s9, s2  }
0x13: {  	s20 =	simm.s32 $0xDE00;
	s26 =	simm.s32 $0x9C80;
	s8 =	sadd.s32 s0, s2  }
0x14: {  	s0 =	sshrl.u32 s25, $0x3;
	s11 =	sadd.s32 s1, s11;
	s25 =	simm.s32 $0x9C00  }
0x15: {  	s10 =	sadd.s32 s1, s0;
	s0 =	simm.s32 $0x40;
	s1 =	simm.s32 $0x0  }
.LBB2_1:
0x16: {  	[tilespmem:s3], [sflag:$0x4] =	stream.linear.gather [hbm4b:s6+s3], $0x4F00, $0x38;
	[tilespmem:$0x1EE00] =	vst v63  }
0x17: {  	_ =	swait.ge [sflag:s13], $0x4F00  }
0x18: {  	[sflag:s13] =	ssyncset.done $0x0  }
0x19: {  	s14 =	simm.s32 $0x4F00;
	[sflag:s13] =	ssyncadd.s32 $0xFFFFB100  }
0x1a: {  	[tilespmem:s14], [sflag:$0x4] =	stream.linear.gather [hbm4b:s7+s3], $0x4F00, $0x38;
	[tilespmem:$0x1EE00] =	vst v63  }
0x1b: {  	_ =	swait.ge [sflag:s13], $0x4F00  }
0x1c: {  	[sflag:s13] =	ssyncset.done $0x0  }
0x1d: {  	[sflag:s13] =	ssyncadd.s32 $0xFFFFB100  }
0x1e: {  	[tilespmem:s15], [sflag:$0x4] =	stream.linear.gather [hbm4b:s5+s3], $0x5000, $0x38;
	[tilespmem:$0x1EE00] =	vst v63  }
0x1f: {  	_ =	swait.ge [sflag:s13], $0x5000  }
0x20: {  	[sflag:s13] =	ssyncset.done $0x0  }
0x21: {  	[sflag:s13] =	ssyncadd.s32 $0xFFFFB000  }
0x22: {  	[spmem:s8] =	stream.linear.scatter [tilespmem:s15], [sflag:$0x4], $0x5000, $0x38;
	[tilespmem:$0x1EE00] =	vst v63  }
0x23: {  	_ =	swait.ge [sflag:s13], $0x5000  }
0x24: {  	[sflag:s13] =	ssyncset.done $0x0  }
0x25: {  	[sflag:s13] =	ssyncadd.s32 $0xFFFFB000  }
0x26: {  	[spmem:s9] =	stream.linear.scatter [tilespmem:s15], [sflag:$0x4], $0x5000, $0x38;
	[tilespmem:$0x1EE00] =	vst v63  }
0x27: {  	_ =	swait.ge [sflag:s13], $0x5000  }
0x28: {  	[sflag:s13] =	ssyncset.done $0x0  }
0x29: {  	[sflag:s13] =	ssyncadd.s32 $0xFFFFB000  }
0x2a: {  	[bflag:$0x0] =	sbarrier.arrive $0xFFFF  }
0x2b: {  	[tilespmem:s17], [sflag:$0x1] =	stream.indirect.gather [hbm4b:s4+s16], $0x40, s3, s16, $0xb8;
	[tilespmem:$0x1EE00] =	vst v63  }
0x2c: {  	_ = 	snop  }
0x2d: {  	[tilespmem:s18], [sflag:$0x2] =	stream.indirect.gather [hbm4b:s4+s16], $0x40, s16, s16, $0xb8;
	[tilespmem:$0x1EE00] =	vst v63  }
0x2e: {  	s19 =	simm.s32 $0x100  }
0x2f: {  	[tilespmem:s20], [sflag:$0x3] =	stream.indirect.gather [hbm4b:s4+s16], $0x40, s19, s16, $0xb8;
	[tilespmem:$0x1EE00] =	vst v63  }
0x30: {  	_ =	swait.ge [sflag:s21], $0x2000  }
0x31: {  	[sflag:s21] =	ssyncset.done $0x0  }
0x32: {  	s24 =	simm.s32 $0x4F00;
	[sflag:s21] =	ssyncadd.s32 $0xFFFFE000  }
0x33: {  	[spmem:s2] =	stream.indirect.scatter.add.f32 [tilespmem:s17], [sflag:$0x4], $0x40, s24, s16, $0xb8;
	[tilespmem:$0x1EE00] =	vst v63  }
0x34: {  	_ =	swait.ge [sflag:s13], $0x2000  }
0x35: {  	[sflag:s13] =	ssyncset.done $0x0  }
0x36: {  	s19 =	simm.s32 $0x180;
	[sflag:s13] =	ssyncadd.s32 $0xFFFFE000  }
0x37: {  	[tilespmem:s17], [sflag:$0x1] =	stream.indirect.gather [hbm4b:s4+s16], $0x40, s19, s16, $0xb8;
	[tilespmem:$0x1EE00] =	vst v63  }
0x38: {  	_ =	swait.ge [sflag:s22], $0x2000  }
0x39: {  	[sflag:s22] =	ssyncset.done $0x0  }
0x3a: {  	s24 =	simm.s32 $0x4F80;
	[sflag:s22] =	ssyncadd.s32 $0xFFFFE000  }
0x3b: {  	[spmem:s2] =	stream.indirect.scatter.add.f32 [tilespmem:s18], [sflag:$0x4], $0x40, s24, s16, $0xb8;
	[tilespmem:$0x1EE00] =	vst v63  }
0x3c: {  	_ =	swait.ge [sflag:s13], $0x2000  }
0x3d: {  	[sflag:s13] =	ssyncset.done $0x0  }
0x3e: {  	s19 =	simm.s32 $0x200;
	[sflag:s13] =	ssyncadd.s32 $0xFFFFE000  }
0x3f: {  	[tilespmem:s18], [sflag:$0x2] =	stream.indirect.gather [hbm4b:s4+s16], $0x40, s19, s16, $0xb8;
	[tilespmem:$0x1EE00] =	vst v63  }
0x40: {  	_ =	swait.ge [sflag:s23], $0x2000  }
0x41: {  	[sflag:s23] =	ssyncset.done $0x0  }
0x42: {  	s24 =	simm.s32 $0x5000;
	[sflag:s23] =	ssyncadd.s32 $0xFFFFE000  }
0x43: {  	[spmem:s2] =	stream.indirect.scatter.add.f32 [tilespmem:s20], [sflag:$0x4], $0x40, s24, s16, $0xb8;
	[tilespmem:$0x1EE00] =	vst v63  }
0x44: {  	_ =	swait.ge [sflag:s13], $0x2000  }
0x45: {  	[sflag:s13] =	ssyncset.done $0x0  }
0x46: {  	s14 =	simm.s32 $0x600;
	s19 =	simm.s32 $0x280;
	[sflag:s13] =	ssyncadd.s32 $0xFFFFE000  }
.LBB2_2:
0x47: {  	[tilespmem:s20], [sflag:$0x3] =	stream.indirect.gather [hbm4b:s4+s16], $0x40, s19, s16, $0xb8;
	[tilespmem:$0x1EE00] =	vst v63  }
0x48: {  	s19 =	smov.u32 s14  }
0x49: {  	p0 =	sne.s32 s14, $0x12C00;
	s14 =	sadd.s32 $0x600, s14;
	_ =	swait.ge [sflag:s21], $0x2000  }
0x4a: {  	s19 =	sshra.s32 s19, $0x2;
	[sflag:s21] =	ssyncset.done $0x0  }
0x4b: {  	s24 =	sadd.s32 $0x4F00, s19;
	[sflag:s21] =	ssyncadd.s32 $0xFFFFE000  }
0x4c: {  	[spmem:s2] =	stream.indirect.scatter.add.f32 [tilespmem:s17], [sflag:$0x4], $0x40, s24, s16, $0xb8;
	[tilespmem:$0x1EE00] =	vst v63  }
0x4d: {  	_ =	swait.ge [sflag:s13], $0x2000  }
0x4e: {  	[sflag:s13] =	ssyncset.done $0x0  }
0x4f: {  	s24 =	sadd.s32 $0x180, s19;
	[sflag:s13] =	ssyncadd.s32 $0xFFFFE000  }
0x50: {  	[tilespmem:s17], [sflag:$0x1] =	stream.indirect.gather [hbm4b:s4+s16], $0x40, s24, s16, $0xb8;
	[tilespmem:$0x1EE00] =	vst v63  }
0x51: {  	_ =	swait.ge [sflag:s22], $0x2000  }
0x52: {  	[sflag:s22] =	ssyncset.done $0x0  }
0x53: {  	s24 =	sadd.s32 $0x4F80, s19;
	[sflag:s22] =	ssyncadd.s32 $0xFFFFE000  }
0x54: {  	[spmem:s2] =	stream.indirect.scatter.add.f32 [tilespmem:s18], [sflag:$0x4], $0x40, s24, s16, $0xb8;
	[tilespmem:$0x1EE00] =	vst v63  }
0x55: {  	_ =	swait.ge [sflag:s13], $0x2000  }
0x56: {  	[sflag:s13] =	ssyncset.done $0x0  }
0x57: {  	s24 =	sadd.s32 $0x200, s19;
	[sflag:s13] =	ssyncadd.s32 $0xFFFFE000  }
0x58: {  	[tilespmem:s18], [sflag:$0x2] =	stream.indirect.gather [hbm4b:s4+s16], $0x40, s24, s16, $0xb8;
	[tilespmem:$0x1EE00] =	vst v63  }
0x59: {  	_ =	swait.ge [sflag:s23], $0x2000  }
0x5a: {  	[sflag:s23] =	ssyncset.done $0x0  }
.Ltmp0:
0x5b: {  	s24 =	sadd.s32 $0x5000, s19;
	[sflag:s23] =	ssyncadd.s32 $0xFFFFE000;
	(pc) =	sbr.rel @p0 .LBB2_2-.Ltmp0, $4  }
0x5c: {  	[spmem:s2] =	stream.indirect.scatter.add.f32 [tilespmem:s20], [sflag:$0x4], $0x40, s24, s16, $0xb8;
	[tilespmem:$0x1EE00] =	vst v63  }
0x5d: {  	_ =	swait.ge [sflag:s13], $0x2000  }
0x5e: {  	[sflag:s13] =	ssyncset.done $0x0  }
0x5f: {  	s19 =	sadd.s32 $0x280, s19;
	[sflag:s13] =	ssyncadd.s32 $0xFFFFE000  }
0x60: {  	[tilespmem:s20], [sflag:$0x3] =	stream.indirect.gather [hbm4b:s4+s16], $0x40, s19, s16, $0xb8;
	[tilespmem:$0x1EE00] =	vst v63  }
0x61: {  	_ =	swait.ge [sflag:s21], $0x2000  }
0x62: {  	[sflag:s21] =	ssyncset.done $0x0  }
0x63: {  	s14 =	simm.s32 $0x9B80;
	[sflag:s21] =	ssyncadd.s32 $0xFFFFE000  }
0x64: {  	[spmem:s2] =	stream.indirect.scatter.add.f32 [tilespmem:s17], [sflag:$0x4], $0x40, s14, s16, $0xb8;
	[tilespmem:$0x1EE00] =	vst v63  }
0x65: {  	_ =	swait.ge [sflag:s13], $0x2000  }
0x66: {  	[sflag:s13] =	ssyncset.done $0x0  }
0x67: {  	[sflag:s13] =	ssyncadd.s32 $0xFFFFE000  }
0x68: {  	_ =	swait.ge [sflag:s22], $0x2000  }
0x69: {  	[sflag:s22] =	ssyncset.done $0x0  }
0x6a: {  	[sflag:s22] =	ssyncadd.s32 $0xFFFFE000  }
0x6b: {  	[spmem:s2] =	stream.indirect.scatter.add.f32 [tilespmem:s18], [sflag:$0x4], $0x40, s25, s16, $0xb8;
	[tilespmem:$0x1EE00] =	vst v63  }
0x6c: {  	_ =	swait.ge [sflag:s13], $0x2000  }
0x6d: {  	[sflag:s13] =	ssyncset.done $0x0  }
0x6e: {  	[sflag:s13] =	ssyncadd.s32 $0xFFFFE000  }
0x6f: {  	_ =	swait.ge [sflag:s23], $0x2000  }
0x70: {  	[sflag:s23] =	ssyncset.done $0x0  }
0x71: {  	[sflag:s23] =	ssyncadd.s32 $0xFFFFE000  }
0x72: {  	[spmem:s2] =	stream.indirect.scatter.add.f32 [tilespmem:s20], [sflag:$0x4], $0x40, s26, s16, $0xb8;
	[tilespmem:$0x1EE00] =	vst v63  }
0x73: {  	_ =	swait.ge [sflag:s13], $0x2000  }
0x74: {  	[sflag:s13] =	ssyncset.done $0x0  }
0x75: {  	[sflag:s13] =	ssyncadd.s32 $0xFFFFE000  }
0x76: {  	[tilespmem:s17], [sflag:$0x4] =	stream.indirect.gather [hbm4b:s4+s16], $0x40, s28, s16, $0xb8;
	[tilespmem:$0x1EE00] =	vst v63  }
0x77: {  	_ =	swait.ge [sflag:s13], $0x2000  }
0x78: {  	[sflag:s13] =	ssyncset.done $0x0  }
0x79: {  	[sflag:s13] =	ssyncadd.s32 $0xFFFFE000  }
0x7a: {  	[spmem:s2] =	stream.indirect.scatter.add.f32 [tilespmem:s17], [sflag:$0x4], $0x40, s29, s16, $0xb8;
	[tilespmem:$0x1EE00] =	vst v63  }
0x7b: {  	_ =	swait.ge [sflag:s13], $0x2000  }
0x7c: {  	[sflag:s13] =	ssyncset.done $0x0  }
0x7d: {  	[sflag:s13] =	ssyncadd.s32 $0xFFFFE000  }
0x7e: {  	[tilespmem:s17], [sflag:$0x4] =	stream.indirect.gather [hbm4b:s4+s16], $0x40, s30, s16, $0xb8;
	[tilespmem:$0x1EE00] =	vst v63  }
0x7f: {  	_ =	swait.ge [sflag:s13], $0x2000  }
0x80: {  	[sflag:s13] =	ssyncset.done $0x0  }
0x81: {  	[sflag:s13] =	ssyncadd.s32 $0xFFFFE000  }
0x82: {  	[spmem:s2] =	stream.indirect.scatter.add.f32 [tilespmem:s17], [sflag:$0x4], $0x40, s31, s16, $0xb8;
	[tilespmem:$0x1EE00] =	vst v63  }
0x83: {  	_ =	swait.ge [sflag:s13], $0x2000  }
0x84: {  	[sflag:s13] =	ssyncset.done $0x0  }
0x85: {  	[sflag:s13] =	ssyncadd.s32 $0xFFFFE000  }
0x86: {  	[bflag:$0x0] =	sbarrier.arrive $0xFFFF  }
0x87: {  	[tilespmem:s15], [sflag:$0x4] =	stream.linear.gather [spmem:s8], $0x5000, $0x38;
	[tilespmem:$0x1EE00] =	vst v63  }
0x88: {  	_ =	swait.ge [sflag:s13], $0x5000  }
0x89: {  	[sflag:s13] =	ssyncset.done $0x0  }
0x8a: {  	[sflag:s13] =	ssyncadd.s32 $0xFFFFB000  }
0x8b: {  	[hbm4b:s10+s0] =	stream.strided.scatter [tilespmem:s15], [sflag:$0x4], $0x5000, s16, s0, $0x38;
	[tilespmem:$0x1EE00] =	vst v63  }
0x8c: {  	_ =	swait.ge [sflag:s13], $0x5000  }
0x8d: {  	[sflag:s13] =	ssyncset.done $0x0  }
0x8e: {  	[sflag:s13] =	ssyncadd.s32 $0xFFFFB000  }
0x8f: {  	[tilespmem:s15], [sflag:$0x4] =	stream.linear.gather [spmem:s9], $0x5000, $0x38;
	[tilespmem:$0x1EE00] =	vst v63  }
0x90: {  	s1 =	sadd.s32 $0x1, s1;
	_ =	swait.ge [sflag:s13], $0x5000  }
0x91: {  	p0 =	sne.s32 s1, s12;
	[sflag:s13] =	ssyncset.done $0x0  }
.Ltmp1:
0x92: {  	[sflag:s13] =	ssyncadd.s32 $0xFFFFB000;
	(pc) =	sbr.rel @p0 .LBB2_1-.Ltmp1, $4  }
0x93: {  	[hbm4b:s11+s0] =	stream.strided.scatter [tilespmem:s15], [sflag:$0x4], $0x5000, s16, s0, $0x38;
	[tilespmem:$0x1EE00] =	vst v63  }
0x94: {  	_ =	swait.ge [sflag:s13], $0x5000  }
0x95: {  	[sflag:s13] =	ssyncset.done $0x0  }
0x96: {  	[sflag:s13] =	ssyncadd.s32 $0xFFFFB000  }
0x97: {  	_ =	sfence.sel $0x180000  }
0x98: {  	[bflag:$0x0] =	sbarrier.arrive $0xFFFF  }
0x99: {  	_ =	strace $0x90000050  }
0x9a: {  	s0 =	stileid.u32;
	[bflag:$0x2] =	sbarrier.arrive $0xFFFF  }
0x9b: {  	p0 =	sne.s32 s0, $0x0;
	s0 =	rddreg [dreg:$0x3]  }
0x9c: {  	s0 =	sadd.s32 @!p0 $0x100000, s0  }
0x9d: {  	[sflag:s0] =	ssyncadd.tile.s32 @!p0 $0x1;
	_ =	shalt  }
.Lfunc_end2:
_tile_overlayer_lowered:
.L_overlay_start_2:
0x9e: {  	(tag) =	ssettag $0x2  }
0x9f: {  	s0 =	rddreg [dreg:$0x0];
	s2 =	stileid.u32  }
0xa0: {  	s1 =	rddreg [dreg:$0x1];
	p0 =	sne.s32 s2, $0x0  }
0xa1: {  	s3 =	rddreg [dreg:$0x2];
	[bflag:$0x3] =	sbarrier.arrive $0xFFFF;
	s2 =	simm.s32 @!p0 $0x1C04  }
0xa2: {  	[timem:s3], [sflag:s2] =	dma.local @!p0 [hbm:s0], s1  }
0xa3: {  	s0 =	simm.s32 @!p0 $0x4  }
0xa4: {  	_ =	swait.ge @!p0 [sflag:s0], s1  }
0xa5: {  	s1 =	ssub.s32 @!p0 $0x0, s1;
	[sflag:s0] =	ssyncset.done @!p0 $0x0  }
0xa6: {  	[sflag:s0] =	ssyncadd.s32 @!p0 s1  }
0xa7: {  	[bflag:$0x3] =	sbarrier.arrive $0xFFFF  }
0xa8: {  	_ =	shalt  }

// kernel: kernel.31.cloned.1.call-start
scs
__scs_entry_jumppad:
0x0: {  	(pc) =	sbr.rel $0x88, $3  }
0x1: {  	(tag) =	ssettag $0x0;
	lr =	simm.s32 $0x1  }
0x2: {  	[smem:$0x3F95] =	sst lr;
	_ =	strace $0xD0000000  }
0x3: {  	_ = 	snop  }
0x4: {  	_ = 	snop  }
0x5: {  	_ = 	snop  }
0x6: {  	_ = 	snop  }
0x7: {  	_ = 	snop  }
__scs_overlays_trampoline_lowered:
0x8: {  	[smem:$0x3FA4] =	sst s0  }
0x9: {  	[smem:$0x3FA5] =	sst s1  }
0xa: {  	[smem:$0x3FA6] =	sst s2  }
0xb: {  	[smem:$0x3FA7] =	sst s3  }
0xc: {  	[smem:$0x3FA8] =	sst s4  }
0xd: {  	[smem:$0x3FA9] =	sst s5  }
0xe: {  	[smem:$0x3FAA] =	sst s6  }
0xf: {  	[smem:$0x3FAB] =	sst s7  }
0x10: {  	[smem:$0x3FAC] =	sst s8  }
0x11: {  	[smem:$0x3FAD] =	sst s9;
	s0 =	simm.s32 @!p0 $0x0  }
0x12: {  	s1 =	sld [smem:$0x3F93];
	s0 =	simm.s32 @p0 $0x1  }
0x13: {  	[smem:$0x3FAE] =	sst s0;
	s0 =	simm.s32 @!p1 $0x0  }
0x14: {  	s2 =	sld [smem:$0x3F92];
	s0 =	simm.s32 @p1 $0x1  }
0x15: {  	[smem:$0x3FAF] =	sst s0;
	s0 =	simm.s32 @!p2 $0x0  }
0x16: {  	s3 =	sld [smem:$0x3FDB];
	s0 =	simm.s32 @p2 $0x1  }
0x17: {  	s4 =	simm.s32 $0x1BF5;
	[smem:$0x3FB1] =	sst s0  }
0x18: {  	s0 =	sld [smem:$0x3F94];
	_ =	swait.ge [sflag:s4], $0x0  }
0x19: {  	s7 =	sld [smem:$0x3F95]  }
0x1a: {  	s8 =	sadd.s32 $0xFFFFE003, lr  }
0x1b: {  	s9 =	sadd.s32 $0xFFFFFEF7, lr;
	s5 =	simm.s32 $0xFFFFFFFF;
	p2 =	slt.u32 s8, $0xFFFFF086  }
0x1c: {  	p1 =	slt.u32 s9, $0xF7A;
	s5 =	simm.s32 @!p2 $0x0  }
0x1d: {  	s5 =	simm.s32 @p1 $0x1;
	p0 =	seq.s32 s7, s2  }
0x1e: {  	s7 =	smul.u32 @!p0 $0xF7A, s2;
	p2 =	seq.s32 @!p0 s5, $0x0  }
0x1f: {  	s9 =	smul.u32 $0xF7A, s1;
	s8 =	simm.s32 @!p0 $0x1BF5;
	p2 =	por !p2, p0  }
0x20: {  	[sflag:s8] =	ssyncset.s32 @!p0 $0xFFFFF086;
	s6 =	sadd.s32 @!p0 s3, s7;
	s7 =	simm.s32 @!p0 $0x108  }
0x21: {  	s3 =	sadd.s32 s3, s9;
	s6 =	sadd.s32 @!p0 $0x88, s6;
	s7 =	simm.s32 @p2 $0x1082  }
0x22: {  	[simem:s7], [sflag:s8] =	dma.local @!p0 [hbm:s6], $0xF7A  }
0x23: {  	s9 =	sor.u32 $0xD0000000, s2;
	s6 =	simm.s32 $0x108;
	_ =	swait.ge @!p0 [sflag:s8], $0x0  }
0x24: {  	s3 =	sadd.s32 $0x88, s3;
	s6 =	simm.s32 @!p1 $0x1082;
	[sflag:s4] =	ssyncset.s32 $0xFFFFF086  }
0x25: {  	[simem:s6], [sflag:s4] =	dma.local [hbm:s3], $0xF7A  }
0x26: {  	[smem:$0x3F95] =	sst s1;
	(tag) =	ssettag s2;
	_ =	strace s9  }
0x27: {  	s1 =	sld [smem:$0x3FA5]  }
0x28: {  	s2 =	sld [smem:$0x3FA6]  }
0x29: {  	s4 =	sld [smem:$0x3FA8]  }
0x2a: {  	p0 =	seq.s32 s5, $0x0;
	s5 =	sld [smem:$0x3FA9]  }
0x2b: {  	s6 =	sld [smem:$0x3FAA]  }
0x2c: {  	s7 =	sld [smem:$0x3FAB]  }
0x2d: {  	s3 =	simm.s32 $0x108;
	s8 =	sld [smem:$0x3FAC]  }
0x2e: {  	s3 =	simm.s32 @!p0 $0x1082;
	s9 =	sld [smem:$0x3FAD]  }
0x2f: {  	lr =	sadd.s32 s0, s3;
	s0 =	sld [smem:$0x3FA4]  }
0x30: {  	s3 =	sld [smem:$0x3FA7]  }
0x31: {  	[smem:$0x3FB0] =	sst s10  }
0x32: {  	s10 =	sld [smem:$0x3FAE];
	_ =	sdelay $0x3  }
0x33: {  	p0 =	seq.s32 s10, $0x1;
	s10 =	sld [smem:$0x3FB0];
	_ =	sdelay $0x3  }
0x34: {  	[smem:$0x3FB0] =	sst s10  }
0x35: {  	s10 =	sld [smem:$0x3FAF];
	_ =	sdelay $0x3  }
0x36: {  	p1 =	seq.s32 s10, $0x1;
	s10 =	sld [smem:$0x3FB0];
	_ =	sdelay $0x3  }
0x37: {  	[smem:$0x3FB0] =	sst s10  }
0x38: {  	s10 =	sld [smem:$0x3FB1]  }
0x39: {  	_ = 	snop;
	(pc) =	sbr.ind lr, $3  }
0x3a: {  	_ = 	snop  }
0x3b: {  	_ = 	snop  }
0x3c: {  	p2 =	seq.s32 s10, $0x1;
	s10 =	sld [smem:$0x3FB0]  }
0x3d: {  	_ =	shalt  }
0x3e: {  	_ =	shalt  }
0x3f: {  	_ =	shalt  }
0x40: {  	_ =	shalt  }
0x41: {  	_ =	shalt  }
0x42: {  	_ =	shalt  }
0x43: {  	_ =	shalt  }
0x44: {  	_ =	shalt  }
0x45: {  	_ =	shalt  }
0x46: {  	_ =	shalt  }
0x47: {  	_ =	shalt  }
0x48: {  	_ =	shalt  }
0x49: {  	_ =	shalt  }
0x4a: {  	_ =	shalt  }
0x4b: {  	_ =	shalt  }
0x4c: {  	_ =	shalt  }
0x4d: {  	_ =	shalt  }
0x4e: {  	_ =	shalt  }
0x4f: {  	_ =	shalt  }
0x50: {  	_ =	shalt  }
0x51: {  	_ =	shalt  }
0x52: {  	_ =	shalt  }
0x53: {  	_ =	shalt  }
0x54: {  	_ =	shalt  }
0x55: {  	_ =	shalt  }
0x56: {  	_ =	shalt  }
0x57: {  	_ =	shalt  }
0x58: {  	_ =	shalt  }
0x59: {  	_ =	shalt  }
0x5a: {  	_ =	shalt  }
0x5b: {  	_ =	shalt  }
0x5c: {  	_ =	shalt  }
0x5d: {  	_ =	shalt  }
0x5e: {  	_ =	shalt  }
0x5f: {  	_ =	shalt  }
0x60: {  	_ =	shalt  }
0x61: {  	_ =	shalt  }
0x62: {  	_ =	shalt  }
0x63: {  	_ =	shalt  }
0x64: {  	_ =	shalt  }
0x65: {  	_ =	shalt  }
0x66: {  	_ =	shalt  }
0x67: {  	_ =	shalt  }
0x68: {  	_ =	shalt  }
0x69: {  	_ =	shalt  }
0x6a: {  	_ =	shalt  }
0x6b: {  	_ =	shalt  }
0x6c: {  	_ =	shalt  }
0x6d: {  	_ =	shalt  }
0x6e: {  	_ =	shalt  }
0x6f: {  	_ =	shalt  }
0x70: {  	_ =	shalt  }
0x71: {  	_ =	shalt  }
0x72: {  	_ =	shalt  }
0x73: {  	_ =	shalt  }
0x74: {  	_ =	shalt  }
0x75: {  	_ =	shalt  }
0x76: {  	_ =	shalt  }
0x77: {  	_ =	shalt  }
0x78: {  	_ =	shalt  }
0x79: {  	_ =	shalt  }
0x7a: {  	_ =	shalt  }
0x7b: {  	_ =	shalt  }
0x7c: {  	_ =	shalt  }
0x7d: {  	_ =	shalt  }
0x7e: {  	_ =	shalt  }
0x7f: {  	_ =	shalt  }
0x80: {  	_ =	shalt  }
0x81: {  	_ =	shalt  }
0x82: {  	_ =	shalt  }
0x83: {  	_ =	shalt  }
0x84: {  	_ =	shalt  }
0x85: {  	_ =	shalt  }
0x86: {  	_ =	shalt  }
0x87: {  	_ =	shalt  }
.Lfunc_end0:
.L_simem_size_0:
called_computation.5_lowered:
.L_overlay_start_0:
0x88: {  	s2 =	sld [smem:$0x3FD9]  }
0x89: {  	s3 =	sld [smem:$0x3FFE];
	_ =	sdelay $0x1  }
0x8a: {  	s1 =	srdreg.scid  }
0x8b: {  	s0 =	sand.u32 $0x1, s1  }
0x8c: {  	s15 =	sshll.u32 s0, $0xA;
	s2 =	sadd.s32 s3, s2  }
0x8d: {  	s2 =	sadd.s32 s2, s15  }
0x8e: {  	[smem:$0x3FBC] =	sst s2  }
0x8f: {  	_ = 	snop  }
0x90: {  	s2 =	sld [smem:$0x3FD0];
	_ =	sdelay $0x2  }
0x91: {  	s16 =	simm.s32 $0xB;
	s4 =	simm.s32 $0x10  }
0x92: {  	[smem:s4], [sflag:s16] =	dma.local [hbm:s2], $0x1  }
0x93: {  	_ =	swait.eq [sflag:s16], $0x1  }
0x94: {  	[sflag:s16] =	ssyncset.done $0x0  }
0x95: {  	[sflag:s16] =	ssyncadd.s32 $0xFFFFFFFF  }
0x96: {  	s17 =	sld [smem:$0x11];
	(tm) =	ssettm $0x1  }
0x97: {  	s18 =	sld [smem:$0x3FFB];
	_ =	sdelay $0x3  }
0x98: {  	_ =	strace s18  }
0x99: {  	s2 =	sld [smem:$0x3FFC];
	_ =	sdelay $0x3  }
0x9a: {  	_ =	strace s2  }
0x9b: {  	s2 =	sld [smem:$0x3FFD];
	_ =	sdelay $0x3  }
0x9c: {  	_ =	strace s2  }
0x9d: {  	_ =	strace $0x8FFFFFFF  }
0x9e: {  	s19 =	sld [smem:$0x3FDB];
	_ =	sdelay $0x1  }
0x9f: {  	s20 =	simm.s32 $_scs_section_size  }
0xa0: {  	s5 =	simm.s32 $_size__tile_overlayer_lowered;
	s6 =	simm.s32 $_tile_overlayer_lowered  }
0xa1: {  	s7 =	simm.s32 $0x1BFF;
	s21 =	sshll.u32 s6, $0x1;
	s4 =	sadd.s32 s20, s19  }
0xa2: {  	s22 =	simm.s32 $0x0;
	s5 =	sshll.u32 s5, $0x1;
	s6 =	sadd.s32 s21, s4  }
0xa3: {  	[timem:s22], [sflag:s7] =	dma.local [hbm:s6], s5  }
0xa4: {  	_ =	swait.ge [sflag:s7], s5  }
0xa5: {  	s5 =	ssub.s32 $0x0, s5;
	[sflag:s7] =	ssyncset.done $0x0  }
0xa6: {  	[sflag:s7] =	ssyncadd.s32 s5;
	_ =	sdelay $0x1  }
0xa7: {  	s23 =	simm.s32 $0x1B8B  }
0xa8: {  	_ =	swait.ge [sflag:s23], $0x1  }
0xa9: {  	[sflag:s23] =	ssyncset.done $0x0  }
0xaa: {  	[sflag:s23] =	ssyncadd.s32 $0xFFFFFFFF  }
0xab: {  	s5 =	sld [smem:$0x0]  }
0xac: {  	s6 =	sand.u32 $0xFFFFFFFE, s1  }
0xad: {  	p0 =	sne.s32 s1, s6  }
0xae: {  	s6 =	sshll.u32 @p0 s6, $0xE  }
0xaf: {  	s6 =	sadd.s32 @p0 $0x11B8D, s6;
	s7 =	sshll.u32 @p0 s5, $0x11  }
0xb0: {  	s6 =	sor.u32 @p0 s7, s6  }
0xb1: {  	[sflag:s6] =	ssyncadd.remote.s32 @p0 $0x1;
	_ =	sdelay $0x1  }
0xb2: {  	s6 =	simm.s32 @p0 $0x1B8D  }
0xb3: {  	_ =	swait.eq @p0 [sflag:s6], $0x1  }
0xb4: {  	[sflag:s6] =	ssyncadd.s32 @p0 $0xFFFFFFFF  }
0xb5: {  	s7 =	sshll.u32 @!p0 s1, $0xE  }
0xb6: {  	s7 =	sor.u32 @!p0 $0x4000, s7;
	s6 =	simm.s32 @!p0 $0x1B8D  }
0xb7: {  	s5 =	sshll.u32 @!p0 s5, $0x11;
	s7 =	sadd.s32 @!p0 $0x11B8D, s7;
	_ =	swait.eq @!p0 [sflag:s6], $0x1  }
0xb8: {  	s5 =	sor.u32 @!p0 s5, s7;
	[sflag:s6] =	ssyncadd.s32 @!p0 $0xFFFFFFFF  }
0xb9: {  	s25 =	simm.s32 $0x1B8E;
	s24 =	sld [smem:$0x3FFE];
	[sflag:s5] =	ssyncadd.remote.s32 @!p0 $0x1  }
0xba: {  	s26 =	simm.s32 $execute0_lowered;
	[smem:$0x3FD2] =	sst s25  }
0xbb: {  	s6 =	sshll.u32 s26, $0x1;
	_ =	strace $0x80000055;
	[dreg:$0x1] =	wrdreg $0xFFFFFFFF  }
0xbc: {  	s28 =	simm.s32 $_size_execute0_lowered;
	s4 =	sadd.s32 s4, s6;
	[dreg:$0x0] =	wrdreg $0x0  }
0xbd: {  	s6 =	sshll.u32 s28, $0x1;
	[dreg:$0x2] =	wrdreg s4  }
0xbe: {  	[dreg:$0x3] =	wrdreg s6  }
0xbf: {  	[dreg:$0x4] =	wrdreg $0xC0  }
0xc0: {  	_ =	task [dreg:s22], $0x5FFFF  }
0xc1: {  	[dreg:$0x1] =	wrdreg $0xFFFFFFFF  }
0xc2: {  	[dreg:$0x0] =	wrdreg $0x60  }
0xc3: {  	[dreg:$0x2] =	wrdreg s17  }
0xc4: {  	[dreg:$0x3] =	wrdreg s24  }
0xc5: {  	[dreg:$0x4] =	wrdreg $0x14E000  }
0xc6: {  	[dreg:$0x5] =	wrdreg $0xA  }
0xc7: {  	_ =	task.clear_ibuf [dreg:s22], $0x6FFFF;
	_ =	strace $0x90000055  }
0xc8: {  	s29 =	simm.s32 $0xA;
	_ =	strace $0x80000057  }
0xc9: {  	_ =	swait.ge [sflag:s29], $0x1  }
0xca: {  	[sflag:s29] =	ssyncadd.s32 $0xFFFFFFFF  }
0xcb: {  	_ =	strace $0x90000057  }
0xcc: {  	_ =	sfence  }
0xcd: {  	s30 =	sld [smem:$0x0];
	_ =	sdelay $0x2  }
0xce: {  	s31 =	sshll.u32 s1, $0xD;
	s1 =	sshrl.u32 s1, $0x2  }
0xcf: {  	s4 =	sand.u32 $0x4000, s31;
	s1 =	sadd.s32 s1, s30  }
0xd0: {  	s0 =	sor.u32 s4, s0;
	s1 =	sshll.u32 s1, $0x11  }
0xd1: {  	s0 =	sor.u32 s1, s0  }
0xd2: {  	s0 =	sadd.s32 $0x8F2B, s0  }
0xd3: {  	[sflag:s0] =	ssyncadd.remote.s32 $0x1  }
0xd4: {  	_ =	sfence.sel $0xFFFF  }
0xd5: {  	[dreg:$0x0] =	wrdreg $0xFFFFFFFF;
	(pc) =	sbr.abs _section_cstart, $3  }
0xd6: {  	[dreg:$0x1] =	wrdreg $0xFFFFFFFF  }
0xd7: {  	_ =	task.clear_ibuf [dreg:s22], $0x2FFFF;
	_ =	strace $0x9FFFFFFF  }
0xd8: {  	(tm) =	ssettm $0x7FFFFFFF  }
0xd9: {  	_ =	shalt  }
tec
execute0_lowered:
.L_overlay_start_1:
0x0: {  	(tag) =	ssettag $0x1  }
0x1: {  	s0 =	rddreg [dreg:$0x0]  }
0x2: {  	s1 =	rddreg [dreg:$0x1]  }
0x3: {  	s2 =	rddreg [dreg:$0x2]  }
0x4: {  	s13 =	stileid.u32;
	s3 =	simm.s32 $0x0;
	s4 =	srdreg.scid  }
0x5: {  	s15 =	simm.s32 $0xFE00;
	s16 =	simm.s32 $0x80;
	s17 =	simm.s32 $0x9E00  }
0x6: {  	s28 =	simm.s32 $0x4E00;
	s29 =	simm.s32 $0x9D00;
	s6 =	smul.u32 $0x4F00, s13  }
0x7: {  	s30 =	simm.s32 $0x4E80;
	s31 =	simm.s32 $0x9D80;
	s11 =	smul.u32 $0x280, s13  }
0x8: {  	[smem:$0x7FF] =	sst s3;
	s8 =	sand.u32 $0x1, s4;
	s20 =	smul.u32 $0x28000, s13  }
0x9: {  	s4 =	sadd.s32 $0x10800, s1;
	s5 =	sadd.s32 $0xFE00, s1;
	s22 =	smul.u32 $0x14000, s13  }
0xa: {  	s13 =	simm.s32 $0x4;
	_ =	strace $0x80000056;
	s7 =	smul.u32 $0x4F000, s8  }
0xb: {  	s10 =	ssub.s32 $0x2, s8;
	s23 =	sshll.u32 s8, $0x6;
	s18 =	sshrl.u32 s6, $0x3  }
0xc: {  	s19 =	sshrl.u32 s10, $0x1;
	s21 =	sadd.s32 $0x140, s11;
	s25 =	sor.u32 s23, s22  }
0xd: {  	s22 =	simm.s32 $0x2;
	s9 =	sadd.s32 s18, s1;
	s1 =	sadd.s32 $0x38800, s1  }
0xe: {  	s6 =	sadd.s32 s6, s7;
	s12 =	ssub.s32 s10, s19;
	s24 =	sshll.u32 s21, $0x7  }
0xf: {  	s18 =	simm.s32 $0xBE00;
	s6 =	sshrl.u32 s6, $0x3;
	s7 =	sadd.s32 $0x6000, s9  }
0x10: {  	s26 =	sor.u32 s23, s24;
	s9 =	sshll.u32 s21, $0x6;
	s12 =	smax.u32 s12, $0x1  }
0x11: {  	s21 =	simm.s32 $0x1;
	s23 =	simm.s32 $0x3;
	s6 =	sadd.s32 s0, s6  }
0x12: {  	s0 =	sshrl.u32 s20, $0x2;
	s11 =	sshrl.u32 s26, $0x3;
	s9 =	sadd.s32 s9, s2  }
0x13: {  	s20 =	simm.s32 $0xDE00;
	s26 =	simm.s32 $0x9C80;
	s8 =	sadd.s32 s0, s2  }
0x14: {  	s0 =	sshrl.u32 s25, $0x3;
	s11 =	sadd.s32 s1, s11;
	s25 =	simm.s32 $0x9C00  }
0x15: {  	s10 =	sadd.s32 s1, s0;
	s0 =	simm.s32 $0x40;
	s1 =	simm.s32 $0x0  }
.LBB2_1:
0x16: {  	[tilespmem:s3], [sflag:$0x4] =	stream.linear.gather [hbm4b:s6+s3], $0x4F00, $0x38;
	[tilespmem:$0x1EE00] =	vst v63  }
0x17: {  	_ =	swait.ge [sflag:s13], $0x4F00  }
0x18: {  	[sflag:s13] =	ssyncset.done $0x0  }
0x19: {  	s14 =	simm.s32 $0x4F00;
	[sflag:s13] =	ssyncadd.s32 $0xFFFFB100  }
0x1a: {  	[tilespmem:s14], [sflag:$0x4] =	stream.linear.gather [hbm4b:s7+s3], $0x4F00, $0x38;
	[tilespmem:$0x1EE00] =	vst v63  }
0x1b: {  	_ =	swait.ge [sflag:s13], $0x4F00  }
0x1c: {  	[sflag:s13] =	ssyncset.done $0x0  }
0x1d: {  	[sflag:s13] =	ssyncadd.s32 $0xFFFFB100  }
0x1e: {  	[tilespmem:s15], [sflag:$0x4] =	stream.linear.gather [hbm4b:s5+s3], $0x5000, $0x38;
	[tilespmem:$0x1EE00] =	vst v63  }
0x1f: {  	_ =	swait.ge [sflag:s13], $0x5000  }
0x20: {  	[sflag:s13] =	ssyncset.done $0x0  }
0x21: {  	[sflag:s13] =	ssyncadd.s32 $0xFFFFB000  }
0x22: {  	[spmem:s8] =	stream.linear.scatter [tilespmem:s15], [sflag:$0x4], $0x5000, $0x38;
	[tilespmem:$0x1EE00] =	vst v63  }
0x23: {  	_ =	swait.ge [sflag:s13], $0x5000  }
0x24: {  	[sflag:s13] =	ssyncset.done $0x0  }
0x25: {  	[sflag:s13] =	ssyncadd.s32 $0xFFFFB000  }
0x26: {  	[spmem:s9] =	stream.linear.scatter [tilespmem:s15], [sflag:$0x4], $0x5000, $0x38;
	[tilespmem:$0x1EE00] =	vst v63  }
0x27: {  	_ =	swait.ge [sflag:s13], $0x5000  }
0x28: {  	[sflag:s13] =	ssyncset.done $0x0  }
0x29: {  	[sflag:s13] =	ssyncadd.s32 $0xFFFFB000  }
0x2a: {  	[bflag:$0x0] =	sbarrier.arrive $0xFFFF  }
0x2b: {  	[tilespmem:s17], [sflag:$0x1] =	stream.indirect.gather [hbm4b:s4+s16], $0x40, s3, s16, $0xb8;
	[tilespmem:$0x1EE00] =	vst v63  }
0x2c: {  	_ = 	snop  }
0x2d: {  	[tilespmem:s18], [sflag:$0x2] =	stream.indirect.gather [hbm4b:s4+s16], $0x40, s16, s16, $0xb8;
	[tilespmem:$0x1EE00] =	vst v63  }
0x2e: {  	s19 =	simm.s32 $0x100  }
0x2f: {  	[tilespmem:s20], [sflag:$0x3] =	stream.indirect.gather [hbm4b:s4+s16], $0x40, s19, s16, $0xb8;
	[tilespmem:$0x1EE00] =	vst v63  }
0x30: {  	_ =	swait.ge [sflag:s21], $0x2000  }
0x31: {  	[sflag:s21] =	ssyncset.done $0x0  }
0x32: {  	s24 =	simm.s32 $0x4F00;
	[sflag:s21] =	ssyncadd.s32 $0xFFFFE000  }
0x33: {  	[spmem:s2] =	stream.indirect.scatter.add.f32 [tilespmem:s17], [sflag:$0x4], $0x40, s24, s16, $0xb8;
	[tilespmem:$0x1EE00] =	vst v63  }
0x34: {  	_ =	swait.ge [sflag:s13], $0x2000  }
0x35: {  	[sflag:s13] =	ssyncset.done $0x0  }
0x36: {  	s19 =	simm.s32 $0x180;
	[sflag:s13] =	ssyncadd.s32 $0xFFFFE000  }
0x37: {  	[tilespmem:s17], [sflag:$0x1] =	stream.indirect.gather [hbm4b:s4+s16], $0x40, s19, s16, $0xb8;
	[tilespmem:$0x1EE00] =	vst v63  }
0x38: {  	_ =	swait.ge [sflag:s22], $0x2000  }
0x39: {  	[sflag:s22] =	ssyncset.done $0x0  }
0x3a: {  	s24 =	simm.s32 $0x4F80;
	[sflag:s22] =	ssyncadd.s32 $0xFFFFE000  }
0x3b: {  	[spmem:s2] =	stream.indirect.scatter.add.f32 [tilespmem:s18], [sflag:$0x4], $0x40, s24, s16, $0xb8;
	[tilespmem:$0x1EE00] =	vst v63  }
0x3c: {  	_ =	swait.ge [sflag:s13], $0x2000  }
0x3d: {  	[sflag:s13] =	ssyncset.done $0x0  }
0x3e: {  	s19 =	simm.s32 $0x200;
	[sflag:s13] =	ssyncadd.s32 $0xFFFFE000  }
0x3f: {  	[tilespmem:s18], [sflag:$0x2] =	stream.indirect.gather [hbm4b:s4+s16], $0x40, s19, s16, $0xb8;
	[tilespmem:$0x1EE00] =	vst v63  }
0x40: {  	_ =	swait.ge [sflag:s23], $0x2000  }
0x41: {  	[sflag:s23] =	ssyncset.done $0x0  }
0x42: {  	s24 =	simm.s32 $0x5000;
	[sflag:s23] =	ssyncadd.s32 $0xFFFFE000  }
0x43: {  	[spmem:s2] =	stream.indirect.scatter.add.f32 [tilespmem:s20], [sflag:$0x4], $0x40, s24, s16, $0xb8;
	[tilespmem:$0x1EE00] =	vst v63  }
0x44: {  	_ =	swait.ge [sflag:s13], $0x2000  }
0x45: {  	[sflag:s13] =	ssyncset.done $0x0  }
0x46: {  	s14 =	simm.s32 $0x600;
	s19 =	simm.s32 $0x280;
	[sflag:s13] =	ssyncadd.s32 $0xFFFFE000  }
.LBB2_2:
0x47: {  	[tilespmem:s20], [sflag:$0x3] =	stream.indirect.gather [hbm4b:s4+s16], $0x40, s19, s16, $0xb8;
	[tilespmem:$0x1EE00] =	vst v63  }
0x48: {  	s19 =	smov.u32 s14  }
0x49: {  	p0 =	sne.s32 s14, $0x12C00;
	s14 =	sadd.s32 $0x600, s14;
	_ =	swait.ge [sflag:s21], $0x2000  }
0x4a: {  	s19 =	sshra.s32 s19, $0x2;
	[sflag:s21] =	ssyncset.done $0x0  }
0x4b: {  	s24 =	sadd.s32 $0x4F00, s19;
	[sflag:s21] =	ssyncadd.s32 $0xFFFFE000  }
0x4c: {  	[spmem:s2] =	stream.indirect.scatter.add.f32 [tilespmem:s17], [sflag:$0x4], $0x40, s24, s16, $0xb8;
	[tilespmem:$0x1EE00] =	vst v63  }
0x4d: {  	_ =	swait.ge [sflag:s13], $0x2000  }
0x4e: {  	[sflag:s13] =	ssyncset.done $0x0  }
0x4f: {  	s24 =	sadd.s32 $0x180, s19;
	[sflag:s13] =	ssyncadd.s32 $0xFFFFE000  }
0x50: {  	[tilespmem:s17], [sflag:$0x1] =	stream.indirect.gather [hbm4b:s4+s16], $0x40, s24, s16, $0xb8;
	[tilespmem:$0x1EE00] =	vst v63  }
0x51: {  	_ =	swait.ge [sflag:s22], $0x2000  }
0x52: {  	[sflag:s22] =	ssyncset.done $0x0  }
0x53: {  	s24 =	sadd.s32 $0x4F80, s19;
	[sflag:s22] =	ssyncadd.s32 $0xFFFFE000  }
0x54: {  	[spmem:s2] =	stream.indirect.scatter.add.f32 [tilespmem:s18], [sflag:$0x4], $0x40, s24, s16, $0xb8;
	[tilespmem:$0x1EE00] =	vst v63  }
0x55: {  	_ =	swait.ge [sflag:s13], $0x2000  }
0x56: {  	[sflag:s13] =	ssyncset.done $0x0  }
0x57: {  	s24 =	sadd.s32 $0x200, s19;
	[sflag:s13] =	ssyncadd.s32 $0xFFFFE000  }
0x58: {  	[tilespmem:s18], [sflag:$0x2] =	stream.indirect.gather [hbm4b:s4+s16], $0x40, s24, s16, $0xb8;
	[tilespmem:$0x1EE00] =	vst v63  }
0x59: {  	_ =	swait.ge [sflag:s23], $0x2000  }
0x5a: {  	[sflag:s23] =	ssyncset.done $0x0  }
.Ltmp0:
0x5b: {  	s24 =	sadd.s32 $0x5000, s19;
	[sflag:s23] =	ssyncadd.s32 $0xFFFFE000;
	(pc) =	sbr.rel @p0 .LBB2_2-.Ltmp0, $4  }
0x5c: {  	[spmem:s2] =	stream.indirect.scatter.add.f32 [tilespmem:s20], [sflag:$0x4], $0x40, s24, s16, $0xb8;
	[tilespmem:$0x1EE00] =	vst v63  }
0x5d: {  	_ =	swait.ge [sflag:s13], $0x2000  }
0x5e: {  	[sflag:s13] =	ssyncset.done $0x0  }
0x5f: {  	s19 =	sadd.s32 $0x280, s19;
	[sflag:s13] =	ssyncadd.s32 $0xFFFFE000  }
0x60: {  	[tilespmem:s20], [sflag:$0x3] =	stream.indirect.gather [hbm4b:s4+s16], $0x40, s19, s16, $0xb8;
	[tilespmem:$0x1EE00] =	vst v63  }
0x61: {  	_ =	swait.ge [sflag:s21], $0x2000  }
0x62: {  	[sflag:s21] =	ssyncset.done $0x0  }
0x63: {  	s14 =	simm.s32 $0x9B80;
	[sflag:s21] =	ssyncadd.s32 $0xFFFFE000  }
0x64: {  	[spmem:s2] =	stream.indirect.scatter.add.f32 [tilespmem:s17], [sflag:$0x4], $0x40, s14, s16, $0xb8;
	[tilespmem:$0x1EE00] =	vst v63  }
0x65: {  	_ =	swait.ge [sflag:s13], $0x2000  }
0x66: {  	[sflag:s13] =	ssyncset.done $0x0  }
0x67: {  	[sflag:s13] =	ssyncadd.s32 $0xFFFFE000  }
0x68: {  	_ =	swait.ge [sflag:s22], $0x2000  }
0x69: {  	[sflag:s22] =	ssyncset.done $0x0  }
0x6a: {  	[sflag:s22] =	ssyncadd.s32 $0xFFFFE000  }
0x6b: {  	[spmem:s2] =	stream.indirect.scatter.add.f32 [tilespmem:s18], [sflag:$0x4], $0x40, s25, s16, $0xb8;
	[tilespmem:$0x1EE00] =	vst v63  }
0x6c: {  	_ =	swait.ge [sflag:s13], $0x2000  }
0x6d: {  	[sflag:s13] =	ssyncset.done $0x0  }
0x6e: {  	[sflag:s13] =	ssyncadd.s32 $0xFFFFE000  }
0x6f: {  	_ =	swait.ge [sflag:s23], $0x2000  }
0x70: {  	[sflag:s23] =	ssyncset.done $0x0  }
0x71: {  	[sflag:s23] =	ssyncadd.s32 $0xFFFFE000  }
0x72: {  	[spmem:s2] =	stream.indirect.scatter.add.f32 [tilespmem:s20], [sflag:$0x4], $0x40, s26, s16, $0xb8;
	[tilespmem:$0x1EE00] =	vst v63  }
0x73: {  	_ =	swait.ge [sflag:s13], $0x2000  }
0x74: {  	[sflag:s13] =	ssyncset.done $0x0  }
0x75: {  	[sflag:s13] =	ssyncadd.s32 $0xFFFFE000  }
0x76: {  	[tilespmem:s17], [sflag:$0x4] =	stream.indirect.gather [hbm4b:s4+s16], $0x40, s28, s16, $0xb8;
	[tilespmem:$0x1EE00] =	vst v63  }
0x77: {  	_ =	swait.ge [sflag:s13], $0x2000  }
0x78: {  	[sflag:s13] =	ssyncset.done $0x0  }
0x79: {  	[sflag:s13] =	ssyncadd.s32 $0xFFFFE000  }
0x7a: {  	[spmem:s2] =	stream.indirect.scatter.add.f32 [tilespmem:s17], [sflag:$0x4], $0x40, s29, s16, $0xb8;
	[tilespmem:$0x1EE00] =	vst v63  }
0x7b: {  	_ =	swait.ge [sflag:s13], $0x2000  }
0x7c: {  	[sflag:s13] =	ssyncset.done $0x0  }
0x7d: {  	[sflag:s13] =	ssyncadd.s32 $0xFFFFE000  }
0x7e: {  	[tilespmem:s17], [sflag:$0x4] =	stream.indirect.gather [hbm4b:s4+s16], $0x40, s30, s16, $0xb8;
	[tilespmem:$0x1EE00] =	vst v63  }
0x7f: {  	_ =	swait.ge [sflag:s13], $0x2000  }
0x80: {  	[sflag:s13] =	ssyncset.done $0x0  }
0x81: {  	[sflag:s13] =	ssyncadd.s32 $0xFFFFE000  }
0x82: {  	[spmem:s2] =	stream.indirect.scatter.add.f32 [tilespmem:s17], [sflag:$0x4], $0x40, s31, s16, $0xb8;
	[tilespmem:$0x1EE00] =	vst v63  }
0x83: {  	_ =	swait.ge [sflag:s13], $0x2000  }
0x84: {  	[sflag:s13] =	ssyncset.done $0x0  }
0x85: {  	[sflag:s13] =	ssyncadd.s32 $0xFFFFE000  }
0x86: {  	[bflag:$0x0] =	sbarrier.arrive $0xFFFF  }
0x87: {  	[tilespmem:s15], [sflag:$0x4] =	stream.linear.gather [spmem:s8], $0x5000, $0x38;
	[tilespmem:$0x1EE00] =	vst v63  }
0x88: {  	_ =	swait.ge [sflag:s13], $0x5000  }
0x89: {  	[sflag:s13] =	ssyncset.done $0x0  }
0x8a: {  	[sflag:s13] =	ssyncadd.s32 $0xFFFFB000  }
0x8b: {  	[hbm4b:s10+s0] =	stream.strided.scatter [tilespmem:s15], [sflag:$0x4], $0x5000, s16, s0, $0x38;
	[tilespmem:$0x1EE00] =	vst v63  }
0x8c: {  	_ =	swait.ge [sflag:s13], $0x5000  }
0x8d: {  	[sflag:s13] =	ssyncset.done $0x0  }
0x8e: {  	[sflag:s13] =	ssyncadd.s32 $0xFFFFB000  }
0x8f: {  	[tilespmem:s15], [sflag:$0x4] =	stream.linear.gather [spmem:s9], $0x5000, $0x38;
	[tilespmem:$0x1EE00] =	vst v63  }
0x90: {  	s1 =	sadd.s32 $0x1, s1;
	_ =	swait.ge [sflag:s13], $0x5000  }
0x91: {  	p0 =	sne.s32 s1, s12;
	[sflag:s13] =	ssyncset.done $0x0  }
.Ltmp1:
0x92: {  	[sflag:s13] =	ssyncadd.s32 $0xFFFFB000;
	(pc) =	sbr.rel @p0 .LBB2_1-.Ltmp1, $4  }
0x93: {  	[hbm4b:s11+s0] =	stream.strided.scatter [tilespmem:s15], [sflag:$0x4], $0x5000, s16, s0, $0x38;
	[tilespmem:$0x1EE00] =	vst v63  }
0x94: {  	_ =	swait.ge [sflag:s13], $0x5000  }
0x95: {  	[sflag:s13] =	ssyncset.done $0x0  }
0x96: {  	[sflag:s13] =	ssyncadd.s32 $0xFFFFB000  }
0x97: {  	_ =	sfence.sel $0x180000  }
0x98: {  	[bflag:$0x0] =	sbarrier.arrive $0xFFFF  }
0x99: {  	_ =	strace $0x90000056  }
0x9a: {  	s0 =	stileid.u32;
	[bflag:$0x2] =	sbarrier.arrive $0xFFFF  }
0x9b: {  	p0 =	sne.s32 s0, $0x0;
	s0 =	rddreg [dreg:$0x3]  }
0x9c: {  	s0 =	sadd.s32 @!p0 $0x100000, s0  }
0x9d: {  	[sflag:s0] =	ssyncadd.tile.s32 @!p0 $0x1;
	_ =	shalt  }
.Lfunc_end2:
_tile_overlayer_lowered:
.L_overlay_start_2:
0x9e: {  	(tag) =	ssettag $0x2  }
0x9f: {  	s0 =	rddreg [dreg:$0x0];
	s2 =	stileid.u32  }
0xa0: {  	s1 =	rddreg [dreg:$0x1];
	p0 =	sne.s32 s2, $0x0  }
0xa1: {  	s3 =	rddreg [dreg:$0x2];
	[bflag:$0x3] =	sbarrier.arrive $0xFFFF;
	s2 =	simm.s32 @!p0 $0x1C04  }
0xa2: {  	[timem:s3], [sflag:s2] =	dma.local @!p0 [hbm:s0], s1  }
0xa3: {  	s0 =	simm.s32 @!p0 $0x4  }
0xa4: {  	_ =	swait.ge @!p0 [sflag:s0], s1  }
0xa5: {  	s1 =	ssub.s32 @!p0 $0x0, s1;
	[sflag:s0] =	ssyncset.done @!p0 $0x0  }
0xa6: {  	[sflag:s0] =	ssyncadd.s32 @!p0 s1  }
0xa7: {  	[bflag:$0x3] =	sbarrier.arrive $0xFFFF  }
0xa8: {  	_ =	shalt  }

</sc_bundles>
